<compile_context>
chip_gen: v7x
topology: tpu7x:2x2x1
jax: 0.10.2.dev20260603
libtpu: 0.0.44.dev20260713+nightly
codegen_flags: <defaults>
</compile_context>

<pallas_src>
import functools

import jax
import jax.numpy as jnp
from jax import lax
from jax.experimental import pallas as pl
from jax.experimental.pallas import tpu as pltpu
from jax.experimental.pallas import tpu_sc as plsc

F32 = jnp.float32
N_NODES = 10000
N_EDGES = 160000
DIM_H = 64
IN_DIM = 66
PAD = 128
EC = 8000
NCH = 2000
SC_NC = 2
SC_NS = 16
SC_NW = SC_NC * SC_NS
BPW = N_EDGES // SC_NW
CH = 1000
CHS = 200


def _ln(x, g, b):
    m = jnp.mean(x, axis=-1, keepdims=True)
    v = jnp.mean((x - m) ** 2, axis=-1, keepdims=True)
    return (x - m) * lax.rsqrt(v + 1e-5) * g + b


def _full_spec(shape):
    nd = len(shape)
    return pl.BlockSpec(shape, lambda *_: (0,) * nd)



def _encode_body(xc_ref, yc_ref, pos_ref, w1, b1, w2, b2, w3, b3, nodes_ref):
    xc = xc_ref[0]
    yc = yc_ref[0]
    pos = pos_ref[...]
    h = jnp.concatenate([xc, yc], axis=-1)
    h = jax.nn.relu(jnp.dot(h, w1[...], preferred_element_type=F32) + b1[...])
    h = jax.nn.relu(jnp.dot(h, w2[...], preferred_element_type=F32) + b2[...])
    emb = jnp.dot(h, w3[...], preferred_element_type=F32) + b3[...]
    d2 = (jnp.sum(xc * xc, axis=-1, keepdims=True)
          - 2.0 * lax.dot_general(xc, pos, (((1,), (1,)), ((), ())),
                                  preferred_element_type=F32)
          + jnp.sum(pos * pos, axis=-1)[None, :])
    s = jax.nn.softmax(-d2, axis=-1)
    lat = lax.dot_general(s, emb, (((0,), (0,)), ((), ())),
                          preferred_element_type=F32)
    nodes_ref[0] = jnp.concatenate(
        [pos, lat, jnp.zeros((N_NODES, PAD - IN_DIM), F32)], axis=-1)


def _encode(xc, yc, pos, enc):
    (w1, b1), (w2, b2), (w3, b3) = enc
    B, M, _ = xc.shape
    return pl.pallas_call(
        _encode_body,
        grid=(B,),
        in_specs=[
            pl.BlockSpec((1, M, 2), lambda b: (b, 0, 0)),
            pl.BlockSpec((1, M, 1), lambda b: (b, 0, 0)),
            _full_spec(pos.shape),
            _full_spec(w1.shape), _full_spec(b1.shape),
            _full_spec(w2.shape), _full_spec(b2.shape),
            _full_spec(w3.shape), _full_spec(b3.shape),
        ],
        out_specs=pl.BlockSpec((1, N_NODES, PAD), lambda b: (b, 0, 0)),
        out_shape=jax.ShapeDtypeStruct((B, N_NODES, PAD), F32),
    )(xc, yc, pos, w1, b1, w2, b2, w3, b3)



def _sc_gather2(nodes, ridx, sidx):
    B = nodes.shape[0]

    @functools.partial(
        pl.kernel,
        out_type=(jax.ShapeDtypeStruct((B, N_EDGES, PAD), F32),
                  jax.ShapeDtypeStruct((B, N_EDGES, PAD), F32)),
        mesh=plsc.VectorSubcoreMesh(core_axis_name="c", subcore_axis_name="s"),
        scratch_types=[
            pltpu.VMEM((CHS,), jnp.int32),
            pltpu.VMEM((CHS,), jnp.int32),
            pltpu.VMEM((CHS, PAD), F32),
            pltpu.VMEM((CHS, PAD), F32),
            pltpu.SemaphoreType.DMA,
            pltpu.SemaphoreType.DMA,
        ],
    )
    def k(nodes_hbm, ridx_hbm, sidx_hbm, gr_hbm, gs_hbm,
          ri_v, si_v, rr_v, sr_v, sem_r, sem_s):
        wid = lax.axis_index("s") * SC_NC + lax.axis_index("c")
        base = wid * BPW
        for b in range(B):
            @pl.loop(0, BPW // CHS)
            def _(j, b=b):
                off = base + j * CHS
                pltpu.sync_copy(ridx_hbm.at[pl.ds(off, CHS)], ri_v)
                pltpu.sync_copy(sidx_hbm.at[pl.ds(off, CHS)], si_v)
                cr = pltpu.async_copy(nodes_hbm.at[b].at[ri_v], rr_v, sem_r)
                cs = pltpu.async_copy(nodes_hbm.at[b].at[si_v], sr_v, sem_s)
                cr.wait()
                cs.wait()
                pltpu.sync_copy(rr_v, gr_hbm.at[b].at[pl.ds(off, CHS)])
                pltpu.sync_copy(sr_v, gs_hbm.at[b].at[pl.ds(off, CHS)])

    return k(nodes, ridx, sidx)



def _sc_scatter(msgs, idx, zeros):

    @functools.partial(
        pl.kernel,
        out_type=jax.ShapeDtypeStruct((SC_NC, N_NODES, PAD), F32),
        mesh=plsc.VectorSubcoreMesh(core_axis_name="c", subcore_axis_name="s"),
        scratch_types=[
            pltpu.VMEM((CHS,), jnp.int32),
            pltpu.VMEM((CHS, PAD), F32),
            pltpu.VMEM_SHARED((N_NODES, PAD), F32),
        ],
    )
    def k(msg_hbm, idx_hbm, zero_hbm, out_hbm, idx_v, buf_v, acc_sh):
        cid = lax.axis_index("c")
        sid = lax.axis_index("s")
        wid = sid * SC_NC + cid
        base = wid * BPW

        @pl.when(sid == 0)
        def _():
            pltpu.sync_copy(zero_hbm, acc_sh)

        plsc.subcore_barrier()

        @pl.loop(0, BPW // CHS)
        def _(j):
            off = base + j * CHS
            pltpu.sync_copy(idx_hbm.at[pl.ds(off, CHS)], idx_v)
            pltpu.sync_copy(msg_hbm.at[pl.ds(off, CHS)], buf_v)
            pltpu.sync_copy(buf_v, acc_sh.at[idx_v], add=True)

        plsc.subcore_barrier()

        @pl.when(sid == 0)
        def _():
            pltpu.sync_copy(acc_sh, out_hbm.at[cid])

    return k(msgs, idx, zeros)



def _msg_body(gr_ref, gs_ref, wr, ws, bm, g1, b1, out_ref):
    m = (jnp.dot(gr_ref[0], wr[...], preferred_element_type=F32)
         + jnp.dot(gs_ref[0], ws[...], preferred_element_type=F32)
         + bm[...])
    m = _ln(m, g1[...], b1[...])
    out_ref[0] = jnp.concatenate(
        [m, jnp.zeros((EC, PAD - IN_DIM), F32)], axis=-1)


def _messages(gr, gs, wr, ws, bm, g1, b1):
    B = gr.shape[0]
    return pl.pallas_call(
        _msg_body,
        grid=(B, N_EDGES // EC),
        in_specs=[
            pl.BlockSpec((1, EC, PAD), lambda b, e: (b, e, 0)),
            pl.BlockSpec((1, EC, PAD), lambda b, e: (b, e, 0)),
            _full_spec(wr.shape), _full_spec(ws.shape), _full_spec(bm.shape),
            _full_spec(g1.shape), _full_spec(b1.shape),
        ],
        out_specs=pl.BlockSpec((1, EC, PAD), lambda b, e: (b, e, 0)),
        out_shape=jax.ShapeDtypeStruct((B, N_EDGES, PAD), F32),
    )(gr, gs, wr, ws, bm, g1, b1)



def _upd_body(nodes_ref, inbox_ref, pos_ref, wr, ws, bn, g2, b2,
              nodes_out, lat_out):
    nodes = nodes_ref[0]
    inbox = inbox_ref[0, 0] + inbox_ref[0, 1]
    h = (jnp.dot(nodes, wr[...], preferred_element_type=F32)
         + jnp.dot(inbox, ws[...], preferred_element_type=F32)
         + bn[...])
    h = _ln(h, g2[...], b2[...])
    lat_out[0] = h
    nodes_out[0] = jnp.concatenate(
        [pos_ref[...], h, jnp.zeros((NCH, PAD - IN_DIM), F32)], axis=-1)


def _update(nodes, inbox, pos, wr, ws, bn, g2, b2):
    B = nodes.shape[0]
    return pl.pallas_call(
        _upd_body,
        grid=(B, N_NODES // NCH),
        in_specs=[
            pl.BlockSpec((1, NCH, PAD), lambda b, n: (b, n, 0)),
            pl.BlockSpec((1, SC_NC, NCH, PAD), lambda b, n: (b, 0, n, 0)),
            pl.BlockSpec((NCH, 2), lambda b, n: (n, 0)),
            _full_spec(wr.shape), _full_spec(ws.shape), _full_spec(bn.shape),
            _full_spec(g2.shape), _full_spec(b2.shape),
        ],
        out_specs=[
            pl.BlockSpec((1, NCH, PAD), lambda b, n: (b, n, 0)),
            pl.BlockSpec((1, NCH, DIM_H), lambda b, n: (b, n, 0)),
        ],
        out_shape=[
            jax.ShapeDtypeStruct((B, N_NODES, PAD), F32),
            jax.ShapeDtypeStruct((B, N_NODES, DIM_H), F32),
        ],
    )(nodes, inbox, pos, wr, ws, bn, g2, b2)



def _dec_body(xt_ref, pos_ref, lat_ref,
              qw1, qb1, qw2, qb2, qw3, qb3,
              dw1, db1, dw2, db2, dw3, db3, out_ref):
    xt = xt_ref[0]
    pos = pos_ref[...]
    q = jax.nn.relu(jnp.dot(xt, qw1[...], preferred_element_type=F32) + qb1[...])
    q = jax.nn.relu(jnp.dot(q, qw2[...], preferred_element_type=F32) + qb2[...])
    q = jnp.dot(q, qw3[...], preferred_element_type=F32) + qb3[...]
    d2 = (jnp.sum(xt * xt, axis=-1, keepdims=True)
          - 2.0 * lax.dot_general(xt, pos, (((1,), (1,)), ((), ())),
                                  preferred_element_type=F32)
          + jnp.sum(pos * pos, axis=-1)[None, :])
    s = jax.nn.softmax(-d2, axis=-1)
    z = jnp.dot(s, lat_ref[0], preferred_element_type=F32)
    h = jnp.concatenate([z, q], axis=-1)
    h = jax.nn.relu(jnp.dot(h, dw1[...], preferred_element_type=F32) + db1[...])
    h = jax.nn.relu(jnp.dot(h, dw2[...], preferred_element_type=F32) + db2[...])
    out_ref[0] = jnp.dot(h, dw3[...], preferred_element_type=F32) + db3[...]


def _decode(xt, pos, lat, qenc, dec):
    (qw1, qb1), (qw2, qb2), (qw3, qb3) = qenc
    (dw1, db1), (dw2, db2), (dw3, db3) = dec
    B, M, _ = xt.shape
    return pl.pallas_call(
        _dec_body,
        grid=(B,),
        in_specs=[
            pl.BlockSpec((1, M, 2), lambda b: (b, 0, 0)),
            _full_spec(pos.shape),
            pl.BlockSpec((1, N_NODES, DIM_H), lambda b: (b, 0, 0)),
            _full_spec(qw1.shape), _full_spec(qb1.shape),
            _full_spec(qw2.shape), _full_spec(qb2.shape),
            _full_spec(qw3.shape), _full_spec(qb3.shape),
            _full_spec(dw1.shape), _full_spec(db1.shape),
            _full_spec(dw2.shape), _full_spec(db2.shape),
            _full_spec(dw3.shape), _full_spec(db3.shape),
        ],
        out_specs=pl.BlockSpec((1, M, 1), lambda b: (b, 0, 0)),
        out_shape=jax.ShapeDtypeStruct((B, M, 1), F32),
    )(xt, pos, lat, qw1, qb1, qw2, qb2, qw3, qb3,
      dw1, db1, dw2, db2, dw3, db3)



def _pad_rows(w):
    return jnp.concatenate(
        [w, jnp.zeros((PAD - IN_DIM, w.shape[1]), F32)], axis=0)


def kernel(xc, yc, xt, params, senders, receivers):
    pos = params['pos']
    blk = params['block']
    B = xc.shape[0]

    wm_r = _pad_rows(blk['Wm'][:IN_DIM])
    wm_s = _pad_rows(blk['Wm'][IN_DIM:])
    wn_r = _pad_rows(blk['Wn'][:IN_DIM])
    wn_s = _pad_rows(blk['Wn'][IN_DIM:])

    nodes = _encode(xc, yc, pos, params['enc'])
    zeros = jnp.zeros((N_NODES, PAD), F32)

    lat = None
    for _ in range(3):
        gr, gs = _sc_gather2(nodes, receivers, senders)
        msgs = _messages(gr, gs, wm_r, wm_s, blk['bm'], blk['g1'], blk['b1'])
        inbox = jnp.stack(
            [_sc_scatter(msgs[b], receivers, zeros) for b in range(B)])
        nodes, lat = _update(nodes, inbox, pos, wn_r, wn_s,
                             blk['bn'], blk['g2'], blk['b2'])

    return _decode(xt, pos, lat, params['qenc'], params['dec'])

# --- scband reference (transcript-rebuilt; emitter-appended) ---
"""Pipeline reference for scband-gencatpos-14087492730941 (READ-ONLY COPY).

The authoritative reference and input builder live on the scoring server;
editing this copy changes nothing except your own understanding.
"""

import jax, jax.numpy as jnp
import numpy as np

N_NODES = 10000
N_EDGES = 160000
DIM_X = 2
DIM_YC = 1
DIM_YT = 1
DIM_H = 64
STEPS = 3
IN_DIM = DIM_H + DIM_X  # 66, GraphNetBlock in_dim


def _mlp_params(key, dims):
    ps = []
    for i in range(len(dims) - 1):
        key, k1 = jax.random.split(key)
        W = jax.random.normal(k1, (dims[i], dims[i + 1]), jnp.float32) / np.sqrt(dims[i])
        b = jnp.zeros((dims[i + 1],), jnp.float32)
        ps.append((W, b))
    return ps, key


def setup_inputs(seed: int = 0) -> dict:
    key = jax.random.key(seed)
    ks = jax.random.split(key, 12)
    xc = jax.random.uniform(ks[0], (2, 512, DIM_X), jnp.float32)
    yc = jax.random.normal(ks[1], (2, 512, DIM_YC), jnp.float32)
    xt = jax.random.uniform(ks[2], (2, 512, DIM_X), jnp.float32)
    senders = jax.random.randint(ks[3], (N_EDGES,), 0, N_NODES, dtype=jnp.int32)
    receivers = jax.random.randint(ks[4], (N_EDGES,), 0, N_NODES, dtype=jnp.int32)
    pos = jax.random.uniform(ks[5], (N_NODES, DIM_X), jnp.float32)
    enc, _ = _mlp_params(ks[6], [DIM_X + DIM_YC, DIM_H, DIM_H, DIM_H])
    qenc, _ = _mlp_params(ks[7], [DIM_X, DIM_H, DIM_H, DIM_H])
    dec, _ = _mlp_params(ks[8], [2 * DIM_H, DIM_H, DIM_H, DIM_YT])
    Wm = jax.random.normal(ks[9], (2 * IN_DIM, IN_DIM), jnp.float32) / np.sqrt(2 * IN_DIM)
    Wn = jax.random.normal(ks[10], (2 * IN_DIM, DIM_H), jnp.float32) / np.sqrt(2 * IN_DIM)
    block = {
        'Wm': Wm, 'bm': jnp.zeros((IN_DIM,), jnp.float32),
        'g1': jnp.ones((IN_DIM,), jnp.float32), 'b1': jnp.zeros((IN_DIM,), jnp.float32),
        'Wn': Wn, 'bn': jnp.zeros((DIM_H,), jnp.float32),
        'g2': jnp.ones((DIM_H,), jnp.float32), 'b2': jnp.zeros((DIM_H,), jnp.float32),
    }
    params = {'pos': pos, 'enc': enc, 'qenc': qenc, 'dec': dec, 'block': block}
    return {'xc': xc, 'yc': yc, 'xt': xt, 'params': params,
            'senders': senders, 'receivers': receivers}


def _mlp(ps, x):
    for i, (W, b) in enumerate(ps):
        x = x @ W + b
        if i < len(ps) - 1:
            x = jax.nn.relu(x)
    return x


def _ln(x, g, b):
    m = jnp.mean(x, axis=-1, keepdims=True)
    v = jnp.mean((x - m) ** 2, axis=-1, keepdims=True)
    return (x - m) / jnp.sqrt(v + 1e-5) * g + b


def _scores(x, pos):
    # soft assignment of points to graph nodes (graph_structure forward)
    d2 = (jnp.sum(x ** 2, axis=-1, keepdims=True)
          - 2.0 * jnp.einsum('bmd,nd->bmn', x, pos)
          + jnp.sum(pos ** 2, axis=-1))
    return jax.nn.softmax(-d2, axis=-1)


def _block(nodes, senders, receivers, p):
    msg_in = jnp.concatenate([nodes[:, receivers], nodes[:, senders]], axis=-1)
    messages = msg_in @ p['Wm'] + p['bm']
    messages = _ln(messages, p['g1'], p['b1'])
    inbox = jnp.zeros_like(nodes).at[:, receivers, :].add(messages)
    h = jnp.concatenate([nodes, inbox], axis=-1) @ p['Wn'] + p['bn']
    return _ln(h, p['g2'], p['b2'])


def reference(xc, yc, xt, params, senders, receivers):
    pos = params['pos']
    B = xc.shape[0]
    p = jnp.broadcast_to(pos[None], (B,) + pos.shape)
    scores = _scores(xc, pos)
    emb = _mlp(params['enc'], jnp.concatenate([xc, yc], axis=-1))
    latents = jnp.einsum('bmn,bmh->bnh', scores, emb)  # scores^T @ emb
    for _ in range(STEPS):  # share_blocks=True -> same params each step
        latents = _block(jnp.concatenate([p, latents], axis=-1), senders, receivers, params['block'])
    q = _mlp(params['qenc'], xt)
    scores_t = _scores(xt, pos)
    z = jnp.einsum('btn,bnh->bth', scores_t, latents)
    z = jnp.concatenate([z, q], axis=-1)
    return _mlp(params['dec'], z)

if __name__ == "__main__":
    import jax
    _d = setup_inputs()
    print(jax.jit(kernel)(*tuple(_d.values())))

</pallas_src>

<mosaic_0001>
#map = affine_map<(d0, d1) -> (0, 0)>
#map1 = affine_map<(d0, d1) -> (0)>
#map2 = affine_map<(d0, d1) -> (0, 0, 0)>
module attributes {stable_mosaic.version = 14 : i64} {
  func.func @k(%arg0: i32, %arg1: i32, %arg2: memref<160000x128xf32, #tpu.memory_space<hbm>>, %arg3: memref<160000xi32, #tpu.memory_space<hbm>>, %arg4: memref<10000x128xf32, #tpu.memory_space<hbm>>, %arg5: memref<2x10000x128xf32, #tpu.memory_space<hbm>>, %arg6: memref<200xi32, #tpu.memory_space<vmem>>, %arg7: memref<200x128xf32, #tpu.memory_space<vmem>>, %arg8: memref<10000x128xf32, #tpu.memory_space<vmem_shared>>) attributes {dimension_semantics = [#tpu.dimension_semantics<core_parallel>, #tpu.dimension_semantics<subcore_parallel>], iteration_bounds = array<i64: 2, 16>, scalar_prefetch = 0 : i64, scratch_operands = 3 : i64, tpu.core_type = #tpu.core_type<sc_vector_subcore>, window_params = [{transform_indices = #map}, {transform_indices = #map1}, {transform_indices = #map}, {transform_indices = #map2}]} {
    %mul3A = arith.constant 2 : i32
    %mul3A_0 = arith.muli %arg1, %mul3A : i32
    %add3A = arith.addi %mul3A_0, %arg0 : i32
    %mul3A_1 = arith.constant 5000 : i32
    %mul3A_2 = arith.muli %add3A, %mul3A_1 : i32
    %eq3A = arith.constant 0 : i32
    %eq3A_3 = arith.cmpi eq, %arg1, %eq3A : i32
    %convert_element_type3A = arith.extui %eq3A_3 : i1 to i32
    %cond3A = arith.constant 0 : i32
    %cond3A_4 = arith.cmpi ne, %convert_element_type3A, %cond3A : i32
    scf.if %cond3A_4 {
      "tpu.region"() ({
        %run_scoped3A = tpu.sem_alloc : memref<!tpu.dma_semaphore, #tpu.memory_space<semaphore_mem>>
        tpu.enqueue_dma source(%arg4 : memref<10000x128xf32, #tpu.memory_space<hbm>>) target(%arg8 : memref<10000x128xf32, #tpu.memory_space<vmem_shared>>) target_semaphore(%run_scoped3A : memref<!tpu.dma_semaphore, #tpu.memory_space<semaphore_mem>>)
        tpu.wait_dma2 semaphore(%run_scoped3A : memref<!tpu.dma_semaphore, #tpu.memory_space<semaphore_mem>>) src(%arg4 : memref<10000x128xf32, #tpu.memory_space<hbm>>) dst(%arg8 : memref<10000x128xf32, #tpu.memory_space<vmem_shared>>)
        tpu.yield
      }) : () -> ()
    } else {
    }
    %barrier3A = arith.constant 0 : index
    tpu.barrier barrier_id(%barrier3A)
    %scan3A = arith.constant 0 : i32
    %scan3A_5 = arith.constant 25 : i32
    %scan3A_6 = arith.addi %scan3A, %scan3A_5 : i32
    %scan3A_7 = arith.constant 1 : i32
    scf.for %scan3A_15 = %scan3A to %scan3A_6 step %scan3A_7  : i32 {
      %mul3A_16 = arith.constant 1 : i32
      %mul3A_17 = arith.muli %scan3A_15, %mul3A_16 : i32
      %add3A_18 = arith.constant 0 : i32
      %add3A_19 = arith.addi %add3A_18, %mul3A_17 : i32
      %mul3A_20 = arith.constant 200 : i32
      %mul3A_21 = arith.muli %add3A_19, %mul3A_20 : i32
      %add3A_22 = arith.addi %mul3A_2, %mul3A_21 : i32
      "tpu.region"() ({
        %run_scoped3A = tpu.sem_alloc : memref<!tpu.dma_semaphore, #tpu.memory_space<semaphore_mem>>
        %dma_start3A = tpu.memref_slice %arg3[%add3A_22] : memref<160000xi32, #tpu.memory_space<hbm>> -> memref<200xi32, #tpu.memory_space<hbm>>
        %dma_start3A_23 = tpu.memref_slice %arg3[%add3A_22] : memref<160000xi32, #tpu.memory_space<hbm>> -> memref<200xi32, #tpu.memory_space<hbm>>
        tpu.enqueue_dma source(%dma_start3A_23 : memref<200xi32, #tpu.memory_space<hbm>>) target(%arg6 : memref<200xi32, #tpu.memory_space<vmem>>) target_semaphore(%run_scoped3A : memref<!tpu.dma_semaphore, #tpu.memory_space<semaphore_mem>>)
        %dma_wait3A = tpu.memref_slice %arg3[%add3A_22] : memref<160000xi32, #tpu.memory_space<hbm>> -> memref<200xi32, #tpu.memory_space<hbm>>
        %dma_wait3A_24 = tpu.memref_slice %arg3[%add3A_22] : memref<160000xi32, #tpu.memory_space<hbm>> -> memref<200xi32, #tpu.memory_space<hbm>>
        tpu.wait_dma2 semaphore(%run_scoped3A : memref<!tpu.dma_semaphore, #tpu.memory_space<semaphore_mem>>) src(%dma_wait3A_24 : memref<200xi32, #tpu.memory_space<hbm>>) dst(%arg6 : memref<200xi32, #tpu.memory_space<vmem>>)
        tpu.yield
      }) : () -> ()
      "tpu.region"() ({
        %run_scoped3A = tpu.sem_alloc : memref<!tpu.dma_semaphore, #tpu.memory_space<semaphore_mem>>
        %dma_start3A = arith.constant 0 : i32
        %dma_start3A_23 = tpu.memref_slice %arg2[%add3A_22, %dma_start3A] : memref<160000x128xf32, #tpu.memory_space<hbm>> -> memref<200x128xf32, #tpu.memory_space<hbm>>
        %dma_start3A_24 = arith.constant 0 : i32
        %dma_start3A_25 = tpu.memref_slice %arg2[%add3A_22, %dma_start3A_24] : memref<160000x128xf32, #tpu.memory_space<hbm>> -> memref<200x128xf32, #tpu.memory_space<hbm>>
        tpu.enqueue_dma source(%dma_start3A_25 : memref<200x128xf32, #tpu.memory_space<hbm>>) target(%arg7 : memref<200x128xf32, #tpu.memory_space<vmem>>) target_semaphore(%run_scoped3A : memref<!tpu.dma_semaphore, #tpu.memory_space<semaphore_mem>>)
        %dma_wait3A = arith.constant 0 : i32
        %dma_wait3A_26 = tpu.memref_slice %arg2[%add3A_22, %dma_wait3A] : memref<160000x128xf32, #tpu.memory_space<hbm>> -> memref<200x128xf32, #tpu.memory_space<hbm>>
        %dma_wait3A_27 = arith.constant 0 : i32
        %dma_wait3A_28 = tpu.memref_slice %arg2[%add3A_22, %dma_wait3A_27] : memref<160000x128xf32, #tpu.memory_space<hbm>> -> memref<200x128xf32, #tpu.memory_space<hbm>>
        tpu.wait_dma2 semaphore(%run_scoped3A : memref<!tpu.dma_semaphore, #tpu.memory_space<semaphore_mem>>) src(%dma_wait3A_28 : memref<200x128xf32, #tpu.memory_space<hbm>>) dst(%arg7 : memref<200x128xf32, #tpu.memory_space<vmem>>)
        tpu.yield
      }) : () -> ()
      "tpu.region"() ({
        %run_scoped3A = tpu.sem_alloc : memref<!tpu.dma_semaphore, #tpu.memory_space<semaphore_mem>>
        %dma_start3A = arith.constant 0 : i32
        %dma_start3A_23 = arith.constant 0 : i32
        %dma_start3A_24 = tpu.memref_slice %arg8[%dma_start3A, %dma_start3A_23] : memref<10000x128xf32, #tpu.memory_space<vmem_shared>> -> memref<10000x128xf32, #tpu.memory_space<vmem_shared>>
        tpu.enqueue_indirect_dma source(%arg7 : memref<200x128xf32, #tpu.memory_space<vmem>>) target(%dma_start3A_24 : memref<10000x128xf32, #tpu.memory_space<vmem_shared>>) offsets(%arg6 : memref<200xi32, #tpu.memory_space<vmem>>) semaphore(%run_scoped3A : memref<!tpu.dma_semaphore, #tpu.memory_space<semaphore_mem>>) {add = true}
        %dma_wait3A = arith.constant 0 : i32
        %dma_wait3A_25 = arith.constant 0 : i32
        %dma_wait3A_26 = tpu.memref_slice %arg8[%dma_wait3A, %dma_wait3A_25] : memref<10000x128xf32, #tpu.memory_space<vmem_shared>> -> memref<10000x128xf32, #tpu.memory_space<vmem_shared>>
        tpu.wait_indirect_dma semaphore(%run_scoped3A : memref<!tpu.dma_semaphore, #tpu.memory_space<semaphore_mem>>) src(%arg7 : memref<200x128xf32, #tpu.memory_space<vmem>>) dst(%dma_wait3A_26 : memref<10000x128xf32, #tpu.memory_space<vmem_shared>>)
        tpu.yield
      }) : () -> ()
    }
    %scan3A_8 = arith.constant 25 : i32
    %barrier3A_9 = arith.constant 0 : index
    tpu.barrier barrier_id(%barrier3A_9)
    %eq3A_10 = arith.constant 0 : i32
    %eq3A_11 = arith.cmpi eq, %arg1, %eq3A_10 : i32
    %convert_element_type3A_12 = arith.extui %eq3A_11 : i1 to i32
    %cond3A_13 = arith.constant 0 : i32
    %cond3A_14 = arith.cmpi ne, %convert_element_type3A_12, %cond3A_13 : i32
    scf.if %cond3A_14 {
      "tpu.region"() ({
        %run_scoped3A = tpu.sem_alloc : memref<!tpu.dma_semaphore, #tpu.memory_space<semaphore_mem>>
        %dma_start3A = arith.constant 0 : i32
        %dma_start3A_15 = arith.constant 0 : i32
        %dma_start3A_16 = tpu.memref_slice %arg5[%arg0, %dma_start3A, %dma_start3A_15] : memref<2x10000x128xf32, #tpu.memory_space<hbm>> -> memref<1x10000x128xf32, #tpu.memory_space<hbm>>
        %dma_start3A_17 = tpu.memref_squeeze %dma_start3A_16 : memref<1x10000x128xf32, #tpu.memory_space<hbm>> -> memref<10000x128xf32, #tpu.memory_space<hbm>>
        tpu.enqueue_dma source(%arg8 : memref<10000x128xf32, #tpu.memory_space<vmem_shared>>) target(%dma_start3A_17 : memref<10000x128xf32, #tpu.memory_space<hbm>>) target_semaphore(%run_scoped3A : memref<!tpu.dma_semaphore, #tpu.memory_space<semaphore_mem>>)
        %dma_wait3A = arith.constant 0 : i32
        %dma_wait3A_18 = arith.constant 0 : i32
        %dma_wait3A_19 = tpu.memref_slice %arg5[%arg0, %dma_wait3A, %dma_wait3A_18] : memref<2x10000x128xf32, #tpu.memory_space<hbm>> -> memref<1x10000x128xf32, #tpu.memory_space<hbm>>
        %dma_wait3A_20 = tpu.memref_squeeze %dma_wait3A_19 : memref<1x10000x128xf32, #tpu.memory_space<hbm>> -> memref<10000x128xf32, #tpu.memory_space<hbm>>
        tpu.wait_dma2 semaphore(%run_scoped3A : memref<!tpu.dma_semaphore, #tpu.memory_space<semaphore_mem>>) src(%arg8 : memref<10000x128xf32, #tpu.memory_space<vmem_shared>>) dst(%dma_wait3A_20 : memref<10000x128xf32, #tpu.memory_space<hbm>>)
        tpu.yield
      }) : () -> ()
    } else {
    }
    return
  }
}

#map = affine_map<(d0, d1) -> (0, 0)>
#map1 = affine_map<(d0, d1) -> (0)>
#map2 = affine_map<(d0, d1) -> (0, 0, 0)>
module attributes {stable_mosaic.version = 14 : i64} {
  func.func @k(%arg0: i32, %arg1: i32, %arg2: memref<160000x128xf32, #tpu.memory_space<hbm>>, %arg3: memref<160000xi32, #tpu.memory_space<hbm>>, %arg4: memref<10000x128xf32, #tpu.memory_space<hbm>>, %arg5: memref<2x10000x128xf32, #tpu.memory_space<hbm>>, %arg6: memref<200xi32, #tpu.memory_space<vmem>>, %arg7: memref<200x128xf32, #tpu.memory_space<vmem>>, %arg8: memref<10000x128xf32, #tpu.memory_space<vmem_shared>>) attributes {dimension_semantics = [#tpu.dimension_semantics<core_parallel>, #tpu.dimension_semantics<subcore_parallel>], iteration_bounds = array<i64: 2, 16>, scalar_prefetch = 0 : i64, scratch_operands = 3 : i64, tpu.core_type = #tpu.core_type<sc_vector_subcore>, window_params = [{transform_indices = #map}, {transform_indices = #map1}, {transform_indices = #map}, {transform_indices = #map2}]} {
    %mul3A = arith.constant 2 : i32
    %mul3A_0 = arith.muli %arg1, %mul3A : i32
    %add3A = arith.addi %mul3A_0, %arg0 : i32
    %mul3A_1 = arith.constant 5000 : i32
    %mul3A_2 = arith.muli %add3A, %mul3A_1 : i32
    %eq3A = arith.constant 0 : i32
    %eq3A_3 = arith.cmpi eq, %arg1, %eq3A : i32
    %convert_element_type3A = arith.extui %eq3A_3 : i1 to i32
    %cond3A = arith.constant 0 : i32
    %cond3A_4 = arith.cmpi ne, %convert_element_type3A, %cond3A : i32
    scf.if %cond3A_4 {
      "tpu.region"() ({
        %run_scoped3A = tpu.sem_alloc : memref<!tpu.dma_semaphore, #tpu.memory_space<semaphore_mem>>
        tpu.enqueue_dma source(%arg4 : memref<10000x128xf32, #tpu.memory_space<hbm>>) target(%arg8 : memref<10000x128xf32, #tpu.memory_space<vmem_shared>>) target_semaphore(%run_scoped3A : memref<!tpu.dma_semaphore, #tpu.memory_space<semaphore_mem>>)
        tpu.wait_dma2 semaphore(%run_scoped3A : memref<!tpu.dma_semaphore, #tpu.memory_space<semaphore_mem>>) src(%arg4 : memref<10000x128xf32, #tpu.memory_space<hbm>>) dst(%arg8 : memref<10000x128xf32, #tpu.memory_space<vmem_shared>>)
        tpu.yield
      }) : () -> ()
    } else {
    }
    %barrier3A = arith.constant 0 : index
    tpu.barrier barrier_id(%barrier3A)
    %scan3A = arith.constant 0 : i32
    %scan3A_5 = arith.constant 25 : i32
    %scan3A_6 = arith.addi %scan3A, %scan3A_5 : i32
    %scan3A_7 = arith.constant 1 : i32
    scf.for %scan3A_15 = %scan3A to %scan3A_6 step %scan3A_7  : i32 {
      %mul3A_16 = arith.constant 1 : i32
      %mul3A_17 = arith.muli %scan3A_15, %mul3A_16 : i32
      %add3A_18 = arith.constant 0 : i32
      %add3A_19 = arith.addi %add3A_18, %mul3A_17 : i32
      %mul3A_20 = arith.constant 200 : i32
      %mul3A_21 = arith.muli %add3A_19, %mul3A_20 : i32
      %add3A_22 = arith.addi %mul3A_2, %mul3A_21 : i32
      "tpu.region"() ({
        %run_scoped3A = tpu.sem_alloc : memref<!tpu.dma_semaphore, #tpu.memory_space<semaphore_mem>>
        %dma_start3A = tpu.memref_slice %arg3[%add3A_22] : memref<160000xi32, #tpu.memory_space<hbm>> -> memref<200xi32, #tpu.memory_space<hbm>>
        %dma_start3A_23 = tpu.memref_slice %arg3[%add3A_22] : memref<160000xi32, #tpu.memory_space<hbm>> -> memref<200xi32, #tpu.memory_space<hbm>>
        tpu.enqueue_dma source(%dma_start3A_23 : memref<200xi32, #tpu.memory_space<hbm>>) target(%arg6 : memref<200xi32, #tpu.memory_space<vmem>>) target_semaphore(%run_scoped3A : memref<!tpu.dma_semaphore, #tpu.memory_space<semaphore_mem>>)
        %dma_wait3A = tpu.memref_slice %arg3[%add3A_22] : memref<160000xi32, #tpu.memory_space<hbm>> -> memref<200xi32, #tpu.memory_space<hbm>>
        %dma_wait3A_24 = tpu.memref_slice %arg3[%add3A_22] : memref<160000xi32, #tpu.memory_space<hbm>> -> memref<200xi32, #tpu.memory_space<hbm>>
        tpu.wait_dma2 semaphore(%run_scoped3A : memref<!tpu.dma_semaphore, #tpu.memory_space<semaphore_mem>>) src(%dma_wait3A_24 : memref<200xi32, #tpu.memory_space<hbm>>) dst(%arg6 : memref<200xi32, #tpu.memory_space<vmem>>)
        tpu.yield
      }) : () -> ()
      "tpu.region"() ({
        %run_scoped3A = tpu.sem_alloc : memref<!tpu.dma_semaphore, #tpu.memory_space<semaphore_mem>>
        %dma_start3A = arith.constant 0 : i32
        %dma_start3A_23 = tpu.memref_slice %arg2[%add3A_22, %dma_start3A] : memref<160000x128xf32, #tpu.memory_space<hbm>> -> memref<200x128xf32, #tpu.memory_space<hbm>>
        %dma_start3A_24 = arith.constant 0 : i32
        %dma_start3A_25 = tpu.memref_slice %arg2[%add3A_22, %dma_start3A_24] : memref<160000x128xf32, #tpu.memory_space<hbm>> -> memref<200x128xf32, #tpu.memory_space<hbm>>
        tpu.enqueue_dma source(%dma_start3A_25 : memref<200x128xf32, #tpu.memory_space<hbm>>) target(%arg7 : memref<200x128xf32, #tpu.memory_space<vmem>>) target_semaphore(%run_scoped3A : memref<!tpu.dma_semaphore, #tpu.memory_space<semaphore_mem>>)
        %dma_wait3A = arith.constant 0 : i32
        %dma_wait3A_26 = tpu.memref_slice %arg2[%add3A_22, %dma_wait3A] : memref<160000x128xf32, #tpu.memory_space<hbm>> -> memref<200x128xf32, #tpu.memory_space<hbm>>
        %dma_wait3A_27 = arith.constant 0 : i32
        %dma_wait3A_28 = tpu.memref_slice %arg2[%add3A_22, %dma_wait3A_27] : memref<160000x128xf32, #tpu.memory_space<hbm>> -> memref<200x128xf32, #tpu.memory_space<hbm>>
        tpu.wait_dma2 semaphore(%run_scoped3A : memref<!tpu.dma_semaphore, #tpu.memory_space<semaphore_mem>>) src(%dma_wait3A_28 : memref<200x128xf32, #tpu.memory_space<hbm>>) dst(%arg7 : memref<200x128xf32, #tpu.memory_space<vmem>>)
        tpu.yield
      }) : () -> ()
      "tpu.region"() ({
        %run_scoped3A = tpu.sem_alloc : memref<!tpu.dma_semaphore, #tpu.memory_space<semaphore_mem>>
        %dma_start3A = arith.constant 0 : i32
        %dma_start3A_23 = arith.constant 0 : i32
        %dma_start3A_24 = tpu.memref_slice %arg8[%dma_start3A, %dma_start3A_23] : memref<10000x128xf32, #tpu.memory_space<vmem_shared>> -> memref<10000x128xf32, #tpu.memory_space<vmem_shared>>
        tpu.enqueue_indirect_dma source(%arg7 : memref<200x128xf32, #tpu.memory_space<vmem>>) target(%dma_start3A_24 : memref<10000x128xf32, #tpu.memory_space<vmem_shared>>) offsets(%arg6 : memref<200xi32, #tpu.memory_space<vmem>>) semaphore(%run_scoped3A : memref<!tpu.dma_semaphore, #tpu.memory_space<semaphore_mem>>) {add = true}
        %dma_wait3A = arith.constant 0 : i32
        %dma_wait3A_25 = arith.constant 0 : i32
        %dma_wait3A_26 = tpu.memref_slice %arg8[%dma_wait3A, %dma_wait3A_25] : memref<10000x128xf32, #tpu.memory_space<vmem_shared>> -> memref<10000x128xf32, #tpu.memory_space<vmem_shared>>
        tpu.wait_indirect_dma semaphore(%run_scoped3A : memref<!tpu.dma_semaphore, #tpu.memory_space<semaphore_mem>>) src(%arg7 : memref<200x128xf32, #tpu.memory_space<vmem>>) dst(%dma_wait3A_26 : memref<10000x128xf32, #tpu.memory_space<vmem_shared>>)
        tpu.yield
      }) : () -> ()
    }
    %scan3A_8 = arith.constant 25 : i32
    %barrier3A_9 = arith.constant 0 : index
    tpu.barrier barrier_id(%barrier3A_9)
    %eq3A_10 = arith.constant 0 : i32
    %eq3A_11 = arith.cmpi eq, %arg1, %eq3A_10 : i32
    %convert_element_type3A_12 = arith.extui %eq3A_11 : i1 to i32
    %cond3A_13 = arith.constant 0 : i32
    %cond3A_14 = arith.cmpi ne, %convert_element_type3A_12, %cond3A_13 : i32
    scf.if %cond3A_14 {
      "tpu.region"() ({
        %run_scoped3A = tpu.sem_alloc : memref<!tpu.dma_semaphore, #tpu.memory_space<semaphore_mem>>
        %dma_start3A = arith.constant 0 : i32
        %dma_start3A_15 = arith.constant 0 : i32
        %dma_start3A_16 = tpu.memref_slice %arg5[%arg0, %dma_start3A, %dma_start3A_15] : memref<2x10000x128xf32, #tpu.memory_space<hbm>> -> memref<1x10000x128xf32, #tpu.memory_space<hbm>>
        %dma_start3A_17 = tpu.memref_squeeze %dma_start3A_16 : memref<1x10000x128xf32, #tpu.memory_space<hbm>> -> memref<10000x128xf32, #tpu.memory_space<hbm>>
        tpu.enqueue_dma source(%arg8 : memref<10000x128xf32, #tpu.memory_space<vmem_shared>>) target(%dma_start3A_17 : memref<10000x128xf32, #tpu.memory_space<hbm>>) target_semaphore(%run_scoped3A : memref<!tpu.dma_semaphore, #tpu.memory_space<semaphore_mem>>)
        %dma_wait3A = arith.constant 0 : i32
        %dma_wait3A_18 = arith.constant 0 : i32
        %dma_wait3A_19 = tpu.memref_slice %arg5[%arg0, %dma_wait3A, %dma_wait3A_18] : memref<2x10000x128xf32, #tpu.memory_space<hbm>> -> memref<1x10000x128xf32, #tpu.memory_space<hbm>>
        %dma_wait3A_20 = tpu.memref_squeeze %dma_wait3A_19 : memref<1x10000x128xf32, #tpu.memory_space<hbm>> -> memref<10000x128xf32, #tpu.memory_space<hbm>>
        tpu.wait_dma2 semaphore(%run_scoped3A : memref<!tpu.dma_semaphore, #tpu.memory_space<semaphore_mem>>) src(%arg8 : memref<10000x128xf32, #tpu.memory_space<vmem_shared>>) dst(%dma_wait3A_20 : memref<10000x128xf32, #tpu.memory_space<hbm>>)
        tpu.yield
      }) : () -> ()
    } else {
    }
    return
  }
}

#map = affine_map<(d0, d1) -> (0, 0, 0)>
#map1 = affine_map<(d0, d1) -> (0)>
module attributes {stable_mosaic.version = 14 : i64} {
  func.func @k(%arg0: i32, %arg1: i32, %arg2: memref<2x10000x128xf32, #tpu.memory_space<hbm>>, %arg3: memref<160000xi32, #tpu.memory_space<hbm>>, %arg4: memref<160000xi32, #tpu.memory_space<hbm>>, %arg5: memref<2x160000x128xf32, #tpu.memory_space<hbm>>, %arg6: memref<2x160000x128xf32, #tpu.memory_space<hbm>>, %arg7: memref<200xi32, #tpu.memory_space<vmem>>, %arg8: memref<200xi32, #tpu.memory_space<vmem>>, %arg9: memref<200x128xf32, #tpu.memory_space<vmem>>, %arg10: memref<200x128xf32, #tpu.memory_space<vmem>>, %arg11: memref<!tpu.dma_semaphore, #tpu.memory_space<semaphore_mem>>, %arg12: memref<!tpu.dma_semaphore, #tpu.memory_space<semaphore_mem>>) attributes {dimension_semantics = [#tpu.dimension_semantics<core_parallel>, #tpu.dimension_semantics<subcore_parallel>], iteration_bounds = array<i64: 2, 16>, scalar_prefetch = 0 : i64, scratch_operands = 6 : i64, tpu.core_type = #tpu.core_type<sc_vector_subcore>, window_params = [{transform_indices = #map}, {transform_indices = #map1}, {transform_indices = #map1}, {transform_indices = #map}, {transform_indices = #map}]} {
    %mul3A = arith.constant 2 : i32
    %mul3A_0 = arith.muli %arg1, %mul3A : i32
    %add3A = arith.addi %mul3A_0, %arg0 : i32
    %mul3A_1 = arith.constant 5000 : i32
    %mul3A_2 = arith.muli %add3A, %mul3A_1 : i32
    %scan3A = arith.constant 0 : i32
    %scan3A_3 = arith.constant 25 : i32
    %scan3A_4 = arith.addi %scan3A, %scan3A_3 : i32
    %scan3A_5 = arith.constant 1 : i32
    scf.for %scan3A_12 = %scan3A to %scan3A_4 step %scan3A_5  : i32 {
      %mul3A_13 = arith.constant 1 : i32
      %mul3A_14 = arith.muli %scan3A_12, %mul3A_13 : i32
      %add3A_15 = arith.constant 0 : i32
      %add3A_16 = arith.addi %add3A_15, %mul3A_14 : i32
      %mul3A_17 = arith.constant 200 : i32
      %mul3A_18 = arith.muli %add3A_16, %mul3A_17 : i32
      %add3A_19 = arith.addi %mul3A_2, %mul3A_18 : i32
      "tpu.region"() ({
        %run_scoped3A_51 = tpu.sem_alloc : memref<!tpu.dma_semaphore, #tpu.memory_space<semaphore_mem>>
        %dma_start3A_52 = tpu.memref_slice %arg3[%add3A_19] : memref<160000xi32, #tpu.memory_space<hbm>> -> memref<200xi32, #tpu.memory_space<hbm>>
        %dma_start3A_53 = tpu.memref_slice %arg3[%add3A_19] : memref<160000xi32, #tpu.memory_space<hbm>> -> memref<200xi32, #tpu.memory_space<hbm>>
        tpu.enqueue_dma source(%dma_start3A_53 : memref<200xi32, #tpu.memory_space<hbm>>) target(%arg7 : memref<200xi32, #tpu.memory_space<vmem>>) target_semaphore(%run_scoped3A_51 : memref<!tpu.dma_semaphore, #tpu.memory_space<semaphore_mem>>)
        %dma_wait3A_54 = tpu.memref_slice %arg3[%add3A_19] : memref<160000xi32, #tpu.memory_space<hbm>> -> memref<200xi32, #tpu.memory_space<hbm>>
        %dma_wait3A_55 = tpu.memref_slice %arg3[%add3A_19] : memref<160000xi32, #tpu.memory_space<hbm>> -> memref<200xi32, #tpu.memory_space<hbm>>
        tpu.wait_dma2 semaphore(%run_scoped3A_51 : memref<!tpu.dma_semaphore, #tpu.memory_space<semaphore_mem>>) src(%dma_wait3A_55 : memref<200xi32, #tpu.memory_space<hbm>>) dst(%arg7 : memref<200xi32, #tpu.memory_space<vmem>>)
        tpu.yield
      }) : () -> ()
      "tpu.region"() ({
        %run_scoped3A_51 = tpu.sem_alloc : memref<!tpu.dma_semaphore, #tpu.memory_space<semaphore_mem>>
        %dma_start3A_52 = tpu.memref_slice %arg4[%add3A_19] : memref<160000xi32, #tpu.memory_space<hbm>> -> memref<200xi32, #tpu.memory_space<hbm>>
        %dma_start3A_53 = tpu.memref_slice %arg4[%add3A_19] : memref<160000xi32, #tpu.memory_space<hbm>> -> memref<200xi32, #tpu.memory_space<hbm>>
        tpu.enqueue_dma source(%dma_start3A_53 : memref<200xi32, #tpu.memory_space<hbm>>) target(%arg8 : memref<200xi32, #tpu.memory_space<vmem>>) target_semaphore(%run_scoped3A_51 : memref<!tpu.dma_semaphore, #tpu.memory_space<semaphore_mem>>)
        %dma_wait3A_54 = tpu.memref_slice %arg4[%add3A_19] : memref<160000xi32, #tpu.memory_space<hbm>> -> memref<200xi32, #tpu.memory_space<hbm>>
        %dma_wait3A_55 = tpu.memref_slice %arg4[%add3A_19] : memref<160000xi32, #tpu.memory_space<hbm>> -> memref<200xi32, #tpu.memory_space<hbm>>
        tpu.wait_dma2 semaphore(%run_scoped3A_51 : memref<!tpu.dma_semaphore, #tpu.memory_space<semaphore_mem>>) src(%dma_wait3A_55 : memref<200xi32, #tpu.memory_space<hbm>>) dst(%arg8 : memref<200xi32, #tpu.memory_space<vmem>>)
        tpu.yield
      }) : () -> ()
      %dma_start3A = arith.constant 0 : i32
      %dma_start3A_20 = arith.constant 0 : i32
      %dma_start3A_21 = arith.constant 0 : i32
      %dma_start3A_22 = tpu.memref_slice %arg2[%dma_start3A, %dma_start3A_20, %dma_start3A_21] : memref<2x10000x128xf32, #tpu.memory_space<hbm>> -> memref<1x10000x128xf32, #tpu.memory_space<hbm>>
      %dma_start3A_23 = tpu.memref_squeeze %dma_start3A_22 : memref<1x10000x128xf32, #tpu.memory_space<hbm>> -> memref<10000x128xf32, #tpu.memory_space<hbm>>
      %dma_start3A_24 = arith.constant 0 : i32
      %dma_start3A_25 = arith.constant 0 : i32
      %dma_start3A_26 = tpu.memref_slice %dma_start3A_23[%dma_start3A_24, %dma_start3A_25] : memref<10000x128xf32, #tpu.memory_space<hbm>> -> memref<10000x128xf32, #tpu.memory_space<hbm>>
      tpu.enqueue_indirect_dma source(%dma_start3A_26 : memref<10000x128xf32, #tpu.memory_space<hbm>>) target(%arg9 : memref<200x128xf32, #tpu.memory_space<vmem>>) offsets(%arg7 : memref<200xi32, #tpu.memory_space<vmem>>) semaphore(%arg11 : memref<!tpu.dma_semaphore, #tpu.memory_space<semaphore_mem>>)
      %dma_start3A_27 = arith.constant 0 : i32
      %dma_start3A_28 = arith.constant 0 : i32
      %dma_start3A_29 = arith.constant 0 : i32
      %dma_start3A_30 = tpu.memref_slice %arg2[%dma_start3A_27, %dma_start3A_28, %dma_start3A_29] : memref<2x10000x128xf32, #tpu.memory_space<hbm>> -> memref<1x10000x128xf32, #tpu.memory_space<hbm>>
      %dma_start3A_31 = tpu.memref_squeeze %dma_start3A_30 : memref<1x10000x128xf32, #tpu.memory_space<hbm>> -> memref<10000x128xf32, #tpu.memory_space<hbm>>
      %dma_start3A_32 = arith.constant 0 : i32
      %dma_start3A_33 = arith.constant 0 : i32
      %dma_start3A_34 = tpu.memref_slice %dma_start3A_31[%dma_start3A_32, %dma_start3A_33] : memref<10000x128xf32, #tpu.memory_space<hbm>> -> memref<10000x128xf32, #tpu.memory_space<hbm>>
      tpu.enqueue_indirect_dma source(%dma_start3A_34 : memref<10000x128xf32, #tpu.memory_space<hbm>>) target(%arg10 : memref<200x128xf32, #tpu.memory_space<vmem>>) offsets(%arg8 : memref<200xi32, #tpu.memory_space<vmem>>) semaphore(%arg12 : memref<!tpu.dma_semaphore, #tpu.memory_space<semaphore_mem>>)
      %dma_wait3A = arith.constant 0 : i32
      %dma_wait3A_35 = arith.constant 0 : i32
      %dma_wait3A_36 = arith.constant 0 : i32
      %dma_wait3A_37 = tpu.memref_slice %arg2[%dma_wait3A, %dma_wait3A_35, %dma_wait3A_36] : memref<2x10000x128xf32, #tpu.memory_space<hbm>> -> memref<1x10000x128xf32, #tpu.memory_space<hbm>>
      %dma_wait3A_38 = tpu.memref_squeeze %dma_wait3A_37 : memref<1x10000x128xf32, #tpu.memory_space<hbm>> -> memref<10000x128xf32, #tpu.memory_space<hbm>>
      %dma_wait3A_39 = arith.constant 0 : i32
      %dma_wait3A_40 = arith.constant 0 : i32
      %dma_wait3A_41 = tpu.memref_slice %dma_wait3A_38[%dma_wait3A_39, %dma_wait3A_40] : memref<10000x128xf32, #tpu.memory_space<hbm>> -> memref<10000x128xf32, #tpu.memory_space<hbm>>
      tpu.wait_indirect_dma semaphore(%arg11 : memref<!tpu.dma_semaphore, #tpu.memory_space<semaphore_mem>>) src(%dma_wait3A_41 : memref<10000x128xf32, #tpu.memory_space<hbm>>) dst(%arg9 : memref<200x128xf32, #tpu.memory_space<vmem>>)
      %dma_wait3A_42 = arith.constant 0 : i32
      %dma_wait3A_43 = arith.constant 0 : i32
      %dma_wait3A_44 = arith.constant 0 : i32
      %dma_wait3A_45 = tpu.memref_slice %arg2[%dma_wait3A_42, %dma_wait3A_43, %dma_wait3A_44] : memref<2x10000x128xf32, #tpu.memory_space<hbm>> -> memref<1x10000x128xf32, #tpu.memory_space<hbm>>
      %dma_wait3A_46 = tpu.memref_squeeze %dma_wait3A_45 : memref<1x10000x128xf32, #tpu.memory_space<hbm>> -> memref<10000x128xf32, #tpu.memory_space<hbm>>
      %dma_wait3A_47 = arith.constant 0 : i32
      %dma_wait3A_48 = arith.constant 0 : i32
      %dma_wait3A_49 = tpu.memref_slice %dma_wait3A_46[%dma_wait3A_47, %dma_wait3A_48] : memref<10000x128xf32, #tpu.memory_space<hbm>> -> memref<10000x128xf32, #tpu.memory_space<hbm>>
      tpu.wait_indirect_dma semaphore(%arg12 : memref<!tpu.dma_semaphore, #tpu.memory_space<semaphore_mem>>) src(%dma_wait3A_49 : memref<10000x128xf32, #tpu.memory_space<hbm>>) dst(%arg10 : memref<200x128xf32, #tpu.memory_space<vmem>>)
      %run_scoped3A = arith.constant 0 : i32
      "tpu.region"() ({
        %run_scoped3A_51 = tpu.sem_alloc : memref<!tpu.dma_semaphore, #tpu.memory_space<semaphore_mem>>
        %dma_start3A_52 = arith.constant 0 : i32
        %dma_start3A_53 = arith.constant 0 : i32
        %dma_start3A_54 = tpu.memref_slice %arg5[%run_scoped3A, %dma_start3A_52, %dma_start3A_53] : memref<2x160000x128xf32, #tpu.memory_space<hbm>> -> memref<1x160000x128xf32, #tpu.memory_space<hbm>>
        %dma_start3A_55 = tpu.memref_squeeze %dma_start3A_54 : memref<1x160000x128xf32, #tpu.memory_space<hbm>> -> memref<160000x128xf32, #tpu.memory_space<hbm>>
        %dma_start3A_56 = arith.constant 0 : i32
        %dma_start3A_57 = tpu.memref_slice %dma_start3A_55[%add3A_19, %dma_start3A_56] : memref<160000x128xf32, #tpu.memory_space<hbm>> -> memref<200x128xf32, #tpu.memory_space<hbm>>
        %dma_start3A_58 = arith.constant 0 : i32
        %dma_start3A_59 = arith.constant 0 : i32
        %dma_start3A_60 = tpu.memref_slice %arg5[%run_scoped3A, %dma_start3A_58, %dma_start3A_59] : memref<2x160000x128xf32, #tpu.memory_space<hbm>> -> memref<1x160000x128xf32, #tpu.memory_space<hbm>>
        %dma_start3A_61 = tpu.memref_squeeze %dma_start3A_60 : memref<1x160000x128xf32, #tpu.memory_space<hbm>> -> memref<160000x128xf32, #tpu.memory_space<hbm>>
        %dma_start3A_62 = arith.constant 0 : i32
        %dma_start3A_63 = tpu.memref_slice %dma_start3A_61[%add3A_19, %dma_start3A_62] : memref<160000x128xf32, #tpu.memory_space<hbm>> -> memref<200x128xf32, #tpu.memory_space<hbm>>
        tpu.enqueue_dma source(%arg9 : memref<200x128xf32, #tpu.memory_space<vmem>>) target(%dma_start3A_63 : memref<200x128xf32, #tpu.memory_space<hbm>>) target_semaphore(%run_scoped3A_51 : memref<!tpu.dma_semaphore, #tpu.memory_space<semaphore_mem>>)
        %dma_wait3A_64 = arith.constant 0 : i32
        %dma_wait3A_65 = arith.constant 0 : i32
        %dma_wait3A_66 = tpu.memref_slice %arg5[%run_scoped3A, %dma_wait3A_64, %dma_wait3A_65] : memref<2x160000x128xf32, #tpu.memory_space<hbm>> -> memref<1x160000x128xf32, #tpu.memory_space<hbm>>
        %dma_wait3A_67 = tpu.memref_squeeze %dma_wait3A_66 : memref<1x160000x128xf32, #tpu.memory_space<hbm>> -> memref<160000x128xf32, #tpu.memory_space<hbm>>
        %dma_wait3A_68 = arith.constant 0 : i32
        %dma_wait3A_69 = tpu.memref_slice %dma_wait3A_67[%add3A_19, %dma_wait3A_68] : memref<160000x128xf32, #tpu.memory_space<hbm>> -> memref<200x128xf32, #tpu.memory_space<hbm>>
        %dma_wait3A_70 = arith.constant 0 : i32
        %dma_wait3A_71 = arith.constant 0 : i32
        %dma_wait3A_72 = tpu.memref_slice %arg5[%run_scoped3A, %dma_wait3A_70, %dma_wait3A_71] : memref<2x160000x128xf32, #tpu.memory_space<hbm>> -> memref<1x160000x128xf32, #tpu.memory_space<hbm>>
        %dma_wait3A_73 = tpu.memref_squeeze %dma_wait3A_72 : memref<1x160000x128xf32, #tpu.memory_space<hbm>> -> memref<160000x128xf32, #tpu.memory_space<hbm>>
        %dma_wait3A_74 = arith.constant 0 : i32
        %dma_wait3A_75 = tpu.memref_slice %dma_wait3A_73[%add3A_19, %dma_wait3A_74] : memref<160000x128xf32, #tpu.memory_space<hbm>> -> memref<200x128xf32, #tpu.memory_space<hbm>>
        tpu.wait_dma2 semaphore(%run_scoped3A_51 : memref<!tpu.dma_semaphore, #tpu.memory_space<semaphore_mem>>) src(%arg9 : memref<200x128xf32, #tpu.memory_space<vmem>>) dst(%dma_wait3A_75 : memref<200x128xf32, #tpu.memory_space<hbm>>)
        tpu.yield
      }) : () -> ()
      %run_scoped3A_50 = arith.constant 0 : i32
      "tpu.region"() ({
        %run_scoped3A_51 = tpu.sem_alloc : memref<!tpu.dma_semaphore, #tpu.memory_space<semaphore_mem>>
        %dma_start3A_52 = arith.constant 0 : i32
        %dma_start3A_53 = arith.constant 0 : i32
        %dma_start3A_54 = tpu.memref_slice %arg6[%run_scoped3A_50, %dma_start3A_52, %dma_start3A_53] : memref<2x160000x128xf32, #tpu.memory_space<hbm>> -> memref<1x160000x128xf32, #tpu.memory_space<hbm>>
        %dma_start3A_55 = tpu.memref_squeeze %dma_start3A_54 : memref<1x160000x128xf32, #tpu.memory_space<hbm>> -> memref<160000x128xf32, #tpu.memory_space<hbm>>
        %dma_start3A_56 = arith.constant 0 : i32
        %dma_start3A_57 = tpu.memref_slice %dma_start3A_55[%add3A_19, %dma_start3A_56] : memref<160000x128xf32, #tpu.memory_space<hbm>> -> memref<200x128xf32, #tpu.memory_space<hbm>>
        %dma_start3A_58 = arith.constant 0 : i32
        %dma_start3A_59 = arith.constant 0 : i32
        %dma_start3A_60 = tpu.memref_slice %arg6[%run_scoped3A_50, %dma_start3A_58, %dma_start3A_59] : memref<2x160000x128xf32, #tpu.memory_space<hbm>> -> memref<1x160000x128xf32, #tpu.memory_space<hbm>>
        %dma_start3A_61 = tpu.memref_squeeze %dma_start3A_60 : memref<1x160000x128xf32, #tpu.memory_space<hbm>> -> memref<160000x128xf32, #tpu.memory_space<hbm>>
        %dma_start3A_62 = arith.constant 0 : i32
        %dma_start3A_63 = tpu.memref_slice %dma_start3A_61[%add3A_19, %dma_start3A_62] : memref<160000x128xf32, #tpu.memory_space<hbm>> -> memref<200x128xf32, #tpu.memory_space<hbm>>
        tpu.enqueue_dma source(%arg10 : memref<200x128xf32, #tpu.memory_space<vmem>>) target(%dma_start3A_63 : memref<200x128xf32, #tpu.memory_space<hbm>>) target_semaphore(%run_scoped3A_51 : memref<!tpu.dma_semaphore, #tpu.memory_space<semaphore_mem>>)
        %dma_wait3A_64 = arith.constant 0 : i32
        %dma_wait3A_65 = arith.constant 0 : i32
        %dma_wait3A_66 = tpu.memref_slice %arg6[%run_scoped3A_50, %dma_wait3A_64, %dma_wait3A_65] : memref<2x160000x128xf32, #tpu.memory_space<hbm>> -> memref<1x160000x128xf32, #tpu.memory_space<hbm>>
        %dma_wait3A_67 = tpu.memref_squeeze %dma_wait3A_66 : memref<1x160000x128xf32, #tpu.memory_space<hbm>> -> memref<160000x128xf32, #tpu.memory_space<hbm>>
        %dma_wait3A_68 = arith.constant 0 : i32
        %dma_wait3A_69 = tpu.memref_slice %dma_wait3A_67[%add3A_19, %dma_wait3A_68] : memref<160000x128xf32, #tpu.memory_space<hbm>> -> memref<200x128xf32, #tpu.memory_space<hbm>>
        %dma_wait3A_70 = arith.constant 0 : i32
        %dma_wait3A_71 = arith.constant 0 : i32
        %dma_wait3A_72 = tpu.memref_slice %arg6[%run_scoped3A_50, %dma_wait3A_70, %dma_wait3A_71] : memref<2x160000x128xf32, #tpu.memory_space<hbm>> -> memref<1x160000x128xf32, #tpu.memory_space<hbm>>
        %dma_wait3A_73 = tpu.memref_squeeze %dma_wait3A_72 : memref<1x160000x128xf32, #tpu.memory_space<hbm>> -> memref<160000x128xf32, #tpu.memory_space<hbm>>
        %dma_wait3A_74 = arith.constant 0 : i32
        %dma_wait3A_75 = tpu.memref_slice %dma_wait3A_73[%add3A_19, %dma_wait3A_74] : memref<160000x128xf32, #tpu.memory_space<hbm>> -> memref<200x128xf32, #tpu.memory_space<hbm>>
        tpu.wait_dma2 semaphore(%run_scoped3A_51 : memref<!tpu.dma_semaphore, #tpu.memory_space<semaphore_mem>>) src(%arg10 : memref<200x128xf32, #tpu.memory_space<vmem>>) dst(%dma_wait3A_75 : memref<200x128xf32, #tpu.memory_space<hbm>>)
        tpu.yield
      }) : () -> ()
    }
    %scan3A_6 = arith.constant 25 : i32
    %scan3A_7 = arith.constant 0 : i32
    %scan3A_8 = arith.constant 25 : i32
    %scan3A_9 = arith.addi %scan3A_7, %scan3A_8 : i32
    %scan3A_10 = arith.constant 1 : i32
    scf.for %scan3A_12 = %scan3A_7 to %scan3A_9 step %scan3A_10  : i32 {
      %mul3A_13 = arith.constant 1 : i32
      %mul3A_14 = arith.muli %scan3A_12, %mul3A_13 : i32
      %add3A_15 = arith.constant 0 : i32
      %add3A_16 = arith.addi %add3A_15, %mul3A_14 : i32
      %mul3A_17 = arith.constant 200 : i32
      %mul3A_18 = arith.muli %add3A_16, %mul3A_17 : i32
      %add3A_19 = arith.addi %mul3A_2, %mul3A_18 : i32
      "tpu.region"() ({
        %run_scoped3A_51 = tpu.sem_alloc : memref<!tpu.dma_semaphore, #tpu.memory_space<semaphore_mem>>
        %dma_start3A_52 = tpu.memref_slice %arg3[%add3A_19] : memref<160000xi32, #tpu.memory_space<hbm>> -> memref<200xi32, #tpu.memory_space<hbm>>
        %dma_start3A_53 = tpu.memref_slice %arg3[%add3A_19] : memref<160000xi32, #tpu.memory_space<hbm>> -> memref<200xi32, #tpu.memory_space<hbm>>
        tpu.enqueue_dma source(%dma_start3A_53 : memref<200xi32, #tpu.memory_space<hbm>>) target(%arg7 : memref<200xi32, #tpu.memory_space<vmem>>) target_semaphore(%run_scoped3A_51 : memref<!tpu.dma_semaphore, #tpu.memory_space<semaphore_mem>>)
        %dma_wait3A_54 = tpu.memref_slice %arg3[%add3A_19] : memref<160000xi32, #tpu.memory_space<hbm>> -> memref<200xi32, #tpu.memory_space<hbm>>
        %dma_wait3A_55 = tpu.memref_slice %arg3[%add3A_19] : memref<160000xi32, #tpu.memory_space<hbm>> -> memref<200xi32, #tpu.memory_space<hbm>>
        tpu.wait_dma2 semaphore(%run_scoped3A_51 : memref<!tpu.dma_semaphore, #tpu.memory_space<semaphore_mem>>) src(%dma_wait3A_55 : memref<200xi32, #tpu.memory_space<hbm>>) dst(%arg7 : memref<200xi32, #tpu.memory_space<vmem>>)
        tpu.yield
      }) : () -> ()
      "tpu.region"() ({
        %run_scoped3A_51 = tpu.sem_alloc : memref<!tpu.dma_semaphore, #tpu.memory_space<semaphore_mem>>
        %dma_start3A_52 = tpu.memref_slice %arg4[%add3A_19] : memref<160000xi32, #tpu.memory_space<hbm>> -> memref<200xi32, #tpu.memory_space<hbm>>
        %dma_start3A_53 = tpu.memref_slice %arg4[%add3A_19] : memref<160000xi32, #tpu.memory_space<hbm>> -> memref<200xi32, #tpu.memory_space<hbm>>
        tpu.enqueue_dma source(%dma_start3A_53 : memref<200xi32, #tpu.memory_space<hbm>>) target(%arg8 : memref<200xi32, #tpu.memory_space<vmem>>) target_semaphore(%run_scoped3A_51 : memref<!tpu.dma_semaphore, #tpu.memory_space<semaphore_mem>>)
        %dma_wait3A_54 = tpu.memref_slice %arg4[%add3A_19] : memref<160000xi32, #tpu.memory_space<hbm>> -> memref<200xi32, #tpu.memory_space<hbm>>
        %dma_wait3A_55 = tpu.memref_slice %arg4[%add3A_19] : memref<160000xi32, #tpu.memory_space<hbm>> -> memref<200xi32, #tpu.memory_space<hbm>>
        tpu.wait_dma2 semaphore(%run_scoped3A_51 : memref<!tpu.dma_semaphore, #tpu.memory_space<semaphore_mem>>) src(%dma_wait3A_55 : memref<200xi32, #tpu.memory_space<hbm>>) dst(%arg8 : memref<200xi32, #tpu.memory_space<vmem>>)
        tpu.yield
      }) : () -> ()
      %dma_start3A = arith.constant 1 : i32
      %dma_start3A_20 = arith.constant 0 : i32
      %dma_start3A_21 = arith.constant 0 : i32
      %dma_start3A_22 = tpu.memref_slice %arg2[%dma_start3A, %dma_start3A_20, %dma_start3A_21] : memref<2x10000x128xf32, #tpu.memory_space<hbm>> -> memref<1x10000x128xf32, #tpu.memory_space<hbm>>
      %dma_start3A_23 = tpu.memref_squeeze %dma_start3A_22 : memref<1x10000x128xf32, #tpu.memory_space<hbm>> -> memref<10000x128xf32, #tpu.memory_space<hbm>>
      %dma_start3A_24 = arith.constant 0 : i32
      %dma_start3A_25 = arith.constant 0 : i32
      %dma_start3A_26 = tpu.memref_slice %dma_start3A_23[%dma_start3A_24, %dma_start3A_25] : memref<10000x128xf32, #tpu.memory_space<hbm>> -> memref<10000x128xf32, #tpu.memory_space<hbm>>
      tpu.enqueue_indirect_dma source(%dma_start3A_26 : memref<10000x128xf32, #tpu.memory_space<hbm>>) target(%arg9 : memref<200x128xf32, #tpu.memory_space<vmem>>) offsets(%arg7 : memref<200xi32, #tpu.memory_space<vmem>>) semaphore(%arg11 : memref<!tpu.dma_semaphore, #tpu.memory_space<semaphore_mem>>)
      %dma_start3A_27 = arith.constant 1 : i32
      %dma_start3A_28 = arith.constant 0 : i32
      %dma_start3A_29 = arith.constant 0 : i32
      %dma_start3A_30 = tpu.memref_slice %arg2[%dma_start3A_27, %dma_start3A_28, %dma_start3A_29] : memref<2x10000x128xf32, #tpu.memory_space<hbm>> -> memref<1x10000x128xf32, #tpu.memory_space<hbm>>
      %dma_start3A_31 = tpu.memref_squeeze %dma_start3A_30 : memref<1x10000x128xf32, #tpu.memory_space<hbm>> -> memref<10000x128xf32, #tpu.memory_space<hbm>>
      %dma_start3A_32 = arith.constant 0 : i32
      %dma_start3A_33 = arith.constant 0 : i32
      %dma_start3A_34 = tpu.memref_slice %dma_start3A_31[%dma_start3A_32, %dma_start3A_33] : memref<10000x128xf32, #tpu.memory_space<hbm>> -> memref<10000x128xf32, #tpu.memory_space<hbm>>
      tpu.enqueue_indirect_dma source(%dma_start3A_34 : memref<10000x128xf32, #tpu.memory_space<hbm>>) target(%arg10 : memref<200x128xf32, #tpu.memory_space<vmem>>) offsets(%arg8 : memref<200xi32, #tpu.memory_space<vmem>>) semaphore(%arg12 : memref<!tpu.dma_semaphore, #tpu.memory_space<semaphore_mem>>)
      %dma_wait3A = arith.constant 1 : i32
      %dma_wait3A_35 = arith.constant 0 : i32
      %dma_wait3A_36 = arith.constant 0 : i32
      %dma_wait3A_37 = tpu.memref_slice %arg2[%dma_wait3A, %dma_wait3A_35, %dma_wait3A_36] : memref<2x10000x128xf32, #tpu.memory_space<hbm>> -> memref<1x10000x128xf32, #tpu.memory_space<hbm>>
      %dma_wait3A_38 = tpu.memref_squeeze %dma_wait3A_37 : memref<1x10000x128xf32, #tpu.memory_space<hbm>> -> memref<10000x128xf32, #tpu.memory_space<hbm>>
      %dma_wait3A_39 = arith.constant 0 : i32
      %dma_wait3A_40 = arith.constant 0 : i32
      %dma_wait3A_41 = tpu.memref_slice %dma_wait3A_38[%dma_wait3A_39, %dma_wait3A_40] : memref<10000x128xf32, #tpu.memory_space<hbm>> -> memref<10000x128xf32, #tpu.memory_space<hbm>>
      tpu.wait_indirect_dma semaphore(%arg11 : memref<!tpu.dma_semaphore, #tpu.memory_space<semaphore_mem>>) src(%dma_wait3A_41 : memref<10000x128xf32, #tpu.memory_space<hbm>>) dst(%arg9 : memref<200x128xf32, #tpu.memory_space<vmem>>)
      %dma_wait3A_42 = arith.constant 1 : i32
      %dma_wait3A_43 = arith.constant 0 : i32
      %dma_wait3A_44 = arith.constant 0 : i32
      %dma_wait3A_45 = tpu.memref_slice %arg2[%dma_wait3A_42, %dma_wait3A_43, %dma_wait3A_44] : memref<2x10000x128xf32, #tpu.memory_space<hbm>> -> memref<1x10000x128xf32, #tpu.memory_space<hbm>>
      %dma_wait3A_46 = tpu.memref_squeeze %dma_wait3A_45 : memref<1x10000x128xf32, #tpu.memory_space<hbm>> -> memref<10000x128xf32, #tpu.memory_space<hbm>>
      %dma_wait3A_47 = arith.constant 0 : i32
      %dma_wait3A_48 = arith.constant 0 : i32
      %dma_wait3A_49 = tpu.memref_slice %dma_wait3A_46[%dma_wait3A_47, %dma_wait3A_48] : memref<10000x128xf32, #tpu.memory_space<hbm>> -> memref<10000x128xf32, #tpu.memory_space<hbm>>
      tpu.wait_indirect_dma semaphore(%arg12 : memref<!tpu.dma_semaphore, #tpu.memory_space<semaphore_mem>>) src(%dma_wait3A_49 : memref<10000x128xf32, #tpu.memory_space<hbm>>) dst(%arg10 : memref<200x128xf32, #tpu.memory_space<vmem>>)
      %run_scoped3A = arith.constant 1 : i32
      "tpu.region"() ({
        %run_scoped3A_51 = tpu.sem_alloc : memref<!tpu.dma_semaphore, #tpu.memory_space<semaphore_mem>>
        %dma_start3A_52 = arith.constant 0 : i32
        %dma_start3A_53 = arith.constant 0 : i32
        %dma_start3A_54 = tpu.memref_slice %arg5[%run_scoped3A, %dma_start3A_52, %dma_start3A_53] : memref<2x160000x128xf32, #tpu.memory_space<hbm>> -> memref<1x160000x128xf32, #tpu.memory_space<hbm>>
        %dma_start3A_55 = tpu.memref_squeeze %dma_start3A_54 : memref<1x160000x128xf32, #tpu.memory_space<hbm>> -> memref<160000x128xf32, #tpu.memory_space<hbm>>
        %dma_start3A_56 = arith.constant 0 : i32
        %dma_start3A_57 = tpu.memref_slice %dma_start3A_55[%add3A_19, %dma_start3A_56] : memref<160000x128xf32, #tpu.memory_space<hbm>> -> memref<200x128xf32, #tpu.memory_space<hbm>>
        %dma_start3A_58 = arith.constant 0 : i32
        %dma_start3A_59 = arith.constant 0 : i32
        %dma_start3A_60 = tpu.memref_slice %arg5[%run_scoped3A, %dma_start3A_58, %dma_start3A_59] : memref<2x160000x128xf32, #tpu.memory_space<hbm>> -> memref<1x160000x128xf32, #tpu.memory_space<hbm>>
        %dma_start3A_61 = tpu.memref_squeeze %dma_start3A_60 : memref<1x160000x128xf32, #tpu.memory_space<hbm>> -> memref<160000x128xf32, #tpu.memory_space<hbm>>
        %dma_start3A_62 = arith.constant 0 : i32
        %dma_start3A_63 = tpu.memref_slice %dma_start3A_61[%add3A_19, %dma_start3A_62] : memref<160000x128xf32, #tpu.memory_space<hbm>> -> memref<200x128xf32, #tpu.memory_space<hbm>>
        tpu.enqueue_dma source(%arg9 : memref<200x128xf32, #tpu.memory_space<vmem>>) target(%dma_start3A_63 : memref<200x128xf32, #tpu.memory_space<hbm>>) target_semaphore(%run_scoped3A_51 : memref<!tpu.dma_semaphore, #tpu.memory_space<semaphore_mem>>)
        %dma_wait3A_64 = arith.constant 0 : i32
        %dma_wait3A_65 = arith.constant 0 : i32
        %dma_wait3A_66 = tpu.memref_slice %arg5[%run_scoped3A, %dma_wait3A_64, %dma_wait3A_65] : memref<2x160000x128xf32, #tpu.memory_space<hbm>> -> memref<1x160000x128xf32, #tpu.memory_space<hbm>>
        %dma_wait3A_67 = tpu.memref_squeeze %dma_wait3A_66 : memref<1x160000x128xf32, #tpu.memory_space<hbm>> -> memref<160000x128xf32, #tpu.memory_space<hbm>>
        %dma_wait3A_68 = arith.constant 0 : i32
        %dma_wait3A_69 = tpu.memref_slice %dma_wait3A_67[%add3A_19, %dma_wait3A_68] : memref<160000x128xf32, #tpu.memory_space<hbm>> -> memref<200x128xf32, #tpu.memory_space<hbm>>
        %dma_wait3A_70 = arith.constant 0 : i32
        %dma_wait3A_71 = arith.constant 0 : i32
        %dma_wait3A_72 = tpu.memref_slice %arg5[%run_scoped3A, %dma_wait3A_70, %dma_wait3A_71] : memref<2x160000x128xf32, #tpu.memory_space<hbm>> -> memref<1x160000x128xf32, #tpu.memory_space<hbm>>
        %dma_wait3A_73 = tpu.memref_squeeze %dma_wait3A_72 : memref<1x160000x128xf32, #tpu.memory_space<hbm>> -> memref<160000x128xf32, #tpu.memory_space<hbm>>
        %dma_wait3A_74 = arith.constant 0 : i32
        %dma_wait3A_75 = tpu.memref_slice %dma_wait3A_73[%add3A_19, %dma_wait3A_74] : memref<160000x128xf32, #tpu.memory_space<hbm>> -> memref<200x128xf32, #tpu.memory_space<hbm>>
        tpu.wait_dma2 semaphore(%run_scoped3A_51 : memref<!tpu.dma_semaphore, #tpu.memory_space<semaphore_mem>>) src(%arg9 : memref<200x128xf32, #tpu.memory_space<vmem>>) dst(%dma_wait3A_75 : memref<200x128xf32, #tpu.memory_space<hbm>>)
        tpu.yield
      }) : () -> ()
      %run_scoped3A_50 = arith.constant 1 : i32
      "tpu.region"() ({
        %run_scoped3A_51 = tpu.sem_alloc : memref<!tpu.dma_semaphore, #tpu.memory_space<semaphore_mem>>
        %dma_start3A_52 = arith.constant 0 : i32
        %dma_start3A_53 = arith.constant 0 : i32
        %dma_start3A_54 = tpu.memref_slice %arg6[%run_scoped3A_50, %dma_start3A_52, %dma_start3A_53] : memref<2x160000x128xf32, #tpu.memory_space<hbm>> -> memref<1x160000x128xf32, #tpu.memory_space<hbm>>
        %dma_start3A_55 = tpu.memref_squeeze %dma_start3A_54 : memref<1x160000x128xf32, #tpu.memory_space<hbm>> -> memref<160000x128xf32, #tpu.memory_space<hbm>>
        %dma_start3A_56 = arith.constant 0 : i32
        %dma_start3A_57 = tpu.memref_slice %dma_start3A_55[%add3A_19, %dma_start3A_56] : memref<160000x128xf32, #tpu.memory_space<hbm>> -> memref<200x128xf32, #tpu.memory_space<hbm>>
        %dma_start3A_58 = arith.constant 0 : i32
        %dma_start3A_59 = arith.constant 0 : i32
        %dma_start3A_60 = tpu.memref_slice %arg6[%run_scoped3A_50, %dma_start3A_58, %dma_start3A_59] : memref<2x160000x128xf32, #tpu.memory_space<hbm>> -> memref<1x160000x128xf32, #tpu.memory_space<hbm>>
        %dma_start3A_61 = tpu.memref_squeeze %dma_start3A_60 : memref<1x160000x128xf32, #tpu.memory_space<hbm>> -> memref<160000x128xf32, #tpu.memory_space<hbm>>
        %dma_start3A_62 = arith.constant 0 : i32
        %dma_start3A_63 = tpu.memref_slice %dma_start3A_61[%add3A_19, %dma_start3A_62] : memref<160000x128xf32, #tpu.memory_space<hbm>> -> memref<200x128xf32, #tpu.memory_space<hbm>>
        tpu.enqueue_dma source(%arg10 : memref<200x128xf32, #tpu.memory_space<vmem>>) target(%dma_start3A_63 : memref<200x128xf32, #tpu.memory_space<hbm>>) target_semaphore(%run_scoped3A_51 : memref<!tpu.dma_semaphore, #tpu.memory_space<semaphore_mem>>)
        %dma_wait3A_64 = arith.constant 0 : i32
        %dma_wait3A_65 = arith.constant 0 : i32
        %dma_wait3A_66 = tpu.memref_slice %arg6[%run_scoped3A_50, %dma_wait3A_64, %dma_wait3A_65] : memref<2x160000x128xf32, #tpu.memory_space<hbm>> -> memref<1x160000x128xf32, #tpu.memory_space<hbm>>
        %dma_wait3A_67 = tpu.memref_squeeze %dma_wait3A_66 : memref<1x160000x128xf32, #tpu.memory_space<hbm>> -> memref<160000x128xf32, #tpu.memory_space<hbm>>
        %dma_wait3A_68 = arith.constant 0 : i32
        %dma_wait3A_69 = tpu.memref_slice %dma_wait3A_67[%add3A_19, %dma_wait3A_68] : memref<160000x128xf32, #tpu.memory_space<hbm>> -> memref<200x128xf32, #tpu.memory_space<hbm>>
        %dma_wait3A_70 = arith.constant 0 : i32
        %dma_wait3A_71 = arith.constant 0 : i32
        %dma_wait3A_72 = tpu.memref_slice %arg6[%run_scoped3A_50, %dma_wait3A_70, %dma_wait3A_71] : memref<2x160000x128xf32, #tpu.memory_space<hbm>> -> memref<1x160000x128xf32, #tpu.memory_space<hbm>>
        %dma_wait3A_73 = tpu.memref_squeeze %dma_wait3A_72 : memref<1x160000x128xf32, #tpu.memory_space<hbm>> -> memref<160000x128xf32, #tpu.memory_space<hbm>>
        %dma_wait3A_74 = arith.constant 0 : i32
        %dma_wait3A_75 = tpu.memref_slice %dma_wait3A_73[%add3A_19, %dma_wait3A_74] : memref<160000x128xf32, #tpu.memory_space<hbm>> -> memref<200x128xf32, #tpu.memory_space<hbm>>
        tpu.wait_dma2 semaphore(%run_scoped3A_51 : memref<!tpu.dma_semaphore, #tpu.memory_space<semaphore_mem>>) src(%arg10 : memref<200x128xf32, #tpu.memory_space<vmem>>) dst(%dma_wait3A_75 : memref<200x128xf32, #tpu.memory_space<hbm>>)
        tpu.yield
      }) : () -> ()
    }
    %scan3A_11 = arith.constant 25 : i32
    return
  }
}

#map = affine_map<(d0, d1) -> (0, 0, 0)>
#map1 = affine_map<(d0, d1) -> (0)>
module attributes {stable_mosaic.version = 14 : i64} {
  func.func @k(%arg0: i32, %arg1: i32, %arg2: memref<2x10000x128xf32, #tpu.memory_space<hbm>>, %arg3: memref<160000xi32, #tpu.memory_space<hbm>>, %arg4: memref<160000xi32, #tpu.memory_space<hbm>>, %arg5: memref<2x160000x128xf32, #tpu.memory_space<hbm>>, %arg6: memref<2x160000x128xf32, #tpu.memory_space<hbm>>, %arg7: memref<200xi32, #tpu.memory_space<vmem>>, %arg8: memref<200xi32, #tpu.memory_space<vmem>>, %arg9: memref<200x128xf32, #tpu.memory_space<vmem>>, %arg10: memref<200x128xf32, #tpu.memory_space<vmem>>, %arg11: memref<!tpu.dma_semaphore, #tpu.memory_space<semaphore_mem>>, %arg12: memref<!tpu.dma_semaphore, #tpu.memory_space<semaphore_mem>>) attributes {dimension_semantics = [#tpu.dimension_semantics<core_parallel>, #tpu.dimension_semantics<subcore_parallel>], iteration_bounds = array<i64: 2, 16>, scalar_prefetch = 0 : i64, scratch_operands = 6 : i64, tpu.core_type = #tpu.core_type<sc_vector_subcore>, window_params = [{transform_indices = #map}, {transform_indices = #map1}, {transform_indices = #map1}, {transform_indices = #map}, {transform_indices = #map}]} {
    %mul3A = arith.constant 2 : i32
    %mul3A_0 = arith.muli %arg1, %mul3A : i32
    %add3A = arith.addi %mul3A_0, %arg0 : i32
    %mul3A_1 = arith.constant 5000 : i32
    %mul3A_2 = arith.muli %add3A, %mul3A_1 : i32
    %scan3A = arith.constant 0 : i32
    %scan3A_3 = arith.constant 25 : i32
    %scan3A_4 = arith.addi %scan3A, %scan3A_3 : i32
    %scan3A_5 = arith.constant 1 : i32
    scf.for %scan3A_12 = %scan3A to %scan3A_4 step %scan3A_5  : i32 {
      %mul3A_13 = arith.constant 1 : i32
      %mul3A_14 = arith.muli %scan3A_12, %mul3A_13 : i32
      %add3A_15 = arith.constant 0 : i32
      %add3A_16 = arith.addi %add3A_15, %mul3A_14 : i32
      %mul3A_17 = arith.constant 200 : i32
      %mul3A_18 = arith.muli %add3A_16, %mul3A_17 : i32
      %add3A_19 = arith.addi %mul3A_2, %mul3A_18 : i32
      "tpu.region"() ({
        %run_scoped3A_51 = tpu.sem_alloc : memref<!tpu.dma_semaphore, #tpu.memory_space<semaphore_mem>>
        %dma_start3A_52 = tpu.memref_slice %arg3[%add3A_19] : memref<160000xi32, #tpu.memory_space<hbm>> -> memref<200xi32, #tpu.memory_space<hbm>>
        %dma_start3A_53 = tpu.memref_slice %arg3[%add3A_19] : memref<160000xi32, #tpu.memory_space<hbm>> -> memref<200xi32, #tpu.memory_space<hbm>>
        tpu.enqueue_dma source(%dma_start3A_53 : memref<200xi32, #tpu.memory_space<hbm>>) target(%arg7 : memref<200xi32, #tpu.memory_space<vmem>>) target_semaphore(%run_scoped3A_51 : memref<!tpu.dma_semaphore, #tpu.memory_space<semaphore_mem>>)
        %dma_wait3A_54 = tpu.memref_slice %arg3[%add3A_19] : memref<160000xi32, #tpu.memory_space<hbm>> -> memref<200xi32, #tpu.memory_space<hbm>>
        %dma_wait3A_55 = tpu.memref_slice %arg3[%add3A_19] : memref<160000xi32, #tpu.memory_space<hbm>> -> memref<200xi32, #tpu.memory_space<hbm>>
        tpu.wait_dma2 semaphore(%run_scoped3A_51 : memref<!tpu.dma_semaphore, #tpu.memory_space<semaphore_mem>>) src(%dma_wait3A_55 : memref<200xi32, #tpu.memory_space<hbm>>) dst(%arg7 : memref<200xi32, #tpu.memory_space<vmem>>)
        tpu.yield
      }) : () -> ()
      "tpu.region"() ({
        %run_scoped3A_51 = tpu.sem_alloc : memref<!tpu.dma_semaphore, #tpu.memory_space<semaphore_mem>>
        %dma_start3A_52 = tpu.memref_slice %arg4[%add3A_19] : memref<160000xi32, #tpu.memory_space<hbm>> -> memref<200xi32, #tpu.memory_space<hbm>>
        %dma_start3A_53 = tpu.memref_slice %arg4[%add3A_19] : memref<160000xi32, #tpu.memory_space<hbm>> -> memref<200xi32, #tpu.memory_space<hbm>>
        tpu.enqueue_dma source(%dma_start3A_53 : memref<200xi32, #tpu.memory_space<hbm>>) target(%arg8 : memref<200xi32, #tpu.memory_space<vmem>>) target_semaphore(%run_scoped3A_51 : memref<!tpu.dma_semaphore, #tpu.memory_space<semaphore_mem>>)
        %dma_wait3A_54 = tpu.memref_slice %arg4[%add3A_19] : memref<160000xi32, #tpu.memory_space<hbm>> -> memref<200xi32, #tpu.memory_space<hbm>>
        %dma_wait3A_55 = tpu.memref_slice %arg4[%add3A_19] : memref<160000xi32, #tpu.memory_space<hbm>> -> memref<200xi32, #tpu.memory_space<hbm>>
        tpu.wait_dma2 semaphore(%run_scoped3A_51 : memref<!tpu.dma_semaphore, #tpu.memory_space<semaphore_mem>>) src(%dma_wait3A_55 : memref<200xi32, #tpu.memory_space<hbm>>) dst(%arg8 : memref<200xi32, #tpu.memory_space<vmem>>)
        tpu.yield
      }) : () -> ()
      %dma_start3A = arith.constant 0 : i32
      %dma_start3A_20 = arith.constant 0 : i32
      %dma_start3A_21 = arith.constant 0 : i32
      %dma_start3A_22 = tpu.memref_slice %arg2[%dma_start3A, %dma_start3A_20, %dma_start3A_21] : memref<2x10000x128xf32, #tpu.memory_space<hbm>> -> memref<1x10000x128xf32, #tpu.memory_space<hbm>>
      %dma_start3A_23 = tpu.memref_squeeze %dma_start3A_22 : memref<1x10000x128xf32, #tpu.memory_space<hbm>> -> memref<10000x128xf32, #tpu.memory_space<hbm>>
      %dma_start3A_24 = arith.constant 0 : i32
      %dma_start3A_25 = arith.constant 0 : i32
      %dma_start3A_26 = tpu.memref_slice %dma_start3A_23[%dma_start3A_24, %dma_start3A_25] : memref<10000x128xf32, #tpu.memory_space<hbm>> -> memref<10000x128xf32, #tpu.memory_space<hbm>>
      tpu.enqueue_indirect_dma source(%dma_start3A_26 : memref<10000x128xf32, #tpu.memory_space<hbm>>) target(%arg9 : memref<200x128xf32, #tpu.memory_space<vmem>>) offsets(%arg7 : memref<200xi32, #tpu.memory_space<vmem>>) semaphore(%arg11 : memref<!tpu.dma_semaphore, #tpu.memory_space<semaphore_mem>>)
      %dma_start3A_27 = arith.constant 0 : i32
      %dma_start3A_28 = arith.constant 0 : i32
      %dma_start3A_29 = arith.constant 0 : i32
      %dma_start3A_30 = tpu.memref_slice %arg2[%dma_start3A_27, %dma_start3A_28, %dma_start3A_29] : memref<2x10000x128xf32, #tpu.memory_space<hbm>> -> memref<1x10000x128xf32, #tpu.memory_space<hbm>>
      %dma_start3A_31 = tpu.memref_squeeze %dma_start3A_30 : memref<1x10000x128xf32, #tpu.memory_space<hbm>> -> memref<10000x128xf32, #tpu.memory_space<hbm>>
      %dma_start3A_32 = arith.constant 0 : i32
      %dma_start3A_33 = arith.constant 0 : i32
      %dma_start3A_34 = tpu.memref_slice %dma_start3A_31[%dma_start3A_32, %dma_start3A_33] : memref<10000x128xf32, #tpu.memory_space<hbm>> -> memref<10000x128xf32, #tpu.memory_space<hbm>>
      tpu.enqueue_indirect_dma source(%dma_start3A_34 : memref<10000x128xf32, #tpu.memory_space<hbm>>) target(%arg10 : memref<200x128xf32, #tpu.memory_space<vmem>>) offsets(%arg8 : memref<200xi32, #tpu.memory_space<vmem>>) semaphore(%arg12 : memref<!tpu.dma_semaphore, #tpu.memory_space<semaphore_mem>>)
      %dma_wait3A = arith.constant 0 : i32
      %dma_wait3A_35 = arith.constant 0 : i32
      %dma_wait3A_36 = arith.constant 0 : i32
      %dma_wait3A_37 = tpu.memref_slice %arg2[%dma_wait3A, %dma_wait3A_35, %dma_wait3A_36] : memref<2x10000x128xf32, #tpu.memory_space<hbm>> -> memref<1x10000x128xf32, #tpu.memory_space<hbm>>
      %dma_wait3A_38 = tpu.memref_squeeze %dma_wait3A_37 : memref<1x10000x128xf32, #tpu.memory_space<hbm>> -> memref<10000x128xf32, #tpu.memory_space<hbm>>
      %dma_wait3A_39 = arith.constant 0 : i32
      %dma_wait3A_40 = arith.constant 0 : i32
      %dma_wait3A_41 = tpu.memref_slice %dma_wait3A_38[%dma_wait3A_39, %dma_wait3A_40] : memref<10000x128xf32, #tpu.memory_space<hbm>> -> memref<10000x128xf32, #tpu.memory_space<hbm>>
      tpu.wait_indirect_dma semaphore(%arg11 : memref<!tpu.dma_semaphore, #tpu.memory_space<semaphore_mem>>) src(%dma_wait3A_41 : memref<10000x128xf32, #tpu.memory_space<hbm>>) dst(%arg9 : memref<200x128xf32, #tpu.memory_space<vmem>>)
      %dma_wait3A_42 = arith.constant 0 : i32
      %dma_wait3A_43 = arith.constant 0 : i32
      %dma_wait3A_44 = arith.constant 0 : i32
      %dma_wait3A_45 = tpu.memref_slice %arg2[%dma_wait3A_42, %dma_wait3A_43, %dma_wait3A_44] : memref<2x10000x128xf32, #tpu.memory_space<hbm>> -> memref<1x10000x128xf32, #tpu.memory_space<hbm>>
      %dma_wait3A_46 = tpu.memref_squeeze %dma_wait3A_45 : memref<1x10000x128xf32, #tpu.memory_space<hbm>> -> memref<10000x128xf32, #tpu.memory_space<hbm>>
      %dma_wait3A_47 = arith.constant 0 : i32
      %dma_wait3A_48 = arith.constant 0 : i32
      %dma_wait3A_49 = tpu.memref_slice %dma_wait3A_46[%dma_wait3A_47, %dma_wait3A_48] : memref<10000x128xf32, #tpu.memory_space<hbm>> -> memref<10000x128xf32, #tpu.memory_space<hbm>>
      tpu.wait_indirect_dma semaphore(%arg12 : memref<!tpu.dma_semaphore, #tpu.memory_space<semaphore_mem>>) src(%dma_wait3A_49 : memref<10000x128xf32, #tpu.memory_space<hbm>>) dst(%arg10 : memref<200x128xf32, #tpu.memory_space<vmem>>)
      %run_scoped3A = arith.constant 0 : i32
      "tpu.region"() ({
        %run_scoped3A_51 = tpu.sem_alloc : memref<!tpu.dma_semaphore, #tpu.memory_space<semaphore_mem>>
        %dma_start3A_52 = arith.constant 0 : i32
        %dma_start3A_53 = arith.constant 0 : i32
        %dma_start3A_54 = tpu.memref_slice %arg5[%run_scoped3A, %dma_start3A_52, %dma_start3A_53] : memref<2x160000x128xf32, #tpu.memory_space<hbm>> -> memref<1x160000x128xf32, #tpu.memory_space<hbm>>
        %dma_start3A_55 = tpu.memref_squeeze %dma_start3A_54 : memref<1x160000x128xf32, #tpu.memory_space<hbm>> -> memref<160000x128xf32, #tpu.memory_space<hbm>>
        %dma_start3A_56 = arith.constant 0 : i32
        %dma_start3A_57 = tpu.memref_slice %dma_start3A_55[%add3A_19, %dma_start3A_56] : memref<160000x128xf32, #tpu.memory_space<hbm>> -> memref<200x128xf32, #tpu.memory_space<hbm>>
        %dma_start3A_58 = arith.constant 0 : i32
        %dma_start3A_59 = arith.constant 0 : i32
        %dma_start3A_60 = tpu.memref_slice %arg5[%run_scoped3A, %dma_start3A_58, %dma_start3A_59] : memref<2x160000x128xf32, #tpu.memory_space<hbm>> -> memref<1x160000x128xf32, #tpu.memory_space<hbm>>
        %dma_start3A_61 = tpu.memref_squeeze %dma_start3A_60 : memref<1x160000x128xf32, #tpu.memory_space<hbm>> -> memref<160000x128xf32, #tpu.memory_space<hbm>>
        %dma_start3A_62 = arith.constant 0 : i32
        %dma_start3A_63 = tpu.memref_slice %dma_start3A_61[%add3A_19, %dma_start3A_62] : memref<160000x128xf32, #tpu.memory_space<hbm>> -> memref<200x128xf32, #tpu.memory_space<hbm>>
        tpu.enqueue_dma source(%arg9 : memref<200x128xf32, #tpu.memory_space<vmem>>) target(%dma_start3A_63 : memref<200x128xf32, #tpu.memory_space<hbm>>) target_semaphore(%run_scoped3A_51 : memref<!tpu.dma_semaphore, #tpu.memory_space<semaphore_mem>>)
        %dma_wait3A_64 = arith.constant 0 : i32
        %dma_wait3A_65 = arith.constant 0 : i32
        %dma_wait3A_66 = tpu.memref_slice %arg5[%run_scoped3A, %dma_wait3A_64, %dma_wait3A_65] : memref<2x160000x128xf32, #tpu.memory_space<hbm>> -> memref<1x160000x128xf32, #tpu.memory_space<hbm>>
        %dma_wait3A_67 = tpu.memref_squeeze %dma_wait3A_66 : memref<1x160000x128xf32, #tpu.memory_space<hbm>> -> memref<160000x128xf32, #tpu.memory_space<hbm>>
        %dma_wait3A_68 = arith.constant 0 : i32
        %dma_wait3A_69 = tpu.memref_slice %dma_wait3A_67[%add3A_19, %dma_wait3A_68] : memref<160000x128xf32, #tpu.memory_space<hbm>> -> memref<200x128xf32, #tpu.memory_space<hbm>>
        %dma_wait3A_70 = arith.constant 0 : i32
        %dma_wait3A_71 = arith.constant 0 : i32
        %dma_wait3A_72 = tpu.memref_slice %arg5[%run_scoped3A, %dma_wait3A_70, %dma_wait3A_71] : memref<2x160000x128xf32, #tpu.memory_space<hbm>> -> memref<1x160000x128xf32, #tpu.memory_space<hbm>>
        %dma_wait3A_73 = tpu.memref_squeeze %dma_wait3A_72 : memref<1x160000x128xf32, #tpu.memory_space<hbm>> -> memref<160000x128xf32, #tpu.memory_space<hbm>>
        %dma_wait3A_74 = arith.constant 0 : i32
        %dma_wait3A_75 = tpu.memref_slice %dma_wait3A_73[%add3A_19, %dma_wait3A_74] : memref<160000x128xf32, #tpu.memory_space<hbm>> -> memref<200x128xf32, #tpu.memory_space<hbm>>
        tpu.wait_dma2 semaphore(%run_scoped3A_51 : memref<!tpu.dma_semaphore, #tpu.memory_space<semaphore_mem>>) src(%arg9 : memref<200x128xf32, #tpu.memory_space<vmem>>) dst(%dma_wait3A_75 : memref<200x128xf32, #tpu.memory_space<hbm>>)
        tpu.yield
      }) : () -> ()
      %run_scoped3A_50 = arith.constant 0 : i32
      "tpu.region"() ({
        %run_scoped3A_51 = tpu.sem_alloc : memref<!tpu.dma_semaphore, #tpu.memory_space<semaphore_mem>>
        %dma_start3A_52 = arith.constant 0 : i32
        %dma_start3A_53 = arith.constant 0 : i32
        %dma_start3A_54 = tpu.memref_slice %arg6[%run_scoped3A_50, %dma_start3A_52, %dma_start3A_53] : memref<2x160000x128xf32, #tpu.memory_space<hbm>> -> memref<1x160000x128xf32, #tpu.memory_space<hbm>>
        %dma_start3A_55 = tpu.memref_squeeze %dma_start3A_54 : memref<1x160000x128xf32, #tpu.memory_space<hbm>> -> memref<160000x128xf32, #tpu.memory_space<hbm>>
        %dma_start3A_56 = arith.constant 0 : i32
        %dma_start3A_57 = tpu.memref_slice %dma_start3A_55[%add3A_19, %dma_start3A_56] : memref<160000x128xf32, #tpu.memory_space<hbm>> -> memref<200x128xf32, #tpu.memory_space<hbm>>
        %dma_start3A_58 = arith.constant 0 : i32
        %dma_start3A_59 = arith.constant 0 : i32
        %dma_start3A_60 = tpu.memref_slice %arg6[%run_scoped3A_50, %dma_start3A_58, %dma_start3A_59] : memref<2x160000x128xf32, #tpu.memory_space<hbm>> -> memref<1x160000x128xf32, #tpu.memory_space<hbm>>
        %dma_start3A_61 = tpu.memref_squeeze %dma_start3A_60 : memref<1x160000x128xf32, #tpu.memory_space<hbm>> -> memref<160000x128xf32, #tpu.memory_space<hbm>>
        %dma_start3A_62 = arith.constant 0 : i32
        %dma_start3A_63 = tpu.memref_slice %dma_start3A_61[%add3A_19, %dma_start3A_62] : memref<160000x128xf32, #tpu.memory_space<hbm>> -> memref<200x128xf32, #tpu.memory_space<hbm>>
        tpu.enqueue_dma source(%arg10 : memref<200x128xf32, #tpu.memory_space<vmem>>) target(%dma_start3A_63 : memref<200x128xf32, #tpu.memory_space<hbm>>) target_semaphore(%run_scoped3A_51 : memref<!tpu.dma_semaphore, #tpu.memory_space<semaphore_mem>>)
        %dma_wait3A_64 = arith.constant 0 : i32
        %dma_wait3A_65 = arith.constant 0 : i32
        %dma_wait3A_66 = tpu.memref_slice %arg6[%run_scoped3A_50, %dma_wait3A_64, %dma_wait3A_65] : memref<2x160000x128xf32, #tpu.memory_space<hbm>> -> memref<1x160000x128xf32, #tpu.memory_space<hbm>>
        %dma_wait3A_67 = tpu.memref_squeeze %dma_wait3A_66 : memref<1x160000x128xf32, #tpu.memory_space<hbm>> -> memref<160000x128xf32, #tpu.memory_space<hbm>>
        %dma_wait3A_68 = arith.constant 0 : i32
        %dma_wait3A_69 = tpu.memref_slice %dma_wait3A_67[%add3A_19, %dma_wait3A_68] : memref<160000x128xf32, #tpu.memory_space<hbm>> -> memref<200x128xf32, #tpu.memory_space<hbm>>
        %dma_wait3A_70 = arith.constant 0 : i32
        %dma_wait3A_71 = arith.constant 0 : i32
        %dma_wait3A_72 = tpu.memref_slice %arg6[%run_scoped3A_50, %dma_wait3A_70, %dma_wait3A_71] : memref<2x160000x128xf32, #tpu.memory_space<hbm>> -> memref<1x160000x128xf32, #tpu.memory_space<hbm>>
        %dma_wait3A_73 = tpu.memref_squeeze %dma_wait3A_72 : memref<1x160000x128xf32, #tpu.memory_space<hbm>> -> memref<160000x128xf32, #tpu.memory_space<hbm>>
        %dma_wait3A_74 = arith.constant 0 : i32
        %dma_wait3A_75 = tpu.memref_slice %dma_wait3A_73[%add3A_19, %dma_wait3A_74] : memref<160000x128xf32, #tpu.memory_space<hbm>> -> memref<200x128xf32, #tpu.memory_space<hbm>>
        tpu.wait_dma2 semaphore(%run_scoped3A_51 : memref<!tpu.dma_semaphore, #tpu.memory_space<semaphore_mem>>) src(%arg10 : memref<200x128xf32, #tpu.memory_space<vmem>>) dst(%dma_wait3A_75 : memref<200x128xf32, #tpu.memory_space<hbm>>)
        tpu.yield
      }) : () -> ()
    }
    %scan3A_6 = arith.constant 25 : i32
    %scan3A_7 = arith.constant 0 : i32
    %scan3A_8 = arith.constant 25 : i32
    %scan3A_9 = arith.addi %scan3A_7, %scan3A_8 : i32
    %scan3A_10 = arith.constant 1 : i32
    scf.for %scan3A_12 = %scan3A_7 to %scan3A_9 step %scan3A_10  : i32 {
      %mul3A_13 = arith.constant 1 : i32
      %mul3A_14 = arith.muli %scan3A_12, %mul3A_13 : i32
      %add3A_15 = arith.constant 0 : i32
      %add3A_16 = arith.addi %add3A_15, %mul3A_14 : i32
      %mul3A_17 = arith.constant 200 : i32
      %mul3A_18 = arith.muli %add3A_16, %mul3A_17 : i32
      %add3A_19 = arith.addi %mul3A_2, %mul3A_18 : i32
      "tpu.region"() ({
        %run_scoped3A_51 = tpu.sem_alloc : memref<!tpu.dma_semaphore, #tpu.memory_space<semaphore_mem>>
        %dma_start3A_52 = tpu.memref_slice %arg3[%add3A_19] : memref<160000xi32, #tpu.memory_space<hbm>> -> memref<200xi32, #tpu.memory_space<hbm>>
        %dma_start3A_53 = tpu.memref_slice %arg3[%add3A_19] : memref<160000xi32, #tpu.memory_space<hbm>> -> memref<200xi32, #tpu.memory_space<hbm>>
        tpu.enqueue_dma source(%dma_start3A_53 : memref<200xi32, #tpu.memory_space<hbm>>) target(%arg7 : memref<200xi32, #tpu.memory_space<vmem>>) target_semaphore(%run_scoped3A_51 : memref<!tpu.dma_semaphore, #tpu.memory_space<semaphore_mem>>)
        %dma_wait3A_54 = tpu.memref_slice %arg3[%add3A_19] : memref<160000xi32, #tpu.memory_space<hbm>> -> memref<200xi32, #tpu.memory_space<hbm>>
        %dma_wait3A_55 = tpu.memref_slice %arg3[%add3A_19] : memref<160000xi32, #tpu.memory_space<hbm>> -> memref<200xi32, #tpu.memory_space<hbm>>
        tpu.wait_dma2 semaphore(%run_scoped3A_51 : memref<!tpu.dma_semaphore, #tpu.memory_space<semaphore_mem>>) src(%dma_wait3A_55 : memref<200xi32, #tpu.memory_space<hbm>>) dst(%arg7 : memref<200xi32, #tpu.memory_space<vmem>>)
        tpu.yield
      }) : () -> ()
      "tpu.region"() ({
        %run_scoped3A_51 = tpu.sem_alloc : memref<!tpu.dma_semaphore, #tpu.memory_space<semaphore_mem>>
        %dma_start3A_52 = tpu.memref_slice %arg4[%add3A_19] : memref<160000xi32, #tpu.memory_space<hbm>> -> memref<200xi32, #tpu.memory_space<hbm>>
        %dma_start3A_53 = tpu.memref_slice %arg4[%add3A_19] : memref<160000xi32, #tpu.memory_space<hbm>> -> memref<200xi32, #tpu.memory_space<hbm>>
        tpu.enqueue_dma source(%dma_start3A_53 : memref<200xi32, #tpu.memory_space<hbm>>) target(%arg8 : memref<200xi32, #tpu.memory_space<vmem>>) target_semaphore(%run_scoped3A_51 : memref<!tpu.dma_semaphore, #tpu.memory_space<semaphore_mem>>)
        %dma_wait3A_54 = tpu.memref_slice %arg4[%add3A_19] : memref<160000xi32, #tpu.memory_space<hbm>> -> memref<200xi32, #tpu.memory_space<hbm>>
        %dma_wait3A_55 = tpu.memref_slice %arg4[%add3A_19] : memref<160000xi32, #tpu.memory_space<hbm>> -> memref<200xi32, #tpu.memory_space<hbm>>
        tpu.wait_dma2 semaphore(%run_scoped3A_51 : memref<!tpu.dma_semaphore, #tpu.memory_space<semaphore_mem>>) src(%dma_wait3A_55 : memref<200xi32, #tpu.memory_space<hbm>>) dst(%arg8 : memref<200xi32, #tpu.memory_space<vmem>>)
        tpu.yield
      }) : () -> ()
      %dma_start3A = arith.constant 1 : i32
      %dma_start3A_20 = arith.constant 0 : i32
      %dma_start3A_21 = arith.constant 0 : i32
      %dma_start3A_22 = tpu.memref_slice %arg2[%dma_start3A, %dma_start3A_20, %dma_start3A_21] : memref<2x10000x128xf32, #tpu.memory_space<hbm>> -> memref<1x10000x128xf32, #tpu.memory_space<hbm>>
      %dma_start3A_23 = tpu.memref_squeeze %dma_start3A_22 : memref<1x10000x128xf32, #tpu.memory_space<hbm>> -> memref<10000x128xf32, #tpu.memory_space<hbm>>
      %dma_start3A_24 = arith.constant 0 : i32
      %dma_start3A_25 = arith.constant 0 : i32
      %dma_start3A_26 = tpu.memref_slice %dma_start3A_23[%dma_start3A_24, %dma_start3A_25] : memref<10000x128xf32, #tpu.memory_space<hbm>> -> memref<10000x128xf32, #tpu.memory_space<hbm>>
      tpu.enqueue_indirect_dma source(%dma_start3A_26 : memref<10000x128xf32, #tpu.memory_space<hbm>>) target(%arg9 : memref<200x128xf32, #tpu.memory_space<vmem>>) offsets(%arg7 : memref<200xi32, #tpu.memory_space<vmem>>) semaphore(%arg11 : memref<!tpu.dma_semaphore, #tpu.memory_space<semaphore_mem>>)
      %dma_start3A_27 = arith.constant 1 : i32
      %dma_start3A_28 = arith.constant 0 : i32
      %dma_start3A_29 = arith.constant 0 : i32
      %dma_start3A_30 = tpu.memref_slice %arg2[%dma_start3A_27, %dma_start3A_28, %dma_start3A_29] : memref<2x10000x128xf32, #tpu.memory_space<hbm>> -> memref<1x10000x128xf32, #tpu.memory_space<hbm>>
      %dma_start3A_31 = tpu.memref_squeeze %dma_start3A_30 : memref<1x10000x128xf32, #tpu.memory_space<hbm>> -> memref<10000x128xf32, #tpu.memory_space<hbm>>
      %dma_start3A_32 = arith.constant 0 : i32
      %dma_start3A_33 = arith.constant 0 : i32
      %dma_start3A_34 = tpu.memref_slice %dma_start3A_31[%dma_start3A_32, %dma_start3A_33] : memref<10000x128xf32, #tpu.memory_space<hbm>> -> memref<10000x128xf32, #tpu.memory_space<hbm>>
      tpu.enqueue_indirect_dma source(%dma_start3A_34 : memref<10000x128xf32, #tpu.memory_space<hbm>>) target(%arg10 : memref<200x128xf32, #tpu.memory_space<vmem>>) offsets(%arg8 : memref<200xi32, #tpu.memory_space<vmem>>) semaphore(%arg12 : memref<!tpu.dma_semaphore, #tpu.memory_space<semaphore_mem>>)
      %dma_wait3A = arith.constant 1 : i32
      %dma_wait3A_35 = arith.constant 0 : i32
      %dma_wait3A_36 = arith.constant 0 : i32
      %dma_wait3A_37 = tpu.memref_slice %arg2[%dma_wait3A, %dma_wait3A_35, %dma_wait3A_36] : memref<2x10000x128xf32, #tpu.memory_space<hbm>> -> memref<1x10000x128xf32, #tpu.memory_space<hbm>>
      %dma_wait3A_38 = tpu.memref_squeeze %dma_wait3A_37 : memref<1x10000x128xf32, #tpu.memory_space<hbm>> -> memref<10000x128xf32, #tpu.memory_space<hbm>>
      %dma_wait3A_39 = arith.constant 0 : i32
      %dma_wait3A_40 = arith.constant 0 : i32
      %dma_wait3A_41 = tpu.memref_slice %dma_wait3A_38[%dma_wait3A_39, %dma_wait3A_40] : memref<10000x128xf32, #tpu.memory_space<hbm>> -> memref<10000x128xf32, #tpu.memory_space<hbm>>
      tpu.wait_indirect_dma semaphore(%arg11 : memref<!tpu.dma_semaphore, #tpu.memory_space<semaphore_mem>>) src(%dma_wait3A_41 : memref<10000x128xf32, #tpu.memory_space<hbm>>) dst(%arg9 : memref<200x128xf32, #tpu.memory_space<vmem>>)
      %dma_wait3A_42 = arith.constant 1 : i32
      %dma_wait3A_43 = arith.constant 0 : i32
      %dma_wait3A_44 = arith.constant 0 : i32
      %dma_wait3A_45 = tpu.memref_slice %arg2[%dma_wait3A_42, %dma_wait3A_43, %dma_wait3A_44] : memref<2x10000x128xf32, #tpu.memory_space<hbm>> -> memref<1x10000x128xf32, #tpu.memory_space<hbm>>
      %dma_wait3A_46 = tpu.memref_squeeze %dma_wait3A_45 : memref<1x10000x128xf32, #tpu.memory_space<hbm>> -> memref<10000x128xf32, #tpu.memory_space<hbm>>
      %dma_wait3A_47 = arith.constant 0 : i32
      %dma_wait3A_48 = arith.constant 0 : i32
      %dma_wait3A_49 = tpu.memref_slice %dma_wait3A_46[%dma_wait3A_47, %dma_wait3A_48] : memref<10000x128xf32, #tpu.memory_space<hbm>> -> memref<10000x128xf32, #tpu.memory_space<hbm>>
      tpu.wait_indirect_dma semaphore(%arg12 : memref<!tpu.dma_semaphore, #tpu.memory_space<semaphore_mem>>) src(%dma_wait3A_49 : memref<10000x128xf32, #tpu.memory_space<hbm>>) dst(%arg10 : memref<200x128xf32, #tpu.memory_space<vmem>>)
      %run_scoped3A = arith.constant 1 : i32
      "tpu.region"() ({
        %run_scoped3A_51 = tpu.sem_alloc : memref<!tpu.dma_semaphore, #tpu.memory_space<semaphore_mem>>
        %dma_start3A_52 = arith.constant 0 : i32
        %dma_start3A_53 = arith.constant 0 : i32
        %dma_start3A_54 = tpu.memref_slice %arg5[%run_scoped3A, %dma_start3A_52, %dma_start3A_53] : memref<2x160000x128xf32, #tpu.memory_space<hbm>> -> memref<1x160000x128xf32, #tpu.memory_space<hbm>>
        %dma_start3A_55 = tpu.memref_squeeze %dma_start3A_54 : memref<1x160000x128xf32, #tpu.memory_space<hbm>> -> memref<160000x128xf32, #tpu.memory_space<hbm>>
        %dma_start3A_56 = arith.constant 0 : i32
        %dma_start3A_57 = tpu.memref_slice %dma_start3A_55[%add3A_19, %dma_start3A_56] : memref<160000x128xf32, #tpu.memory_space<hbm>> -> memref<200x128xf32, #tpu.memory_space<hbm>>
        %dma_start3A_58 = arith.constant 0 : i32
        %dma_start3A_59 = arith.constant 0 : i32
        %dma_start3A_60 = tpu.memref_slice %arg5[%run_scoped3A, %dma_start3A_58, %dma_start3A_59] : memref<2x160000x128xf32, #tpu.memory_space<hbm>> -> memref<1x160000x128xf32, #tpu.memory_space<hbm>>
        %dma_start3A_61 = tpu.memref_squeeze %dma_start3A_60 : memref<1x160000x128xf32, #tpu.memory_space<hbm>> -> memref<160000x128xf32, #tpu.memory_space<hbm>>
        %dma_start3A_62 = arith.constant 0 : i32
        %dma_start3A_63 = tpu.memref_slice %dma_start3A_61[%add3A_19, %dma_start3A_62] : memref<160000x128xf32, #tpu.memory_space<hbm>> -> memref<200x128xf32, #tpu.memory_space<hbm>>
        tpu.enqueue_dma source(%arg9 : memref<200x128xf32, #tpu.memory_space<vmem>>) target(%dma_start3A_63 : memref<200x128xf32, #tpu.memory_space<hbm>>) target_semaphore(%run_scoped3A_51 : memref<!tpu.dma_semaphore, #tpu.memory_space<semaphore_mem>>)
        %dma_wait3A_64 = arith.constant 0 : i32
        %dma_wait3A_65 = arith.constant 0 : i32
        %dma_wait3A_66 = tpu.memref_slice %arg5[%run_scoped3A, %dma_wait3A_64, %dma_wait3A_65] : memref<2x160000x128xf32, #tpu.memory_space<hbm>> -> memref<1x160000x128xf32, #tpu.memory_space<hbm>>
        %dma_wait3A_67 = tpu.memref_squeeze %dma_wait3A_66 : memref<1x160000x128xf32, #tpu.memory_space<hbm>> -> memref<160000x128xf32, #tpu.memory_space<hbm>>
        %dma_wait3A_68 = arith.constant 0 : i32
        %dma_wait3A_69 = tpu.memref_slice %dma_wait3A_67[%add3A_19, %dma_wait3A_68] : memref<160000x128xf32, #tpu.memory_space<hbm>> -> memref<200x128xf32, #tpu.memory_space<hbm>>
        %dma_wait3A_70 = arith.constant 0 : i32
        %dma_wait3A_71 = arith.constant 0 : i32
        %dma_wait3A_72 = tpu.memref_slice %arg5[%run_scoped3A, %dma_wait3A_70, %dma_wait3A_71] : memref<2x160000x128xf32, #tpu.memory_space<hbm>> -> memref<1x160000x128xf32, #tpu.memory_space<hbm>>
        %dma_wait3A_73 = tpu.memref_squeeze %dma_wait3A_72 : memref<1x160000x128xf32, #tpu.memory_space<hbm>> -> memref<160000x128xf32, #tpu.memory_space<hbm>>
        %dma_wait3A_74 = arith.constant 0 : i32
        %dma_wait3A_75 = tpu.memref_slice %dma_wait3A_73[%add3A_19, %dma_wait3A_74] : memref<160000x128xf32, #tpu.memory_space<hbm>> -> memref<200x128xf32, #tpu.memory_space<hbm>>
        tpu.wait_dma2 semaphore(%run_scoped3A_51 : memref<!tpu.dma_semaphore, #tpu.memory_space<semaphore_mem>>) src(%arg9 : memref<200x128xf32, #tpu.memory_space<vmem>>) dst(%dma_wait3A_75 : memref<200x128xf32, #tpu.memory_space<hbm>>)
        tpu.yield
      }) : () -> ()
      %run_scoped3A_50 = arith.constant 1 : i32
      "tpu.region"() ({
        %run_scoped3A_51 = tpu.sem_alloc : memref<!tpu.dma_semaphore, #tpu.memory_space<semaphore_mem>>
        %dma_start3A_52 = arith.constant 0 : i32
        %dma_start3A_53 = arith.constant 0 : i32
        %dma_start3A_54 = tpu.memref_slice %arg6[%run_scoped3A_50, %dma_start3A_52, %dma_start3A_53] : memref<2x160000x128xf32, #tpu.memory_space<hbm>> -> memref<1x160000x128xf32, #tpu.memory_space<hbm>>
        %dma_start3A_55 = tpu.memref_squeeze %dma_start3A_54 : memref<1x160000x128xf32, #tpu.memory_space<hbm>> -> memref<160000x128xf32, #tpu.memory_space<hbm>>
        %dma_start3A_56 = arith.constant 0 : i32
        %dma_start3A_57 = tpu.memref_slice %dma_start3A_55[%add3A_19, %dma_start3A_56] : memref<160000x128xf32, #tpu.memory_space<hbm>> -> memref<200x128xf32, #tpu.memory_space<hbm>>
        %dma_start3A_58 = arith.constant 0 : i32
        %dma_start3A_59 = arith.constant 0 : i32
        %dma_start3A_60 = tpu.memref_slice %arg6[%run_scoped3A_50, %dma_start3A_58, %dma_start3A_59] : memref<2x160000x128xf32, #tpu.memory_space<hbm>> -> memref<1x160000x128xf32, #tpu.memory_space<hbm>>
        %dma_start3A_61 = tpu.memref_squeeze %dma_start3A_60 : memref<1x160000x128xf32, #tpu.memory_space<hbm>> -> memref<160000x128xf32, #tpu.memory_space<hbm>>
        %dma_start3A_62 = arith.constant 0 : i32
        %dma_start3A_63 = tpu.memref_slice %dma_start3A_61[%add3A_19, %dma_start3A_62] : memref<160000x128xf32, #tpu.memory_space<hbm>> -> memref<200x128xf32, #tpu.memory_space<hbm>>
        tpu.enqueue_dma source(%arg10 : memref<200x128xf32, #tpu.memory_space<vmem>>) target(%dma_start3A_63 : memref<200x128xf32, #tpu.memory_space<hbm>>) target_semaphore(%run_scoped3A_51 : memref<!tpu.dma_semaphore, #tpu.memory_space<semaphore_mem>>)
        %dma_wait3A_64 = arith.constant 0 : i32
        %dma_wait3A_65 = arith.constant 0 : i32
        %dma_wait3A_66 = tpu.memref_slice %arg6[%run_scoped3A_50, %dma_wait3A_64, %dma_wait3A_65] : memref<2x160000x128xf32, #tpu.memory_space<hbm>> -> memref<1x160000x128xf32, #tpu.memory_space<hbm>>
        %dma_wait3A_67 = tpu.memref_squeeze %dma_wait3A_66 : memref<1x160000x128xf32, #tpu.memory_space<hbm>> -> memref<160000x128xf32, #tpu.memory_space<hbm>>
        %dma_wait3A_68 = arith.constant 0 : i32
        %dma_wait3A_69 = tpu.memref_slice %dma_wait3A_67[%add3A_19, %dma_wait3A_68] : memref<160000x128xf32, #tpu.memory_space<hbm>> -> memref<200x128xf32, #tpu.memory_space<hbm>>
        %dma_wait3A_70 = arith.constant 0 : i32
        %dma_wait3A_71 = arith.constant 0 : i32
        %dma_wait3A_72 = tpu.memref_slice %arg6[%run_scoped3A_50, %dma_wait3A_70, %dma_wait3A_71] : memref<2x160000x128xf32, #tpu.memory_space<hbm>> -> memref<1x160000x128xf32, #tpu.memory_space<hbm>>
        %dma_wait3A_73 = tpu.memref_squeeze %dma_wait3A_72 : memref<1x160000x128xf32, #tpu.memory_space<hbm>> -> memref<160000x128xf32, #tpu.memory_space<hbm>>
        %dma_wait3A_74 = arith.constant 0 : i32
        %dma_wait3A_75 = tpu.memref_slice %dma_wait3A_73[%add3A_19, %dma_wait3A_74] : memref<160000x128xf32, #tpu.memory_space<hbm>> -> memref<200x128xf32, #tpu.memory_space<hbm>>
        tpu.wait_dma2 semaphore(%run_scoped3A_51 : memref<!tpu.dma_semaphore, #tpu.memory_space<semaphore_mem>>) src(%arg10 : memref<200x128xf32, #tpu.memory_space<vmem>>) dst(%dma_wait3A_75 : memref<200x128xf32, #tpu.memory_space<hbm>>)
        tpu.yield
      }) : () -> ()
    }
    %scan3A_11 = arith.constant 25 : i32
    return
  }
}

#map = affine_map<(d0, d1) -> (0, 0)>
#map1 = affine_map<(d0, d1) -> (0)>
#map2 = affine_map<(d0, d1) -> (0, 0, 0)>
module attributes {stable_mosaic.version = 14 : i64} {
  func.func @k(%arg0: i32, %arg1: i32, %arg2: memref<160000x128xf32, #tpu.memory_space<hbm>>, %arg3: memref<160000xi32, #tpu.memory_space<hbm>>, %arg4: memref<10000x128xf32, #tpu.memory_space<hbm>>, %arg5: memref<2x10000x128xf32, #tpu.memory_space<hbm>>, %arg6: memref<200xi32, #tpu.memory_space<vmem>>, %arg7: memref<200x128xf32, #tpu.memory_space<vmem>>, %arg8: memref<10000x128xf32, #tpu.memory_space<vmem_shared>>) attributes {dimension_semantics = [#tpu.dimension_semantics<core_parallel>, #tpu.dimension_semantics<subcore_parallel>], iteration_bounds = array<i64: 2, 16>, scalar_prefetch = 0 : i64, scratch_operands = 3 : i64, tpu.core_type = #tpu.core_type<sc_vector_subcore>, window_params = [{transform_indices = #map}, {transform_indices = #map1}, {transform_indices = #map}, {transform_indices = #map2}]} {
    %mul3A = arith.constant 2 : i32
    %mul3A_0 = arith.muli %arg1, %mul3A : i32
    %add3A = arith.addi %mul3A_0, %arg0 : i32
    %mul3A_1 = arith.constant 5000 : i32
    %mul3A_2 = arith.muli %add3A, %mul3A_1 : i32
    %eq3A = arith.constant 0 : i32
    %eq3A_3 = arith.cmpi eq, %arg1, %eq3A : i32
    %convert_element_type3A = arith.extui %eq3A_3 : i1 to i32
    %cond3A = arith.constant 0 : i32
    %cond3A_4 = arith.cmpi ne, %convert_element_type3A, %cond3A : i32
    scf.if %cond3A_4 {
      "tpu.region"() ({
        %run_scoped3A = tpu.sem_alloc : memref<!tpu.dma_semaphore, #tpu.memory_space<semaphore_mem>>
        tpu.enqueue_dma source(%arg4 : memref<10000x128xf32, #tpu.memory_space<hbm>>) target(%arg8 : memref<10000x128xf32, #tpu.memory_space<vmem_shared>>) target_semaphore(%run_scoped3A : memref<!tpu.dma_semaphore, #tpu.memory_space<semaphore_mem>>)
        tpu.wait_dma2 semaphore(%run_scoped3A : memref<!tpu.dma_semaphore, #tpu.memory_space<semaphore_mem>>) src(%arg4 : memref<10000x128xf32, #tpu.memory_space<hbm>>) dst(%arg8 : memref<10000x128xf32, #tpu.memory_space<vmem_shared>>)
        tpu.yield
      }) : () -> ()
    } else {
    }
    %barrier3A = arith.constant 0 : index
    tpu.barrier barrier_id(%barrier3A)
    %scan3A = arith.constant 0 : i32
    %scan3A_5 = arith.constant 25 : i32
    %scan3A_6 = arith.addi %scan3A, %scan3A_5 : i32
    %scan3A_7 = arith.constant 1 : i32
    scf.for %scan3A_15 = %scan3A to %scan3A_6 step %scan3A_7  : i32 {
      %mul3A_16 = arith.constant 1 : i32
      %mul3A_17 = arith.muli %scan3A_15, %mul3A_16 : i32
      %add3A_18 = arith.constant 0 : i32
      %add3A_19 = arith.addi %add3A_18, %mul3A_17 : i32
      %mul3A_20 = arith.constant 200 : i32
      %mul3A_21 = arith.muli %add3A_19, %mul3A_20 : i32
      %add3A_22 = arith.addi %mul3A_2, %mul3A_21 : i32
      "tpu.region"() ({
        %run_scoped3A = tpu.sem_alloc : memref<!tpu.dma_semaphore, #tpu.memory_space<semaphore_mem>>
        %dma_start3A = tpu.memref_slice %arg3[%add3A_22] : memref<160000xi32, #tpu.memory_space<hbm>> -> memref<200xi32, #tpu.memory_space<hbm>>
        %dma_start3A_23 = tpu.memref_slice %arg3[%add3A_22] : memref<160000xi32, #tpu.memory_space<hbm>> -> memref<200xi32, #tpu.memory_space<hbm>>
        tpu.enqueue_dma source(%dma_start3A_23 : memref<200xi32, #tpu.memory_space<hbm>>) target(%arg6 : memref<200xi32, #tpu.memory_space<vmem>>) target_semaphore(%run_scoped3A : memref<!tpu.dma_semaphore, #tpu.memory_space<semaphore_mem>>)
        %dma_wait3A = tpu.memref_slice %arg3[%add3A_22] : memref<160000xi32, #tpu.memory_space<hbm>> -> memref<200xi32, #tpu.memory_space<hbm>>
        %dma_wait3A_24 = tpu.memref_slice %arg3[%add3A_22] : memref<160000xi32, #tpu.memory_space<hbm>> -> memref<200xi32, #tpu.memory_space<hbm>>
        tpu.wait_dma2 semaphore(%run_scoped3A : memref<!tpu.dma_semaphore, #tpu.memory_space<semaphore_mem>>) src(%dma_wait3A_24 : memref<200xi32, #tpu.memory_space<hbm>>) dst(%arg6 : memref<200xi32, #tpu.memory_space<vmem>>)
        tpu.yield
      }) : () -> ()
      "tpu.region"() ({
        %run_scoped3A = tpu.sem_alloc : memref<!tpu.dma_semaphore, #tpu.memory_space<semaphore_mem>>
        %dma_start3A = arith.constant 0 : i32
        %dma_start3A_23 = tpu.memref_slice %arg2[%add3A_22, %dma_start3A] : memref<160000x128xf32, #tpu.memory_space<hbm>> -> memref<200x128xf32, #tpu.memory_space<hbm>>
        %dma_start3A_24 = arith.constant 0 : i32
        %dma_start3A_25 = tpu.memref_slice %arg2[%add3A_22, %dma_start3A_24] : memref<160000x128xf32, #tpu.memory_space<hbm>> -> memref<200x128xf32, #tpu.memory_space<hbm>>
        tpu.enqueue_dma source(%dma_start3A_25 : memref<200x128xf32, #tpu.memory_space<hbm>>) target(%arg7 : memref<200x128xf32, #tpu.memory_space<vmem>>) target_semaphore(%run_scoped3A : memref<!tpu.dma_semaphore, #tpu.memory_space<semaphore_mem>>)
        %dma_wait3A = arith.constant 0 : i32
        %dma_wait3A_26 = tpu.memref_slice %arg2[%add3A_22, %dma_wait3A] : memref<160000x128xf32, #tpu.memory_space<hbm>> -> memref<200x128xf32, #tpu.memory_space<hbm>>
        %dma_wait3A_27 = arith.constant 0 : i32
        %dma_wait3A_28 = tpu.memref_slice %arg2[%add3A_22, %dma_wait3A_27] : memref<160000x128xf32, #tpu.memory_space<hbm>> -> memref<200x128xf32, #tpu.memory_space<hbm>>
        tpu.wait_dma2 semaphore(%run_scoped3A : memref<!tpu.dma_semaphore, #tpu.memory_space<semaphore_mem>>) src(%dma_wait3A_28 : memref<200x128xf32, #tpu.memory_space<hbm>>) dst(%arg7 : memref<200x128xf32, #tpu.memory_space<vmem>>)
        tpu.yield
      }) : () -> ()
      "tpu.region"() ({
        %run_scoped3A = tpu.sem_alloc : memref<!tpu.dma_semaphore, #tpu.memory_space<semaphore_mem>>
        %dma_start3A = arith.constant 0 : i32
        %dma_start3A_23 = arith.constant 0 : i32
        %dma_start3A_24 = tpu.memref_slice %arg8[%dma_start3A, %dma_start3A_23] : memref<10000x128xf32, #tpu.memory_space<vmem_shared>> -> memref<10000x128xf32, #tpu.memory_space<vmem_shared>>
        tpu.enqueue_indirect_dma source(%arg7 : memref<200x128xf32, #tpu.memory_space<vmem>>) target(%dma_start3A_24 : memref<10000x128xf32, #tpu.memory_space<vmem_shared>>) offsets(%arg6 : memref<200xi32, #tpu.memory_space<vmem>>) semaphore(%run_scoped3A : memref<!tpu.dma_semaphore, #tpu.memory_space<semaphore_mem>>) {add = true}
        %dma_wait3A = arith.constant 0 : i32
        %dma_wait3A_25 = arith.constant 0 : i32
        %dma_wait3A_26 = tpu.memref_slice %arg8[%dma_wait3A, %dma_wait3A_25] : memref<10000x128xf32, #tpu.memory_space<vmem_shared>> -> memref<10000x128xf32, #tpu.memory_space<vmem_shared>>
        tpu.wait_indirect_dma semaphore(%run_scoped3A : memref<!tpu.dma_semaphore, #tpu.memory_space<semaphore_mem>>) src(%arg7 : memref<200x128xf32, #tpu.memory_space<vmem>>) dst(%dma_wait3A_26 : memref<10000x128xf32, #tpu.memory_space<vmem_shared>>)
        tpu.yield
      }) : () -> ()
    }
    %scan3A_8 = arith.constant 25 : i32
    %barrier3A_9 = arith.constant 0 : index
    tpu.barrier barrier_id(%barrier3A_9)
    %eq3A_10 = arith.constant 0 : i32
    %eq3A_11 = arith.cmpi eq, %arg1, %eq3A_10 : i32
    %convert_element_type3A_12 = arith.extui %eq3A_11 : i1 to i32
    %cond3A_13 = arith.constant 0 : i32
    %cond3A_14 = arith.cmpi ne, %convert_element_type3A_12, %cond3A_13 : i32
    scf.if %cond3A_14 {
      "tpu.region"() ({
        %run_scoped3A = tpu.sem_alloc : memref<!tpu.dma_semaphore, #tpu.memory_space<semaphore_mem>>
        %dma_start3A = arith.constant 0 : i32
        %dma_start3A_15 = arith.constant 0 : i32
        %dma_start3A_16 = tpu.memref_slice %arg5[%arg0, %dma_start3A, %dma_start3A_15] : memref<2x10000x128xf32, #tpu.memory_space<hbm>> -> memref<1x10000x128xf32, #tpu.memory_space<hbm>>
        %dma_start3A_17 = tpu.memref_squeeze %dma_start3A_16 : memref<1x10000x128xf32, #tpu.memory_space<hbm>> -> memref<10000x128xf32, #tpu.memory_space<hbm>>
        tpu.enqueue_dma source(%arg8 : memref<10000x128xf32, #tpu.memory_space<vmem_shared>>) target(%dma_start3A_17 : memref<10000x128xf32, #tpu.memory_space<hbm>>) target_semaphore(%run_scoped3A : memref<!tpu.dma_semaphore, #tpu.memory_space<semaphore_mem>>)
        %dma_wait3A = arith.constant 0 : i32
        %dma_wait3A_18 = arith.constant 0 : i32
        %dma_wait3A_19 = tpu.memref_slice %arg5[%arg0, %dma_wait3A, %dma_wait3A_18] : memref<2x10000x128xf32, #tpu.memory_space<hbm>> -> memref<1x10000x128xf32, #tpu.memory_space<hbm>>
        %dma_wait3A_20 = tpu.memref_squeeze %dma_wait3A_19 : memref<1x10000x128xf32, #tpu.memory_space<hbm>> -> memref<10000x128xf32, #tpu.memory_space<hbm>>
        tpu.wait_dma2 semaphore(%run_scoped3A : memref<!tpu.dma_semaphore, #tpu.memory_space<semaphore_mem>>) src(%arg8 : memref<10000x128xf32, #tpu.memory_space<vmem_shared>>) dst(%dma_wait3A_20 : memref<10000x128xf32, #tpu.memory_space<hbm>>)
        tpu.yield
      }) : () -> ()
    } else {
    }
    return
  }
}

#map = affine_map<(d0, d1) -> (0, 0)>
#map1 = affine_map<(d0, d1) -> (0)>
#map2 = affine_map<(d0, d1) -> (0, 0, 0)>
module attributes {stable_mosaic.version = 14 : i64} {
  func.func @k(%arg0: i32, %arg1: i32, %arg2: memref<160000x128xf32, #tpu.memory_space<hbm>>, %arg3: memref<160000xi32, #tpu.memory_space<hbm>>, %arg4: memref<10000x128xf32, #tpu.memory_space<hbm>>, %arg5: memref<2x10000x128xf32, #tpu.memory_space<hbm>>, %arg6: memref<200xi32, #tpu.memory_space<vmem>>, %arg7: memref<200x128xf32, #tpu.memory_space<vmem>>, %arg8: memref<10000x128xf32, #tpu.memory_space<vmem_shared>>) attributes {dimension_semantics = [#tpu.dimension_semantics<core_parallel>, #tpu.dimension_semantics<subcore_parallel>], iteration_bounds = array<i64: 2, 16>, scalar_prefetch = 0 : i64, scratch_operands = 3 : i64, tpu.core_type = #tpu.core_type<sc_vector_subcore>, window_params = [{transform_indices = #map}, {transform_indices = #map1}, {transform_indices = #map}, {transform_indices = #map2}]} {
    %mul3A = arith.constant 2 : i32
    %mul3A_0 = arith.muli %arg1, %mul3A : i32
    %add3A = arith.addi %mul3A_0, %arg0 : i32
    %mul3A_1 = arith.constant 5000 : i32
    %mul3A_2 = arith.muli %add3A, %mul3A_1 : i32
    %eq3A = arith.constant 0 : i32
    %eq3A_3 = arith.cmpi eq, %arg1, %eq3A : i32
    %convert_element_type3A = arith.extui %eq3A_3 : i1 to i32
    %cond3A = arith.constant 0 : i32
    %cond3A_4 = arith.cmpi ne, %convert_element_type3A, %cond3A : i32
    scf.if %cond3A_4 {
      "tpu.region"() ({
        %run_scoped3A = tpu.sem_alloc : memref<!tpu.dma_semaphore, #tpu.memory_space<semaphore_mem>>
        tpu.enqueue_dma source(%arg4 : memref<10000x128xf32, #tpu.memory_space<hbm>>) target(%arg8 : memref<10000x128xf32, #tpu.memory_space<vmem_shared>>) target_semaphore(%run_scoped3A : memref<!tpu.dma_semaphore, #tpu.memory_space<semaphore_mem>>)
        tpu.wait_dma2 semaphore(%run_scoped3A : memref<!tpu.dma_semaphore, #tpu.memory_space<semaphore_mem>>) src(%arg4 : memref<10000x128xf32, #tpu.memory_space<hbm>>) dst(%arg8 : memref<10000x128xf32, #tpu.memory_space<vmem_shared>>)
        tpu.yield
      }) : () -> ()
    } else {
    }
    %barrier3A = arith.constant 0 : index
    tpu.barrier barrier_id(%barrier3A)
    %scan3A = arith.constant 0 : i32
    %scan3A_5 = arith.constant 25 : i32
    %scan3A_6 = arith.addi %scan3A, %scan3A_5 : i32
    %scan3A_7 = arith.constant 1 : i32
    scf.for %scan3A_15 = %scan3A to %scan3A_6 step %scan3A_7  : i32 {
      %mul3A_16 = arith.constant 1 : i32
      %mul3A_17 = arith.muli %scan3A_15, %mul3A_16 : i32
      %add3A_18 = arith.constant 0 : i32
      %add3A_19 = arith.addi %add3A_18, %mul3A_17 : i32
      %mul3A_20 = arith.constant 200 : i32
      %mul3A_21 = arith.muli %add3A_19, %mul3A_20 : i32
      %add3A_22 = arith.addi %mul3A_2, %mul3A_21 : i32
      "tpu.region"() ({
        %run_scoped3A = tpu.sem_alloc : memref<!tpu.dma_semaphore, #tpu.memory_space<semaphore_mem>>
        %dma_start3A = tpu.memref_slice %arg3[%add3A_22] : memref<160000xi32, #tpu.memory_space<hbm>> -> memref<200xi32, #tpu.memory_space<hbm>>
        %dma_start3A_23 = tpu.memref_slice %arg3[%add3A_22] : memref<160000xi32, #tpu.memory_space<hbm>> -> memref<200xi32, #tpu.memory_space<hbm>>
        tpu.enqueue_dma source(%dma_start3A_23 : memref<200xi32, #tpu.memory_space<hbm>>) target(%arg6 : memref<200xi32, #tpu.memory_space<vmem>>) target_semaphore(%run_scoped3A : memref<!tpu.dma_semaphore, #tpu.memory_space<semaphore_mem>>)
        %dma_wait3A = tpu.memref_slice %arg3[%add3A_22] : memref<160000xi32, #tpu.memory_space<hbm>> -> memref<200xi32, #tpu.memory_space<hbm>>
        %dma_wait3A_24 = tpu.memref_slice %arg3[%add3A_22] : memref<160000xi32, #tpu.memory_space<hbm>> -> memref<200xi32, #tpu.memory_space<hbm>>
        tpu.wait_dma2 semaphore(%run_scoped3A : memref<!tpu.dma_semaphore, #tpu.memory_space<semaphore_mem>>) src(%dma_wait3A_24 : memref<200xi32, #tpu.memory_space<hbm>>) dst(%arg6 : memref<200xi32, #tpu.memory_space<vmem>>)
        tpu.yield
      }) : () -> ()
      "tpu.region"() ({
        %run_scoped3A = tpu.sem_alloc : memref<!tpu.dma_semaphore, #tpu.memory_space<semaphore_mem>>
        %dma_start3A = arith.constant 0 : i32
        %dma_start3A_23 = tpu.memref_slice %arg2[%add3A_22, %dma_start3A] : memref<160000x128xf32, #tpu.memory_space<hbm>> -> memref<200x128xf32, #tpu.memory_space<hbm>>
        %dma_start3A_24 = arith.constant 0 : i32
        %dma_start3A_25 = tpu.memref_slice %arg2[%add3A_22, %dma_start3A_24] : memref<160000x128xf32, #tpu.memory_space<hbm>> -> memref<200x128xf32, #tpu.memory_space<hbm>>
        tpu.enqueue_dma source(%dma_start3A_25 : memref<200x128xf32, #tpu.memory_space<hbm>>) target(%arg7 : memref<200x128xf32, #tpu.memory_space<vmem>>) target_semaphore(%run_scoped3A : memref<!tpu.dma_semaphore, #tpu.memory_space<semaphore_mem>>)
        %dma_wait3A = arith.constant 0 : i32
        %dma_wait3A_26 = tpu.memref_slice %arg2[%add3A_22, %dma_wait3A] : memref<160000x128xf32, #tpu.memory_space<hbm>> -> memref<200x128xf32, #tpu.memory_space<hbm>>
        %dma_wait3A_27 = arith.constant 0 : i32
        %dma_wait3A_28 = tpu.memref_slice %arg2[%add3A_22, %dma_wait3A_27] : memref<160000x128xf32, #tpu.memory_space<hbm>> -> memref<200x128xf32, #tpu.memory_space<hbm>>
        tpu.wait_dma2 semaphore(%run_scoped3A : memref<!tpu.dma_semaphore, #tpu.memory_space<semaphore_mem>>) src(%dma_wait3A_28 : memref<200x128xf32, #tpu.memory_space<hbm>>) dst(%arg7 : memref<200x128xf32, #tpu.memory_space<vmem>>)
        tpu.yield
      }) : () -> ()
      "tpu.region"() ({
        %run_scoped3A = tpu.sem_alloc : memref<!tpu.dma_semaphore, #tpu.memory_space<semaphore_mem>>
        %dma_start3A = arith.constant 0 : i32
        %dma_start3A_23 = arith.constant 0 : i32
        %dma_start3A_24 = tpu.memref_slice %arg8[%dma_start3A, %dma_start3A_23] : memref<10000x128xf32, #tpu.memory_space<vmem_shared>> -> memref<10000x128xf32, #tpu.memory_space<vmem_shared>>
        tpu.enqueue_indirect_dma source(%arg7 : memref<200x128xf32, #tpu.memory_space<vmem>>) target(%dma_start3A_24 : memref<10000x128xf32, #tpu.memory_space<vmem_shared>>) offsets(%arg6 : memref<200xi32, #tpu.memory_space<vmem>>) semaphore(%run_scoped3A : memref<!tpu.dma_semaphore, #tpu.memory_space<semaphore_mem>>) {add = true}
        %dma_wait3A = arith.constant 0 : i32
        %dma_wait3A_25 = arith.constant 0 : i32
        %dma_wait3A_26 = tpu.memref_slice %arg8[%dma_wait3A, %dma_wait3A_25] : memref<10000x128xf32, #tpu.memory_space<vmem_shared>> -> memref<10000x128xf32, #tpu.memory_space<vmem_shared>>
        tpu.wait_indirect_dma semaphore(%run_scoped3A : memref<!tpu.dma_semaphore, #tpu.memory_space<semaphore_mem>>) src(%arg7 : memref<200x128xf32, #tpu.memory_space<vmem>>) dst(%dma_wait3A_26 : memref<10000x128xf32, #tpu.memory_space<vmem_shared>>)
        tpu.yield
      }) : () -> ()
    }
    %scan3A_8 = arith.constant 25 : i32
    %barrier3A_9 = arith.constant 0 : index
    tpu.barrier barrier_id(%barrier3A_9)
    %eq3A_10 = arith.constant 0 : i32
    %eq3A_11 = arith.cmpi eq, %arg1, %eq3A_10 : i32
    %convert_element_type3A_12 = arith.extui %eq3A_11 : i1 to i32
    %cond3A_13 = arith.constant 0 : i32
    %cond3A_14 = arith.cmpi ne, %convert_element_type3A_12, %cond3A_13 : i32
    scf.if %cond3A_14 {
      "tpu.region"() ({
        %run_scoped3A = tpu.sem_alloc : memref<!tpu.dma_semaphore, #tpu.memory_space<semaphore_mem>>
        %dma_start3A = arith.constant 0 : i32
        %dma_start3A_15 = arith.constant 0 : i32
        %dma_start3A_16 = tpu.memref_slice %arg5[%arg0, %dma_start3A, %dma_start3A_15] : memref<2x10000x128xf32, #tpu.memory_space<hbm>> -> memref<1x10000x128xf32, #tpu.memory_space<hbm>>
        %dma_start3A_17 = tpu.memref_squeeze %dma_start3A_16 : memref<1x10000x128xf32, #tpu.memory_space<hbm>> -> memref<10000x128xf32, #tpu.memory_space<hbm>>
        tpu.enqueue_dma source(%arg8 : memref<10000x128xf32, #tpu.memory_space<vmem_shared>>) target(%dma_start3A_17 : memref<10000x128xf32, #tpu.memory_space<hbm>>) target_semaphore(%run_scoped3A : memref<!tpu.dma_semaphore, #tpu.memory_space<semaphore_mem>>)
        %dma_wait3A = arith.constant 0 : i32
        %dma_wait3A_18 = arith.constant 0 : i32
        %dma_wait3A_19 = tpu.memref_slice %arg5[%arg0, %dma_wait3A, %dma_wait3A_18] : memref<2x10000x128xf32, #tpu.memory_space<hbm>> -> memref<1x10000x128xf32, #tpu.memory_space<hbm>>
        %dma_wait3A_20 = tpu.memref_squeeze %dma_wait3A_19 : memref<1x10000x128xf32, #tpu.memory_space<hbm>> -> memref<10000x128xf32, #tpu.memory_space<hbm>>
        tpu.wait_dma2 semaphore(%run_scoped3A : memref<!tpu.dma_semaphore, #tpu.memory_space<semaphore_mem>>) src(%arg8 : memref<10000x128xf32, #tpu.memory_space<vmem_shared>>) dst(%dma_wait3A_20 : memref<10000x128xf32, #tpu.memory_space<hbm>>)
        tpu.yield
      }) : () -> ()
    } else {
    }
    return
  }
}

#map = affine_map<(d0, d1) -> (0, 0, 0)>
#map1 = affine_map<(d0, d1) -> (0)>
module attributes {stable_mosaic.version = 14 : i64} {
  func.func @k(%arg0: i32, %arg1: i32, %arg2: memref<2x10000x128xf32, #tpu.memory_space<hbm>>, %arg3: memref<160000xi32, #tpu.memory_space<hbm>>, %arg4: memref<160000xi32, #tpu.memory_space<hbm>>, %arg5: memref<2x160000x128xf32, #tpu.memory_space<hbm>>, %arg6: memref<2x160000x128xf32, #tpu.memory_space<hbm>>, %arg7: memref<200xi32, #tpu.memory_space<vmem>>, %arg8: memref<200xi32, #tpu.memory_space<vmem>>, %arg9: memref<200x128xf32, #tpu.memory_space<vmem>>, %arg10: memref<200x128xf32, #tpu.memory_space<vmem>>, %arg11: memref<!tpu.dma_semaphore, #tpu.memory_space<semaphore_mem>>, %arg12: memref<!tpu.dma_semaphore, #tpu.memory_space<semaphore_mem>>) attributes {dimension_semantics = [#tpu.dimension_semantics<core_parallel>, #tpu.dimension_semantics<subcore_parallel>], iteration_bounds = array<i64: 2, 16>, scalar_prefetch = 0 : i64, scratch_operands = 6 : i64, tpu.core_type = #tpu.core_type<sc_vector_subcore>, window_params = [{transform_indices = #map}, {transform_indices = #map1}, {transform_indices = #map1}, {transform_indices = #map}, {transform_indices = #map}]} {
    %mul3A = arith.constant 2 : i32
    %mul3A_0 = arith.muli %arg1, %mul3A : i32
    %add3A = arith.addi %mul3A_0, %arg0 : i32
    %mul3A_1 = arith.constant 5000 : i32
    %mul3A_2 = arith.muli %add3A, %mul3A_1 : i32
    %scan3A = arith.constant 0 : i32
    %scan3A_3 = arith.constant 25 : i32
    %scan3A_4 = arith.addi %scan3A, %scan3A_3 : i32
    %scan3A_5 = arith.constant 1 : i32
    scf.for %scan3A_12 = %scan3A to %scan3A_4 step %scan3A_5  : i32 {
      %mul3A_13 = arith.constant 1 : i32
      %mul3A_14 = arith.muli %scan3A_12, %mul3A_13 : i32
      %add3A_15 = arith.constant 0 : i32
      %add3A_16 = arith.addi %add3A_15, %mul3A_14 : i32
      %mul3A_17 = arith.constant 200 : i32
      %mul3A_18 = arith.muli %add3A_16, %mul3A_17 : i32
      %add3A_19 = arith.addi %mul3A_2, %mul3A_18 : i32
      "tpu.region"() ({
        %run_scoped3A_51 = tpu.sem_alloc : memref<!tpu.dma_semaphore, #tpu.memory_space<semaphore_mem>>
        %dma_start3A_52 = tpu.memref_slice %arg3[%add3A_19] : memref<160000xi32, #tpu.memory_space<hbm>> -> memref<200xi32, #tpu.memory_space<hbm>>
        %dma_start3A_53 = tpu.memref_slice %arg3[%add3A_19] : memref<160000xi32, #tpu.memory_space<hbm>> -> memref<200xi32, #tpu.memory_space<hbm>>
        tpu.enqueue_dma source(%dma_start3A_53 : memref<200xi32, #tpu.memory_space<hbm>>) target(%arg7 : memref<200xi32, #tpu.memory_space<vmem>>) target_semaphore(%run_scoped3A_51 : memref<!tpu.dma_semaphore, #tpu.memory_space<semaphore_mem>>)
        %dma_wait3A_54 = tpu.memref_slice %arg3[%add3A_19] : memref<160000xi32, #tpu.memory_space<hbm>> -> memref<200xi32, #tpu.memory_space<hbm>>
        %dma_wait3A_55 = tpu.memref_slice %arg3[%add3A_19] : memref<160000xi32, #tpu.memory_space<hbm>> -> memref<200xi32, #tpu.memory_space<hbm>>
        tpu.wait_dma2 semaphore(%run_scoped3A_51 : memref<!tpu.dma_semaphore, #tpu.memory_space<semaphore_mem>>) src(%dma_wait3A_55 : memref<200xi32, #tpu.memory_space<hbm>>) dst(%arg7 : memref<200xi32, #tpu.memory_space<vmem>>)
        tpu.yield
      }) : () -> ()
      "tpu.region"() ({
        %run_scoped3A_51 = tpu.sem_alloc : memref<!tpu.dma_semaphore, #tpu.memory_space<semaphore_mem>>
        %dma_start3A_52 = tpu.memref_slice %arg4[%add3A_19] : memref<160000xi32, #tpu.memory_space<hbm>> -> memref<200xi32, #tpu.memory_space<hbm>>
        %dma_start3A_53 = tpu.memref_slice %arg4[%add3A_19] : memref<160000xi32, #tpu.memory_space<hbm>> -> memref<200xi32, #tpu.memory_space<hbm>>
        tpu.enqueue_dma source(%dma_start3A_53 : memref<200xi32, #tpu.memory_space<hbm>>) target(%arg8 : memref<200xi32, #tpu.memory_space<vmem>>) target_semaphore(%run_scoped3A_51 : memref<!tpu.dma_semaphore, #tpu.memory_space<semaphore_mem>>)
        %dma_wait3A_54 = tpu.memref_slice %arg4[%add3A_19] : memref<160000xi32, #tpu.memory_space<hbm>> -> memref<200xi32, #tpu.memory_space<hbm>>
        %dma_wait3A_55 = tpu.memref_slice %arg4[%add3A_19] : memref<160000xi32, #tpu.memory_space<hbm>> -> memref<200xi32, #tpu.memory_space<hbm>>
        tpu.wait_dma2 semaphore(%run_scoped3A_51 : memref<!tpu.dma_semaphore, #tpu.memory_space<semaphore_mem>>) src(%dma_wait3A_55 : memref<200xi32, #tpu.memory_space<hbm>>) dst(%arg8 : memref<200xi32, #tpu.memory_space<vmem>>)
        tpu.yield
      }) : () -> ()
      %dma_start3A = arith.constant 0 : i32
      %dma_start3A_20 = arith.constant 0 : i32
      %dma_start3A_21 = arith.constant 0 : i32
      %dma_start3A_22 = tpu.memref_slice %arg2[%dma_start3A, %dma_start3A_20, %dma_start3A_21] : memref<2x10000x128xf32, #tpu.memory_space<hbm>> -> memref<1x10000x128xf32, #tpu.memory_space<hbm>>
      %dma_start3A_23 = tpu.memref_squeeze %dma_start3A_22 : memref<1x10000x128xf32, #tpu.memory_space<hbm>> -> memref<10000x128xf32, #tpu.memory_space<hbm>>
      %dma_start3A_24 = arith.constant 0 : i32
      %dma_start3A_25 = arith.constant 0 : i32
      %dma_start3A_26 = tpu.memref_slice %dma_start3A_23[%dma_start3A_24, %dma_start3A_25] : memref<10000x128xf32, #tpu.memory_space<hbm>> -> memref<10000x128xf32, #tpu.memory_space<hbm>>
      tpu.enqueue_indirect_dma source(%dma_start3A_26 : memref<10000x128xf32, #tpu.memory_space<hbm>>) target(%arg9 : memref<200x128xf32, #tpu.memory_space<vmem>>) offsets(%arg7 : memref<200xi32, #tpu.memory_space<vmem>>) semaphore(%arg11 : memref<!tpu.dma_semaphore, #tpu.memory_space<semaphore_mem>>)
      %dma_start3A_27 = arith.constant 0 : i32
      %dma_start3A_28 = arith.constant 0 : i32
      %dma_start3A_29 = arith.constant 0 : i32
      %dma_start3A_30 = tpu.memref_slice %arg2[%dma_start3A_27, %dma_start3A_28, %dma_start3A_29] : memref<2x10000x128xf32, #tpu.memory_space<hbm>> -> memref<1x10000x128xf32, #tpu.memory_space<hbm>>
      %dma_start3A_31 = tpu.memref_squeeze %dma_start3A_30 : memref<1x10000x128xf32, #tpu.memory_space<hbm>> -> memref<10000x128xf32, #tpu.memory_space<hbm>>
      %dma_start3A_32 = arith.constant 0 : i32
      %dma_start3A_33 = arith.constant 0 : i32
      %dma_start3A_34 = tpu.memref_slice %dma_start3A_31[%dma_start3A_32, %dma_start3A_33] : memref<10000x128xf32, #tpu.memory_space<hbm>> -> memref<10000x128xf32, #tpu.memory_space<hbm>>
      tpu.enqueue_indirect_dma source(%dma_start3A_34 : memref<10000x128xf32, #tpu.memory_space<hbm>>) target(%arg10 : memref<200x128xf32, #tpu.memory_space<vmem>>) offsets(%arg8 : memref<200xi32, #tpu.memory_space<vmem>>) semaphore(%arg12 : memref<!tpu.dma_semaphore, #tpu.memory_space<semaphore_mem>>)
      %dma_wait3A = arith.constant 0 : i32
      %dma_wait3A_35 = arith.constant 0 : i32
      %dma_wait3A_36 = arith.constant 0 : i32
      %dma_wait3A_37 = tpu.memref_slice %arg2[%dma_wait3A, %dma_wait3A_35, %dma_wait3A_36] : memref<2x10000x128xf32, #tpu.memory_space<hbm>> -> memref<1x10000x128xf32, #tpu.memory_space<hbm>>
      %dma_wait3A_38 = tpu.memref_squeeze %dma_wait3A_37 : memref<1x10000x128xf32, #tpu.memory_space<hbm>> -> memref<10000x128xf32, #tpu.memory_space<hbm>>
      %dma_wait3A_39 = arith.constant 0 : i32
      %dma_wait3A_40 = arith.constant 0 : i32
      %dma_wait3A_41 = tpu.memref_slice %dma_wait3A_38[%dma_wait3A_39, %dma_wait3A_40] : memref<10000x128xf32, #tpu.memory_space<hbm>> -> memref<10000x128xf32, #tpu.memory_space<hbm>>
      tpu.wait_indirect_dma semaphore(%arg11 : memref<!tpu.dma_semaphore, #tpu.memory_space<semaphore_mem>>) src(%dma_wait3A_41 : memref<10000x128xf32, #tpu.memory_space<hbm>>) dst(%arg9 : memref<200x128xf32, #tpu.memory_space<vmem>>)
      %dma_wait3A_42 = arith.constant 0 : i32
      %dma_wait3A_43 = arith.constant 0 : i32
      %dma_wait3A_44 = arith.constant 0 : i32
      %dma_wait3A_45 = tpu.memref_slice %arg2[%dma_wait3A_42, %dma_wait3A_43, %dma_wait3A_44] : memref<2x10000x128xf32, #tpu.memory_space<hbm>> -> memref<1x10000x128xf32, #tpu.memory_space<hbm>>
      %dma_wait3A_46 = tpu.memref_squeeze %dma_wait3A_45 : memref<1x10000x128xf32, #tpu.memory_space<hbm>> -> memref<10000x128xf32, #tpu.memory_space<hbm>>
      %dma_wait3A_47 = arith.constant 0 : i32
      %dma_wait3A_48 = arith.constant 0 : i32
      %dma_wait3A_49 = tpu.memref_slice %dma_wait3A_46[%dma_wait3A_47, %dma_wait3A_48] : memref<10000x128xf32, #tpu.memory_space<hbm>> -> memref<10000x128xf32, #tpu.memory_space<hbm>>
      tpu.wait_indirect_dma semaphore(%arg12 : memref<!tpu.dma_semaphore, #tpu.memory_space<semaphore_mem>>) src(%dma_wait3A_49 : memref<10000x128xf32, #tpu.memory_space<hbm>>) dst(%arg10 : memref<200x128xf32, #tpu.memory_space<vmem>>)
      %run_scoped3A = arith.constant 0 : i32
      "tpu.region"() ({
        %run_scoped3A_51 = tpu.sem_alloc : memref<!tpu.dma_semaphore, #tpu.memory_space<semaphore_mem>>
        %dma_start3A_52 = arith.constant 0 : i32
        %dma_start3A_53 = arith.constant 0 : i32
        %dma_start3A_54 = tpu.memref_slice %arg5[%run_scoped3A, %dma_start3A_52, %dma_start3A_53] : memref<2x160000x128xf32, #tpu.memory_space<hbm>> -> memref<1x160000x128xf32, #tpu.memory_space<hbm>>
        %dma_start3A_55 = tpu.memref_squeeze %dma_start3A_54 : memref<1x160000x128xf32, #tpu.memory_space<hbm>> -> memref<160000x128xf32, #tpu.memory_space<hbm>>
        %dma_start3A_56 = arith.constant 0 : i32
        %dma_start3A_57 = tpu.memref_slice %dma_start3A_55[%add3A_19, %dma_start3A_56] : memref<160000x128xf32, #tpu.memory_space<hbm>> -> memref<200x128xf32, #tpu.memory_space<hbm>>
        %dma_start3A_58 = arith.constant 0 : i32
        %dma_start3A_59 = arith.constant 0 : i32
        %dma_start3A_60 = tpu.memref_slice %arg5[%run_scoped3A, %dma_start3A_58, %dma_start3A_59] : memref<2x160000x128xf32, #tpu.memory_space<hbm>> -> memref<1x160000x128xf32, #tpu.memory_space<hbm>>
        %dma_start3A_61 = tpu.memref_squeeze %dma_start3A_60 : memref<1x160000x128xf32, #tpu.memory_space<hbm>> -> memref<160000x128xf32, #tpu.memory_space<hbm>>
        %dma_start3A_62 = arith.constant 0 : i32
        %dma_start3A_63 = tpu.memref_slice %dma_start3A_61[%add3A_19, %dma_start3A_62] : memref<160000x128xf32, #tpu.memory_space<hbm>> -> memref<200x128xf32, #tpu.memory_space<hbm>>
        tpu.enqueue_dma source(%arg9 : memref<200x128xf32, #tpu.memory_space<vmem>>) target(%dma_start3A_63 : memref<200x128xf32, #tpu.memory_space<hbm>>) target_semaphore(%run_scoped3A_51 : memref<!tpu.dma_semaphore, #tpu.memory_space<semaphore_mem>>)
        %dma_wait3A_64 = arith.constant 0 : i32
        %dma_wait3A_65 = arith.constant 0 : i32
        %dma_wait3A_66 = tpu.memref_slice %arg5[%run_scoped3A, %dma_wait3A_64, %dma_wait3A_65] : memref<2x160000x128xf32, #tpu.memory_space<hbm>> -> memref<1x160000x128xf32, #tpu.memory_space<hbm>>
        %dma_wait3A_67 = tpu.memref_squeeze %dma_wait3A_66 : memref<1x160000x128xf32, #tpu.memory_space<hbm>> -> memref<160000x128xf32, #tpu.memory_space<hbm>>
        %dma_wait3A_68 = arith.constant 0 : i32
        %dma_wait3A_69 = tpu.memref_slice %dma_wait3A_67[%add3A_19, %dma_wait3A_68] : memref<160000x128xf32, #tpu.memory_space<hbm>> -> memref<200x128xf32, #tpu.memory_space<hbm>>
        %dma_wait3A_70 = arith.constant 0 : i32
        %dma_wait3A_71 = arith.constant 0 : i32
        %dma_wait3A_72 = tpu.memref_slice %arg5[%run_scoped3A, %dma_wait3A_70, %dma_wait3A_71] : memref<2x160000x128xf32, #tpu.memory_space<hbm>> -> memref<1x160000x128xf32, #tpu.memory_space<hbm>>
        %dma_wait3A_73 = tpu.memref_squeeze %dma_wait3A_72 : memref<1x160000x128xf32, #tpu.memory_space<hbm>> -> memref<160000x128xf32, #tpu.memory_space<hbm>>
        %dma_wait3A_74 = arith.constant 0 : i32
        %dma_wait3A_75 = tpu.memref_slice %dma_wait3A_73[%add3A_19, %dma_wait3A_74] : memref<160000x128xf32, #tpu.memory_space<hbm>> -> memref<200x128xf32, #tpu.memory_space<hbm>>
        tpu.wait_dma2 semaphore(%run_scoped3A_51 : memref<!tpu.dma_semaphore, #tpu.memory_space<semaphore_mem>>) src(%arg9 : memref<200x128xf32, #tpu.memory_space<vmem>>) dst(%dma_wait3A_75 : memref<200x128xf32, #tpu.memory_space<hbm>>)
        tpu.yield
      }) : () -> ()
      %run_scoped3A_50 = arith.constant 0 : i32
      "tpu.region"() ({
        %run_scoped3A_51 = tpu.sem_alloc : memref<!tpu.dma_semaphore, #tpu.memory_space<semaphore_mem>>
        %dma_start3A_52 = arith.constant 0 : i32
        %dma_start3A_53 = arith.constant 0 : i32
        %dma_start3A_54 = tpu.memref_slice %arg6[%run_scoped3A_50, %dma_start3A_52, %dma_start3A_53] : memref<2x160000x128xf32, #tpu.memory_space<hbm>> -> memref<1x160000x128xf32, #tpu.memory_space<hbm>>
        %dma_start3A_55 = tpu.memref_squeeze %dma_start3A_54 : memref<1x160000x128xf32, #tpu.memory_space<hbm>> -> memref<160000x128xf32, #tpu.memory_space<hbm>>
        %dma_start3A_56 = arith.constant 0 : i32
        %dma_start3A_57 = tpu.memref_slice %dma_start3A_55[%add3A_19, %dma_start3A_56] : memref<160000x128xf32, #tpu.memory_space<hbm>> -> memref<200x128xf32, #tpu.memory_space<hbm>>
        %dma_start3A_58 = arith.constant 0 : i32
        %dma_start3A_59 = arith.constant 0 : i32
        %dma_start3A_60 = tpu.memref_slice %arg6[%run_scoped3A_50, %dma_start3A_58, %dma_start3A_59] : memref<2x160000x128xf32, #tpu.memory_space<hbm>> -> memref<1x160000x128xf32, #tpu.memory_space<hbm>>
        %dma_start3A_61 = tpu.memref_squeeze %dma_start3A_60 : memref<1x160000x128xf32, #tpu.memory_space<hbm>> -> memref<160000x128xf32, #tpu.memory_space<hbm>>
        %dma_start3A_62 = arith.constant 0 : i32
        %dma_start3A_63 = tpu.memref_slice %dma_start3A_61[%add3A_19, %dma_start3A_62] : memref<160000x128xf32, #tpu.memory_space<hbm>> -> memref<200x128xf32, #tpu.memory_space<hbm>>
        tpu.enqueue_dma source(%arg10 : memref<200x128xf32, #tpu.memory_space<vmem>>) target(%dma_start3A_63 : memref<200x128xf32, #tpu.memory_space<hbm>>) target_semaphore(%run_scoped3A_51 : memref<!tpu.dma_semaphore, #tpu.memory_space<semaphore_mem>>)
        %dma_wait3A_64 = arith.constant 0 : i32
        %dma_wait3A_65 = arith.constant 0 : i32
        %dma_wait3A_66 = tpu.memref_slice %arg6[%run_scoped3A_50, %dma_wait3A_64, %dma_wait3A_65] : memref<2x160000x128xf32, #tpu.memory_space<hbm>> -> memref<1x160000x128xf32, #tpu.memory_space<hbm>>
        %dma_wait3A_67 = tpu.memref_squeeze %dma_wait3A_66 : memref<1x160000x128xf32, #tpu.memory_space<hbm>> -> memref<160000x128xf32, #tpu.memory_space<hbm>>
        %dma_wait3A_68 = arith.constant 0 : i32
        %dma_wait3A_69 = tpu.memref_slice %dma_wait3A_67[%add3A_19, %dma_wait3A_68] : memref<160000x128xf32, #tpu.memory_space<hbm>> -> memref<200x128xf32, #tpu.memory_space<hbm>>
        %dma_wait3A_70 = arith.constant 0 : i32
        %dma_wait3A_71 = arith.constant 0 : i32
        %dma_wait3A_72 = tpu.memref_slice %arg6[%run_scoped3A_50, %dma_wait3A_70, %dma_wait3A_71] : memref<2x160000x128xf32, #tpu.memory_space<hbm>> -> memref<1x160000x128xf32, #tpu.memory_space<hbm>>
        %dma_wait3A_73 = tpu.memref_squeeze %dma_wait3A_72 : memref<1x160000x128xf32, #tpu.memory_space<hbm>> -> memref<160000x128xf32, #tpu.memory_space<hbm>>
        %dma_wait3A_74 = arith.constant 0 : i32
        %dma_wait3A_75 = tpu.memref_slice %dma_wait3A_73[%add3A_19, %dma_wait3A_74] : memref<160000x128xf32, #tpu.memory_space<hbm>> -> memref<200x128xf32, #tpu.memory_space<hbm>>
        tpu.wait_dma2 semaphore(%run_scoped3A_51 : memref<!tpu.dma_semaphore, #tpu.memory_space<semaphore_mem>>) src(%arg10 : memref<200x128xf32, #tpu.memory_space<vmem>>) dst(%dma_wait3A_75 : memref<200x128xf32, #tpu.memory_space<hbm>>)
        tpu.yield
      }) : () -> ()
    }
    %scan3A_6 = arith.constant 25 : i32
    %scan3A_7 = arith.constant 0 : i32
    %scan3A_8 = arith.constant 25 : i32
    %scan3A_9 = arith.addi %scan3A_7, %scan3A_8 : i32
    %scan3A_10 = arith.constant 1 : i32
    scf.for %scan3A_12 = %scan3A_7 to %scan3A_9 step %scan3A_10  : i32 {
      %mul3A_13 = arith.constant 1 : i32
      %mul3A_14 = arith.muli %scan3A_12, %mul3A_13 : i32
      %add3A_15 = arith.constant 0 : i32
      %add3A_16 = arith.addi %add3A_15, %mul3A_14 : i32
      %mul3A_17 = arith.constant 200 : i32
      %mul3A_18 = arith.muli %add3A_16, %mul3A_17 : i32
      %add3A_19 = arith.addi %mul3A_2, %mul3A_18 : i32
      "tpu.region"() ({
        %run_scoped3A_51 = tpu.sem_alloc : memref<!tpu.dma_semaphore, #tpu.memory_space<semaphore_mem>>
        %dma_start3A_52 = tpu.memref_slice %arg3[%add3A_19] : memref<160000xi32, #tpu.memory_space<hbm>> -> memref<200xi32, #tpu.memory_space<hbm>>
        %dma_start3A_53 = tpu.memref_slice %arg3[%add3A_19] : memref<160000xi32, #tpu.memory_space<hbm>> -> memref<200xi32, #tpu.memory_space<hbm>>
        tpu.enqueue_dma source(%dma_start3A_53 : memref<200xi32, #tpu.memory_space<hbm>>) target(%arg7 : memref<200xi32, #tpu.memory_space<vmem>>) target_semaphore(%run_scoped3A_51 : memref<!tpu.dma_semaphore, #tpu.memory_space<semaphore_mem>>)
        %dma_wait3A_54 = tpu.memref_slice %arg3[%add3A_19] : memref<160000xi32, #tpu.memory_space<hbm>> -> memref<200xi32, #tpu.memory_space<hbm>>
        %dma_wait3A_55 = tpu.memref_slice %arg3[%add3A_19] : memref<160000xi32, #tpu.memory_space<hbm>> -> memref<200xi32, #tpu.memory_space<hbm>>
        tpu.wait_dma2 semaphore(%run_scoped3A_51 : memref<!tpu.dma_semaphore, #tpu.memory_space<semaphore_mem>>) src(%dma_wait3A_55 : memref<200xi32, #tpu.memory_space<hbm>>) dst(%arg7 : memref<200xi32, #tpu.memory_space<vmem>>)
        tpu.yield
      }) : () -> ()
      "tpu.region"() ({
        %run_scoped3A_51 = tpu.sem_alloc : memref<!tpu.dma_semaphore, #tpu.memory_space<semaphore_mem>>
        %dma_start3A_52 = tpu.memref_slice %arg4[%add3A_19] : memref<160000xi32, #tpu.memory_space<hbm>> -> memref<200xi32, #tpu.memory_space<hbm>>
        %dma_start3A_53 = tpu.memref_slice %arg4[%add3A_19] : memref<160000xi32, #tpu.memory_space<hbm>> -> memref<200xi32, #tpu.memory_space<hbm>>
        tpu.enqueue_dma source(%dma_start3A_53 : memref<200xi32, #tpu.memory_space<hbm>>) target(%arg8 : memref<200xi32, #tpu.memory_space<vmem>>) target_semaphore(%run_scoped3A_51 : memref<!tpu.dma_semaphore, #tpu.memory_space<semaphore_mem>>)
        %dma_wait3A_54 = tpu.memref_slice %arg4[%add3A_19] : memref<160000xi32, #tpu.memory_space<hbm>> -> memref<200xi32, #tpu.memory_space<hbm>>
        %dma_wait3A_55 = tpu.memref_slice %arg4[%add3A_19] : memref<160000xi32, #tpu.memory_space<hbm>> -> memref<200xi32, #tpu.memory_space<hbm>>
        tpu.wait_dma2 semaphore(%run_scoped3A_51 : memref<!tpu.dma_semaphore, #tpu.memory_space<semaphore_mem>>) src(%dma_wait3A_55 : memref<200xi32, #tpu.memory_space<hbm>>) dst(%arg8 : memref<200xi32, #tpu.memory_space<vmem>>)
        tpu.yield
      }) : () -> ()
      %dma_start3A = arith.constant 1 : i32
      %dma_start3A_20 = arith.constant 0 : i32
      %dma_start3A_21 = arith.constant 0 : i32
      %dma_start3A_22 = tpu.memref_slice %arg2[%dma_start3A, %dma_start3A_20, %dma_start3A_21] : memref<2x10000x128xf32, #tpu.memory_space<hbm>> -> memref<1x10000x128xf32, #tpu.memory_space<hbm>>
      %dma_start3A_23 = tpu.memref_squeeze %dma_start3A_22 : memref<1x10000x128xf32, #tpu.memory_space<hbm>> -> memref<10000x128xf32, #tpu.memory_space<hbm>>
      %dma_start3A_24 = arith.constant 0 : i32
      %dma_start3A_25 = arith.constant 0 : i32
      %dma_start3A_26 = tpu.memref_slice %dma_start3A_23[%dma_start3A_24, %dma_start3A_25] : memref<10000x128xf32, #tpu.memory_space<hbm>> -> memref<10000x128xf32, #tpu.memory_space<hbm>>
      tpu.enqueue_indirect_dma source(%dma_start3A_26 : memref<10000x128xf32, #tpu.memory_space<hbm>>) target(%arg9 : memref<200x128xf32, #tpu.memory_space<vmem>>) offsets(%arg7 : memref<200xi32, #tpu.memory_space<vmem>>) semaphore(%arg11 : memref<!tpu.dma_semaphore, #tpu.memory_space<semaphore_mem>>)
      %dma_start3A_27 = arith.constant 1 : i32
      %dma_start3A_28 = arith.constant 0 : i32
      %dma_start3A_29 = arith.constant 0 : i32
      %dma_start3A_30 = tpu.memref_slice %arg2[%dma_start3A_27, %dma_start3A_28, %dma_start3A_29] : memref<2x10000x128xf32, #tpu.memory_space<hbm>> -> memref<1x10000x128xf32, #tpu.memory_space<hbm>>
      %dma_start3A_31 = tpu.memref_squeeze %dma_start3A_30 : memref<1x10000x128xf32, #tpu.memory_space<hbm>> -> memref<10000x128xf32, #tpu.memory_space<hbm>>
      %dma_start3A_32 = arith.constant 0 : i32
      %dma_start3A_33 = arith.constant 0 : i32
      %dma_start3A_34 = tpu.memref_slice %dma_start3A_31[%dma_start3A_32, %dma_start3A_33] : memref<10000x128xf32, #tpu.memory_space<hbm>> -> memref<10000x128xf32, #tpu.memory_space<hbm>>
      tpu.enqueue_indirect_dma source(%dma_start3A_34 : memref<10000x128xf32, #tpu.memory_space<hbm>>) target(%arg10 : memref<200x128xf32, #tpu.memory_space<vmem>>) offsets(%arg8 : memref<200xi32, #tpu.memory_space<vmem>>) semaphore(%arg12 : memref<!tpu.dma_semaphore, #tpu.memory_space<semaphore_mem>>)
      %dma_wait3A = arith.constant 1 : i32
      %dma_wait3A_35 = arith.constant 0 : i32
      %dma_wait3A_36 = arith.constant 0 : i32
      %dma_wait3A_37 = tpu.memref_slice %arg2[%dma_wait3A, %dma_wait3A_35, %dma_wait3A_36] : memref<2x10000x128xf32, #tpu.memory_space<hbm>> -> memref<1x10000x128xf32, #tpu.memory_space<hbm>>
      %dma_wait3A_38 = tpu.memref_squeeze %dma_wait3A_37 : memref<1x10000x128xf32, #tpu.memory_space<hbm>> -> memref<10000x128xf32, #tpu.memory_space<hbm>>
      %dma_wait3A_39 = arith.constant 0 : i32
      %dma_wait3A_40 = arith.constant 0 : i32
      %dma_wait3A_41 = tpu.memref_slice %dma_wait3A_38[%dma_wait3A_39, %dma_wait3A_40] : memref<10000x128xf32, #tpu.memory_space<hbm>> -> memref<10000x128xf32, #tpu.memory_space<hbm>>
      tpu.wait_indirect_dma semaphore(%arg11 : memref<!tpu.dma_semaphore, #tpu.memory_space<semaphore_mem>>) src(%dma_wait3A_41 : memref<10000x128xf32, #tpu.memory_space<hbm>>) dst(%arg9 : memref<200x128xf32, #tpu.memory_space<vmem>>)
      %dma_wait3A_42 = arith.constant 1 : i32
      %dma_wait3A_43 = arith.constant 0 : i32
      %dma_wait3A_44 = arith.constant 0 : i32
      %dma_wait3A_45 = tpu.memref_slice %arg2[%dma_wait3A_42, %dma_wait3A_43, %dma_wait3A_44] : memref<2x10000x128xf32, #tpu.memory_space<hbm>> -> memref<1x10000x128xf32, #tpu.memory_space<hbm>>
      %dma_wait3A_46 = tpu.memref_squeeze %dma_wait3A_45 : memref<1x10000x128xf32, #tpu.memory_space<hbm>> -> memref<10000x128xf32, #tpu.memory_space<hbm>>
      %dma_wait3A_47 = arith.constant 0 : i32
      %dma_wait3A_48 = arith.constant 0 : i32
      %dma_wait3A_49 = tpu.memref_slice %dma_wait3A_46[%dma_wait3A_47, %dma_wait3A_48] : memref<10000x128xf32, #tpu.memory_space<hbm>> -> memref<10000x128xf32, #tpu.memory_space<hbm>>
      tpu.wait_indirect_dma semaphore(%arg12 : memref<!tpu.dma_semaphore, #tpu.memory_space<semaphore_mem>>) src(%dma_wait3A_49 : memref<10000x128xf32, #tpu.memory_space<hbm>>) dst(%arg10 : memref<200x128xf32, #tpu.memory_space<vmem>>)
      %run_scoped3A = arith.constant 1 : i32
      "tpu.region"() ({
        %run_scoped3A_51 = tpu.sem_alloc : memref<!tpu.dma_semaphore, #tpu.memory_space<semaphore_mem>>
        %dma_start3A_52 = arith.constant 0 : i32
        %dma_start3A_53 = arith.constant 0 : i32
        %dma_start3A_54 = tpu.memref_slice %arg5[%run_scoped3A, %dma_start3A_52, %dma_start3A_53] : memref<2x160000x128xf32, #tpu.memory_space<hbm>> -> memref<1x160000x128xf32, #tpu.memory_space<hbm>>
        %dma_start3A_55 = tpu.memref_squeeze %dma_start3A_54 : memref<1x160000x128xf32, #tpu.memory_space<hbm>> -> memref<160000x128xf32, #tpu.memory_space<hbm>>
        %dma_start3A_56 = arith.constant 0 : i32
        %dma_start3A_57 = tpu.memref_slice %dma_start3A_55[%add3A_19, %dma_start3A_56] : memref<160000x128xf32, #tpu.memory_space<hbm>> -> memref<200x128xf32, #tpu.memory_space<hbm>>
        %dma_start3A_58 = arith.constant 0 : i32
        %dma_start3A_59 = arith.constant 0 : i32
        %dma_start3A_60 = tpu.memref_slice %arg5[%run_scoped3A, %dma_start3A_58, %dma_start3A_59] : memref<2x160000x128xf32, #tpu.memory_space<hbm>> -> memref<1x160000x128xf32, #tpu.memory_space<hbm>>
        %dma_start3A_61 = tpu.memref_squeeze %dma_start3A_60 : memref<1x160000x128xf32, #tpu.memory_space<hbm>> -> memref<160000x128xf32, #tpu.memory_space<hbm>>
        %dma_start3A_62 = arith.constant 0 : i32
        %dma_start3A_63 = tpu.memref_slice %dma_start3A_61[%add3A_19, %dma_start3A_62] : memref<160000x128xf32, #tpu.memory_space<hbm>> -> memref<200x128xf32, #tpu.memory_space<hbm>>
        tpu.enqueue_dma source(%arg9 : memref<200x128xf32, #tpu.memory_space<vmem>>) target(%dma_start3A_63 : memref<200x128xf32, #tpu.memory_space<hbm>>) target_semaphore(%run_scoped3A_51 : memref<!tpu.dma_semaphore, #tpu.memory_space<semaphore_mem>>)
        %dma_wait3A_64 = arith.constant 0 : i32
        %dma_wait3A_65 = arith.constant 0 : i32
        %dma_wait3A_66 = tpu.memref_slice %arg5[%run_scoped3A, %dma_wait3A_64, %dma_wait3A_65] : memref<2x160000x128xf32, #tpu.memory_space<hbm>> -> memref<1x160000x128xf32, #tpu.memory_space<hbm>>
        %dma_wait3A_67 = tpu.memref_squeeze %dma_wait3A_66 : memref<1x160000x128xf32, #tpu.memory_space<hbm>> -> memref<160000x128xf32, #tpu.memory_space<hbm>>
        %dma_wait3A_68 = arith.constant 0 : i32
        %dma_wait3A_69 = tpu.memref_slice %dma_wait3A_67[%add3A_19, %dma_wait3A_68] : memref<160000x128xf32, #tpu.memory_space<hbm>> -> memref<200x128xf32, #tpu.memory_space<hbm>>
        %dma_wait3A_70 = arith.constant 0 : i32
        %dma_wait3A_71 = arith.constant 0 : i32
        %dma_wait3A_72 = tpu.memref_slice %arg5[%run_scoped3A, %dma_wait3A_70, %dma_wait3A_71] : memref<2x160000x128xf32, #tpu.memory_space<hbm>> -> memref<1x160000x128xf32, #tpu.memory_space<hbm>>
        %dma_wait3A_73 = tpu.memref_squeeze %dma_wait3A_72 : memref<1x160000x128xf32, #tpu.memory_space<hbm>> -> memref<160000x128xf32, #tpu.memory_space<hbm>>
        %dma_wait3A_74 = arith.constant 0 : i32
        %dma_wait3A_75 = tpu.memref_slice %dma_wait3A_73[%add3A_19, %dma_wait3A_74] : memref<160000x128xf32, #tpu.memory_space<hbm>> -> memref<200x128xf32, #tpu.memory_space<hbm>>
        tpu.wait_dma2 semaphore(%run_scoped3A_51 : memref<!tpu.dma_semaphore, #tpu.memory_space<semaphore_mem>>) src(%arg9 : memref<200x128xf32, #tpu.memory_space<vmem>>) dst(%dma_wait3A_75 : memref<200x128xf32, #tpu.memory_space<hbm>>)
        tpu.yield
      }) : () -> ()
      %run_scoped3A_50 = arith.constant 1 : i32
      "tpu.region"() ({
        %run_scoped3A_51 = tpu.sem_alloc : memref<!tpu.dma_semaphore, #tpu.memory_space<semaphore_mem>>
        %dma_start3A_52 = arith.constant 0 : i32
        %dma_start3A_53 = arith.constant 0 : i32
        %dma_start3A_54 = tpu.memref_slice %arg6[%run_scoped3A_50, %dma_start3A_52, %dma_start3A_53] : memref<2x160000x128xf32, #tpu.memory_space<hbm>> -> memref<1x160000x128xf32, #tpu.memory_space<hbm>>
        %dma_start3A_55 = tpu.memref_squeeze %dma_start3A_54 : memref<1x160000x128xf32, #tpu.memory_space<hbm>> -> memref<160000x128xf32, #tpu.memory_space<hbm>>
        %dma_start3A_56 = arith.constant 0 : i32
        %dma_start3A_57 = tpu.memref_slice %dma_start3A_55[%add3A_19, %dma_start3A_56] : memref<160000x128xf32, #tpu.memory_space<hbm>> -> memref<200x128xf32, #tpu.memory_space<hbm>>
        %dma_start3A_58 = arith.constant 0 : i32
        %dma_start3A_59 = arith.constant 0 : i32
        %dma_start3A_60 = tpu.memref_slice %arg6[%run_scoped3A_50, %dma_start3A_58, %dma_start3A_59] : memref<2x160000x128xf32, #tpu.memory_space<hbm>> -> memref<1x160000x128xf32, #tpu.memory_space<hbm>>
        %dma_start3A_61 = tpu.memref_squeeze %dma_start3A_60 : memref<1x160000x128xf32, #tpu.memory_space<hbm>> -> memref<160000x128xf32, #tpu.memory_space<hbm>>
        %dma_start3A_62 = arith.constant 0 : i32
        %dma_start3A_63 = tpu.memref_slice %dma_start3A_61[%add3A_19, %dma_start3A_62] : memref<160000x128xf32, #tpu.memory_space<hbm>> -> memref<200x128xf32, #tpu.memory_space<hbm>>
        tpu.enqueue_dma source(%arg10 : memref<200x128xf32, #tpu.memory_space<vmem>>) target(%dma_start3A_63 : memref<200x128xf32, #tpu.memory_space<hbm>>) target_semaphore(%run_scoped3A_51 : memref<!tpu.dma_semaphore, #tpu.memory_space<semaphore_mem>>)
        %dma_wait3A_64 = arith.constant 0 : i32
        %dma_wait3A_65 = arith.constant 0 : i32
        %dma_wait3A_66 = tpu.memref_slice %arg6[%run_scoped3A_50, %dma_wait3A_64, %dma_wait3A_65] : memref<2x160000x128xf32, #tpu.memory_space<hbm>> -> memref<1x160000x128xf32, #tpu.memory_space<hbm>>
        %dma_wait3A_67 = tpu.memref_squeeze %dma_wait3A_66 : memref<1x160000x128xf32, #tpu.memory_space<hbm>> -> memref<160000x128xf32, #tpu.memory_space<hbm>>
        %dma_wait3A_68 = arith.constant 0 : i32
        %dma_wait3A_69 = tpu.memref_slice %dma_wait3A_67[%add3A_19, %dma_wait3A_68] : memref<160000x128xf32, #tpu.memory_space<hbm>> -> memref<200x128xf32, #tpu.memory_space<hbm>>
        %dma_wait3A_70 = arith.constant 0 : i32
        %dma_wait3A_71 = arith.constant 0 : i32
        %dma_wait3A_72 = tpu.memref_slice %arg6[%run_scoped3A_50, %dma_wait3A_70, %dma_wait3A_71] : memref<2x160000x128xf32, #tpu.memory_space<hbm>> -> memref<1x160000x128xf32, #tpu.memory_space<hbm>>
        %dma_wait3A_73 = tpu.memref_squeeze %dma_wait3A_72 : memref<1x160000x128xf32, #tpu.memory_space<hbm>> -> memref<160000x128xf32, #tpu.memory_space<hbm>>
        %dma_wait3A_74 = arith.constant 0 : i32
        %dma_wait3A_75 = tpu.memref_slice %dma_wait3A_73[%add3A_19, %dma_wait3A_74] : memref<160000x128xf32, #tpu.memory_space<hbm>> -> memref<200x128xf32, #tpu.memory_space<hbm>>
        tpu.wait_dma2 semaphore(%run_scoped3A_51 : memref<!tpu.dma_semaphore, #tpu.memory_space<semaphore_mem>>) src(%arg10 : memref<200x128xf32, #tpu.memory_space<vmem>>) dst(%dma_wait3A_75 : memref<200x128xf32, #tpu.memory_space<hbm>>)
        tpu.yield
      }) : () -> ()
    }
    %scan3A_11 = arith.constant 25 : i32
    return
  }
}

#map = affine_map<(d0, d1) -> (0, 0)>
#map1 = affine_map<(d0, d1) -> (0)>
#map2 = affine_map<(d0, d1) -> (0, 0, 0)>
module attributes {stable_mosaic.version = 14 : i64} {
  func.func @k(%arg0: i32, %arg1: i32, %arg2: memref<160000x128xf32, #tpu.memory_space<hbm>>, %arg3: memref<160000xi32, #tpu.memory_space<hbm>>, %arg4: memref<10000x128xf32, #tpu.memory_space<hbm>>, %arg5: memref<2x10000x128xf32, #tpu.memory_space<hbm>>, %arg6: memref<200xi32, #tpu.memory_space<vmem>>, %arg7: memref<200x128xf32, #tpu.memory_space<vmem>>, %arg8: memref<10000x128xf32, #tpu.memory_space<vmem_shared>>) attributes {dimension_semantics = [#tpu.dimension_semantics<core_parallel>, #tpu.dimension_semantics<subcore_parallel>], iteration_bounds = array<i64: 2, 16>, scalar_prefetch = 0 : i64, scratch_operands = 3 : i64, tpu.core_type = #tpu.core_type<sc_vector_subcore>, window_params = [{transform_indices = #map}, {transform_indices = #map1}, {transform_indices = #map}, {transform_indices = #map2}]} {
    %mul3A = arith.constant 2 : i32
    %mul3A_0 = arith.muli %arg1, %mul3A : i32
    %add3A = arith.addi %mul3A_0, %arg0 : i32
    %mul3A_1 = arith.constant 5000 : i32
    %mul3A_2 = arith.muli %add3A, %mul3A_1 : i32
    %eq3A = arith.constant 0 : i32
    %eq3A_3 = arith.cmpi eq, %arg1, %eq3A : i32
    %convert_element_type3A = arith.extui %eq3A_3 : i1 to i32
    %cond3A = arith.constant 0 : i32
    %cond3A_4 = arith.cmpi ne, %convert_element_type3A, %cond3A : i32
    scf.if %cond3A_4 {
      "tpu.region"() ({
        %run_scoped3A = tpu.sem_alloc : memref<!tpu.dma_semaphore, #tpu.memory_space<semaphore_mem>>
        tpu.enqueue_dma source(%arg4 : memref<10000x128xf32, #tpu.memory_space<hbm>>) target(%arg8 : memref<10000x128xf32, #tpu.memory_space<vmem_shared>>) target_semaphore(%run_scoped3A : memref<!tpu.dma_semaphore, #tpu.memory_space<semaphore_mem>>)
        tpu.wait_dma2 semaphore(%run_scoped3A : memref<!tpu.dma_semaphore, #tpu.memory_space<semaphore_mem>>) src(%arg4 : memref<10000x128xf32, #tpu.memory_space<hbm>>) dst(%arg8 : memref<10000x128xf32, #tpu.memory_space<vmem_shared>>)
        tpu.yield
      }) : () -> ()
    } else {
    }
    %barrier3A = arith.constant 0 : index
    tpu.barrier barrier_id(%barrier3A)
    %scan3A = arith.constant 0 : i32
    %scan3A_5 = arith.constant 25 : i32
    %scan3A_6 = arith.addi %scan3A, %scan3A_5 : i32
    %scan3A_7 = arith.constant 1 : i32
    scf.for %scan3A_15 = %scan3A to %scan3A_6 step %scan3A_7  : i32 {
      %mul3A_16 = arith.constant 1 : i32
      %mul3A_17 = arith.muli %scan3A_15, %mul3A_16 : i32
      %add3A_18 = arith.constant 0 : i32
      %add3A_19 = arith.addi %add3A_18, %mul3A_17 : i32
      %mul3A_20 = arith.constant 200 : i32
      %mul3A_21 = arith.muli %add3A_19, %mul3A_20 : i32
      %add3A_22 = arith.addi %mul3A_2, %mul3A_21 : i32
      "tpu.region"() ({
        %run_scoped3A = tpu.sem_alloc : memref<!tpu.dma_semaphore, #tpu.memory_space<semaphore_mem>>
        %dma_start3A = tpu.memref_slice %arg3[%add3A_22] : memref<160000xi32, #tpu.memory_space<hbm>> -> memref<200xi32, #tpu.memory_space<hbm>>
        %dma_start3A_23 = tpu.memref_slice %arg3[%add3A_22] : memref<160000xi32, #tpu.memory_space<hbm>> -> memref<200xi32, #tpu.memory_space<hbm>>
        tpu.enqueue_dma source(%dma_start3A_23 : memref<200xi32, #tpu.memory_space<hbm>>) target(%arg6 : memref<200xi32, #tpu.memory_space<vmem>>) target_semaphore(%run_scoped3A : memref<!tpu.dma_semaphore, #tpu.memory_space<semaphore_mem>>)
        %dma_wait3A = tpu.memref_slice %arg3[%add3A_22] : memref<160000xi32, #tpu.memory_space<hbm>> -> memref<200xi32, #tpu.memory_space<hbm>>
        %dma_wait3A_24 = tpu.memref_slice %arg3[%add3A_22] : memref<160000xi32, #tpu.memory_space<hbm>> -> memref<200xi32, #tpu.memory_space<hbm>>
        tpu.wait_dma2 semaphore(%run_scoped3A : memref<!tpu.dma_semaphore, #tpu.memory_space<semaphore_mem>>) src(%dma_wait3A_24 : memref<200xi32, #tpu.memory_space<hbm>>) dst(%arg6 : memref<200xi32, #tpu.memory_space<vmem>>)
        tpu.yield
      }) : () -> ()
      "tpu.region"() ({
        %run_scoped3A = tpu.sem_alloc : memref<!tpu.dma_semaphore, #tpu.memory_space<semaphore_mem>>
        %dma_start3A = arith.constant 0 : i32
        %dma_start3A_23 = tpu.memref_slice %arg2[%add3A_22, %dma_start3A] : memref<160000x128xf32, #tpu.memory_space<hbm>> -> memref<200x128xf32, #tpu.memory_space<hbm>>
        %dma_start3A_24 = arith.constant 0 : i32
        %dma_start3A_25 = tpu.memref_slice %arg2[%add3A_22, %dma_start3A_24] : memref<160000x128xf32, #tpu.memory_space<hbm>> -> memref<200x128xf32, #tpu.memory_space<hbm>>
        tpu.enqueue_dma source(%dma_start3A_25 : memref<200x128xf32, #tpu.memory_space<hbm>>) target(%arg7 : memref<200x128xf32, #tpu.memory_space<vmem>>) target_semaphore(%run_scoped3A : memref<!tpu.dma_semaphore, #tpu.memory_space<semaphore_mem>>)
        %dma_wait3A = arith.constant 0 : i32
        %dma_wait3A_26 = tpu.memref_slice %arg2[%add3A_22, %dma_wait3A] : memref<160000x128xf32, #tpu.memory_space<hbm>> -> memref<200x128xf32, #tpu.memory_space<hbm>>
        %dma_wait3A_27 = arith.constant 0 : i32
        %dma_wait3A_28 = tpu.memref_slice %arg2[%add3A_22, %dma_wait3A_27] : memref<160000x128xf32, #tpu.memory_space<hbm>> -> memref<200x128xf32, #tpu.memory_space<hbm>>
        tpu.wait_dma2 semaphore(%run_scoped3A : memref<!tpu.dma_semaphore, #tpu.memory_space<semaphore_mem>>) src(%dma_wait3A_28 : memref<200x128xf32, #tpu.memory_space<hbm>>) dst(%arg7 : memref<200x128xf32, #tpu.memory_space<vmem>>)
        tpu.yield
      }) : () -> ()
      "tpu.region"() ({
        %run_scoped3A = tpu.sem_alloc : memref<!tpu.dma_semaphore, #tpu.memory_space<semaphore_mem>>
        %dma_start3A = arith.constant 0 : i32
        %dma_start3A_23 = arith.constant 0 : i32
        %dma_start3A_24 = tpu.memref_slice %arg8[%dma_start3A, %dma_start3A_23] : memref<10000x128xf32, #tpu.memory_space<vmem_shared>> -> memref<10000x128xf32, #tpu.memory_space<vmem_shared>>
        tpu.enqueue_indirect_dma source(%arg7 : memref<200x128xf32, #tpu.memory_space<vmem>>) target(%dma_start3A_24 : memref<10000x128xf32, #tpu.memory_space<vmem_shared>>) offsets(%arg6 : memref<200xi32, #tpu.memory_space<vmem>>) semaphore(%run_scoped3A : memref<!tpu.dma_semaphore, #tpu.memory_space<semaphore_mem>>) {add = true}
        %dma_wait3A = arith.constant 0 : i32
        %dma_wait3A_25 = arith.constant 0 : i32
        %dma_wait3A_26 = tpu.memref_slice %arg8[%dma_wait3A, %dma_wait3A_25] : memref<10000x128xf32, #tpu.memory_space<vmem_shared>> -> memref<10000x128xf32, #tpu.memory_space<vmem_shared>>
        tpu.wait_indirect_dma semaphore(%run_scoped3A : memref<!tpu.dma_semaphore, #tpu.memory_space<semaphore_mem>>) src(%arg7 : memref<200x128xf32, #tpu.memory_space<vmem>>) dst(%dma_wait3A_26 : memref<10000x128xf32, #tpu.memory_space<vmem_shared>>)
        tpu.yield
      }) : () -> ()
    }
    %scan3A_8 = arith.constant 25 : i32
    %barrier3A_9 = arith.constant 0 : index
    tpu.barrier barrier_id(%barrier3A_9)
    %eq3A_10 = arith.constant 0 : i32
    %eq3A_11 = arith.cmpi eq, %arg1, %eq3A_10 : i32
    %convert_element_type3A_12 = arith.extui %eq3A_11 : i1 to i32
    %cond3A_13 = arith.constant 0 : i32
    %cond3A_14 = arith.cmpi ne, %convert_element_type3A_12, %cond3A_13 : i32
    scf.if %cond3A_14 {
      "tpu.region"() ({
        %run_scoped3A = tpu.sem_alloc : memref<!tpu.dma_semaphore, #tpu.memory_space<semaphore_mem>>
        %dma_start3A = arith.constant 0 : i32
        %dma_start3A_15 = arith.constant 0 : i32
        %dma_start3A_16 = tpu.memref_slice %arg5[%arg0, %dma_start3A, %dma_start3A_15] : memref<2x10000x128xf32, #tpu.memory_space<hbm>> -> memref<1x10000x128xf32, #tpu.memory_space<hbm>>
        %dma_start3A_17 = tpu.memref_squeeze %dma_start3A_16 : memref<1x10000x128xf32, #tpu.memory_space<hbm>> -> memref<10000x128xf32, #tpu.memory_space<hbm>>
        tpu.enqueue_dma source(%arg8 : memref<10000x128xf32, #tpu.memory_space<vmem_shared>>) target(%dma_start3A_17 : memref<10000x128xf32, #tpu.memory_space<hbm>>) target_semaphore(%run_scoped3A : memref<!tpu.dma_semaphore, #tpu.memory_space<semaphore_mem>>)
        %dma_wait3A = arith.constant 0 : i32
        %dma_wait3A_18 = arith.constant 0 : i32
        %dma_wait3A_19 = tpu.memref_slice %arg5[%arg0, %dma_wait3A, %dma_wait3A_18] : memref<2x10000x128xf32, #tpu.memory_space<hbm>> -> memref<1x10000x128xf32, #tpu.memory_space<hbm>>
        %dma_wait3A_20 = tpu.memref_squeeze %dma_wait3A_19 : memref<1x10000x128xf32, #tpu.memory_space<hbm>> -> memref<10000x128xf32, #tpu.memory_space<hbm>>
        tpu.wait_dma2 semaphore(%run_scoped3A : memref<!tpu.dma_semaphore, #tpu.memory_space<semaphore_mem>>) src(%arg8 : memref<10000x128xf32, #tpu.memory_space<vmem_shared>>) dst(%dma_wait3A_20 : memref<10000x128xf32, #tpu.memory_space<hbm>>)
        tpu.yield
      }) : () -> ()
    } else {
    }
    return
  }
}

#map = affine_map<(d0, d1) -> (0, 0)>
#map1 = affine_map<(d0, d1) -> (0)>
#map2 = affine_map<(d0, d1) -> (0, 0, 0)>
module attributes {stable_mosaic.version = 14 : i64} {
  func.func @k(%arg0: i32, %arg1: i32, %arg2: memref<160000x128xf32, #tpu.memory_space<hbm>>, %arg3: memref<160000xi32, #tpu.memory_space<hbm>>, %arg4: memref<10000x128xf32, #tpu.memory_space<hbm>>, %arg5: memref<2x10000x128xf32, #tpu.memory_space<hbm>>, %arg6: memref<200xi32, #tpu.memory_space<vmem>>, %arg7: memref<200x128xf32, #tpu.memory_space<vmem>>, %arg8: memref<10000x128xf32, #tpu.memory_space<vmem_shared>>) attributes {dimension_semantics = [#tpu.dimension_semantics<core_parallel>, #tpu.dimension_semantics<subcore_parallel>], iteration_bounds = array<i64: 2, 16>, scalar_prefetch = 0 : i64, scratch_operands = 3 : i64, tpu.core_type = #tpu.core_type<sc_vector_subcore>, window_params = [{transform_indices = #map}, {transform_indices = #map1}, {transform_indices = #map}, {transform_indices = #map2}]} {
    %mul3A = arith.constant 2 : i32
    %mul3A_0 = arith.muli %arg1, %mul3A : i32
    %add3A = arith.addi %mul3A_0, %arg0 : i32
    %mul3A_1 = arith.constant 5000 : i32
    %mul3A_2 = arith.muli %add3A, %mul3A_1 : i32
    %eq3A = arith.constant 0 : i32
    %eq3A_3 = arith.cmpi eq, %arg1, %eq3A : i32
    %convert_element_type3A = arith.extui %eq3A_3 : i1 to i32
    %cond3A = arith.constant 0 : i32
    %cond3A_4 = arith.cmpi ne, %convert_element_type3A, %cond3A : i32
    scf.if %cond3A_4 {
      "tpu.region"() ({
        %run_scoped3A = tpu.sem_alloc : memref<!tpu.dma_semaphore, #tpu.memory_space<semaphore_mem>>
        tpu.enqueue_dma source(%arg4 : memref<10000x128xf32, #tpu.memory_space<hbm>>) target(%arg8 : memref<10000x128xf32, #tpu.memory_space<vmem_shared>>) target_semaphore(%run_scoped3A : memref<!tpu.dma_semaphore, #tpu.memory_space<semaphore_mem>>)
        tpu.wait_dma2 semaphore(%run_scoped3A : memref<!tpu.dma_semaphore, #tpu.memory_space<semaphore_mem>>) src(%arg4 : memref<10000x128xf32, #tpu.memory_space<hbm>>) dst(%arg8 : memref<10000x128xf32, #tpu.memory_space<vmem_shared>>)
        tpu.yield
      }) : () -> ()
    } else {
    }
    %barrier3A = arith.constant 0 : index
    tpu.barrier barrier_id(%barrier3A)
    %scan3A = arith.constant 0 : i32
    %scan3A_5 = arith.constant 25 : i32
    %scan3A_6 = arith.addi %scan3A, %scan3A_5 : i32
    %scan3A_7 = arith.constant 1 : i32
    scf.for %scan3A_15 = %scan3A to %scan3A_6 step %scan3A_7  : i32 {
      %mul3A_16 = arith.constant 1 : i32
      %mul3A_17 = arith.muli %scan3A_15, %mul3A_16 : i32
      %add3A_18 = arith.constant 0 : i32
      %add3A_19 = arith.addi %add3A_18, %mul3A_17 : i32
      %mul3A_20 = arith.constant 200 : i32
      %mul3A_21 = arith.muli %add3A_19, %mul3A_20 : i32
      %add3A_22 = arith.addi %mul3A_2, %mul3A_21 : i32
      "tpu.region"() ({
        %run_scoped3A = tpu.sem_alloc : memref<!tpu.dma_semaphore, #tpu.memory_space<semaphore_mem>>
        %dma_start3A = tpu.memref_slice %arg3[%add3A_22] : memref<160000xi32, #tpu.memory_space<hbm>> -> memref<200xi32, #tpu.memory_space<hbm>>
        %dma_start3A_23 = tpu.memref_slice %arg3[%add3A_22] : memref<160000xi32, #tpu.memory_space<hbm>> -> memref<200xi32, #tpu.memory_space<hbm>>
        tpu.enqueue_dma source(%dma_start3A_23 : memref<200xi32, #tpu.memory_space<hbm>>) target(%arg6 : memref<200xi32, #tpu.memory_space<vmem>>) target_semaphore(%run_scoped3A : memref<!tpu.dma_semaphore, #tpu.memory_space<semaphore_mem>>)
        %dma_wait3A = tpu.memref_slice %arg3[%add3A_22] : memref<160000xi32, #tpu.memory_space<hbm>> -> memref<200xi32, #tpu.memory_space<hbm>>
        %dma_wait3A_24 = tpu.memref_slice %arg3[%add3A_22] : memref<160000xi32, #tpu.memory_space<hbm>> -> memref<200xi32, #tpu.memory_space<hbm>>
        tpu.wait_dma2 semaphore(%run_scoped3A : memref<!tpu.dma_semaphore, #tpu.memory_space<semaphore_mem>>) src(%dma_wait3A_24 : memref<200xi32, #tpu.memory_space<hbm>>) dst(%arg6 : memref<200xi32, #tpu.memory_space<vmem>>)
        tpu.yield
      }) : () -> ()
      "tpu.region"() ({
        %run_scoped3A = tpu.sem_alloc : memref<!tpu.dma_semaphore, #tpu.memory_space<semaphore_mem>>
        %dma_start3A = arith.constant 0 : i32
        %dma_start3A_23 = tpu.memref_slice %arg2[%add3A_22, %dma_start3A] : memref<160000x128xf32, #tpu.memory_space<hbm>> -> memref<200x128xf32, #tpu.memory_space<hbm>>
        %dma_start3A_24 = arith.constant 0 : i32
        %dma_start3A_25 = tpu.memref_slice %arg2[%add3A_22, %dma_start3A_24] : memref<160000x128xf32, #tpu.memory_space<hbm>> -> memref<200x128xf32, #tpu.memory_space<hbm>>
        tpu.enqueue_dma source(%dma_start3A_25 : memref<200x128xf32, #tpu.memory_space<hbm>>) target(%arg7 : memref<200x128xf32, #tpu.memory_space<vmem>>) target_semaphore(%run_scoped3A : memref<!tpu.dma_semaphore, #tpu.memory_space<semaphore_mem>>)
        %dma_wait3A = arith.constant 0 : i32
        %dma_wait3A_26 = tpu.memref_slice %arg2[%add3A_22, %dma_wait3A] : memref<160000x128xf32, #tpu.memory_space<hbm>> -> memref<200x128xf32, #tpu.memory_space<hbm>>
        %dma_wait3A_27 = arith.constant 0 : i32
        %dma_wait3A_28 = tpu.memref_slice %arg2[%add3A_22, %dma_wait3A_27] : memref<160000x128xf32, #tpu.memory_space<hbm>> -> memref<200x128xf32, #tpu.memory_space<hbm>>
        tpu.wait_dma2 semaphore(%run_scoped3A : memref<!tpu.dma_semaphore, #tpu.memory_space<semaphore_mem>>) src(%dma_wait3A_28 : memref<200x128xf32, #tpu.memory_space<hbm>>) dst(%arg7 : memref<200x128xf32, #tpu.memory_space<vmem>>)
        tpu.yield
      }) : () -> ()
      "tpu.region"() ({
        %run_scoped3A = tpu.sem_alloc : memref<!tpu.dma_semaphore, #tpu.memory_space<semaphore_mem>>
        %dma_start3A = arith.constant 0 : i32
        %dma_start3A_23 = arith.constant 0 : i32
        %dma_start3A_24 = tpu.memref_slice %arg8[%dma_start3A, %dma_start3A_23] : memref<10000x128xf32, #tpu.memory_space<vmem_shared>> -> memref<10000x128xf32, #tpu.memory_space<vmem_shared>>
        tpu.enqueue_indirect_dma source(%arg7 : memref<200x128xf32, #tpu.memory_space<vmem>>) target(%dma_start3A_24 : memref<10000x128xf32, #tpu.memory_space<vmem_shared>>) offsets(%arg6 : memref<200xi32, #tpu.memory_space<vmem>>) semaphore(%run_scoped3A : memref<!tpu.dma_semaphore, #tpu.memory_space<semaphore_mem>>) {add = true}
        %dma_wait3A = arith.constant 0 : i32
        %dma_wait3A_25 = arith.constant 0 : i32
        %dma_wait3A_26 = tpu.memref_slice %arg8[%dma_wait3A, %dma_wait3A_25] : memref<10000x128xf32, #tpu.memory_space<vmem_shared>> -> memref<10000x128xf32, #tpu.memory_space<vmem_shared>>
        tpu.wait_indirect_dma semaphore(%run_scoped3A : memref<!tpu.dma_semaphore, #tpu.memory_space<semaphore_mem>>) src(%arg7 : memref<200x128xf32, #tpu.memory_space<vmem>>) dst(%dma_wait3A_26 : memref<10000x128xf32, #tpu.memory_space<vmem_shared>>)
        tpu.yield
      }) : () -> ()
    }
    %scan3A_8 = arith.constant 25 : i32
    %barrier3A_9 = arith.constant 0 : index
    tpu.barrier barrier_id(%barrier3A_9)
    %eq3A_10 = arith.constant 0 : i32
    %eq3A_11 = arith.cmpi eq, %arg1, %eq3A_10 : i32
    %convert_element_type3A_12 = arith.extui %eq3A_11 : i1 to i32
    %cond3A_13 = arith.constant 0 : i32
    %cond3A_14 = arith.cmpi ne, %convert_element_type3A_12, %cond3A_13 : i32
    scf.if %cond3A_14 {
      "tpu.region"() ({
        %run_scoped3A = tpu.sem_alloc : memref<!tpu.dma_semaphore, #tpu.memory_space<semaphore_mem>>
        %dma_start3A = arith.constant 0 : i32
        %dma_start3A_15 = arith.constant 0 : i32
        %dma_start3A_16 = tpu.memref_slice %arg5[%arg0, %dma_start3A, %dma_start3A_15] : memref<2x10000x128xf32, #tpu.memory_space<hbm>> -> memref<1x10000x128xf32, #tpu.memory_space<hbm>>
        %dma_start3A_17 = tpu.memref_squeeze %dma_start3A_16 : memref<1x10000x128xf32, #tpu.memory_space<hbm>> -> memref<10000x128xf32, #tpu.memory_space<hbm>>
        tpu.enqueue_dma source(%arg8 : memref<10000x128xf32, #tpu.memory_space<vmem_shared>>) target(%dma_start3A_17 : memref<10000x128xf32, #tpu.memory_space<hbm>>) target_semaphore(%run_scoped3A : memref<!tpu.dma_semaphore, #tpu.memory_space<semaphore_mem>>)
        %dma_wait3A = arith.constant 0 : i32
        %dma_wait3A_18 = arith.constant 0 : i32
        %dma_wait3A_19 = tpu.memref_slice %arg5[%arg0, %dma_wait3A, %dma_wait3A_18] : memref<2x10000x128xf32, #tpu.memory_space<hbm>> -> memref<1x10000x128xf32, #tpu.memory_space<hbm>>
        %dma_wait3A_20 = tpu.memref_squeeze %dma_wait3A_19 : memref<1x10000x128xf32, #tpu.memory_space<hbm>> -> memref<10000x128xf32, #tpu.memory_space<hbm>>
        tpu.wait_dma2 semaphore(%run_scoped3A : memref<!tpu.dma_semaphore, #tpu.memory_space<semaphore_mem>>) src(%arg8 : memref<10000x128xf32, #tpu.memory_space<vmem_shared>>) dst(%dma_wait3A_20 : memref<10000x128xf32, #tpu.memory_space<hbm>>)
        tpu.yield
      }) : () -> ()
    } else {
    }
    return
  }
}

module attributes {stable_mosaic.version = 14 : i64} {
  func.func @_encode_body(%arg0: i32, %arg1: memref<1x512x2xf32, #tpu.memory_space<vmem>>, %arg2: memref<1x512x1xf32, #tpu.memory_space<vmem>>, %arg3: memref<10000x2xf32, #tpu.memory_space<vmem>>, %arg4: memref<3x64xf32, #tpu.memory_space<vmem>>, %arg5: memref<64xf32, #tpu.memory_space<vmem>>, %arg6: memref<64x64xf32, #tpu.memory_space<vmem>>, %arg7: memref<64xf32, #tpu.memory_space<vmem>>, %arg8: memref<64x64xf32, #tpu.memory_space<vmem>>, %arg9: memref<64xf32, #tpu.memory_space<vmem>>, %arg10: memref<1x10000x128xf32, #tpu.memory_space<vmem>>) attributes {dimension_semantics = [#tpu.dimension_semantics<arbitrary>], iteration_bounds = array<i64: 2>, scalar_prefetch = 0 : i64, scratch_operands = 0 : i64, tpu.core_type = #tpu.core_type<tc>, window_params = [{transform_indices = @transform_0, window_bounds = array<i64: 1, 512, 2>}, {transform_indices = @transform_1, window_bounds = array<i64: 1, 512, 1>}, {pipeline_mode = #tpu.pipeline_mode<synchronous>, transform_indices = @transform_2, window_bounds = array<i64: 10000, 2>}, {pipeline_mode = #tpu.pipeline_mode<synchronous>, transform_indices = @transform_3, window_bounds = array<i64: 3, 64>}, {pipeline_mode = #tpu.pipeline_mode<synchronous>, transform_indices = @transform_4, window_bounds = array<i64: 64>}, {pipeline_mode = #tpu.pipeline_mode<synchronous>, transform_indices = @transform_5, window_bounds = array<i64: 64, 64>}, {pipeline_mode = #tpu.pipeline_mode<synchronous>, transform_indices = @transform_6, window_bounds = array<i64: 64>}, {pipeline_mode = #tpu.pipeline_mode<synchronous>, transform_indices = @transform_7, window_bounds = array<i64: 64, 64>}, {pipeline_mode = #tpu.pipeline_mode<synchronous>, transform_indices = @transform_8, window_bounds = array<i64: 64>}, {transform_indices = @transform_9, window_bounds = array<i64: 1, 10000, 128>}]} {
    %get3A = arith.constant 0 : index
    %get3A_0 = arith.constant 0 : index
    %get3A_1 = arith.constant 0 : index
    %get3A_2 = vector.load %arg1[%get3A, %get3A_0, %get3A_1] : memref<1x512x2xf32, #tpu.memory_space<vmem>>, vector<1x512x2xf32>
    %get3A_3 = vector.shape_cast %get3A_2 : vector<1x512x2xf32> to vector<512x2xf32>
    %get3A_4 = arith.constant 0 : index
    %get3A_5 = arith.constant 0 : index
    %get3A_6 = arith.constant 0 : index
    %get3A_7 = vector.load %arg2[%get3A_4, %get3A_5, %get3A_6] : memref<1x512x1xf32, #tpu.memory_space<vmem>>, vector<1x512x1xf32>
    %get3A_8 = vector.shape_cast %get3A_7 : vector<1x512x1xf32> to vector<512x1xf32>
    %get3A_9 = arith.constant 0 : index
    %get3A_10 = arith.constant 0 : index
    %get3A_11 = vector.load %arg3[%get3A_9, %get3A_10] : memref<10000x2xf32, #tpu.memory_space<vmem>>, vector<10000x2xf32>
    %concatenate3A = tpu.concatenate %get3A_3, %get3A_8 in 1 : vector<512x2xf32>, vector<512x1xf32> -> vector<512x3xf32>
    %get3A_12 = arith.constant 0 : index
    %get3A_13 = arith.constant 0 : index
    %get3A_14 = vector.load %arg4[%get3A_12, %get3A_13] : memref<3x64xf32, #tpu.memory_space<vmem>>, vector<3x64xf32>
    %dot_general3A = arith.constant dense<0.000000e+00> : vector<512x64xf32>
    %dot_general3A_15 = tpu.matmul %concatenate3A, %get3A_14, %dot_general3A {dimension_numbers = #tpu.dot_dimension_numbers<[1], [0], [0], [1], [0, 0, 1, 1], [], []>, transpose_lhs_hint = false} : vector<512x3xf32>, vector<3x64xf32>, vector<512x64xf32> -> vector<512x64xf32>
    %get3A_16 = arith.constant 0 : index
    %get3A_17 = vector.load %arg5[%get3A_16] : memref<64xf32, #tpu.memory_space<vmem>>, vector<64xf32>
    %broadcast_in_dim3A = vector.shape_cast %get3A_17 : vector<64xf32> to vector<1x64xf32>
    %add3A = vector.broadcast %broadcast_in_dim3A : vector<1x64xf32> to vector<512x64xf32>
    %add3A_18 = arith.addf %dot_general3A_15, %add3A : vector<512x64xf32>
    %max3A = arith.constant 0.000000e+00 : f32
    %max3A_19 = vector.broadcast %max3A : f32 to vector<512x64xf32>
    %max3A_20 = arith.maximumf %add3A_18, %max3A_19 : vector<512x64xf32>
    %get3A_21 = arith.constant 0 : index
    %get3A_22 = arith.constant 0 : index
    %get3A_23 = vector.load %arg6[%get3A_21, %get3A_22] : memref<64x64xf32, #tpu.memory_space<vmem>>, vector<64x64xf32>
    %dot_general3A_24 = arith.constant dense<0.000000e+00> : vector<512x64xf32>
    %dot_general3A_25 = tpu.matmul %max3A_20, %get3A_23, %dot_general3A_24 {dimension_numbers = #tpu.dot_dimension_numbers<[1], [0], [0], [1], [0, 0, 1, 1], [], []>, transpose_lhs_hint = false} : vector<512x64xf32>, vector<64x64xf32>, vector<512x64xf32> -> vector<512x64xf32>
    %get3A_26 = arith.constant 0 : index
    %get3A_27 = vector.load %arg7[%get3A_26] : memref<64xf32, #tpu.memory_space<vmem>>, vector<64xf32>
    %broadcast_in_dim3A_28 = vector.shape_cast %get3A_27 : vector<64xf32> to vector<1x64xf32>
    %add3A_29 = vector.broadcast %broadcast_in_dim3A_28 : vector<1x64xf32> to vector<512x64xf32>
    %add3A_30 = arith.addf %dot_general3A_25, %add3A_29 : vector<512x64xf32>
    %max3A_31 = arith.constant 0.000000e+00 : f32
    %max3A_32 = vector.broadcast %max3A_31 : f32 to vector<512x64xf32>
    %max3A_33 = arith.maximumf %add3A_30, %max3A_32 : vector<512x64xf32>
    %get3A_34 = arith.constant 0 : index
    %get3A_35 = arith.constant 0 : index
    %get3A_36 = vector.load %arg8[%get3A_34, %get3A_35] : memref<64x64xf32, #tpu.memory_space<vmem>>, vector<64x64xf32>
    %dot_general3A_37 = arith.constant dense<0.000000e+00> : vector<512x64xf32>
    %dot_general3A_38 = tpu.matmul %max3A_33, %get3A_36, %dot_general3A_37 {dimension_numbers = #tpu.dot_dimension_numbers<[1], [0], [0], [1], [0, 0, 1, 1], [], []>, transpose_lhs_hint = false} : vector<512x64xf32>, vector<64x64xf32>, vector<512x64xf32> -> vector<512x64xf32>
    %get3A_39 = arith.constant 0 : index
    %get3A_40 = vector.load %arg9[%get3A_39] : memref<64xf32, #tpu.memory_space<vmem>>, vector<64xf32>
    %broadcast_in_dim3A_41 = vector.shape_cast %get3A_40 : vector<64xf32> to vector<1x64xf32>
    %add3A_42 = vector.broadcast %broadcast_in_dim3A_41 : vector<1x64xf32> to vector<512x64xf32>
    %add3A_43 = arith.addf %dot_general3A_38, %add3A_42 : vector<512x64xf32>
    %mul3A = arith.mulf %get3A_3, %get3A_3 : vector<512x2xf32>
    %reduce_sum3A = arith.constant dense<0.000000e+00> : vector<512xf32>
    %reduce_sum3A_44 = vector.multi_reduction <add>, %mul3A, %reduce_sum3A [1] : vector<512x2xf32> to vector<512xf32>
    %broadcast_in_dim3A_45 = vector.shape_cast %reduce_sum3A_44 : vector<512xf32> to vector<512x1xf32>
    %dot_general3A_46 = arith.constant dense<0.000000e+00> : vector<512x10000xf32>
    %dot_general3A_47 = tpu.matmul %get3A_3, %get3A_11, %dot_general3A_46 {dimension_numbers = #tpu.dot_dimension_numbers<[1], [1], [0], [0], [0, 0, 1, 0], [], []>, transpose_lhs_hint = false} : vector<512x2xf32>, vector<10000x2xf32>, vector<512x10000xf32> -> vector<512x10000xf32>
    %mul3A_48 = arith.constant 2.000000e+00 : f32
    %mul3A_49 = vector.broadcast %mul3A_48 : f32 to vector<512x10000xf32>
    %mul3A_50 = arith.mulf %mul3A_49, %dot_general3A_47 : vector<512x10000xf32>
    %sub3A = vector.broadcast %broadcast_in_dim3A_45 : vector<512x1xf32> to vector<512x10000xf32>
    %sub3A_51 = arith.subf %sub3A, %mul3A_50 : vector<512x10000xf32>
    %mul3A_52 = arith.mulf %get3A_11, %get3A_11 : vector<10000x2xf32>
    %reduce_sum3A_53 = arith.constant dense<0.000000e+00> : vector<10000xf32>
    %reduce_sum3A_54 = vector.multi_reduction <add>, %mul3A_52, %reduce_sum3A_53 [1] : vector<10000x2xf32> to vector<10000xf32>
    %broadcast_in_dim3A_55 = vector.shape_cast %reduce_sum3A_54 : vector<10000xf32> to vector<1x10000xf32>
    %add3A_56 = vector.broadcast %broadcast_in_dim3A_55 : vector<1x10000xf32> to vector<512x10000xf32>
    %add3A_57 = arith.addf %sub3A_51, %add3A_56 : vector<512x10000xf32>
    %neg3A = arith.constant 0.000000e+00 : f32
    %neg3A_58 = vector.broadcast %neg3A : f32 to vector<512x10000xf32>
    %neg3A_59 = arith.subf %neg3A_58, %add3A_57 : vector<512x10000xf32>
    %reduce_max3A = arith.constant dense<0xFF800000> : vector<512xf32>
    %reduce_max3A_60 = vector.multi_reduction <maximumf>, %neg3A_59, %reduce_max3A [1] : vector<512x10000xf32> to vector<512xf32>
    %max3A_61 = arith.constant 0xFF800000 : f32
    %max3A_62 = vector.broadcast %max3A_61 : f32 to vector<512xf32>
    %max3A_63 = arith.maximumf %max3A_62, %reduce_max3A_60 : vector<512xf32>
    %broadcast_in_dim3A_64 = vector.shape_cast %max3A_63 : vector<512xf32> to vector<512x1xf32>
    %sub3A_65 = vector.broadcast %broadcast_in_dim3A_64 : vector<512x1xf32> to vector<512x10000xf32>
    %sub3A_66 = arith.subf %neg3A_59, %sub3A_65 : vector<512x10000xf32>
    %exp3A = math.exp %sub3A_66 : vector<512x10000xf32>
    %reduce_sum3A_67 = arith.constant dense<0.000000e+00> : vector<512xf32>
    %reduce_sum3A_68 = vector.multi_reduction <add>, %exp3A, %reduce_sum3A_67 [1] : vector<512x10000xf32> to vector<512xf32>
    %broadcast_in_dim3A_69 = vector.shape_cast %reduce_sum3A_68 : vector<512xf32> to vector<512x1xf32>
    %div3A = vector.broadcast %broadcast_in_dim3A_69 : vector<512x1xf32> to vector<512x10000xf32>
    %div3A_70 = arith.divf %exp3A, %div3A : vector<512x10000xf32>
    %dot_general3A_71 = arith.constant dense<0.000000e+00> : vector<10000x64xf32>
    %dot_general3A_72 = tpu.matmul %div3A_70, %add3A_43, %dot_general3A_71 {dimension_numbers = #tpu.dot_dimension_numbers<[0], [0], [1], [1], [0, 1, 1, 1], [], []>, transpose_lhs_hint = false} : vector<512x10000xf32>, vector<512x64xf32>, vector<10000x64xf32> -> vector<10000x64xf32>
    %broadcast_in_dim3A_73 = arith.constant 0.000000e+00 : f32
    %broadcast_in_dim3A_74 = vector.broadcast %broadcast_in_dim3A_73 : f32 to vector<10000x62xf32>
    %concatenate3A_75 = tpu.concatenate %get3A_11, %dot_general3A_72, %broadcast_in_dim3A_74 in 1 : vector<10000x2xf32>, vector<10000x64xf32>, vector<10000x62xf32> -> vector<10000x128xf32>
    %swap3A = arith.constant 0 : index
    %swap3A_76 = arith.constant 0 : index
    %swap3A_77 = arith.constant 0 : index
    %swap3A_78 = vector.load %arg10[%swap3A, %swap3A_76, %swap3A_77] : memref<1x10000x128xf32, #tpu.memory_space<vmem>>, vector<1x10000x128xf32>
    %swap3A_79 = vector.shape_cast %swap3A_78 : vector<1x10000x128xf32> to vector<10000x128xf32>
    %swap3A_80 = vector.shape_cast %concatenate3A_75 : vector<10000x128xf32> to vector<1x10000x128xf32>
    tpu.vector_store %arg10[%swap3A, %swap3A_76, %swap3A_77], %swap3A_80 {strides = array<i32>} : memref<1x10000x128xf32, #tpu.memory_space<vmem>>, vector<1x10000x128xf32>,
    return
  }
  func.func @transform_0(%arg0: i32) -> (i32, i32, i32) {
    %c0_i32 = arith.constant 0 : i32
    %c0_i32_0 = arith.constant 0 : i32
    %c0_i32_1 = arith.constant 0 : i32
    return %arg0, %c0_i32, %c0_i32_0 : i32, i32, i32
  }
  func.func @transform_1(%arg0: i32) -> (i32, i32, i32) {
    %c0_i32 = arith.constant 0 : i32
    %c0_i32_0 = arith.constant 0 : i32
    %c0_i32_1 = arith.constant 0 : i32
    return %arg0, %c0_i32, %c0_i32_0 : i32, i32, i32
  }
  func.func @transform_2(%arg0: i32) -> (i32, i32) {
    %c0_i32 = arith.constant 0 : i32
    %c0_i32_0 = arith.constant 0 : i32
    %c0_i32_1 = arith.constant 0 : i32
    return %c0_i32, %c0_i32_0 : i32, i32
  }
  func.func @transform_3(%arg0: i32) -> (i32, i32) {
    %c0_i32 = arith.constant 0 : i32
    %c0_i32_0 = arith.constant 0 : i32
    %c0_i32_1 = arith.constant 0 : i32
    return %c0_i32, %c0_i32_0 : i32, i32
  }
  func.func @transform_4(%arg0: i32) -> i32 {
    %c0_i32 = arith.constant 0 : i32
    %c0_i32_0 = arith.constant 0 : i32
    return %c0_i32 : i32
  }
  func.func @transform_5(%arg0: i32) -> (i32, i32) {
    %c0_i32 = arith.constant 0 : i32
    %c0_i32_0 = arith.constant 0 : i32
    %c0_i32_1 = arith.constant 0 : i32
    return %c0_i32, %c0_i32_0 : i32, i32
  }
  func.func @transform_6(%arg0: i32) -> i32 {
    %c0_i32 = arith.constant 0 : i32
    %c0_i32_0 = arith.constant 0 : i32
    return %c0_i32 : i32
  }
  func.func @transform_7(%arg0: i32) -> (i32, i32) {
    %c0_i32 = arith.constant 0 : i32
    %c0_i32_0 = arith.constant 0 : i32
    %c0_i32_1 = arith.constant 0 : i32
    return %c0_i32, %c0_i32_0 : i32, i32
  }
  func.func @transform_8(%arg0: i32) -> i32 {
    %c0_i32 = arith.constant 0 : i32
    %c0_i32_0 = arith.constant 0 : i32
    return %c0_i32 : i32
  }
  func.func @transform_9(%arg0: i32) -> (i32, i32, i32) {
    %c0_i32 = arith.constant 0 : i32
    %c0_i32_0 = arith.constant 0 : i32
    %c0_i32_1 = arith.constant 0 : i32
    return %arg0, %c0_i32, %c0_i32_0 : i32, i32, i32
  }
}

module attributes {stable_mosaic.version = 14 : i64} {
  func.func @_msg_body(%arg0: i32, %arg1: i32, %arg2: memref<1x8000x128xf32, #tpu.memory_space<vmem>>, %arg3: memref<1x8000x128xf32, #tpu.memory_space<vmem>>, %arg4: memref<128x66xf32, #tpu.memory_space<vmem>>, %arg5: memref<128x66xf32, #tpu.memory_space<vmem>>, %arg6: memref<66xf32, #tpu.memory_space<vmem>>, %arg7: memref<66xf32, #tpu.memory_space<vmem>>, %arg8: memref<66xf32, #tpu.memory_space<vmem>>, %arg9: memref<1x8000x128xf32, #tpu.memory_space<vmem>>) attributes {dimension_semantics = [#tpu.dimension_semantics<arbitrary>, #tpu.dimension_semantics<arbitrary>], iteration_bounds = array<i64: 2, 20>, scalar_prefetch = 0 : i64, scratch_operands = 0 : i64, tpu.core_type = #tpu.core_type<tc>, window_params = [{transform_indices = @transform_0, window_bounds = array<i64: 1, 8000, 128>}, {transform_indices = @transform_1, window_bounds = array<i64: 1, 8000, 128>}, {pipeline_mode = #tpu.pipeline_mode<synchronous>, transform_indices = @transform_2, window_bounds = array<i64: 128, 66>}, {pipeline_mode = #tpu.pipeline_mode<synchronous>, transform_indices = @transform_3, window_bounds = array<i64: 128, 66>}, {pipeline_mode = #tpu.pipeline_mode<synchronous>, transform_indices = @transform_4, window_bounds = array<i64: 66>}, {pipeline_mode = #tpu.pipeline_mode<synchronous>, transform_indices = @transform_5, window_bounds = array<i64: 66>}, {pipeline_mode = #tpu.pipeline_mode<synchronous>, transform_indices = @transform_6, window_bounds = array<i64: 66>}, {transform_indices = @transform_7, window_bounds = array<i64: 1, 8000, 128>}]} {
    %get3A = arith.constant 0 : index
    %get3A_0 = arith.constant 0 : index
    %get3A_1 = arith.constant 0 : index
    %get3A_2 = vector.load %arg2[%get3A, %get3A_0, %get3A_1] : memref<1x8000x128xf32, #tpu.memory_space<vmem>>, vector<1x8000x128xf32>
    %get3A_3 = vector.shape_cast %get3A_2 : vector<1x8000x128xf32> to vector<8000x128xf32>
    %get3A_4 = arith.constant 0 : index
    %get3A_5 = arith.constant 0 : index
    %get3A_6 = vector.load %arg4[%get3A_4, %get3A_5] : memref<128x66xf32, #tpu.memory_space<vmem>>, vector<128x66xf32>
    %dot_general3A = arith.constant dense<0.000000e+00> : vector<8000x66xf32>
    %dot_general3A_7 = tpu.matmul %get3A_3, %get3A_6, %dot_general3A {dimension_numbers = #tpu.dot_dimension_numbers<[1], [0], [0], [1], [0, 0, 1, 1], [], []>, transpose_lhs_hint = false} : vector<8000x128xf32>, vector<128x66xf32>, vector<8000x66xf32> -> vector<8000x66xf32>
    %get3A_8 = arith.constant 0 : index
    %get3A_9 = arith.constant 0 : index
    %get3A_10 = arith.constant 0 : index
    %get3A_11 = vector.load %arg3[%get3A_8, %get3A_9, %get3A_10] : memref<1x8000x128xf32, #tpu.memory_space<vmem>>, vector<1x8000x128xf32>
    %get3A_12 = vector.shape_cast %get3A_11 : vector<1x8000x128xf32> to vector<8000x128xf32>
    %get3A_13 = arith.constant 0 : index
    %get3A_14 = arith.constant 0 : index
    %get3A_15 = vector.load %arg5[%get3A_13, %get3A_14] : memref<128x66xf32, #tpu.memory_space<vmem>>, vector<128x66xf32>
    %dot_general3A_16 = arith.constant dense<0.000000e+00> : vector<8000x66xf32>
    %dot_general3A_17 = tpu.matmul %get3A_12, %get3A_15, %dot_general3A_16 {dimension_numbers = #tpu.dot_dimension_numbers<[1], [0], [0], [1], [0, 0, 1, 1], [], []>, transpose_lhs_hint = false} : vector<8000x128xf32>, vector<128x66xf32>, vector<8000x66xf32> -> vector<8000x66xf32>
    %add3A = arith.addf %dot_general3A_7, %dot_general3A_17 : vector<8000x66xf32>
    %get3A_18 = arith.constant 0 : index
    %get3A_19 = vector.load %arg6[%get3A_18] : memref<66xf32, #tpu.memory_space<vmem>>, vector<66xf32>
    %broadcast_in_dim3A = vector.shape_cast %get3A_19 : vector<66xf32> to vector<1x66xf32>
    %add3A_20 = vector.broadcast %broadcast_in_dim3A : vector<1x66xf32> to vector<8000x66xf32>
    %add3A_21 = arith.addf %add3A, %add3A_20 : vector<8000x66xf32>
    %get3A_22 = arith.constant 0 : index
    %get3A_23 = vector.load %arg7[%get3A_22] : memref<66xf32, #tpu.memory_space<vmem>>, vector<66xf32>
    %get3A_24 = arith.constant 0 : index
    %get3A_25 = vector.load %arg8[%get3A_24] : memref<66xf32, #tpu.memory_space<vmem>>, vector<66xf32>
    %reduce_sum3A = arith.constant dense<0.000000e+00> : vector<8000xf32>
    %reduce_sum3A_26 = vector.multi_reduction <add>, %add3A_21, %reduce_sum3A [1] : vector<8000x66xf32> to vector<8000xf32>
    %broadcast_in_dim3A_27 = vector.shape_cast %reduce_sum3A_26 : vector<8000xf32> to vector<8000x1xf32>
    %div3A = arith.constant 6.600000e+01 : f32
    %div3A_28 = vector.broadcast %div3A : f32 to vector<8000x1xf32>
    %div3A_29 = arith.divf %broadcast_in_dim3A_27, %div3A_28 : vector<8000x1xf32>
    %sub3A = vector.broadcast %div3A_29 : vector<8000x1xf32> to vector<8000x66xf32>
    %sub3A_30 = arith.subf %add3A_21, %sub3A : vector<8000x66xf32>
    %integer_pow3A = arith.mulf %sub3A_30, %sub3A_30 : vector<8000x66xf32>
    %reduce_sum3A_31 = arith.constant dense<0.000000e+00> : vector<8000xf32>
    %reduce_sum3A_32 = vector.multi_reduction <add>, %integer_pow3A, %reduce_sum3A_31 [1] : vector<8000x66xf32> to vector<8000xf32>
    %broadcast_in_dim3A_33 = vector.shape_cast %reduce_sum3A_32 : vector<8000xf32> to vector<8000x1xf32>
    %div3A_34 = arith.constant 6.600000e+01 : f32
    %div3A_35 = vector.broadcast %div3A_34 : f32 to vector<8000x1xf32>
    %div3A_36 = arith.divf %broadcast_in_dim3A_33, %div3A_35 : vector<8000x1xf32>
    %sub3A_37 = vector.broadcast %div3A_29 : vector<8000x1xf32> to vector<8000x66xf32>
    %sub3A_38 = arith.subf %add3A_21, %sub3A_37 : vector<8000x66xf32>
    %add3A_39 = arith.constant 9.99999974E-6 : f32
    %add3A_40 = vector.broadcast %add3A_39 : f32 to vector<8000x1xf32>
    %add3A_41 = arith.addf %div3A_36, %add3A_40 : vector<8000x1xf32>
    %sqrt3A = math.sqrt %add3A_41 : vector<8000x1xf32>
    %div3A_42 = vector.broadcast %sqrt3A : vector<8000x1xf32> to vector<8000x66xf32>
    %div3A_43 = arith.divf %sub3A_38, %div3A_42 : vector<8000x66xf32>
    %broadcast_in_dim3A_44 = vector.shape_cast %get3A_23 : vector<66xf32> to vector<1x66xf32>
    %mul3A = vector.broadcast %broadcast_in_dim3A_44 : vector<1x66xf32> to vector<8000x66xf32>
    %mul3A_45 = arith.mulf %div3A_43, %mul3A : vector<8000x66xf32>
    %broadcast_in_dim3A_46 = vector.shape_cast %get3A_25 : vector<66xf32> to vector<1x66xf32>
    %add3A_47 = vector.broadcast %broadcast_in_dim3A_46 : vector<1x66xf32> to vector<8000x66xf32>
    %add3A_48 = arith.addf %mul3A_45, %add3A_47 : vector<8000x66xf32>
    %broadcast_in_dim3A_49 = arith.constant 0.000000e+00 : f32
    %broadcast_in_dim3A_50 = vector.broadcast %broadcast_in_dim3A_49 : f32 to vector<8000x62xf32>
    %concatenate3A = tpu.concatenate %add3A_48, %broadcast_in_dim3A_50 in 1 : vector<8000x66xf32>, vector<8000x62xf32> -> vector<8000x128xf32>
    %swap3A = arith.constant 0 : index
    %swap3A_51 = arith.constant 0 : index
    %swap3A_52 = arith.constant 0 : index
    %swap3A_53 = vector.load %arg9[%swap3A, %swap3A_51, %swap3A_52] : memref<1x8000x128xf32, #tpu.memory_space<vmem>>, vector<1x8000x128xf32>
    %swap3A_54 = vector.shape_cast %swap3A_53 : vector<1x8000x128xf32> to vector<8000x128xf32>
    %swap3A_55 = vector.shape_cast %concatenate3A : vector<8000x128xf32> to vector<1x8000x128xf32>
    tpu.vector_store %arg9[%swap3A, %swap3A_51, %swap3A_52], %swap3A_55 {strides = array<i32>} : memref<1x8000x128xf32, #tpu.memory_space<vmem>>, vector<1x8000x128xf32>,
    return
  }
  func.func @transform_0(%arg0: i32, %arg1: i32) -> (i32, i32, i32) {
    %c0_i32 = arith.constant 0 : i32
    %c0_i32_0 = arith.constant 0 : i32
    return %arg0, %arg1, %c0_i32 : i32, i32, i32
  }
  func.func @transform_1(%arg0: i32, %arg1: i32) -> (i32, i32, i32) {
    %c0_i32 = arith.constant 0 : i32
    %c0_i32_0 = arith.constant 0 : i32
    return %arg0, %arg1, %c0_i32 : i32, i32, i32
  }
  func.func @transform_2(%arg0: i32, %arg1: i32) -> (i32, i32) {
    %c0_i32 = arith.constant 0 : i32
    %c0_i32_0 = arith.constant 0 : i32
    %c0_i32_1 = arith.constant 0 : i32
    return %c0_i32, %c0_i32_0 : i32, i32
  }
  func.func @transform_3(%arg0: i32, %arg1: i32) -> (i32, i32) {
    %c0_i32 = arith.constant 0 : i32
    %c0_i32_0 = arith.constant 0 : i32
    %c0_i32_1 = arith.constant 0 : i32
    return %c0_i32, %c0_i32_0 : i32, i32
  }
  func.func @transform_4(%arg0: i32, %arg1: i32) -> i32 {
    %c0_i32 = arith.constant 0 : i32
    %c0_i32_0 = arith.constant 0 : i32
    return %c0_i32 : i32
  }
  func.func @transform_5(%arg0: i32, %arg1: i32) -> i32 {
    %c0_i32 = arith.constant 0 : i32
    %c0_i32_0 = arith.constant 0 : i32
    return %c0_i32 : i32
  }
  func.func @transform_6(%arg0: i32, %arg1: i32) -> i32 {
    %c0_i32 = arith.constant 0 : i32
    %c0_i32_0 = arith.constant 0 : i32
    return %c0_i32 : i32
  }
  func.func @transform_7(%arg0: i32, %arg1: i32) -> (i32, i32, i32) {
    %c0_i32 = arith.constant 0 : i32
    %c0_i32_0 = arith.constant 0 : i32
    return %arg0, %arg1, %c0_i32 : i32, i32, i32
  }
}

module attributes {stable_mosaic.version = 14 : i64} {
  func.func @_upd_body(%arg0: i32, %arg1: i32, %arg2: memref<1x2000x128xf32, #tpu.memory_space<vmem>>, %arg3: memref<1x2x2000x128xf32, #tpu.memory_space<vmem>>, %arg4: memref<2000x2xf32, #tpu.memory_space<vmem>>, %arg5: memref<128x64xf32, #tpu.memory_space<vmem>>, %arg6: memref<128x64xf32, #tpu.memory_space<vmem>>, %arg7: memref<64xf32, #tpu.memory_space<vmem>>, %arg8: memref<64xf32, #tpu.memory_space<vmem>>, %arg9: memref<64xf32, #tpu.memory_space<vmem>>, %arg10: memref<1x2000x128xf32, #tpu.memory_space<vmem>>, %arg11: memref<1x2000x64xf32, #tpu.memory_space<vmem>>) attributes {dimension_semantics = [#tpu.dimension_semantics<arbitrary>, #tpu.dimension_semantics<arbitrary>], iteration_bounds = array<i64: 2, 5>, scalar_prefetch = 0 : i64, scratch_operands = 0 : i64, tpu.core_type = #tpu.core_type<tc>, window_params = [{transform_indices = @transform_0, window_bounds = array<i64: 1, 2000, 128>}, {transform_indices = @transform_1, window_bounds = array<i64: 1, 2, 2000, 128>}, {transform_indices = @transform_2, window_bounds = array<i64: 2000, 2>}, {pipeline_mode = #tpu.pipeline_mode<synchronous>, transform_indices = @transform_3, window_bounds = array<i64: 128, 64>}, {pipeline_mode = #tpu.pipeline_mode<synchronous>, transform_indices = @transform_4, window_bounds = array<i64: 128, 64>}, {pipeline_mode = #tpu.pipeline_mode<synchronous>, transform_indices = @transform_5, window_bounds = array<i64: 64>}, {pipeline_mode = #tpu.pipeline_mode<synchronous>, transform_indices = @transform_6, window_bounds = array<i64: 64>}, {pipeline_mode = #tpu.pipeline_mode<synchronous>, transform_indices = @transform_7, window_bounds = array<i64: 64>}, {transform_indices = @transform_8, window_bounds = array<i64: 1, 2000, 128>}, {transform_indices = @transform_9, window_bounds = array<i64: 1, 2000, 64>}]} {
    %get3A = arith.constant 0 : index
    %get3A_0 = arith.constant 0 : index
    %get3A_1 = arith.constant 0 : index
    %get3A_2 = vector.load %arg2[%get3A, %get3A_0, %get3A_1] : memref<1x2000x128xf32, #tpu.memory_space<vmem>>, vector<1x2000x128xf32>
    %get3A_3 = vector.shape_cast %get3A_2 : vector<1x2000x128xf32> to vector<2000x128xf32>
    %get3A_4 = arith.constant 0 : index
    %get3A_5 = arith.constant 0 : index
    %get3A_6 = arith.constant 0 : index
    %get3A_7 = arith.constant 0 : index
    %get3A_8 = vector.load %arg3[%get3A_4, %get3A_5, %get3A_6, %get3A_7] : memref<1x2x2000x128xf32, #tpu.memory_space<vmem>>, vector<1x1x2000x128xf32>
    %get3A_9 = vector.shape_cast %get3A_8 : vector<1x1x2000x128xf32> to vector<2000x128xf32>
    %get3A_10 = arith.constant 0 : index
    %get3A_11 = arith.constant 1 : index
    %get3A_12 = arith.constant 0 : index
    %get3A_13 = arith.constant 0 : index
    %get3A_14 = vector.load %arg3[%get3A_10, %get3A_11, %get3A_12, %get3A_13] : memref<1x2x2000x128xf32, #tpu.memory_space<vmem>>, vector<1x1x2000x128xf32>
    %get3A_15 = vector.shape_cast %get3A_14 : vector<1x1x2000x128xf32> to vector<2000x128xf32>
    %add3A = arith.addf %get3A_9, %get3A_15 : vector<2000x128xf32>
    %get3A_16 = arith.constant 0 : index
    %get3A_17 = arith.constant 0 : index
    %get3A_18 = vector.load %arg5[%get3A_16, %get3A_17] : memref<128x64xf32, #tpu.memory_space<vmem>>, vector<128x64xf32>
    %dot_general3A = arith.constant dense<0.000000e+00> : vector<2000x64xf32>
    %dot_general3A_19 = tpu.matmul %get3A_3, %get3A_18, %dot_general3A {dimension_numbers = #tpu.dot_dimension_numbers<[1], [0], [0], [1], [0, 0, 1, 1], [], []>, transpose_lhs_hint = false} : vector<2000x128xf32>, vector<128x64xf32>, vector<2000x64xf32> -> vector<2000x64xf32>
    %get3A_20 = arith.constant 0 : index
    %get3A_21 = arith.constant 0 : index
    %get3A_22 = vector.load %arg6[%get3A_20, %get3A_21] : memref<128x64xf32, #tpu.memory_space<vmem>>, vector<128x64xf32>
    %dot_general3A_23 = arith.constant dense<0.000000e+00> : vector<2000x64xf32>
    %dot_general3A_24 = tpu.matmul %add3A, %get3A_22, %dot_general3A_23 {dimension_numbers = #tpu.dot_dimension_numbers<[1], [0], [0], [1], [0, 0, 1, 1], [], []>, transpose_lhs_hint = false} : vector<2000x128xf32>, vector<128x64xf32>, vector<2000x64xf32> -> vector<2000x64xf32>
    %add3A_25 = arith.addf %dot_general3A_19, %dot_general3A_24 : vector<2000x64xf32>
    %get3A_26 = arith.constant 0 : index
    %get3A_27 = vector.load %arg7[%get3A_26] : memref<64xf32, #tpu.memory_space<vmem>>, vector<64xf32>
    %broadcast_in_dim3A = vector.shape_cast %get3A_27 : vector<64xf32> to vector<1x64xf32>
    %add3A_28 = vector.broadcast %broadcast_in_dim3A : vector<1x64xf32> to vector<2000x64xf32>
    %add3A_29 = arith.addf %add3A_25, %add3A_28 : vector<2000x64xf32>
    %get3A_30 = arith.constant 0 : index
    %get3A_31 = vector.load %arg8[%get3A_30] : memref<64xf32, #tpu.memory_space<vmem>>, vector<64xf32>
    %get3A_32 = arith.constant 0 : index
    %get3A_33 = vector.load %arg9[%get3A_32] : memref<64xf32, #tpu.memory_space<vmem>>, vector<64xf32>
    %reduce_sum3A = arith.constant dense<0.000000e+00> : vector<2000xf32>
    %reduce_sum3A_34 = vector.multi_reduction <add>, %add3A_29, %reduce_sum3A [1] : vector<2000x64xf32> to vector<2000xf32>
    %broadcast_in_dim3A_35 = vector.shape_cast %reduce_sum3A_34 : vector<2000xf32> to vector<2000x1xf32>
    %div3A = arith.constant 6.400000e+01 : f32
    %div3A_36 = vector.broadcast %div3A : f32 to vector<2000x1xf32>
    %div3A_37 = arith.divf %broadcast_in_dim3A_35, %div3A_36 : vector<2000x1xf32>
    %sub3A = vector.broadcast %div3A_37 : vector<2000x1xf32> to vector<2000x64xf32>
    %sub3A_38 = arith.subf %add3A_29, %sub3A : vector<2000x64xf32>
    %integer_pow3A = arith.mulf %sub3A_38, %sub3A_38 : vector<2000x64xf32>
    %reduce_sum3A_39 = arith.constant dense<0.000000e+00> : vector<2000xf32>
    %reduce_sum3A_40 = vector.multi_reduction <add>, %integer_pow3A, %reduce_sum3A_39 [1] : vector<2000x64xf32> to vector<2000xf32>
    %broadcast_in_dim3A_41 = vector.shape_cast %reduce_sum3A_40 : vector<2000xf32> to vector<2000x1xf32>
    %div3A_42 = arith.constant 6.400000e+01 : f32
    %div3A_43 = vector.broadcast %div3A_42 : f32 to vector<2000x1xf32>
    %div3A_44 = arith.divf %broadcast_in_dim3A_41, %div3A_43 : vector<2000x1xf32>
    %sub3A_45 = vector.broadcast %div3A_37 : vector<2000x1xf32> to vector<2000x64xf32>
    %sub3A_46 = arith.subf %add3A_29, %sub3A_45 : vector<2000x64xf32>
    %add3A_47 = arith.constant 9.99999974E-6 : f32
    %add3A_48 = vector.broadcast %add3A_47 : f32 to vector<2000x1xf32>
    %add3A_49 = arith.addf %div3A_44, %add3A_48 : vector<2000x1xf32>
    %sqrt3A = math.sqrt %add3A_49 : vector<2000x1xf32>
    %div3A_50 = vector.broadcast %sqrt3A : vector<2000x1xf32> to vector<2000x64xf32>
    %div3A_51 = arith.divf %sub3A_46, %div3A_50 : vector<2000x64xf32>
    %broadcast_in_dim3A_52 = vector.shape_cast %get3A_31 : vector<64xf32> to vector<1x64xf32>
    %mul3A = vector.broadcast %broadcast_in_dim3A_52 : vector<1x64xf32> to vector<2000x64xf32>
    %mul3A_53 = arith.mulf %div3A_51, %mul3A : vector<2000x64xf32>
    %broadcast_in_dim3A_54 = vector.shape_cast %get3A_33 : vector<64xf32> to vector<1x64xf32>
    %add3A_55 = vector.broadcast %broadcast_in_dim3A_54 : vector<1x64xf32> to vector<2000x64xf32>
    %add3A_56 = arith.addf %mul3A_53, %add3A_55 : vector<2000x64xf32>
    %swap3A = arith.constant 0 : index
    %swap3A_57 = arith.constant 0 : index
    %swap3A_58 = arith.constant 0 : index
    %swap3A_59 = vector.load %arg11[%swap3A, %swap3A_57, %swap3A_58] : memref<1x2000x64xf32, #tpu.memory_space<vmem>>, vector<1x2000x64xf32>
    %swap3A_60 = vector.shape_cast %swap3A_59 : vector<1x2000x64xf32> to vector<2000x64xf32>
    %swap3A_61 = vector.shape_cast %add3A_56 : vector<2000x64xf32> to vector<1x2000x64xf32>
    tpu.vector_store %arg11[%swap3A, %swap3A_57, %swap3A_58], %swap3A_61 {strides = array<i32>} : memref<1x2000x64xf32, #tpu.memory_space<vmem>>, vector<1x2000x64xf32>,
    %get3A_62 = arith.constant 0 : index
    %get3A_63 = arith.constant 0 : index
    %get3A_64 = vector.load %arg4[%get3A_62, %get3A_63] : memref<2000x2xf32, #tpu.memory_space<vmem>>, vector<2000x2xf32>
    %broadcast_in_dim3A_65 = arith.constant 0.000000e+00 : f32
    %broadcast_in_dim3A_66 = vector.broadcast %broadcast_in_dim3A_65 : f32 to vector<2000x62xf32>
    %concatenate3A = tpu.concatenate %get3A_64, %add3A_56, %broadcast_in_dim3A_66 in 1 : vector<2000x2xf32>, vector<2000x64xf32>, vector<2000x62xf32> -> vector<2000x128xf32>
    %swap3A_67 = arith.constant 0 : index
    %swap3A_68 = arith.constant 0 : index
    %swap3A_69 = arith.constant 0 : index
    %swap3A_70 = vector.load %arg10[%swap3A_67, %swap3A_68, %swap3A_69] : memref<1x2000x128xf32, #tpu.memory_space<vmem>>, vector<1x2000x128xf32>
    %swap3A_71 = vector.shape_cast %swap3A_70 : vector<1x2000x128xf32> to vector<2000x128xf32>
    %swap3A_72 = vector.shape_cast %concatenate3A : vector<2000x128xf32> to vector<1x2000x128xf32>
    tpu.vector_store %arg10[%swap3A_67, %swap3A_68, %swap3A_69], %swap3A_72 {strides = array<i32>} : memref<1x2000x128xf32, #tpu.memory_space<vmem>>, vector<1x2000x128xf32>,
    return
  }
  func.func @transform_0(%arg0: i32, %arg1: i32) -> (i32, i32, i32) {
    %c0_i32 = arith.constant 0 : i32
    %c0_i32_0 = arith.constant 0 : i32
    return %arg0, %arg1, %c0_i32 : i32, i32, i32
  }
  func.func @transform_1(%arg0: i32, %arg1: i32) -> (i32, i32, i32, i32) {
    %c0_i32 = arith.constant 0 : i32
    %c0_i32_0 = arith.constant 0 : i32
    %c0_i32_1 = arith.constant 0 : i32
    return %arg0, %c0_i32, %arg1, %c0_i32_0 : i32, i32, i32, i32
  }
  func.func @transform_2(%arg0: i32, %arg1: i32) -> (i32, i32) {
    %c0_i32 = arith.constant 0 : i32
    %c0_i32_0 = arith.constant 0 : i32
    return %arg1, %c0_i32 : i32, i32
  }
  func.func @transform_3(%arg0: i32, %arg1: i32) -> (i32, i32) {
    %c0_i32 = arith.constant 0 : i32
    %c0_i32_0 = arith.constant 0 : i32
    %c0_i32_1 = arith.constant 0 : i32
    return %c0_i32, %c0_i32_0 : i32, i32
  }
  func.func @transform_4(%arg0: i32, %arg1: i32) -> (i32, i32) {
    %c0_i32 = arith.constant 0 : i32
    %c0_i32_0 = arith.constant 0 : i32
    %c0_i32_1 = arith.constant 0 : i32
    return %c0_i32, %c0_i32_0 : i32, i32
  }
  func.func @transform_5(%arg0: i32, %arg1: i32) -> i32 {
    %c0_i32 = arith.constant 0 : i32
    %c0_i32_0 = arith.constant 0 : i32
    return %c0_i32 : i32
  }
  func.func @transform_6(%arg0: i32, %arg1: i32) -> i32 {
    %c0_i32 = arith.constant 0 : i32
    %c0_i32_0 = arith.constant 0 : i32
    return %c0_i32 : i32
  }
  func.func @transform_7(%arg0: i32, %arg1: i32) -> i32 {
    %c0_i32 = arith.constant 0 : i32
    %c0_i32_0 = arith.constant 0 : i32
    return %c0_i32 : i32
  }
  func.func @transform_8(%arg0: i32, %arg1: i32) -> (i32, i32, i32) {
    %c0_i32 = arith.constant 0 : i32
    %c0_i32_0 = arith.constant 0 : i32
    return %arg0, %arg1, %c0_i32 : i32, i32, i32
  }
  func.func @transform_9(%arg0: i32, %arg1: i32) -> (i32, i32, i32) {
    %c0_i32 = arith.constant 0 : i32
    %c0_i32_0 = arith.constant 0 : i32
    return %arg0, %arg1, %c0_i32 : i32, i32, i32
  }
}

module attributes {stable_mosaic.version = 14 : i64} {
  func.func @_upd_body(%arg0: i32, %arg1: i32, %arg2: memref<1x2000x128xf32, #tpu.memory_space<vmem>>, %arg3: memref<1x2x2000x128xf32, #tpu.memory_space<vmem>>, %arg4: memref<2000x2xf32, #tpu.memory_space<vmem>>, %arg5: memref<128x64xf32, #tpu.memory_space<vmem>>, %arg6: memref<128x64xf32, #tpu.memory_space<vmem>>, %arg7: memref<64xf32, #tpu.memory_space<vmem>>, %arg8: memref<64xf32, #tpu.memory_space<vmem>>, %arg9: memref<64xf32, #tpu.memory_space<vmem>>, %arg10: memref<1x2000x128xf32, #tpu.memory_space<vmem>>, %arg11: memref<1x2000x64xf32, #tpu.memory_space<vmem>>) attributes {dimension_semantics = [#tpu.dimension_semantics<arbitrary>, #tpu.dimension_semantics<arbitrary>], iteration_bounds = array<i64: 2, 5>, scalar_prefetch = 0 : i64, scratch_operands = 0 : i64, tpu.core_type = #tpu.core_type<tc>, window_params = [{transform_indices = @transform_0, window_bounds = array<i64: 1, 2000, 128>}, {transform_indices = @transform_1, window_bounds = array<i64: 1, 2, 2000, 128>}, {transform_indices = @transform_2, window_bounds = array<i64: 2000, 2>}, {pipeline_mode = #tpu.pipeline_mode<synchronous>, transform_indices = @transform_3, window_bounds = array<i64: 128, 64>}, {pipeline_mode = #tpu.pipeline_mode<synchronous>, transform_indices = @transform_4, window_bounds = array<i64: 128, 64>}, {pipeline_mode = #tpu.pipeline_mode<synchronous>, transform_indices = @transform_5, window_bounds = array<i64: 64>}, {pipeline_mode = #tpu.pipeline_mode<synchronous>, transform_indices = @transform_6, window_bounds = array<i64: 64>}, {pipeline_mode = #tpu.pipeline_mode<synchronous>, transform_indices = @transform_7, window_bounds = array<i64: 64>}, {transform_indices = @transform_8, window_bounds = array<i64: 1, 2000, 128>}, {transform_indices = @transform_9, window_bounds = array<i64: 1, 2000, 64>}]} {
    %get3A = arith.constant 0 : index
    %get3A_0 = arith.constant 0 : index
    %get3A_1 = arith.constant 0 : index
    %get3A_2 = vector.load %arg2[%get3A, %get3A_0, %get3A_1] : memref<1x2000x128xf32, #tpu.memory_space<vmem>>, vector<1x2000x128xf32>
    %get3A_3 = vector.shape_cast %get3A_2 : vector<1x2000x128xf32> to vector<2000x128xf32>
    %get3A_4 = arith.constant 0 : index
    %get3A_5 = arith.constant 0 : index
    %get3A_6 = arith.constant 0 : index
    %get3A_7 = arith.constant 0 : index
    %get3A_8 = vector.load %arg3[%get3A_4, %get3A_5, %get3A_6, %get3A_7] : memref<1x2x2000x128xf32, #tpu.memory_space<vmem>>, vector<1x1x2000x128xf32>
    %get3A_9 = vector.shape_cast %get3A_8 : vector<1x1x2000x128xf32> to vector<2000x128xf32>
    %get3A_10 = arith.constant 0 : index
    %get3A_11 = arith.constant 1 : index
    %get3A_12 = arith.constant 0 : index
    %get3A_13 = arith.constant 0 : index
    %get3A_14 = vector.load %arg3[%get3A_10, %get3A_11, %get3A_12, %get3A_13] : memref<1x2x2000x128xf32, #tpu.memory_space<vmem>>, vector<1x1x2000x128xf32>
    %get3A_15 = vector.shape_cast %get3A_14 : vector<1x1x2000x128xf32> to vector<2000x128xf32>
    %add3A = arith.addf %get3A_9, %get3A_15 : vector<2000x128xf32>
    %get3A_16 = arith.constant 0 : index
    %get3A_17 = arith.constant 0 : index
    %get3A_18 = vector.load %arg5[%get3A_16, %get3A_17] : memref<128x64xf32, #tpu.memory_space<vmem>>, vector<128x64xf32>
    %dot_general3A = arith.constant dense<0.000000e+00> : vector<2000x64xf32>
    %dot_general3A_19 = tpu.matmul %get3A_3, %get3A_18, %dot_general3A {dimension_numbers = #tpu.dot_dimension_numbers<[1], [0], [0], [1], [0, 0, 1, 1], [], []>, transpose_lhs_hint = false} : vector<2000x128xf32>, vector<128x64xf32>, vector<2000x64xf32> -> vector<2000x64xf32>
    %get3A_20 = arith.constant 0 : index
    %get3A_21 = arith.constant 0 : index
    %get3A_22 = vector.load %arg6[%get3A_20, %get3A_21] : memref<128x64xf32, #tpu.memory_space<vmem>>, vector<128x64xf32>
    %dot_general3A_23 = arith.constant dense<0.000000e+00> : vector<2000x64xf32>
    %dot_general3A_24 = tpu.matmul %add3A, %get3A_22, %dot_general3A_23 {dimension_numbers = #tpu.dot_dimension_numbers<[1], [0], [0], [1], [0, 0, 1, 1], [], []>, transpose_lhs_hint = false} : vector<2000x128xf32>, vector<128x64xf32>, vector<2000x64xf32> -> vector<2000x64xf32>
    %add3A_25 = arith.addf %dot_general3A_19, %dot_general3A_24 : vector<2000x64xf32>
    %get3A_26 = arith.constant 0 : index
    %get3A_27 = vector.load %arg7[%get3A_26] : memref<64xf32, #tpu.memory_space<vmem>>, vector<64xf32>
    %broadcast_in_dim3A = vector.shape_cast %get3A_27 : vector<64xf32> to vector<1x64xf32>
    %add3A_28 = vector.broadcast %broadcast_in_dim3A : vector<1x64xf32> to vector<2000x64xf32>
    %add3A_29 = arith.addf %add3A_25, %add3A_28 : vector<2000x64xf32>
    %get3A_30 = arith.constant 0 : index
    %get3A_31 = vector.load %arg8[%get3A_30] : memref<64xf32, #tpu.memory_space<vmem>>, vector<64xf32>
    %get3A_32 = arith.constant 0 : index
    %get3A_33 = vector.load %arg9[%get3A_32] : memref<64xf32, #tpu.memory_space<vmem>>, vector<64xf32>
    %reduce_sum3A = arith.constant dense<0.000000e+00> : vector<2000xf32>
    %reduce_sum3A_34 = vector.multi_reduction <add>, %add3A_29, %reduce_sum3A [1] : vector<2000x64xf32> to vector<2000xf32>
    %broadcast_in_dim3A_35 = vector.shape_cast %reduce_sum3A_34 : vector<2000xf32> to vector<2000x1xf32>
    %div3A = arith.constant 6.400000e+01 : f32
    %div3A_36 = vector.broadcast %div3A : f32 to vector<2000x1xf32>
    %div3A_37 = arith.divf %broadcast_in_dim3A_35, %div3A_36 : vector<2000x1xf32>
    %sub3A = vector.broadcast %div3A_37 : vector<2000x1xf32> to vector<2000x64xf32>
    %sub3A_38 = arith.subf %add3A_29, %sub3A : vector<2000x64xf32>
    %integer_pow3A = arith.mulf %sub3A_38, %sub3A_38 : vector<2000x64xf32>
    %reduce_sum3A_39 = arith.constant dense<0.000000e+00> : vector<2000xf32>
    %reduce_sum3A_40 = vector.multi_reduction <add>, %integer_pow3A, %reduce_sum3A_39 [1] : vector<2000x64xf32> to vector<2000xf32>
    %broadcast_in_dim3A_41 = vector.shape_cast %reduce_sum3A_40 : vector<2000xf32> to vector<2000x1xf32>
    %div3A_42 = arith.constant 6.400000e+01 : f32
    %div3A_43 = vector.broadcast %div3A_42 : f32 to vector<2000x1xf32>
    %div3A_44 = arith.divf %broadcast_in_dim3A_41, %div3A_43 : vector<2000x1xf32>
    %sub3A_45 = vector.broadcast %div3A_37 : vector<2000x1xf32> to vector<2000x64xf32>
    %sub3A_46 = arith.subf %add3A_29, %sub3A_45 : vector<2000x64xf32>
    %add3A_47 = arith.constant 9.99999974E-6 : f32
    %add3A_48 = vector.broadcast %add3A_47 : f32 to vector<2000x1xf32>
    %add3A_49 = arith.addf %div3A_44, %add3A_48 : vector<2000x1xf32>
    %sqrt3A = math.sqrt %add3A_49 : vector<2000x1xf32>
    %div3A_50 = vector.broadcast %sqrt3A : vector<2000x1xf32> to vector<2000x64xf32>
    %div3A_51 = arith.divf %sub3A_46, %div3A_50 : vector<2000x64xf32>
    %broadcast_in_dim3A_52 = vector.shape_cast %get3A_31 : vector<64xf32> to vector<1x64xf32>
    %mul3A = vector.broadcast %broadcast_in_dim3A_52 : vector<1x64xf32> to vector<2000x64xf32>
    %mul3A_53 = arith.mulf %div3A_51, %mul3A : vector<2000x64xf32>
    %broadcast_in_dim3A_54 = vector.shape_cast %get3A_33 : vector<64xf32> to vector<1x64xf32>
    %add3A_55 = vector.broadcast %broadcast_in_dim3A_54 : vector<1x64xf32> to vector<2000x64xf32>
    %add3A_56 = arith.addf %mul3A_53, %add3A_55 : vector<2000x64xf32>
    %swap3A = arith.constant 0 : index
    %swap3A_57 = arith.constant 0 : index
    %swap3A_58 = arith.constant 0 : index
    %swap3A_59 = vector.load %arg11[%swap3A, %swap3A_57, %swap3A_58] : memref<1x2000x64xf32, #tpu.memory_space<vmem>>, vector<1x2000x64xf32>
    %swap3A_60 = vector.shape_cast %swap3A_59 : vector<1x2000x64xf32> to vector<2000x64xf32>
    %swap3A_61 = vector.shape_cast %add3A_56 : vector<2000x64xf32> to vector<1x2000x64xf32>
    tpu.vector_store %arg11[%swap3A, %swap3A_57, %swap3A_58], %swap3A_61 {strides = array<i32>} : memref<1x2000x64xf32, #tpu.memory_space<vmem>>, vector<1x2000x64xf32>,
    %get3A_62 = arith.constant 0 : index
    %get3A_63 = arith.constant 0 : index
    %get3A_64 = vector.load %arg4[%get3A_62, %get3A_63] : memref<2000x2xf32, #tpu.memory_space<vmem>>, vector<2000x2xf32>
    %broadcast_in_dim3A_65 = arith.constant 0.000000e+00 : f32
    %broadcast_in_dim3A_66 = vector.broadcast %broadcast_in_dim3A_65 : f32 to vector<2000x62xf32>
    %concatenate3A = tpu.concatenate %get3A_64, %add3A_56, %broadcast_in_dim3A_66 in 1 : vector<2000x2xf32>, vector<2000x64xf32>, vector<2000x62xf32> -> vector<2000x128xf32>
    %swap3A_67 = arith.constant 0 : index
    %swap3A_68 = arith.constant 0 : index
    %swap3A_69 = arith.constant 0 : index
    %swap3A_70 = vector.load %arg10[%swap3A_67, %swap3A_68, %swap3A_69] : memref<1x2000x128xf32, #tpu.memory_space<vmem>>, vector<1x2000x128xf32>
    %swap3A_71 = vector.shape_cast %swap3A_70 : vector<1x2000x128xf32> to vector<2000x128xf32>
    %swap3A_72 = vector.shape_cast %concatenate3A : vector<2000x128xf32> to vector<1x2000x128xf32>
    tpu.vector_store %arg10[%swap3A_67, %swap3A_68, %swap3A_69], %swap3A_72 {strides = array<i32>} : memref<1x2000x128xf32, #tpu.memory_space<vmem>>, vector<1x2000x128xf32>,
    return
  }
  func.func @transform_0(%arg0: i32, %arg1: i32) -> (i32, i32, i32) {
    %c0_i32 = arith.constant 0 : i32
    %c0_i32_0 = arith.constant 0 : i32
    return %arg0, %arg1, %c0_i32 : i32, i32, i32
  }
  func.func @transform_1(%arg0: i32, %arg1: i32) -> (i32, i32, i32, i32) {
    %c0_i32 = arith.constant 0 : i32
    %c0_i32_0 = arith.constant 0 : i32
    %c0_i32_1 = arith.constant 0 : i32
    return %arg0, %c0_i32, %arg1, %c0_i32_0 : i32, i32, i32, i32
  }
  func.func @transform_2(%arg0: i32, %arg1: i32) -> (i32, i32) {
    %c0_i32 = arith.constant 0 : i32
    %c0_i32_0 = arith.constant 0 : i32
    return %arg1, %c0_i32 : i32, i32
  }
  func.func @transform_3(%arg0: i32, %arg1: i32) -> (i32, i32) {
    %c0_i32 = arith.constant 0 : i32
    %c0_i32_0 = arith.constant 0 : i32
    %c0_i32_1 = arith.constant 0 : i32
    return %c0_i32, %c0_i32_0 : i32, i32
  }
  func.func @transform_4(%arg0: i32, %arg1: i32) -> (i32, i32) {
    %c0_i32 = arith.constant 0 : i32
    %c0_i32_0 = arith.constant 0 : i32
    %c0_i32_1 = arith.constant 0 : i32
    return %c0_i32, %c0_i32_0 : i32, i32
  }
  func.func @transform_5(%arg0: i32, %arg1: i32) -> i32 {
    %c0_i32 = arith.constant 0 : i32
    %c0_i32_0 = arith.constant 0 : i32
    return %c0_i32 : i32
  }
  func.func @transform_6(%arg0: i32, %arg1: i32) -> i32 {
    %c0_i32 = arith.constant 0 : i32
    %c0_i32_0 = arith.constant 0 : i32
    return %c0_i32 : i32
  }
  func.func @transform_7(%arg0: i32, %arg1: i32) -> i32 {
    %c0_i32 = arith.constant 0 : i32
    %c0_i32_0 = arith.constant 0 : i32
    return %c0_i32 : i32
  }
  func.func @transform_8(%arg0: i32, %arg1: i32) -> (i32, i32, i32) {
    %c0_i32 = arith.constant 0 : i32
    %c0_i32_0 = arith.constant 0 : i32
    return %arg0, %arg1, %c0_i32 : i32, i32, i32
  }
  func.func @transform_9(%arg0: i32, %arg1: i32) -> (i32, i32, i32) {
    %c0_i32 = arith.constant 0 : i32
    %c0_i32_0 = arith.constant 0 : i32
    return %arg0, %arg1, %c0_i32 : i32, i32, i32
  }
}

module attributes {stable_mosaic.version = 14 : i64} {
  func.func @_dec_body(%arg0: i32, %arg1: memref<1x512x2xf32, #tpu.memory_space<vmem>>, %arg2: memref<10000x2xf32, #tpu.memory_space<vmem>>, %arg3: memref<1x10000x64xf32, #tpu.memory_space<vmem>>, %arg4: memref<2x64xf32, #tpu.memory_space<vmem>>, %arg5: memref<64xf32, #tpu.memory_space<vmem>>, %arg6: memref<64x64xf32, #tpu.memory_space<vmem>>, %arg7: memref<64xf32, #tpu.memory_space<vmem>>, %arg8: memref<64x64xf32, #tpu.memory_space<vmem>>, %arg9: memref<64xf32, #tpu.memory_space<vmem>>, %arg10: memref<128x64xf32, #tpu.memory_space<vmem>>, %arg11: memref<64xf32, #tpu.memory_space<vmem>>, %arg12: memref<64x64xf32, #tpu.memory_space<vmem>>, %arg13: memref<64xf32, #tpu.memory_space<vmem>>, %arg14: memref<64x1xf32, #tpu.memory_space<vmem>>, %arg15: memref<1xf32, #tpu.memory_space<vmem>>, %arg16: memref<1x512x1xf32, #tpu.memory_space<vmem>>) attributes {dimension_semantics = [#tpu.dimension_semantics<arbitrary>], iteration_bounds = array<i64: 2>, scalar_prefetch = 0 : i64, scratch_operands = 0 : i64, tpu.core_type = #tpu.core_type<tc>, window_params = [{transform_indices = @transform_0, window_bounds = array<i64: 1, 512, 2>}, {pipeline_mode = #tpu.pipeline_mode<synchronous>, transform_indices = @transform_1, window_bounds = array<i64: 10000, 2>}, {transform_indices = @transform_2, window_bounds = array<i64: 1, 10000, 64>}, {pipeline_mode = #tpu.pipeline_mode<synchronous>, transform_indices = @transform_3, window_bounds = array<i64: 2, 64>}, {pipeline_mode = #tpu.pipeline_mode<synchronous>, transform_indices = @transform_4, window_bounds = array<i64: 64>}, {pipeline_mode = #tpu.pipeline_mode<synchronous>, transform_indices = @transform_5, window_bounds = array<i64: 64, 64>}, {pipeline_mode = #tpu.pipeline_mode<synchronous>, transform_indices = @transform_6, window_bounds = array<i64: 64>}, {pipeline_mode = #tpu.pipeline_mode<synchronous>, transform_indices = @transform_7, window_bounds = array<i64: 64, 64>}, {pipeline_mode = #tpu.pipeline_mode<synchronous>, transform_indices = @transform_8, window_bounds = array<i64: 64>}, {pipeline_mode = #tpu.pipeline_mode<synchronous>, transform_indices = @transform_9, window_bounds = array<i64: 128, 64>}, {pipeline_mode = #tpu.pipeline_mode<synchronous>, transform_indices = @transform_10, window_bounds = array<i64: 64>}, {pipeline_mode = #tpu.pipeline_mode<synchronous>, transform_indices = @transform_11, window_bounds = array<i64: 64, 64>}, {pipeline_mode = #tpu.pipeline_mode<synchronous>, transform_indices = @transform_12, window_bounds = array<i64: 64>}, {pipeline_mode = #tpu.pipeline_mode<synchronous>, transform_indices = @transform_13, window_bounds = array<i64: 64, 1>}, {pipeline_mode = #tpu.pipeline_mode<synchronous>, transform_indices = @transform_14, window_bounds = array<i64: 1>}, {transform_indices = @transform_15, window_bounds = array<i64: 1, 512, 1>}]} {
    %get3A = arith.constant 0 : index
    %get3A_0 = arith.constant 0 : index
    %get3A_1 = arith.constant 0 : index
    %get3A_2 = vector.load %arg1[%get3A, %get3A_0, %get3A_1] : memref<1x512x2xf32, #tpu.memory_space<vmem>>, vector<1x512x2xf32>
    %get3A_3 = vector.shape_cast %get3A_2 : vector<1x512x2xf32> to vector<512x2xf32>
    %get3A_4 = arith.constant 0 : index
    %get3A_5 = arith.constant 0 : index
    %get3A_6 = vector.load %arg2[%get3A_4, %get3A_5] : memref<10000x2xf32, #tpu.memory_space<vmem>>, vector<10000x2xf32>
    %get3A_7 = arith.constant 0 : index
    %get3A_8 = arith.constant 0 : index
    %get3A_9 = vector.load %arg4[%get3A_7, %get3A_8] : memref<2x64xf32, #tpu.memory_space<vmem>>, vector<2x64xf32>
    %dot_general3A = arith.constant dense<0.000000e+00> : vector<512x64xf32>
    %dot_general3A_10 = tpu.matmul %get3A_3, %get3A_9, %dot_general3A {dimension_numbers = #tpu.dot_dimension_numbers<[1], [0], [0], [1], [0, 0, 1, 1], [], []>, transpose_lhs_hint = false} : vector<512x2xf32>, vector<2x64xf32>, vector<512x64xf32> -> vector<512x64xf32>
    %get3A_11 = arith.constant 0 : index
    %get3A_12 = vector.load %arg5[%get3A_11] : memref<64xf32, #tpu.memory_space<vmem>>, vector<64xf32>
    %broadcast_in_dim3A = vector.shape_cast %get3A_12 : vector<64xf32> to vector<1x64xf32>
    %add3A = vector.broadcast %broadcast_in_dim3A : vector<1x64xf32> to vector<512x64xf32>
    %add3A_13 = arith.addf %dot_general3A_10, %add3A : vector<512x64xf32>
    %max3A = arith.constant 0.000000e+00 : f32
    %max3A_14 = vector.broadcast %max3A : f32 to vector<512x64xf32>
    %max3A_15 = arith.maximumf %add3A_13, %max3A_14 : vector<512x64xf32>
    %get3A_16 = arith.constant 0 : index
    %get3A_17 = arith.constant 0 : index
    %get3A_18 = vector.load %arg6[%get3A_16, %get3A_17] : memref<64x64xf32, #tpu.memory_space<vmem>>, vector<64x64xf32>
    %dot_general3A_19 = arith.constant dense<0.000000e+00> : vector<512x64xf32>
    %dot_general3A_20 = tpu.matmul %max3A_15, %get3A_18, %dot_general3A_19 {dimension_numbers = #tpu.dot_dimension_numbers<[1], [0], [0], [1], [0, 0, 1, 1], [], []>, transpose_lhs_hint = false} : vector<512x64xf32>, vector<64x64xf32>, vector<512x64xf32> -> vector<512x64xf32>
    %get3A_21 = arith.constant 0 : index
    %get3A_22 = vector.load %arg7[%get3A_21] : memref<64xf32, #tpu.memory_space<vmem>>, vector<64xf32>
    %broadcast_in_dim3A_23 = vector.shape_cast %get3A_22 : vector<64xf32> to vector<1x64xf32>
    %add3A_24 = vector.broadcast %broadcast_in_dim3A_23 : vector<1x64xf32> to vector<512x64xf32>
    %add3A_25 = arith.addf %dot_general3A_20, %add3A_24 : vector<512x64xf32>
    %max3A_26 = arith.constant 0.000000e+00 : f32
    %max3A_27 = vector.broadcast %max3A_26 : f32 to vector<512x64xf32>
    %max3A_28 = arith.maximumf %add3A_25, %max3A_27 : vector<512x64xf32>
    %get3A_29 = arith.constant 0 : index
    %get3A_30 = arith.constant 0 : index
    %get3A_31 = vector.load %arg8[%get3A_29, %get3A_30] : memref<64x64xf32, #tpu.memory_space<vmem>>, vector<64x64xf32>
    %dot_general3A_32 = arith.constant dense<0.000000e+00> : vector<512x64xf32>
    %dot_general3A_33 = tpu.matmul %max3A_28, %get3A_31, %dot_general3A_32 {dimension_numbers = #tpu.dot_dimension_numbers<[1], [0], [0], [1], [0, 0, 1, 1], [], []>, transpose_lhs_hint = false} : vector<512x64xf32>, vector<64x64xf32>, vector<512x64xf32> -> vector<512x64xf32>
    %get3A_34 = arith.constant 0 : index
    %get3A_35 = vector.load %arg9[%get3A_34] : memref<64xf32, #tpu.memory_space<vmem>>, vector<64xf32>
    %broadcast_in_dim3A_36 = vector.shape_cast %get3A_35 : vector<64xf32> to vector<1x64xf32>
    %add3A_37 = vector.broadcast %broadcast_in_dim3A_36 : vector<1x64xf32> to vector<512x64xf32>
    %add3A_38 = arith.addf %dot_general3A_33, %add3A_37 : vector<512x64xf32>
    %mul3A = arith.mulf %get3A_3, %get3A_3 : vector<512x2xf32>
    %reduce_sum3A = arith.constant dense<0.000000e+00> : vector<512xf32>
    %reduce_sum3A_39 = vector.multi_reduction <add>, %mul3A, %reduce_sum3A [1] : vector<512x2xf32> to vector<512xf32>
    %broadcast_in_dim3A_40 = vector.shape_cast %reduce_sum3A_39 : vector<512xf32> to vector<512x1xf32>
    %dot_general3A_41 = arith.constant dense<0.000000e+00> : vector<512x10000xf32>
    %dot_general3A_42 = tpu.matmul %get3A_3, %get3A_6, %dot_general3A_41 {dimension_numbers = #tpu.dot_dimension_numbers<[1], [1], [0], [0], [0, 0, 1, 0], [], []>, transpose_lhs_hint = false} : vector<512x2xf32>, vector<10000x2xf32>, vector<512x10000xf32> -> vector<512x10000xf32>
    %mul3A_43 = arith.constant 2.000000e+00 : f32
    %mul3A_44 = vector.broadcast %mul3A_43 : f32 to vector<512x10000xf32>
    %mul3A_45 = arith.mulf %mul3A_44, %dot_general3A_42 : vector<512x10000xf32>
    %sub3A = vector.broadcast %broadcast_in_dim3A_40 : vector<512x1xf32> to vector<512x10000xf32>
    %sub3A_46 = arith.subf %sub3A, %mul3A_45 : vector<512x10000xf32>
    %mul3A_47 = arith.mulf %get3A_6, %get3A_6 : vector<10000x2xf32>
    %reduce_sum3A_48 = arith.constant dense<0.000000e+00> : vector<10000xf32>
    %reduce_sum3A_49 = vector.multi_reduction <add>, %mul3A_47, %reduce_sum3A_48 [1] : vector<10000x2xf32> to vector<10000xf32>
    %broadcast_in_dim3A_50 = vector.shape_cast %reduce_sum3A_49 : vector<10000xf32> to vector<1x10000xf32>
    %add3A_51 = vector.broadcast %broadcast_in_dim3A_50 : vector<1x10000xf32> to vector<512x10000xf32>
    %add3A_52 = arith.addf %sub3A_46, %add3A_51 : vector<512x10000xf32>
    %neg3A = arith.constant 0.000000e+00 : f32
    %neg3A_53 = vector.broadcast %neg3A : f32 to vector<512x10000xf32>
    %neg3A_54 = arith.subf %neg3A_53, %add3A_52 : vector<512x10000xf32>
    %reduce_max3A = arith.constant dense<0xFF800000> : vector<512xf32>
    %reduce_max3A_55 = vector.multi_reduction <maximumf>, %neg3A_54, %reduce_max3A [1] : vector<512x10000xf32> to vector<512xf32>
    %max3A_56 = arith.constant 0xFF800000 : f32
    %max3A_57 = vector.broadcast %max3A_56 : f32 to vector<512xf32>
    %max3A_58 = arith.maximumf %max3A_57, %reduce_max3A_55 : vector<512xf32>
    %broadcast_in_dim3A_59 = vector.shape_cast %max3A_58 : vector<512xf32> to vector<512x1xf32>
    %sub3A_60 = vector.broadcast %broadcast_in_dim3A_59 : vector<512x1xf32> to vector<512x10000xf32>
    %sub3A_61 = arith.subf %neg3A_54, %sub3A_60 : vector<512x10000xf32>
    %exp3A = math.exp %sub3A_61 : vector<512x10000xf32>
    %reduce_sum3A_62 = arith.constant dense<0.000000e+00> : vector<512xf32>
    %reduce_sum3A_63 = vector.multi_reduction <add>, %exp3A, %reduce_sum3A_62 [1] : vector<512x10000xf32> to vector<512xf32>
    %broadcast_in_dim3A_64 = vector.shape_cast %reduce_sum3A_63 : vector<512xf32> to vector<512x1xf32>
    %div3A = vector.broadcast %broadcast_in_dim3A_64 : vector<512x1xf32> to vector<512x10000xf32>
    %div3A_65 = arith.divf %exp3A, %div3A : vector<512x10000xf32>
    %get3A_66 = arith.constant 0 : index
    %get3A_67 = arith.constant 0 : index
    %get3A_68 = arith.constant 0 : index
    %get3A_69 = vector.load %arg3[%get3A_66, %get3A_67, %get3A_68] : memref<1x10000x64xf32, #tpu.memory_space<vmem>>, vector<1x10000x64xf32>
    %get3A_70 = vector.shape_cast %get3A_69 : vector<1x10000x64xf32> to vector<10000x64xf32>
    %dot_general3A_71 = arith.constant dense<0.000000e+00> : vector<512x64xf32>
    %dot_general3A_72 = tpu.matmul %div3A_65, %get3A_70, %dot_general3A_71 {dimension_numbers = #tpu.dot_dimension_numbers<[1], [0], [0], [1], [0, 0, 1, 1], [], []>, transpose_lhs_hint = false} : vector<512x10000xf32>, vector<10000x64xf32>, vector<512x64xf32> -> vector<512x64xf32>
    %concatenate3A = tpu.concatenate %dot_general3A_72, %add3A_38 in 1 : vector<512x64xf32>, vector<512x64xf32> -> vector<512x128xf32>
    %get3A_73 = arith.constant 0 : index
    %get3A_74 = arith.constant 0 : index
    %get3A_75 = vector.load %arg10[%get3A_73, %get3A_74] : memref<128x64xf32, #tpu.memory_space<vmem>>, vector<128x64xf32>
    %dot_general3A_76 = arith.constant dense<0.000000e+00> : vector<512x64xf32>
    %dot_general3A_77 = tpu.matmul %concatenate3A, %get3A_75, %dot_general3A_76 {dimension_numbers = #tpu.dot_dimension_numbers<[1], [0], [0], [1], [0, 0, 1, 1], [], []>, transpose_lhs_hint = false} : vector<512x128xf32>, vector<128x64xf32>, vector<512x64xf32> -> vector<512x64xf32>
    %get3A_78 = arith.constant 0 : index
    %get3A_79 = vector.load %arg11[%get3A_78] : memref<64xf32, #tpu.memory_space<vmem>>, vector<64xf32>
    %broadcast_in_dim3A_80 = vector.shape_cast %get3A_79 : vector<64xf32> to vector<1x64xf32>
    %add3A_81 = vector.broadcast %broadcast_in_dim3A_80 : vector<1x64xf32> to vector<512x64xf32>
    %add3A_82 = arith.addf %dot_general3A_77, %add3A_81 : vector<512x64xf32>
    %max3A_83 = arith.constant 0.000000e+00 : f32
    %max3A_84 = vector.broadcast %max3A_83 : f32 to vector<512x64xf32>
    %max3A_85 = arith.maximumf %add3A_82, %max3A_84 : vector<512x64xf32>
    %get3A_86 = arith.constant 0 : index
    %get3A_87 = arith.constant 0 : index
    %get3A_88 = vector.load %arg12[%get3A_86, %get3A_87] : memref<64x64xf32, #tpu.memory_space<vmem>>, vector<64x64xf32>
    %dot_general3A_89 = arith.constant dense<0.000000e+00> : vector<512x64xf32>
    %dot_general3A_90 = tpu.matmul %max3A_85, %get3A_88, %dot_general3A_89 {dimension_numbers = #tpu.dot_dimension_numbers<[1], [0], [0], [1], [0, 0, 1, 1], [], []>, transpose_lhs_hint = false} : vector<512x64xf32>, vector<64x64xf32>, vector<512x64xf32> -> vector<512x64xf32>
    %get3A_91 = arith.constant 0 : index
    %get3A_92 = vector.load %arg13[%get3A_91] : memref<64xf32, #tpu.memory_space<vmem>>, vector<64xf32>
    %broadcast_in_dim3A_93 = vector.shape_cast %get3A_92 : vector<64xf32> to vector<1x64xf32>
    %add3A_94 = vector.broadcast %broadcast_in_dim3A_93 : vector<1x64xf32> to vector<512x64xf32>
    %add3A_95 = arith.addf %dot_general3A_90, %add3A_94 : vector<512x64xf32>
    %max3A_96 = arith.constant 0.000000e+00 : f32
    %max3A_97 = vector.broadcast %max3A_96 : f32 to vector<512x64xf32>
    %max3A_98 = arith.maximumf %add3A_95, %max3A_97 : vector<512x64xf32>
    %get3A_99 = arith.constant 0 : index
    %get3A_100 = arith.constant 0 : index
    %get3A_101 = vector.load %arg14[%get3A_99, %get3A_100] : memref<64x1xf32, #tpu.memory_space<vmem>>, vector<64x1xf32>
    %dot_general3A_102 = arith.constant dense<0.000000e+00> : vector<512x1xf32>
    %dot_general3A_103 = tpu.matmul %max3A_98, %get3A_101, %dot_general3A_102 {dimension_numbers = #tpu.dot_dimension_numbers<[1], [0], [0], [1], [0, 0, 1, 1], [], []>, transpose_lhs_hint = false} : vector<512x64xf32>, vector<64x1xf32>, vector<512x1xf32> -> vector<512x1xf32>
    %get3A_104 = arith.constant 0 : index
    %get3A_105 = vector.load %arg15[%get3A_104] : memref<1xf32, #tpu.memory_space<vmem>>, vector<1xf32>
    %broadcast_in_dim3A_106 = vector.shape_cast %get3A_105 : vector<1xf32> to vector<1x1xf32>
    %add3A_107 = vector.broadcast %broadcast_in_dim3A_106 : vector<1x1xf32> to vector<512x1xf32>
    %add3A_108 = arith.addf %dot_general3A_103, %add3A_107 : vector<512x1xf32>
    %swap3A = arith.constant 0 : index
    %swap3A_109 = arith.constant 0 : index
    %swap3A_110 = arith.constant 0 : index
    %swap3A_111 = vector.load %arg16[%swap3A, %swap3A_109, %swap3A_110] : memref<1x512x1xf32, #tpu.memory_space<vmem>>, vector<1x512x1xf32>
    %swap3A_112 = vector.shape_cast %swap3A_111 : vector<1x512x1xf32> to vector<512x1xf32>
    %swap3A_113 = vector.shape_cast %add3A_108 : vector<512x1xf32> to vector<1x512x1xf32>
    tpu.vector_store %arg16[%swap3A, %swap3A_109, %swap3A_110], %swap3A_113 {strides = array<i32>} : memref<1x512x1xf32, #tpu.memory_space<vmem>>, vector<1x512x1xf32>,
    return
  }
  func.func @transform_0(%arg0: i32) -> (i32, i32, i32) {
    %c0_i32 = arith.constant 0 : i32
    %c0_i32_0 = arith.constant 0 : i32
    %c0_i32_1 = arith.constant 0 : i32
    return %arg0, %c0_i32, %c0_i32_0 : i32, i32, i32
  }
  func.func @transform_1(%arg0: i32) -> (i32, i32) {
    %c0_i32 = arith.constant 0 : i32
    %c0_i32_0 = arith.constant 0 : i32
    %c0_i32_1 = arith.constant 0 : i32
    return %c0_i32, %c0_i32_0 : i32, i32
  }
  func.func @transform_2(%arg0: i32) -> (i32, i32, i32) {
    %c0_i32 = arith.constant 0 : i32
    %c0_i32_0 = arith.constant 0 : i32
    %c0_i32_1 = arith.constant 0 : i32
    return %arg0, %c0_i32, %c0_i32_0 : i32, i32, i32
  }
  func.func @transform_3(%arg0: i32) -> (i32, i32) {
    %c0_i32 = arith.constant 0 : i32
    %c0_i32_0 = arith.constant 0 : i32
    %c0_i32_1 = arith.constant 0 : i32
    return %c0_i32, %c0_i32_0 : i32, i32
  }
  func.func @transform_4(%arg0: i32) -> i32 {
    %c0_i32 = arith.constant 0 : i32
    %c0_i32_0 = arith.constant 0 : i32
    return %c0_i32 : i32
  }
  func.func @transform_5(%arg0: i32) -> (i32, i32) {
    %c0_i32 = arith.constant 0 : i32
    %c0_i32_0 = arith.constant 0 : i32
    %c0_i32_1 = arith.constant 0 : i32
    return %c0_i32, %c0_i32_0 : i32, i32
  }
  func.func @transform_6(%arg0: i32) -> i32 {
    %c0_i32 = arith.constant 0 : i32
    %c0_i32_0 = arith.constant 0 : i32
    return %c0_i32 : i32
  }
  func.func @transform_7(%arg0: i32) -> (i32, i32) {
    %c0_i32 = arith.constant 0 : i32
    %c0_i32_0 = arith.constant 0 : i32
    %c0_i32_1 = arith.constant 0 : i32
    return %c0_i32, %c0_i32_0 : i32, i32
  }
  func.func @transform_8(%arg0: i32) -> i32 {
    %c0_i32 = arith.constant 0 : i32
    %c0_i32_0 = arith.constant 0 : i32
    return %c0_i32 : i32
  }
  func.func @transform_9(%arg0: i32) -> (i32, i32) {
    %c0_i32 = arith.constant 0 : i32
    %c0_i32_0 = arith.constant 0 : i32
    %c0_i32_1 = arith.constant 0 : i32
    return %c0_i32, %c0_i32_0 : i32, i32
  }
  func.func @transform_10(%arg0: i32) -> i32 {
    %c0_i32 = arith.constant 0 : i32
    %c0_i32_0 = arith.constant 0 : i32
    return %c0_i32 : i32
  }
  func.func @transform_11(%arg0: i32) -> (i32, i32) {
    %c0_i32 = arith.constant 0 : i32
    %c0_i32_0 = arith.constant 0 : i32
    %c0_i32_1 = arith.constant 0 : i32
    return %c0_i32, %c0_i32_0 : i32, i32
  }
  func.func @transform_12(%arg0: i32) -> i32 {
    %c0_i32 = arith.constant 0 : i32
    %c0_i32_0 = arith.constant 0 : i32
    return %c0_i32 : i32
  }
  func.func @transform_13(%arg0: i32) -> (i32, i32) {
    %c0_i32 = arith.constant 0 : i32
    %c0_i32_0 = arith.constant 0 : i32
    %c0_i32_1 = arith.constant 0 : i32
    return %c0_i32, %c0_i32_0 : i32, i32
  }
  func.func @transform_14(%arg0: i32) -> i32 {
    %c0_i32 = arith.constant 0 : i32
    %c0_i32_0 = arith.constant 0 : i32
    return %c0_i32 : i32
  }
  func.func @transform_15(%arg0: i32) -> (i32, i32, i32) {
    %c0_i32 = arith.constant 0 : i32
    %c0_i32_0 = arith.constant 0 : i32
    %c0_i32_1 = arith.constant 0 : i32
    return %arg0, %c0_i32, %c0_i32_0 : i32, i32, i32
  }
}

</mosaic_0001>

<sc_bundles>
// kernel: kernel.19.cloned.1.call-start
scs
__scs_entry_jumppad:
0x0: {  	(pc) =	sbr.rel $0x88, $3  }
0x1: {  	(tag) =	ssettag $0x0;
	lr =	simm.s32 $0x1  }
0x2: {  	[smem:$0x3F81] =	sst lr;
	_ =	strace $0xD0000000  }
0x3: {  	_ = 	snop  }
0x4: {  	_ = 	snop  }
0x5: {  	_ = 	snop  }
0x6: {  	_ = 	snop  }
0x7: {  	_ = 	snop  }
__scs_overlays_trampoline_lowered:
0x8: {  	[smem:$0x3F90] =	sst s0  }
0x9: {  	[smem:$0x3F91] =	sst s1  }
0xa: {  	[smem:$0x3F92] =	sst s2  }
0xb: {  	[smem:$0x3F93] =	sst s3  }
0xc: {  	[smem:$0x3F94] =	sst s4  }
0xd: {  	[smem:$0x3F95] =	sst s5  }
0xe: {  	[smem:$0x3F96] =	sst s6  }
0xf: {  	[smem:$0x3F97] =	sst s7  }
0x10: {  	[smem:$0x3F98] =	sst s8  }
0x11: {  	[smem:$0x3F99] =	sst s9;
	s0 =	simm.s32 @!p0 $0x0  }
0x12: {  	s1 =	sld [smem:$0x3F7F];
	s0 =	simm.s32 @p0 $0x1  }
0x13: {  	[smem:$0x3F9A] =	sst s0;
	s0 =	simm.s32 @!p1 $0x0  }
0x14: {  	s2 =	sld [smem:$0x3F7E];
	s0 =	simm.s32 @p1 $0x1  }
0x15: {  	[smem:$0x3F9B] =	sst s0;
	s0 =	simm.s32 @!p2 $0x0  }
0x16: {  	s3 =	sld [smem:$0x3FDB];
	s0 =	simm.s32 @p2 $0x1  }
0x17: {  	s4 =	simm.s32 $0x1BF5;
	[smem:$0x3F9D] =	sst s0  }
0x18: {  	s0 =	sld [smem:$0x3F80];
	_ =	swait.ge [sflag:s4], $0x0  }
0x19: {  	s7 =	sld [smem:$0x3F81]  }
0x1a: {  	s8 =	sadd.s32 $0xFFFFE003, lr  }
0x1b: {  	s9 =	sadd.s32 $0xFFFFFEF7, lr;
	s5 =	simm.s32 $0xFFFFFFFF;
	p2 =	slt.u32 s8, $0xFFFFF086  }
0x1c: {  	p1 =	slt.u32 s9, $0xF7A;
	s5 =	simm.s32 @!p2 $0x0  }
0x1d: {  	s5 =	simm.s32 @p1 $0x1;
	p0 =	seq.s32 s7, s2  }
0x1e: {  	s7 =	smul.u32 @!p0 $0xF7A, s2;
	p2 =	seq.s32 @!p0 s5, $0x0  }
0x1f: {  	s9 =	smul.u32 $0xF7A, s1;
	s8 =	simm.s32 @!p0 $0x1BF5;
	p2 =	por !p2, p0  }
0x20: {  	[sflag:s8] =	ssyncset.s32 @!p0 $0xFFFFF086;
	s6 =	sadd.s32 @!p0 s3, s7;
	s7 =	simm.s32 @!p0 $0x108  }
0x21: {  	s3 =	sadd.s32 s3, s9;
	s6 =	sadd.s32 @!p0 $0x88, s6;
	s7 =	simm.s32 @p2 $0x1082  }
0x22: {  	[simem:s7], [sflag:s8] =	dma.local @!p0 [hbm:s6], $0xF7A  }
0x23: {  	s9 =	sor.u32 $0xD0000000, s2;
	s6 =	simm.s32 $0x108;
	_ =	swait.ge @!p0 [sflag:s8], $0x0  }
0x24: {  	s3 =	sadd.s32 $0x88, s3;
	s6 =	simm.s32 @!p1 $0x1082;
	[sflag:s4] =	ssyncset.s32 $0xFFFFF086  }
0x25: {  	[simem:s6], [sflag:s4] =	dma.local [hbm:s3], $0xF7A  }
0x26: {  	[smem:$0x3F81] =	sst s1;
	(tag) =	ssettag s2;
	_ =	strace s9  }
0x27: {  	s1 =	sld [smem:$0x3F91]  }
0x28: {  	s2 =	sld [smem:$0x3F92]  }
0x29: {  	s4 =	sld [smem:$0x3F94]  }
0x2a: {  	p0 =	seq.s32 s5, $0x0;
	s5 =	sld [smem:$0x3F95]  }
0x2b: {  	s6 =	sld [smem:$0x3F96]  }
0x2c: {  	s7 =	sld [smem:$0x3F97]  }
0x2d: {  	s3 =	simm.s32 $0x108;
	s8 =	sld [smem:$0x3F98]  }
0x2e: {  	s3 =	simm.s32 @!p0 $0x1082;
	s9 =	sld [smem:$0x3F99]  }
0x2f: {  	lr =	sadd.s32 s0, s3;
	s0 =	sld [smem:$0x3F90]  }
0x30: {  	s3 =	sld [smem:$0x3F93]  }
0x31: {  	[smem:$0x3F9C] =	sst s10  }
0x32: {  	s10 =	sld [smem:$0x3F9A];
	_ =	sdelay $0x3  }
0x33: {  	p0 =	seq.s32 s10, $0x1;
	s10 =	sld [smem:$0x3F9C];
	_ =	sdelay $0x3  }
0x34: {  	[smem:$0x3F9C] =	sst s10  }
0x35: {  	s10 =	sld [smem:$0x3F9B];
	_ =	sdelay $0x3  }
0x36: {  	p1 =	seq.s32 s10, $0x1;
	s10 =	sld [smem:$0x3F9C];
	_ =	sdelay $0x3  }
0x37: {  	[smem:$0x3F9C] =	sst s10  }
0x38: {  	s10 =	sld [smem:$0x3F9D]  }
0x39: {  	_ = 	snop;
	(pc) =	sbr.ind lr, $3  }
0x3a: {  	_ = 	snop  }
0x3b: {  	_ = 	snop  }
0x3c: {  	p2 =	seq.s32 s10, $0x1;
	s10 =	sld [smem:$0x3F9C]  }
0x3d: {  	_ =	shalt  }
0x3e: {  	_ =	shalt  }
0x3f: {  	_ =	shalt  }
0x40: {  	_ =	shalt  }
0x41: {  	_ =	shalt  }
0x42: {  	_ =	shalt  }
0x43: {  	_ =	shalt  }
0x44: {  	_ =	shalt  }
0x45: {  	_ =	shalt  }
0x46: {  	_ =	shalt  }
0x47: {  	_ =	shalt  }
0x48: {  	_ =	shalt  }
0x49: {  	_ =	shalt  }
0x4a: {  	_ =	shalt  }
0x4b: {  	_ =	shalt  }
0x4c: {  	_ =	shalt  }
0x4d: {  	_ =	shalt  }
0x4e: {  	_ =	shalt  }
0x4f: {  	_ =	shalt  }
0x50: {  	_ =	shalt  }
0x51: {  	_ =	shalt  }
0x52: {  	_ =	shalt  }
0x53: {  	_ =	shalt  }
0x54: {  	_ =	shalt  }
0x55: {  	_ =	shalt  }
0x56: {  	_ =	shalt  }
0x57: {  	_ =	shalt  }
0x58: {  	_ =	shalt  }
0x59: {  	_ =	shalt  }
0x5a: {  	_ =	shalt  }
0x5b: {  	_ =	shalt  }
0x5c: {  	_ =	shalt  }
0x5d: {  	_ =	shalt  }
0x5e: {  	_ =	shalt  }
0x5f: {  	_ =	shalt  }
0x60: {  	_ =	shalt  }
0x61: {  	_ =	shalt  }
0x62: {  	_ =	shalt  }
0x63: {  	_ =	shalt  }
0x64: {  	_ =	shalt  }
0x65: {  	_ =	shalt  }
0x66: {  	_ =	shalt  }
0x67: {  	_ =	shalt  }
0x68: {  	_ =	shalt  }
0x69: {  	_ =	shalt  }
0x6a: {  	_ =	shalt  }
0x6b: {  	_ =	shalt  }
0x6c: {  	_ =	shalt  }
0x6d: {  	_ =	shalt  }
0x6e: {  	_ =	shalt  }
0x6f: {  	_ =	shalt  }
0x70: {  	_ =	shalt  }
0x71: {  	_ =	shalt  }
0x72: {  	_ =	shalt  }
0x73: {  	_ =	shalt  }
0x74: {  	_ =	shalt  }
0x75: {  	_ =	shalt  }
0x76: {  	_ =	shalt  }
0x77: {  	_ =	shalt  }
0x78: {  	_ =	shalt  }
0x79: {  	_ =	shalt  }
0x7a: {  	_ =	shalt  }
0x7b: {  	_ =	shalt  }
0x7c: {  	_ =	shalt  }
0x7d: {  	_ =	shalt  }
0x7e: {  	_ =	shalt  }
0x7f: {  	_ =	shalt  }
0x80: {  	_ =	shalt  }
0x81: {  	_ =	shalt  }
0x82: {  	_ =	shalt  }
0x83: {  	_ =	shalt  }
0x84: {  	_ =	shalt  }
0x85: {  	_ =	shalt  }
0x86: {  	_ =	shalt  }
0x87: {  	_ =	shalt  }
.Lfunc_end0:
.L_simem_size_0:
called_computation_lowered:
.L_overlay_start_0:
0x88: {  	s2 =	sld [smem:$0x3FD9]  }
0x89: {  	s3 =	sld [smem:$0x3FFE];
	_ =	sdelay $0x1  }
0x8a: {  	s1 =	srdreg.scid  }
0x8b: {  	s0 =	sand.u32 $0x1, s1  }
0x8c: {  	s17 =	sshll.u32 s0, $0xA;
	s2 =	sadd.s32 s3, s2  }
0x8d: {  	s2 =	sadd.s32 s2, s17  }
0x8e: {  	[smem:$0x3FA8] =	sst s2  }
0x8f: {  	_ = 	snop  }
0x90: {  	s2 =	sld [smem:$0x3FAB]  }
0x91: {  	s18 =	sld [smem:$0x3FAA];
	(tm) =	ssettm $0x1  }
0x92: {  	s4 =	sld [smem:$0x3FFB];
	_ =	sdelay $0x3  }
0x93: {  	_ =	strace s4  }
0x94: {  	s4 =	sld [smem:$0x3FFC];
	_ =	sdelay $0x3  }
0x95: {  	_ =	strace s4  }
0x96: {  	s4 =	sld [smem:$0x3FFD];
	_ =	sdelay $0x3  }
0x97: {  	_ =	strace s4  }
0x98: {  	_ =	strace $0x8FFFFFFF  }
0x99: {  	s19 =	sld [smem:$0x3FDB];
	_ =	sdelay $0x1  }
0x9a: {  	s5 =	simm.s32 $_scs_section_size  }
0x9b: {  	s6 =	simm.s32 $_size__tile_overlayer_lowered;
	s7 =	simm.s32 $_tile_overlayer_lowered  }
0x9c: {  	s22 =	simm.s32 $0x1BFF;
	s21 =	sshll.u32 s7, $0x1;
	s4 =	sadd.s32 s5, s19  }
0x9d: {  	s8 =	simm.s32 $0x0;
	s20 =	sshll.u32 s6, $0x1;
	s6 =	sadd.s32 s21, s4  }
0x9e: {  	[timem:s8], [sflag:s22] =	dma.local [hbm:s6], s20  }
0x9f: {  	_ =	swait.ge [sflag:s22], s20  }
0xa0: {  	s5 =	ssub.s32 $0x0, s20;
	[sflag:s22] =	ssyncset.done $0x0  }
0xa1: {  	[sflag:s22] =	ssyncadd.s32 s5;
	_ =	sdelay $0x1  }
0xa2: {  	s23 =	simm.s32 $0x1B8B  }
0xa3: {  	_ =	swait.ge [sflag:s23], $0x1  }
0xa4: {  	[sflag:s23] =	ssyncset.done $0x0  }
0xa5: {  	s25 =	simm.s32 $0x1B8E;
	s24 =	sld [smem:$0x3FFE];
	[sflag:s23] =	ssyncadd.s32 $0xFFFFFFFF  }
0xa6: {  	s26 =	simm.s32 $execute0_lowered;
	[smem:$0x3FD2] =	sst s25  }
0xa7: {  	s6 =	sshll.u32 s26, $0x1;
	_ =	strace $0x80000046;
	[dreg:$0x1] =	wrdreg $0xFFFFFFFF  }
0xa8: {  	s28 =	simm.s32 $_size_execute0_lowered;
	s4 =	sadd.s32 s4, s6;
	[dreg:$0x0] =	wrdreg $0x0  }
0xa9: {  	s6 =	sshll.u32 s28, $0x1;
	[dreg:$0x2] =	wrdreg s4  }
0xaa: {  	[dreg:$0x3] =	wrdreg s6  }
0xab: {  	[dreg:$0x4] =	wrdreg $0xC0  }
0xac: {  	_ =	task [dreg:s8], $0x5FFFF  }
0xad: {  	[dreg:$0x1] =	wrdreg $0xFFFFFFFF  }
0xae: {  	[dreg:$0x0] =	wrdreg $0x60  }
0xaf: {  	[dreg:$0x2] =	wrdreg s24  }
0xb0: {  	[dreg:$0x3] =	wrdreg s18  }
0xb1: {  	[dreg:$0x4] =	wrdreg s2  }
0xb2: {  	[dreg:$0x5] =	wrdreg $0x9  }
0xb3: {  	_ =	task.clear_ibuf [dreg:s8], $0x6FFFF;
	_ =	strace $0x90000046  }
0xb4: {  	s29 =	simm.s32 $0x9;
	_ =	strace $0x80000048  }
0xb5: {  	_ =	swait.ge [sflag:s29], $0x1  }
0xb6: {  	[sflag:s29] =	ssyncadd.s32 $0xFFFFFFFF  }
0xb7: {  	_ =	strace $0x90000048  }
0xb8: {  	_ =	sfence  }
0xb9: {  	s30 =	sld [smem:$0x0];
	_ =	sdelay $0x2  }
0xba: {  	s31 =	sshll.u32 s1, $0xD;
	s1 =	sshrl.u32 s1, $0x2  }
0xbb: {  	s3 =	sand.u32 $0x4000, s31;
	s1 =	sadd.s32 s1, s30  }
0xbc: {  	s0 =	sor.u32 s3, s0;
	s1 =	sshll.u32 s1, $0x11  }
0xbd: {  	s0 =	sor.u32 s1, s0  }
0xbe: {  	s0 =	sadd.s32 $0x8F2B, s0  }
0xbf: {  	[sflag:s0] =	ssyncadd.remote.s32 $0x1  }
0xc0: {  	_ =	sfence.sel $0xFFFF  }
0xc1: {  	[dreg:$0x0] =	wrdreg $0xFFFFFFFF;
	(pc) =	sbr.abs _section_cstart, $3  }
0xc2: {  	[dreg:$0x1] =	wrdreg $0xFFFFFFFF  }
0xc3: {  	_ =	task.clear_ibuf [dreg:s8], $0x2FFFF;
	_ =	strace $0x9FFFFFFF  }
0xc4: {  	(tm) =	ssettm $0x7FFFFFFF  }
0xc5: {  	_ =	shalt  }
tec
execute0_lowered:
.L_overlay_start_1:
0x0: {  	(tag) =	ssettag $0x1  }
0x1: {  	s7 =	rddreg [dreg:$0x0]  }
0x2: {  	s12 =	rddreg [dreg:$0x1]  }
0x3: {  	s11 =	rddreg [dreg:$0x2]  }
0x4: {  	s0 =	rddreg [dreg:$0x3];
	s3 =	srdreg.scid  }
0x5: {  	s1 =	stileid.u32;
	s2 =	simm.s32 $0x0;
	s14 =	simm.s32 $0x100  }
0x6: {  	s15 =	simm.s32 $0xC8;
	s16 =	simm.s32 $0x200;
	s17 =	simm.s32 $0x6600  }
0x7: {  	s18 =	simm.s32 $0x1;
	s19 =	simm.s32 $0x2;
	s29 =	smul.u32 $0x27100, s1  }
0x8: {  	s20 =	simm.s32 $0x0;
	s4 =	sand.u32 $0x1, s3;
	s8 =	smul.u32 $0x2710, s1  }
0x9: {  	[smem:$0x7FF] =	sst s2;
	s5 =	smul.u32 $0x13880, s4;
	s6 =	ssub.s32 $0x2, s4  }
0xa: {  	_ =	strace $0x80000047;
	s9 =	smul.u32 $0x1388, s4;
	s30 =	sshrl.u32 s6, $0x1  }
0xb: {  	s4 =	sadd.s32 $0x32A00, s7;
	s3 =	sadd.s32 s5, s29;
	s13 =	ssub.s32 s6, s30  }
0xc: {  	s5 =	sadd.s32 $0x59B00, s7;
	s6 =	sadd.s32 $0x2F1C00, s7;
	s9 =	sadd.s32 s9, s8  }
0xd: {  	s10 =	sadd.s32 s3, s7;
	s7 =	sadd.s32 $0x7D3C00, s7;
	s8 =	smax.u32 s13, $0x1  }
0xe: {  	s31 =	sshrl.u32 s9, $0x3;
	s13 =	simm.s32 $0x3;
	s9 =	sadd.s32 $0x80C00, s10  }
0xf: {  	s10 =	sadd.s32 $0x562C00, s10;
	s11 =	sadd.s32 s31, s11;
	s12 =	sadd.s32 s31, s12  }
.LBB2_1:
0x10: {  	s21 =	sadd.s32 $0x0, s12  }
0x11: {  	[tilespmem:s2], [sflag:$0x3] =	stream.linear.gather [hbm4b:s21+s2], $0xC8, $0x38;
	[tilespmem:$0xCA00] =	vst v63  }
0x12: {  	_ =	swait.ge [sflag:s13], $0xC8  }
0x13: {  	[sflag:s13] =	ssyncset.done $0x0  }
0x14: {  	s31 =	sadd.s32 $0x0, s11;
	[sflag:s13] =	ssyncadd.s32 $0xFFFFFF38  }
0x15: {  	[tilespmem:s14], [sflag:$0x3] =	stream.linear.gather [hbm4b:s31+s2], $0xC8, $0x38;
	[tilespmem:$0xCA00] =	vst v63  }
0x16: {  	_ =	swait.ge [sflag:s13], $0xC8  }
0x17: {  	[sflag:s13] =	ssyncset.done $0x0  }
0x18: {  	[sflag:s13] =	ssyncadd.s32 $0xFFFFFF38  }
0x19: {  	[tilespmem:s16], [sflag:$0x1] =	stream.indirect.gather [hbm4b:s4+s15], $0x80, s2, s15, $0xb8;
	[tilespmem:$0xCA00] =	vst v63  }
0x1a: {  	_ = 	snop  }
0x1b: {  	[tilespmem:s17], [sflag:$0x2] =	stream.indirect.gather [hbm4b:s4+s15], $0x80, s14, s15, $0xb8;
	[tilespmem:$0xCA00] =	vst v63  }
0x1c: {  	_ =	swait.ge [sflag:s18], $0x6400  }
0x1d: {  	[sflag:s18] =	ssyncset.done $0x0  }
0x1e: {  	[sflag:s18] =	ssyncadd.s32 $0xFFFF9C00  }
0x1f: {  	_ =	swait.ge [sflag:s19], $0x6400  }
0x20: {  	[sflag:s19] =	ssyncset.done $0x0  }
0x21: {  	[sflag:s19] =	ssyncadd.s32 $0xFFFF9C00  }
0x22: {  	[hbm4b:s9+s2] =	stream.linear.scatter [tilespmem:s16], [sflag:$0x3], $0x6400, $0x38;
	[tilespmem:$0xCA00] =	vst v63  }
0x23: {  	_ =	swait.ge [sflag:s13], $0x6400  }
0x24: {  	[sflag:s13] =	ssyncset.done $0x0  }
0x25: {  	s24 =	simm.s32 $0x19;
	[sflag:s13] =	ssyncadd.s32 $0xFFFF9C00  }
0x26: {  	[hbm4b:s10+s2] =	stream.linear.scatter [tilespmem:s17], [sflag:$0x3], $0x6400, $0x38;
	[tilespmem:$0xCA00] =	vst v63  }
0x27: {  	s26 =	sadd.s32 $0x19, s12;
	s25 =	simm.s32 $0x32;
	_ =	swait.ge [sflag:s13], $0x6400  }
0x28: {  	s23 =	sadd.s32 $0xC80, s9;
	s22 =	sadd.s32 $0xC80, s10;
	[sflag:s13] =	ssyncset.done $0x0  }
.LBB2_2:
0x29: {  	s28 =	sadd.s32 s25, s12  }
0x2a: {  	s21 =	simm.s32 $0x0;
	[sflag:s13] =	ssyncadd.s32 $0xFFFF9C00;
	s29 =	smov.u32 s25  }
0x2b: {  	[tilespmem:s21], [sflag:$0x3] =	stream.linear.gather [hbm4b:s26+s21], $0xC8, $0x38;
	[tilespmem:$0xCA00] =	vst v63  }
0x2c: {  	p0 =	sne.s32 s25, $0x258;
	s25 =	sadd.s32 $0x19, s25;
	_ =	swait.ge [sflag:s13], $0xC8  }
0x2d: {  	s26 =	smov.u32 s28;
	[sflag:s13] =	ssyncset.done $0x0  }
0x2e: {  	s28 =	sadd.s32 s24, s11;
	s24 =	smov.u32 s29;
	[sflag:s13] =	ssyncadd.s32 $0xFFFFFF38  }
0x2f: {  	[tilespmem:s14], [sflag:$0x3] =	stream.linear.gather [hbm4b:s28+s21], $0xC8, $0x38;
	[tilespmem:$0xCA00] =	vst v63  }
0x30: {  	_ =	swait.ge [sflag:s13], $0xC8  }
0x31: {  	[sflag:s13] =	ssyncset.done $0x0  }
0x32: {  	[sflag:s13] =	ssyncadd.s32 $0xFFFFFF38  }
0x33: {  	[tilespmem:s16], [sflag:$0x1] =	stream.indirect.gather [hbm4b:s4+s15], $0x80, s21, s15, $0xb8;
	[tilespmem:$0xCA00] =	vst v63  }
0x34: {  	_ = 	snop  }
0x35: {  	[tilespmem:s17], [sflag:$0x2] =	stream.indirect.gather [hbm4b:s4+s15], $0x80, s14, s15, $0xb8;
	[tilespmem:$0xCA00] =	vst v63  }
0x36: {  	_ =	swait.ge [sflag:s18], $0x6400  }
0x37: {  	[sflag:s18] =	ssyncset.done $0x0  }
0x38: {  	[sflag:s18] =	ssyncadd.s32 $0xFFFF9C00  }
0x39: {  	_ =	swait.ge [sflag:s19], $0x6400  }
0x3a: {  	[sflag:s19] =	ssyncset.done $0x0  }
0x3b: {  	[sflag:s19] =	ssyncadd.s32 $0xFFFF9C00  }
0x3c: {  	[hbm4b:s23+s21] =	stream.linear.scatter [tilespmem:s16], [sflag:$0x3], $0x6400, $0x38;
	[tilespmem:$0xCA00] =	vst v63  }
0x3d: {  	_ =	swait.ge [sflag:s13], $0x6400  }
.Ltmp0:
0x3e: {  	[sflag:s13] =	ssyncset.done $0x0;
	(pc) =	sbr.rel @p0 .LBB2_2-.Ltmp0, $4  }
0x3f: {  	[sflag:s13] =	ssyncadd.s32 $0xFFFF9C00  }
0x40: {  	[hbm4b:s22+s21] =	stream.linear.scatter [tilespmem:s17], [sflag:$0x3], $0x6400, $0x38;
	[tilespmem:$0xCA00] =	vst v63  }
0x41: {  	_ =	swait.ge [sflag:s13], $0x6400  }
0x42: {  	s23 =	sadd.s32 $0xC80, s23;
	s22 =	sadd.s32 $0xC80, s22;
	[sflag:s13] =	ssyncset.done $0x0  }
0x43: {  	[sflag:s13] =	ssyncadd.s32 $0xFFFF9C00  }
0x44: {  	[tilespmem:s21], [sflag:$0x3] =	stream.linear.gather [hbm4b:s26+s21], $0xC8, $0x38;
	[tilespmem:$0xCA00] =	vst v63  }
0x45: {  	_ =	swait.ge [sflag:s13], $0xC8  }
0x46: {  	[sflag:s13] =	ssyncset.done $0x0  }
0x47: {  	s24 =	sadd.s32 s24, s11;
	[sflag:s13] =	ssyncadd.s32 $0xFFFFFF38  }
0x48: {  	[tilespmem:s14], [sflag:$0x3] =	stream.linear.gather [hbm4b:s24+s21], $0xC8, $0x38;
	[tilespmem:$0xCA00] =	vst v63  }
0x49: {  	_ =	swait.ge [sflag:s13], $0xC8  }
0x4a: {  	[sflag:s13] =	ssyncset.done $0x0  }
0x4b: {  	[sflag:s13] =	ssyncadd.s32 $0xFFFFFF38  }
0x4c: {  	[tilespmem:s16], [sflag:$0x1] =	stream.indirect.gather [hbm4b:s4+s15], $0x80, s21, s15, $0xb8;
	[tilespmem:$0xCA00] =	vst v63  }
0x4d: {  	_ = 	snop  }
0x4e: {  	[tilespmem:s17], [sflag:$0x2] =	stream.indirect.gather [hbm4b:s4+s15], $0x80, s14, s15, $0xb8;
	[tilespmem:$0xCA00] =	vst v63  }
0x4f: {  	_ =	swait.ge [sflag:s18], $0x6400  }
0x50: {  	[sflag:s18] =	ssyncset.done $0x0  }
0x51: {  	[sflag:s18] =	ssyncadd.s32 $0xFFFF9C00  }
0x52: {  	_ =	swait.ge [sflag:s19], $0x6400  }
0x53: {  	[sflag:s19] =	ssyncset.done $0x0  }
0x54: {  	[sflag:s19] =	ssyncadd.s32 $0xFFFF9C00  }
0x55: {  	[hbm4b:s23+s21] =	stream.linear.scatter [tilespmem:s16], [sflag:$0x3], $0x6400, $0x38;
	[tilespmem:$0xCA00] =	vst v63  }
0x56: {  	_ =	swait.ge [sflag:s13], $0x6400  }
0x57: {  	p1 =	por $0x1, $0x1;
	[sflag:s13] =	ssyncset.done $0x0  }
.Ltmp1:
0x58: {  	[sflag:s13] =	ssyncadd.s32 $0xFFFF9C00;
	(pc) =	sbr.rel @!p1 .LBB2_8-.Ltmp1, $4  }
0x59: {  	[hbm4b:s22+s21] =	stream.linear.scatter [tilespmem:s17], [sflag:$0x3], $0x6400, $0x38;
	[tilespmem:$0xCA00] =	vst v63  }
0x5a: {  	_ =	swait.ge [sflag:s13], $0x6400  }
0x5b: {  	p0 =	por $0x0, $0x0;
	[sflag:s13] =	ssyncset.done $0x0  }
0x5c: {  	s23 =	smov.u32 s3;
	s22 =	simm.s32 $0x19;
	[sflag:s13] =	ssyncadd.s32 $0xFFFF9C00  }
0x5d: {  	s21 =	sadd.s32 $0x0, s12  }
0x5e: {  	[tilespmem:s2], [sflag:$0x3] =	stream.linear.gather [hbm4b:s21+s2], $0xC8, $0x38;
	[tilespmem:$0xCA00] =	vst v63  }
0x5f: {  	_ =	swait.ge [sflag:s13], $0xC8  }
0x60: {  	[sflag:s13] =	ssyncset.done $0x0  }
0x61: {  	s29 =	sadd.s32 $0x0, s11;
	[sflag:s13] =	ssyncadd.s32 $0xFFFFFF38  }
0x62: {  	[tilespmem:s14], [sflag:$0x3] =	stream.linear.gather [hbm4b:s29+s2], $0xC8, $0x38;
	[tilespmem:$0xCA00] =	vst v63  }
0x63: {  	_ =	swait.ge [sflag:s13], $0xC8  }
0x64: {  	[sflag:s13] =	ssyncset.done $0x0  }
0x65: {  	[sflag:s13] =	ssyncadd.s32 $0xFFFFFF38  }
0x66: {  	[tilespmem:s16], [sflag:$0x1] =	stream.indirect.gather [hbm4b:s5+s15], $0x80, s2, s15, $0xb8;
	[tilespmem:$0xCA00] =	vst v63  }
0x67: {  	_ = 	snop  }
0x68: {  	[tilespmem:s17], [sflag:$0x2] =	stream.indirect.gather [hbm4b:s5+s15], $0x80, s14, s15, $0xb8;
	[tilespmem:$0xCA00] =	vst v63  }
0x69: {  	_ =	swait.ge [sflag:s18], $0x6400  }
0x6a: {  	[sflag:s18] =	ssyncset.done $0x0  }
0x6b: {  	[sflag:s18] =	ssyncadd.s32 $0xFFFF9C00  }
0x6c: {  	_ =	swait.ge [sflag:s19], $0x6400  }
0x6d: {  	[sflag:s19] =	ssyncset.done $0x0  }
0x6e: {  	s30 =	sadd.s32 s3, s6;
	[sflag:s19] =	ssyncadd.s32 $0xFFFF9C00  }
0x6f: {  	[hbm4b:s30+s2] =	stream.linear.scatter [tilespmem:s16], [sflag:$0x3], $0x6400, $0x38;
	[tilespmem:$0xCA00] =	vst v63  }
0x70: {  	p1 =	por $0x1, $0x1;
	_ =	swait.ge [sflag:s13], $0x6400  }
.Ltmp2:
0x71: {  	[sflag:s13] =	ssyncset.done $0x0;
	(pc) =	sbr.rel @!p1 .LBB2_5-.Ltmp2, $4  }
0x72: {  	s31 =	sadd.s32 s3, s7;
	[sflag:s13] =	ssyncadd.s32 $0xFFFF9C00  }
0x73: {  	[hbm4b:s31+s2] =	stream.linear.scatter [tilespmem:s17], [sflag:$0x3], $0x6400, $0x38;
	[tilespmem:$0xCA00] =	vst v63  }
0x74: {  	s23 =	sadd.s32 $0xC80, s3;
	_ =	swait.ge [sflag:s13], $0x6400  }
0x75: {  	p0 =	por $0x1, $0x1;
	s21 =	simm.s32 $0x32;
	[sflag:s13] =	ssyncset.done $0x0  }
.LBB2_6:
0x76: {  	s24 =	sadd.s32 s22, s12  }
0x77: {  	[sflag:s13] =	ssyncadd.s32 $0xFFFF9C00;
	s25 =	smov.u32 s21;
	s26 =	sadd.s32 $0x19, s21  }
0x78: {  	[tilespmem:s2], [sflag:$0x3] =	stream.linear.gather [hbm4b:s24+s2], $0xC8, $0x38;
	[tilespmem:$0xCA00] =	vst v63  }
0x79: {  	p1 =	sne.s32 s21, $0x258;
	_ =	swait.ge [sflag:s13], $0xC8  }
0x7a: {  	[sflag:s13] =	ssyncset.done $0x0  }
0x7b: {  	s21 =	sadd.s32 s22, s11;
	s22 =	smov.u32 s25;
	[sflag:s13] =	ssyncadd.s32 $0xFFFFFF38  }
0x7c: {  	[tilespmem:s14], [sflag:$0x3] =	stream.linear.gather [hbm4b:s21+s2], $0xC8, $0x38;
	[tilespmem:$0xCA00] =	vst v63  }
0x7d: {  	_ =	swait.ge [sflag:s13], $0xC8  }
0x7e: {  	[sflag:s13] =	ssyncset.done $0x0  }
0x7f: {  	[sflag:s13] =	ssyncadd.s32 $0xFFFFFF38  }
0x80: {  	[tilespmem:s16], [sflag:$0x1] =	stream.indirect.gather [hbm4b:s5+s15], $0x80, s2, s15, $0xb8;
	[tilespmem:$0xCA00] =	vst v63  }
0x81: {  	_ = 	snop  }
0x82: {  	[tilespmem:s17], [sflag:$0x2] =	stream.indirect.gather [hbm4b:s5+s15], $0x80, s14, s15, $0xb8;
	[tilespmem:$0xCA00] =	vst v63  }
0x83: {  	_ =	swait.ge [sflag:s18], $0x6400  }
0x84: {  	[sflag:s18] =	ssyncset.done $0x0  }
0x85: {  	[sflag:s18] =	ssyncadd.s32 $0xFFFF9C00  }
0x86: {  	_ =	swait.ge [sflag:s19], $0x6400  }
0x87: {  	[sflag:s19] =	ssyncset.done $0x0  }
0x88: {  	s21 =	sadd.s32 s23, s6;
	[sflag:s19] =	ssyncadd.s32 $0xFFFF9C00  }
0x89: {  	[hbm4b:s21+s2] =	stream.linear.scatter [tilespmem:s16], [sflag:$0x3], $0x6400, $0x38;
	[tilespmem:$0xCA00] =	vst v63  }
0x8a: {  	_ =	swait.ge [sflag:s13], $0x6400  }
.Ltmp3:
0x8b: {  	[sflag:s13] =	ssyncset.done $0x0;
	(pc) =	sbr.rel @p1 .LBB2_6-.Ltmp3, $4  }
0x8c: {  	s21 =	sadd.s32 s23, s7;
	[sflag:s13] =	ssyncadd.s32 $0xFFFF9C00  }
0x8d: {  	[hbm4b:s21+s2] =	stream.linear.scatter [tilespmem:s17], [sflag:$0x3], $0x6400, $0x38;
	[tilespmem:$0xCA00] =	vst v63  }
0x8e: {  	_ =	swait.ge [sflag:s13], $0x6400  }
0x8f: {  	s23 =	sadd.s32 $0xC80, s23;
	s21 =	smov.u32 s26;
	[sflag:s13] =	ssyncset.done $0x0  }
0x90: {  	s21 =	smov.u32 s22  }
.LBB2_8:
0x91: {  	s22 =	sadd.s32 s21, s12;
	[sflag:s13] =	ssyncadd.s32 @p0 $0xFFFF9C00  }
0x92: {  	[tilespmem:s2], [sflag:$0x3] =	stream.linear.gather [hbm4b:s22+s2], $0xC8, $0x38;
	[tilespmem:$0xCA00] =	vst v63  }
0x93: {  	_ =	swait.ge [sflag:s13], $0xC8  }
0x94: {  	[sflag:s13] =	ssyncset.done $0x0  }
0x95: {  	s29 =	sadd.s32 s21, s11;
	[sflag:s13] =	ssyncadd.s32 $0xFFFFFF38  }
0x96: {  	[tilespmem:s14], [sflag:$0x3] =	stream.linear.gather [hbm4b:s29+s2], $0xC8, $0x38;
	[tilespmem:$0xCA00] =	vst v63  }
0x97: {  	_ =	swait.ge [sflag:s13], $0xC8  }
0x98: {  	[sflag:s13] =	ssyncset.done $0x0  }
0x99: {  	[sflag:s13] =	ssyncadd.s32 $0xFFFFFF38  }
0x9a: {  	[tilespmem:s16], [sflag:$0x1] =	stream.indirect.gather [hbm4b:s5+s15], $0x80, s2, s15, $0xb8;
	[tilespmem:$0xCA00] =	vst v63  }
0x9b: {  	_ = 	snop  }
0x9c: {  	[tilespmem:s17], [sflag:$0x2] =	stream.indirect.gather [hbm4b:s5+s15], $0x80, s14, s15, $0xb8;
	[tilespmem:$0xCA00] =	vst v63  }
0x9d: {  	_ =	swait.ge [sflag:s18], $0x6400  }
0x9e: {  	[sflag:s18] =	ssyncset.done $0x0  }
0x9f: {  	[sflag:s18] =	ssyncadd.s32 $0xFFFF9C00  }
0xa0: {  	_ =	swait.ge [sflag:s19], $0x6400  }
0xa1: {  	[sflag:s19] =	ssyncset.done $0x0  }
0xa2: {  	s30 =	sadd.s32 s23, s6;
	[sflag:s19] =	ssyncadd.s32 $0xFFFF9C00  }
0xa3: {  	[hbm4b:s30+s2] =	stream.linear.scatter [tilespmem:s16], [sflag:$0x3], $0x6400, $0x38;
	[tilespmem:$0xCA00] =	vst v63  }
0xa4: {  	_ =	swait.ge [sflag:s13], $0x6400  }
0xa5: {  	s20 =	sadd.s32 $0x1, s20;
	[sflag:s13] =	ssyncset.done $0x0  }
0xa6: {  	s31 =	sadd.s32 s23, s7;
	p0 =	sne.s32 s20, s8;
	[sflag:s13] =	ssyncadd.s32 $0xFFFF9C00  }
0xa7: {  	[hbm4b:s31+s2] =	stream.linear.scatter [tilespmem:s17], [sflag:$0x3], $0x6400, $0x38;
	[tilespmem:$0xCA00] =	vst v63  }
.Ltmp4:
0xa8: {  	_ = 	snop;
	(pc) =	sbr.rel @p0 .LBB2_1-.Ltmp4, $4  }
.Ltmp5:
0xa9: {  	_ = 	snop;
	(pc) =	sbr.rel @!p0 .LBB2_9-.Ltmp5, $4  }
0xaa: {  	_ =	swait.ge [sflag:s13], $0x6400  }
0xab: {  	[sflag:s13] =	ssyncset.done $0x0  }
0xac: {  	[sflag:s13] =	ssyncadd.s32 $0xFFFF9C00  }
0xad: {  	_ = 	snop  }
.LBB2_5:
.Ltmp6:
0xae: {  	(pc) =	sbr.rel .LBB2_8-.Ltmp6, $2  }
0xaf: {  	_ =	sdelay $0x2  }
0xb0: {  	s21 =	simm.s32 $0x19  }
.LBB2_9:
0xb1: {  	_ =	sfence.sel $0x180000  }
0xb2: {  	[bflag:$0x0] =	sbarrier.arrive $0xFFFF  }
0xb3: {  	p0 =	sne.s32 s1, $0x0;
	_ =	strace $0x90000047  }
0xb4: {  	s0 =	sadd.s32 @!p0 $0x100000, s0;
	[bflag:$0x2] =	sbarrier.arrive $0xFFFF  }
0xb5: {  	[sflag:s0] =	ssyncadd.tile.s32 @!p0 $0x1;
	_ =	shalt  }
.Lfunc_end2:
_tile_overlayer_lowered:
.L_overlay_start_2:
0xb6: {  	(tag) =	ssettag $0x2  }
0xb7: {  	s0 =	rddreg [dreg:$0x0];
	s2 =	stileid.u32  }
0xb8: {  	s1 =	rddreg [dreg:$0x1];
	p0 =	sne.s32 s2, $0x0  }
0xb9: {  	s3 =	rddreg [dreg:$0x2];
	[bflag:$0x3] =	sbarrier.arrive $0xFFFF;
	s2 =	simm.s32 @!p0 $0x1C03  }
0xba: {  	[timem:s3], [sflag:s2] =	dma.local @!p0 [hbm:s0], s1  }
0xbb: {  	s0 =	simm.s32 @!p0 $0x3  }
0xbc: {  	_ =	swait.ge @!p0 [sflag:s0], s1  }
0xbd: {  	s1 =	ssub.s32 @!p0 $0x0, s1;
	[sflag:s0] =	ssyncset.done @!p0 $0x0  }
0xbe: {  	[sflag:s0] =	ssyncadd.s32 @!p0 s1  }
0xbf: {  	[bflag:$0x3] =	sbarrier.arrive $0xFFFF  }
0xc0: {  	_ =	shalt  }

// kernel: kernel.22.cloned.1.call-start
scs
__scs_entry_jumppad:
0x0: {  	(pc) =	sbr.rel $0x88, $3  }
0x1: {  	(tag) =	ssettag $0x0;
	lr =	simm.s32 $0x1  }
0x2: {  	[smem:$0x3F81] =	sst lr;
	_ =	strace $0xD0000000  }
0x3: {  	_ = 	snop  }
0x4: {  	_ = 	snop  }
0x5: {  	_ = 	snop  }
0x6: {  	_ = 	snop  }
0x7: {  	_ = 	snop  }
__scs_overlays_trampoline_lowered:
0x8: {  	[smem:$0x3F90] =	sst s0  }
0x9: {  	[smem:$0x3F91] =	sst s1  }
0xa: {  	[smem:$0x3F92] =	sst s2  }
0xb: {  	[smem:$0x3F93] =	sst s3  }
0xc: {  	[smem:$0x3F94] =	sst s4  }
0xd: {  	[smem:$0x3F95] =	sst s5  }
0xe: {  	[smem:$0x3F96] =	sst s6  }
0xf: {  	[smem:$0x3F97] =	sst s7  }
0x10: {  	[smem:$0x3F98] =	sst s8  }
0x11: {  	[smem:$0x3F99] =	sst s9;
	s0 =	simm.s32 @!p0 $0x0  }
0x12: {  	s1 =	sld [smem:$0x3F7F];
	s0 =	simm.s32 @p0 $0x1  }
0x13: {  	[smem:$0x3F9A] =	sst s0;
	s0 =	simm.s32 @!p1 $0x0  }
0x14: {  	s2 =	sld [smem:$0x3F7E];
	s0 =	simm.s32 @p1 $0x1  }
0x15: {  	[smem:$0x3F9B] =	sst s0;
	s0 =	simm.s32 @!p2 $0x0  }
0x16: {  	s3 =	sld [smem:$0x3FDB];
	s0 =	simm.s32 @p2 $0x1  }
0x17: {  	s4 =	simm.s32 $0x1BF5;
	[smem:$0x3F9D] =	sst s0  }
0x18: {  	s0 =	sld [smem:$0x3F80];
	_ =	swait.ge [sflag:s4], $0x0  }
0x19: {  	s7 =	sld [smem:$0x3F81]  }
0x1a: {  	s8 =	sadd.s32 $0xFFFFE003, lr  }
0x1b: {  	s9 =	sadd.s32 $0xFFFFFEF7, lr;
	s5 =	simm.s32 $0xFFFFFFFF;
	p2 =	slt.u32 s8, $0xFFFFF086  }
0x1c: {  	p1 =	slt.u32 s9, $0xF7A;
	s5 =	simm.s32 @!p2 $0x0  }
0x1d: {  	s5 =	simm.s32 @p1 $0x1;
	p0 =	seq.s32 s7, s2  }
0x1e: {  	s7 =	smul.u32 @!p0 $0xF7A, s2;
	p2 =	seq.s32 @!p0 s5, $0x0  }
0x1f: {  	s9 =	smul.u32 $0xF7A, s1;
	s8 =	simm.s32 @!p0 $0x1BF5;
	p2 =	por !p2, p0  }
0x20: {  	[sflag:s8] =	ssyncset.s32 @!p0 $0xFFFFF086;
	s6 =	sadd.s32 @!p0 s3, s7;
	s7 =	simm.s32 @!p0 $0x108  }
0x21: {  	s3 =	sadd.s32 s3, s9;
	s6 =	sadd.s32 @!p0 $0x88, s6;
	s7 =	simm.s32 @p2 $0x1082  }
0x22: {  	[simem:s7], [sflag:s8] =	dma.local @!p0 [hbm:s6], $0xF7A  }
0x23: {  	s9 =	sor.u32 $0xD0000000, s2;
	s6 =	simm.s32 $0x108;
	_ =	swait.ge @!p0 [sflag:s8], $0x0  }
0x24: {  	s3 =	sadd.s32 $0x88, s3;
	s6 =	simm.s32 @!p1 $0x1082;
	[sflag:s4] =	ssyncset.s32 $0xFFFFF086  }
0x25: {  	[simem:s6], [sflag:s4] =	dma.local [hbm:s3], $0xF7A  }
0x26: {  	[smem:$0x3F81] =	sst s1;
	(tag) =	ssettag s2;
	_ =	strace s9  }
0x27: {  	s1 =	sld [smem:$0x3F91]  }
0x28: {  	s2 =	sld [smem:$0x3F92]  }
0x29: {  	s4 =	sld [smem:$0x3F94]  }
0x2a: {  	p0 =	seq.s32 s5, $0x0;
	s5 =	sld [smem:$0x3F95]  }
0x2b: {  	s6 =	sld [smem:$0x3F96]  }
0x2c: {  	s7 =	sld [smem:$0x3F97]  }
0x2d: {  	s3 =	simm.s32 $0x108;
	s8 =	sld [smem:$0x3F98]  }
0x2e: {  	s3 =	simm.s32 @!p0 $0x1082;
	s9 =	sld [smem:$0x3F99]  }
0x2f: {  	lr =	sadd.s32 s0, s3;
	s0 =	sld [smem:$0x3F90]  }
0x30: {  	s3 =	sld [smem:$0x3F93]  }
0x31: {  	[smem:$0x3F9C] =	sst s10  }
0x32: {  	s10 =	sld [smem:$0x3F9A];
	_ =	sdelay $0x3  }
0x33: {  	p0 =	seq.s32 s10, $0x1;
	s10 =	sld [smem:$0x3F9C];
	_ =	sdelay $0x3  }
0x34: {  	[smem:$0x3F9C] =	sst s10  }
0x35: {  	s10 =	sld [smem:$0x3F9B];
	_ =	sdelay $0x3  }
0x36: {  	p1 =	seq.s32 s10, $0x1;
	s10 =	sld [smem:$0x3F9C];
	_ =	sdelay $0x3  }
0x37: {  	[smem:$0x3F9C] =	sst s10  }
0x38: {  	s10 =	sld [smem:$0x3F9D]  }
0x39: {  	_ = 	snop;
	(pc) =	sbr.ind lr, $3  }
0x3a: {  	_ = 	snop  }
0x3b: {  	_ = 	snop  }
0x3c: {  	p2 =	seq.s32 s10, $0x1;
	s10 =	sld [smem:$0x3F9C]  }
0x3d: {  	_ =	shalt  }
0x3e: {  	_ =	shalt  }
0x3f: {  	_ =	shalt  }
0x40: {  	_ =	shalt  }
0x41: {  	_ =	shalt  }
0x42: {  	_ =	shalt  }
0x43: {  	_ =	shalt  }
0x44: {  	_ =	shalt  }
0x45: {  	_ =	shalt  }
0x46: {  	_ =	shalt  }
0x47: {  	_ =	shalt  }
0x48: {  	_ =	shalt  }
0x49: {  	_ =	shalt  }
0x4a: {  	_ =	shalt  }
0x4b: {  	_ =	shalt  }
0x4c: {  	_ =	shalt  }
0x4d: {  	_ =	shalt  }
0x4e: {  	_ =	shalt  }
0x4f: {  	_ =	shalt  }
0x50: {  	_ =	shalt  }
0x51: {  	_ =	shalt  }
0x52: {  	_ =	shalt  }
0x53: {  	_ =	shalt  }
0x54: {  	_ =	shalt  }
0x55: {  	_ =	shalt  }
0x56: {  	_ =	shalt  }
0x57: {  	_ =	shalt  }
0x58: {  	_ =	shalt  }
0x59: {  	_ =	shalt  }
0x5a: {  	_ =	shalt  }
0x5b: {  	_ =	shalt  }
0x5c: {  	_ =	shalt  }
0x5d: {  	_ =	shalt  }
0x5e: {  	_ =	shalt  }
0x5f: {  	_ =	shalt  }
0x60: {  	_ =	shalt  }
0x61: {  	_ =	shalt  }
0x62: {  	_ =	shalt  }
0x63: {  	_ =	shalt  }
0x64: {  	_ =	shalt  }
0x65: {  	_ =	shalt  }
0x66: {  	_ =	shalt  }
0x67: {  	_ =	shalt  }
0x68: {  	_ =	shalt  }
0x69: {  	_ =	shalt  }
0x6a: {  	_ =	shalt  }
0x6b: {  	_ =	shalt  }
0x6c: {  	_ =	shalt  }
0x6d: {  	_ =	shalt  }
0x6e: {  	_ =	shalt  }
0x6f: {  	_ =	shalt  }
0x70: {  	_ =	shalt  }
0x71: {  	_ =	shalt  }
0x72: {  	_ =	shalt  }
0x73: {  	_ =	shalt  }
0x74: {  	_ =	shalt  }
0x75: {  	_ =	shalt  }
0x76: {  	_ =	shalt  }
0x77: {  	_ =	shalt  }
0x78: {  	_ =	shalt  }
0x79: {  	_ =	shalt  }
0x7a: {  	_ =	shalt  }
0x7b: {  	_ =	shalt  }
0x7c: {  	_ =	shalt  }
0x7d: {  	_ =	shalt  }
0x7e: {  	_ =	shalt  }
0x7f: {  	_ =	shalt  }
0x80: {  	_ =	shalt  }
0x81: {  	_ =	shalt  }
0x82: {  	_ =	shalt  }
0x83: {  	_ =	shalt  }
0x84: {  	_ =	shalt  }
0x85: {  	_ =	shalt  }
0x86: {  	_ =	shalt  }
0x87: {  	_ =	shalt  }
.Lfunc_end0:
.L_simem_size_0:
called_computation.1_lowered:
.L_overlay_start_0:
0x88: {  	s2 =	sld [smem:$0x3FD9]  }
0x89: {  	s3 =	sld [smem:$0x3FFE];
	_ =	sdelay $0x1  }
0x8a: {  	s1 =	srdreg.scid  }
0x8b: {  	s0 =	sand.u32 $0x1, s1  }
0x8c: {  	s17 =	sshll.u32 s0, $0xA;
	s2 =	sadd.s32 s3, s2  }
0x8d: {  	s2 =	sadd.s32 s2, s17  }
0x8e: {  	[smem:$0x3FA8] =	sst s2  }
0x8f: {  	_ = 	snop  }
0x90: {  	s2 =	sld [smem:$0x3FAA];
	(tm) =	ssettm $0x1  }
0x91: {  	s18 =	sld [smem:$0x3FFB];
	_ =	sdelay $0x3  }
0x92: {  	_ =	strace s18  }
0x93: {  	s3 =	sld [smem:$0x3FFC];
	_ =	sdelay $0x3  }
0x94: {  	_ =	strace s3  }
0x95: {  	s3 =	sld [smem:$0x3FFD];
	_ =	sdelay $0x3  }
0x96: {  	_ =	strace s3  }
0x97: {  	_ =	strace $0x8FFFFFFF  }
0x98: {  	s19 =	sld [smem:$0x3FDB];
	_ =	sdelay $0x1  }
0x99: {  	s4 =	simm.s32 $_scs_section_size  }
0x9a: {  	s5 =	simm.s32 $_size__tile_overlayer_lowered;
	s6 =	simm.s32 $_tile_overlayer_lowered  }
0x9b: {  	s22 =	simm.s32 $0x1BFF;
	s21 =	sshll.u32 s6, $0x1;
	s3 =	sadd.s32 s4, s19  }
0x9c: {  	s7 =	simm.s32 $0x0;
	s20 =	sshll.u32 s5, $0x1;
	s5 =	sadd.s32 s21, s3  }
0x9d: {  	[timem:s7], [sflag:s22] =	dma.local [hbm:s5], s20  }
0x9e: {  	_ =	swait.ge [sflag:s22], s20  }
0x9f: {  	s4 =	ssub.s32 $0x0, s20;
	[sflag:s22] =	ssyncset.done $0x0  }
0xa0: {  	[sflag:s22] =	ssyncadd.s32 s4;
	_ =	sdelay $0x1  }
0xa1: {  	s23 =	simm.s32 $0x1B8B  }
0xa2: {  	_ =	swait.ge [sflag:s23], $0x1  }
0xa3: {  	[sflag:s23] =	ssyncset.done $0x0  }
0xa4: {  	s25 =	simm.s32 $0x1B8E;
	s24 =	sld [smem:$0x3FFE];
	[sflag:s23] =	ssyncadd.s32 $0xFFFFFFFF  }
0xa5: {  	s26 =	simm.s32 $execute0_lowered;
	[smem:$0x3FD2] =	sst s25  }
0xa6: {  	s5 =	sshll.u32 s26, $0x1;
	_ =	strace $0x80000049;
	[dreg:$0x1] =	wrdreg $0xFFFFFFFF  }
0xa7: {  	s28 =	simm.s32 $_size_execute0_lowered;
	s3 =	sadd.s32 s3, s5;
	[dreg:$0x0] =	wrdreg $0x0  }
0xa8: {  	s5 =	sshll.u32 s28, $0x1;
	[dreg:$0x2] =	wrdreg s3  }
0xa9: {  	[dreg:$0x3] =	wrdreg s5  }
0xaa: {  	[dreg:$0x4] =	wrdreg $0xC0  }
0xab: {  	_ =	task [dreg:s7], $0x5FFFF  }
0xac: {  	[dreg:$0x1] =	wrdreg $0xFFFFFFFF  }
0xad: {  	[dreg:$0x0] =	wrdreg $0x60  }
0xae: {  	[dreg:$0x2] =	wrdreg s24  }
0xaf: {  	[dreg:$0x3] =	wrdreg s2  }
0xb0: {  	[dreg:$0x4] =	wrdreg $0x65000  }
0xb1: {  	[dreg:$0x5] =	wrdreg $0x9  }
0xb2: {  	_ =	task.clear_ibuf [dreg:s7], $0x6FFFF;
	_ =	strace $0x90000049  }
0xb3: {  	s29 =	simm.s32 $0x9;
	_ =	strace $0x8000004B  }
0xb4: {  	_ =	swait.ge [sflag:s29], $0x1  }
0xb5: {  	[sflag:s29] =	ssyncadd.s32 $0xFFFFFFFF  }
0xb6: {  	_ =	strace $0x9000004B  }
0xb7: {  	_ =	sfence  }
0xb8: {  	s30 =	sld [smem:$0x0];
	_ =	sdelay $0x2  }
0xb9: {  	s31 =	sshll.u32 s1, $0xD;
	s1 =	sshrl.u32 s1, $0x2  }
0xba: {  	s3 =	sand.u32 $0x4000, s31;
	s1 =	sadd.s32 s1, s30  }
0xbb: {  	s0 =	sor.u32 s3, s0;
	s1 =	sshll.u32 s1, $0x11  }
0xbc: {  	s0 =	sor.u32 s1, s0  }
0xbd: {  	s0 =	sadd.s32 $0x8F2B, s0  }
0xbe: {  	[sflag:s0] =	ssyncadd.remote.s32 $0x1  }
0xbf: {  	_ =	sfence.sel $0xFFFF  }
0xc0: {  	[dreg:$0x0] =	wrdreg $0xFFFFFFFF;
	(pc) =	sbr.abs _section_cstart, $3  }
0xc1: {  	[dreg:$0x1] =	wrdreg $0xFFFFFFFF  }
0xc2: {  	_ =	task.clear_ibuf [dreg:s7], $0x2FFFF;
	_ =	strace $0x9FFFFFFF  }
0xc3: {  	(tm) =	ssettm $0x7FFFFFFF  }
tec
execute0_lowered:
.L_overlay_start_1:
0x0: {  	(tag) =	ssettag $0x1  }
0x1: {  	s3 =	rddreg [dreg:$0x0]  }
0x2: {  	s7 =	rddreg [dreg:$0x1]  }
0x3: {  	s1 =	rddreg [dreg:$0x2]  }
0x4: {  	s0 =	rddreg [dreg:$0x3];
	s8 =	stileid.u32  }
0x5: {  	s4 =	srdreg.scid;
	s5 =	smul.u32 $0x27100, s8  }
0x6: {  	s2 =	simm.s32 $0x0;
	s4 =	sand.u32 $0x1, s4;
	s11 =	smul.u32 $0x2710, s8  }
0x7: {  	[smem:$0x7FF] =	sst s2;
	p0 =	sne.s32 s8, $0x0;
	s6 =	smul.u32 $0x27100, s4  }
0x8: {  	_ =	strace $0x8000004A;
	s9 =	smul.u32 $0x13880, s4;
	s29 =	ssub.s32 $0x2, s4  }
0x9: {  	s13 =	smul.u32 $0x1388, s4;
	s8 =	sshrl.u32 @!p0 s1, $0x3;
	s10 =	sadd.s32 s5, s3  }
0xa: {  	s12 =	sshrl.u32 s29, $0x1;
	s6 =	sadd.s32 s6, s3;
	s3 =	sadd.s32 $0x562C00, s3  }
0xb: {  	s5 =	ssub.s32 s29, s12;
	s30 =	sadd.s32 s9, s10;
	s31 =	sadd.s32 s13, s11  }
0xc: {  	s10 =	simm.s32 $0x100;
	s11 =	simm.s32 $0xC8;
	s12 =	simm.s32 $0x0  }
0xd: {  	s4 =	sadd.s32 $0x589E00, s6;
	s5 =	smax.u32 s5, $0x1;
	s9 =	sshrl.u32 s31, $0x3  }
0xe: {  	s6 =	sadd.s32 $0x80C00, s30;
	s7 =	sadd.s32 s9, s7;
	s9 =	simm.s32 $0x1  }
.LBB2_1:
0xf: {  	s13 =	simm.s32 @!p0 $0x1C01  }
0x10: {  	[spmem:s8], [sflag:s13] =	dma.local @!p0 [hbm:s3], $0x27100  }
0x11: {  	s13 =	simm.s32 @!p0 $0x1  }
0x12: {  	_ =	swait.ge @!p0 [sflag:s13], $0x27100  }
0x13: {  	[sflag:s13] =	ssyncset.done @!p0 $0x0  }
0x14: {  	[sflag:s13] =	ssyncadd.s32 @!p0 $0xFFFD8F00  }
0x15: {  	s31 =	sadd.s32 $0x0, s7;
	[bflag:$0x0] =	sbarrier.arrive $0xFFFF  }
0x16: {  	[tilespmem:s2], [sflag:$0x1] =	stream.linear.gather [hbm4b:s31+s2], $0xC8, $0x38;
	[tilespmem:$0x19D80] =	vst v63  }
0x17: {  	_ =	swait.ge [sflag:s9], $0xC8  }
0x18: {  	[sflag:s9] =	ssyncset.done $0x0  }
0x19: {  	[sflag:s9] =	ssyncadd.s32 $0xFFFFFF38  }
0x1a: {  	[tilespmem:s10], [sflag:$0x1] =	stream.linear.gather [hbm4b:s6+s2], $0x6400, $0x38;
	[tilespmem:$0x19D80] =	vst v63  }
0x1b: {  	_ =	swait.ge [sflag:s9], $0x6400  }
0x1c: {  	[sflag:s9] =	ssyncset.done $0x0  }
0x1d: {  	[sflag:s9] =	ssyncadd.s32 $0xFFFF9C00  }
0x1e: {  	[spmem:s1] =	stream.indirect.scatter.add.f32 [tilespmem:s10], [sflag:$0x1], $0x80, s2, s11, $0xb8;
	[tilespmem:$0x19D80] =	vst v63  }
0x1f: {  	s14 =	simm.s32 $0x19;
	_ =	swait.ge [sflag:s9], $0x6400  }
0x20: {  	s15 =	simm.s32 $0x32;
	s13 =	sadd.s32 $0xC80, s6;
	[sflag:s9] =	ssyncset.done $0x0  }
.LBB2_2:
0x21: {  	s16 =	sadd.s32 s14, s7  }
0x22: {  	[sflag:s9] =	ssyncadd.s32 $0xFFFF9C00;
	s14 =	smov.u32 s15;
	s17 =	sadd.s32 $0x19, s15  }
0x23: {  	[tilespmem:s2], [sflag:$0x1] =	stream.linear.gather [hbm4b:s16+s2], $0xC8, $0x38;
	[tilespmem:$0x19D80] =	vst v63  }
0x24: {  	p1 =	sne.s32 s15, $0x258;
	_ =	swait.ge [sflag:s9], $0xC8  }
0x25: {  	[sflag:s9] =	ssyncset.done $0x0  }
0x26: {  	[sflag:s9] =	ssyncadd.s32 $0xFFFFFF38  }
0x27: {  	[tilespmem:s10], [sflag:$0x1] =	stream.linear.gather [hbm4b:s13+s2], $0x6400, $0x38;
	[tilespmem:$0x19D80] =	vst v63  }
0x28: {  	_ =	swait.ge [sflag:s9], $0x6400  }
.Ltmp0:
0x29: {  	[sflag:s9] =	ssyncset.done $0x0;
	(pc) =	sbr.rel @p1 .LBB2_2-.Ltmp0, $4  }
0x2a: {  	[sflag:s9] =	ssyncadd.s32 $0xFFFF9C00  }
0x2b: {  	[spmem:s1] =	stream.indirect.scatter.add.f32 [tilespmem:s10], [sflag:$0x1], $0x80, s2, s11, $0xb8;
	[tilespmem:$0x19D80] =	vst v63  }
0x2c: {  	_ =	swait.ge [sflag:s9], $0x6400  }
0x2d: {  	s15 =	smov.u32 s17;
	s13 =	sadd.s32 $0xC80, s13;
	[sflag:s9] =	ssyncset.done $0x0  }
0x2e: {  	s14 =	sadd.s32 s14, s7;
	[sflag:s9] =	ssyncadd.s32 $0xFFFF9C00  }
0x2f: {  	[tilespmem:s2], [sflag:$0x1] =	stream.linear.gather [hbm4b:s14+s2], $0xC8, $0x38;
	[tilespmem:$0x19D80] =	vst v63  }
0x30: {  	_ =	swait.ge [sflag:s9], $0xC8  }
0x31: {  	[sflag:s9] =	ssyncset.done $0x0  }
0x32: {  	[sflag:s9] =	ssyncadd.s32 $0xFFFFFF38  }
0x33: {  	[tilespmem:s10], [sflag:$0x1] =	stream.linear.gather [hbm4b:s13+s2], $0x6400, $0x38;
	[tilespmem:$0x19D80] =	vst v63  }
0x34: {  	_ =	swait.ge [sflag:s9], $0x6400  }
0x35: {  	[sflag:s9] =	ssyncset.done $0x0  }
0x36: {  	[sflag:s9] =	ssyncadd.s32 $0xFFFF9C00  }
0x37: {  	[spmem:s1] =	stream.indirect.scatter.add.f32 [tilespmem:s10], [sflag:$0x1], $0x80, s2, s11, $0xb8;
	[tilespmem:$0x19D80] =	vst v63  }
0x38: {  	_ =	swait.ge [sflag:s9], $0x6400  }
0x39: {  	[sflag:s9] =	ssyncset.done $0x0  }
0x3a: {  	s12 =	sadd.s32 $0x1, s12;
	[sflag:s9] =	ssyncadd.s32 $0xFFFF9C00  }
0x3b: {  	p1 =	sne.s32 s12, s5;
	s13 =	simm.s32 @!p0 $0x1C01;
	[bflag:$0x0] =	sbarrier.arrive $0xFFFF  }
0x3c: {  	[hbm:s4], [sflag:s13] =	dma.local @!p0 [spmem:s8], $0x27100  }
.Ltmp1:
0x3d: {  	_ = 	snop;
	(pc) =	sbr.rel @p1 .LBB2_1-.Ltmp1, $4  }
0x3e: {  	s13 =	simm.s32 @!p0 $0x1  }
0x3f: {  	_ =	swait.ge @!p0 [sflag:s13], $0x27100  }
0x40: {  	[sflag:s13] =	ssyncset.done @!p0 $0x0  }
0x41: {  	[sflag:s13] =	ssyncadd.s32 @!p0 $0xFFFD8F00  }
0x42: {  	_ =	sfence.sel $0x180000  }
0x43: {  	[bflag:$0x0] =	sbarrier.arrive $0xFFFF  }
0x44: {  	_ =	strace $0x9000004A  }
0x45: {  	s0 =	sadd.s32 @!p0 $0x100000, s0;
	[bflag:$0x2] =	sbarrier.arrive $0xFFFF  }
0x46: {  	[sflag:s0] =	ssyncadd.tile.s32 @!p0 $0x1;
	_ =	shalt  }
.Lfunc_end2:
_tile_overlayer_lowered:
.L_overlay_start_2:
0x47: {  	(tag) =	ssettag $0x2  }
0x48: {  	s0 =	rddreg [dreg:$0x0];
	s2 =	stileid.u32  }
0x49: {  	s1 =	rddreg [dreg:$0x1];
	p0 =	sne.s32 s2, $0x0  }
0x4a: {  	s3 =	rddreg [dreg:$0x2];
	[bflag:$0x3] =	sbarrier.arrive $0xFFFF;
	s2 =	simm.s32 @!p0 $0x1C01  }
0x4b: {  	[timem:s3], [sflag:s2] =	dma.local @!p0 [hbm:s0], s1  }
0x4c: {  	s0 =	simm.s32 @!p0 $0x1  }
0x4d: {  	_ =	swait.ge @!p0 [sflag:s0], s1  }
0x4e: {  	s1 =	ssub.s32 @!p0 $0x0, s1;
	[sflag:s0] =	ssyncset.done @!p0 $0x0  }
0x4f: {  	[sflag:s0] =	ssyncadd.s32 @!p0 s1  }
0x50: {  	[bflag:$0x3] =	sbarrier.arrive $0xFFFF  }
0x51: {  	_ =	shalt  }

// kernel: kernel.25.cloned.1.call-start
scs
__scs_entry_jumppad:
0x0: {  	(pc) =	sbr.rel $0x88, $3  }
0x1: {  	(tag) =	ssettag $0x0;
	lr =	simm.s32 $0x1  }
0x2: {  	[smem:$0x3F81] =	sst lr;
	_ =	strace $0xD0000000  }
0x3: {  	_ = 	snop  }
0x4: {  	_ = 	snop  }
0x5: {  	_ = 	snop  }
0x6: {  	_ = 	snop  }
0x7: {  	_ = 	snop  }
__scs_overlays_trampoline_lowered:
0x8: {  	[smem:$0x3F90] =	sst s0  }
0x9: {  	[smem:$0x3F91] =	sst s1  }
0xa: {  	[smem:$0x3F92] =	sst s2  }
0xb: {  	[smem:$0x3F93] =	sst s3  }
0xc: {  	[smem:$0x3F94] =	sst s4  }
0xd: {  	[smem:$0x3F95] =	sst s5  }
0xe: {  	[smem:$0x3F96] =	sst s6  }
0xf: {  	[smem:$0x3F97] =	sst s7  }
0x10: {  	[smem:$0x3F98] =	sst s8  }
0x11: {  	[smem:$0x3F99] =	sst s9;
	s0 =	simm.s32 @!p0 $0x0  }
0x12: {  	s1 =	sld [smem:$0x3F7F];
	s0 =	simm.s32 @p0 $0x1  }
0x13: {  	[smem:$0x3F9A] =	sst s0;
	s0 =	simm.s32 @!p1 $0x0  }
0x14: {  	s2 =	sld [smem:$0x3F7E];
	s0 =	simm.s32 @p1 $0x1  }
0x15: {  	[smem:$0x3F9B] =	sst s0;
	s0 =	simm.s32 @!p2 $0x0  }
0x16: {  	s3 =	sld [smem:$0x3FDB];
	s0 =	simm.s32 @p2 $0x1  }
0x17: {  	s4 =	simm.s32 $0x1BF5;
	[smem:$0x3F9D] =	sst s0  }
0x18: {  	s0 =	sld [smem:$0x3F80];
	_ =	swait.ge [sflag:s4], $0x0  }
0x19: {  	s7 =	sld [smem:$0x3F81]  }
0x1a: {  	s8 =	sadd.s32 $0xFFFFE003, lr  }
0x1b: {  	s9 =	sadd.s32 $0xFFFFFEF7, lr;
	s5 =	simm.s32 $0xFFFFFFFF;
	p2 =	slt.u32 s8, $0xFFFFF086  }
0x1c: {  	p1 =	slt.u32 s9, $0xF7A;
	s5 =	simm.s32 @!p2 $0x0  }
0x1d: {  	s5 =	simm.s32 @p1 $0x1;
	p0 =	seq.s32 s7, s2  }
0x1e: {  	s7 =	smul.u32 @!p0 $0xF7A, s2;
	p2 =	seq.s32 @!p0 s5, $0x0  }
0x1f: {  	s9 =	smul.u32 $0xF7A, s1;
	s8 =	simm.s32 @!p0 $0x1BF5;
	p2 =	por !p2, p0  }
0x20: {  	[sflag:s8] =	ssyncset.s32 @!p0 $0xFFFFF086;
	s6 =	sadd.s32 @!p0 s3, s7;
	s7 =	simm.s32 @!p0 $0x108  }
0x21: {  	s3 =	sadd.s32 s3, s9;
	s6 =	sadd.s32 @!p0 $0x88, s6;
	s7 =	simm.s32 @p2 $0x1082  }
0x22: {  	[simem:s7], [sflag:s8] =	dma.local @!p0 [hbm:s6], $0xF7A  }
0x23: {  	s9 =	sor.u32 $0xD0000000, s2;
	s6 =	simm.s32 $0x108;
	_ =	swait.ge @!p0 [sflag:s8], $0x0  }
0x24: {  	s3 =	sadd.s32 $0x88, s3;
	s6 =	simm.s32 @!p1 $0x1082;
	[sflag:s4] =	ssyncset.s32 $0xFFFFF086  }
0x25: {  	[simem:s6], [sflag:s4] =	dma.local [hbm:s3], $0xF7A  }
0x26: {  	[smem:$0x3F81] =	sst s1;
	(tag) =	ssettag s2;
	_ =	strace s9  }
0x27: {  	s1 =	sld [smem:$0x3F91]  }
0x28: {  	s2 =	sld [smem:$0x3F92]  }
0x29: {  	s4 =	sld [smem:$0x3F94]  }
0x2a: {  	p0 =	seq.s32 s5, $0x0;
	s5 =	sld [smem:$0x3F95]  }
0x2b: {  	s6 =	sld [smem:$0x3F96]  }
0x2c: {  	s7 =	sld [smem:$0x3F97]  }
0x2d: {  	s3 =	simm.s32 $0x108;
	s8 =	sld [smem:$0x3F98]  }
0x2e: {  	s3 =	simm.s32 @!p0 $0x1082;
	s9 =	sld [smem:$0x3F99]  }
0x2f: {  	lr =	sadd.s32 s0, s3;
	s0 =	sld [smem:$0x3F90]  }
0x30: {  	s3 =	sld [smem:$0x3F93]  }
0x31: {  	[smem:$0x3F9C] =	sst s10  }
0x32: {  	s10 =	sld [smem:$0x3F9A];
	_ =	sdelay $0x3  }
0x33: {  	p0 =	seq.s32 s10, $0x1;
	s10 =	sld [smem:$0x3F9C];
	_ =	sdelay $0x3  }
0x34: {  	[smem:$0x3F9C] =	sst s10  }
0x35: {  	s10 =	sld [smem:$0x3F9B];
	_ =	sdelay $0x3  }
0x36: {  	p1 =	seq.s32 s10, $0x1;
	s10 =	sld [smem:$0x3F9C];
	_ =	sdelay $0x3  }
0x37: {  	[smem:$0x3F9C] =	sst s10  }
0x38: {  	s10 =	sld [smem:$0x3F9D]  }
0x39: {  	_ = 	snop;
	(pc) =	sbr.ind lr, $3  }
0x3a: {  	_ = 	snop  }
0x3b: {  	_ = 	snop  }
0x3c: {  	p2 =	seq.s32 s10, $0x1;
	s10 =	sld [smem:$0x3F9C]  }
0x3d: {  	_ =	shalt  }
0x3e: {  	_ =	shalt  }
0x3f: {  	_ =	shalt  }
0x40: {  	_ =	shalt  }
0x41: {  	_ =	shalt  }
0x42: {  	_ =	shalt  }
0x43: {  	_ =	shalt  }
0x44: {  	_ =	shalt  }
0x45: {  	_ =	shalt  }
0x46: {  	_ =	shalt  }
0x47: {  	_ =	shalt  }
0x48: {  	_ =	shalt  }
0x49: {  	_ =	shalt  }
0x4a: {  	_ =	shalt  }
0x4b: {  	_ =	shalt  }
0x4c: {  	_ =	shalt  }
0x4d: {  	_ =	shalt  }
0x4e: {  	_ =	shalt  }
0x4f: {  	_ =	shalt  }
0x50: {  	_ =	shalt  }
0x51: {  	_ =	shalt  }
0x52: {  	_ =	shalt  }
0x53: {  	_ =	shalt  }
0x54: {  	_ =	shalt  }
0x55: {  	_ =	shalt  }
0x56: {  	_ =	shalt  }
0x57: {  	_ =	shalt  }
0x58: {  	_ =	shalt  }
0x59: {  	_ =	shalt  }
0x5a: {  	_ =	shalt  }
0x5b: {  	_ =	shalt  }
0x5c: {  	_ =	shalt  }
0x5d: {  	_ =	shalt  }
0x5e: {  	_ =	shalt  }
0x5f: {  	_ =	shalt  }
0x60: {  	_ =	shalt  }
0x61: {  	_ =	shalt  }
0x62: {  	_ =	shalt  }
0x63: {  	_ =	shalt  }
0x64: {  	_ =	shalt  }
0x65: {  	_ =	shalt  }
0x66: {  	_ =	shalt  }
0x67: {  	_ =	shalt  }
0x68: {  	_ =	shalt  }
0x69: {  	_ =	shalt  }
0x6a: {  	_ =	shalt  }
0x6b: {  	_ =	shalt  }
0x6c: {  	_ =	shalt  }
0x6d: {  	_ =	shalt  }
0x6e: {  	_ =	shalt  }
0x6f: {  	_ =	shalt  }
0x70: {  	_ =	shalt  }
0x71: {  	_ =	shalt  }
0x72: {  	_ =	shalt  }
0x73: {  	_ =	shalt  }
0x74: {  	_ =	shalt  }
0x75: {  	_ =	shalt  }
0x76: {  	_ =	shalt  }
0x77: {  	_ =	shalt  }
0x78: {  	_ =	shalt  }
0x79: {  	_ =	shalt  }
0x7a: {  	_ =	shalt  }
0x7b: {  	_ =	shalt  }
0x7c: {  	_ =	shalt  }
0x7d: {  	_ =	shalt  }
0x7e: {  	_ =	shalt  }
0x7f: {  	_ =	shalt  }
0x80: {  	_ =	shalt  }
0x81: {  	_ =	shalt  }
0x82: {  	_ =	shalt  }
0x83: {  	_ =	shalt  }
0x84: {  	_ =	shalt  }
0x85: {  	_ =	shalt  }
0x86: {  	_ =	shalt  }
0x87: {  	_ =	shalt  }
.Lfunc_end0:
.L_simem_size_0:
called_computation.2_lowered:
.L_overlay_start_0:
0x88: {  	s2 =	sld [smem:$0x3FD9]  }
0x89: {  	s3 =	sld [smem:$0x3FFE];
	_ =	sdelay $0x1  }
0x8a: {  	s1 =	srdreg.scid  }
0x8b: {  	s0 =	sand.u32 $0x1, s1  }
0x8c: {  	s17 =	sshll.u32 s0, $0xA;
	s2 =	sadd.s32 s3, s2  }
0x8d: {  	s2 =	sadd.s32 s2, s17  }
0x8e: {  	[smem:$0x3FA8] =	sst s2  }
0x8f: {  	_ = 	snop  }
0x90: {  	s18 =	sld [smem:$0x3FAA];
	(tm) =	ssettm $0x1  }
0x91: {  	s19 =	sld [smem:$0x3FFB];
	_ =	sdelay $0x3  }
0x92: {  	_ =	strace s19  }
0x93: {  	s2 =	sld [smem:$0x3FFC];
	_ =	sdelay $0x3  }
0x94: {  	_ =	strace s2  }
0x95: {  	s2 =	sld [smem:$0x3FFD];
	_ =	sdelay $0x3  }
0x96: {  	_ =	strace s2  }
0x97: {  	_ =	strace $0x8FFFFFFF  }
0x98: {  	s20 =	sld [smem:$0x3FDB];
	_ =	sdelay $0x1  }
0x99: {  	s4 =	simm.s32 $_scs_section_size  }
0x9a: {  	s5 =	simm.s32 $_size__tile_overlayer_lowered;
	s6 =	simm.s32 $_tile_overlayer_lowered  }
0x9b: {  	s7 =	simm.s32 $0x1BFF;
	s21 =	sshll.u32 s6, $0x1;
	s4 =	sadd.s32 s4, s20  }
0x9c: {  	s22 =	simm.s32 $0x0;
	s5 =	sshll.u32 s5, $0x1;
	s6 =	sadd.s32 s21, s4  }
0x9d: {  	[timem:s22], [sflag:s7] =	dma.local [hbm:s6], s5  }
0x9e: {  	_ =	swait.ge [sflag:s7], s5  }
0x9f: {  	s5 =	ssub.s32 $0x0, s5;
	[sflag:s7] =	ssyncset.done $0x0  }
0xa0: {  	[sflag:s7] =	ssyncadd.s32 s5;
	_ =	sdelay $0x1  }
0xa1: {  	s23 =	simm.s32 $0x1B8B  }
0xa2: {  	_ =	swait.ge [sflag:s23], $0x1  }
0xa3: {  	[sflag:s23] =	ssyncset.done $0x0  }
0xa4: {  	[sflag:s23] =	ssyncadd.s32 $0xFFFFFFFF  }
0xa5: {  	s5 =	sld [smem:$0x0]  }
0xa6: {  	s6 =	sand.u32 $0xFFFFFFFE, s1  }
0xa7: {  	p0 =	sne.s32 s1, s6  }
0xa8: {  	s6 =	sshll.u32 @p0 s6, $0xE  }
0xa9: {  	s6 =	sadd.s32 @p0 $0x11B8D, s6;
	s7 =	sshll.u32 @p0 s5, $0x11  }
0xaa: {  	s6 =	sor.u32 @p0 s7, s6  }
0xab: {  	[sflag:s6] =	ssyncadd.remote.s32 @p0 $0x1;
	_ =	sdelay $0x1  }
0xac: {  	s6 =	simm.s32 @p0 $0x1B8D  }
0xad: {  	_ =	swait.eq @p0 [sflag:s6], $0x1  }
0xae: {  	[sflag:s6] =	ssyncadd.s32 @p0 $0xFFFFFFFF  }
0xaf: {  	s7 =	sshll.u32 @!p0 s1, $0xE  }
0xb0: {  	s7 =	sor.u32 @!p0 $0x4000, s7;
	s6 =	simm.s32 @!p0 $0x1B8D  }
0xb1: {  	s5 =	sshll.u32 @!p0 s5, $0x11;
	s7 =	sadd.s32 @!p0 $0x11B8D, s7;
	_ =	swait.eq @!p0 [sflag:s6], $0x1  }
0xb2: {  	s5 =	sor.u32 @!p0 s5, s7;
	[sflag:s6] =	ssyncadd.s32 @!p0 $0xFFFFFFFF  }
0xb3: {  	s25 =	simm.s32 $0x1B8E;
	s24 =	sld [smem:$0x3FFE];
	[sflag:s5] =	ssyncadd.remote.s32 @!p0 $0x1  }
0xb4: {  	s26 =	simm.s32 $execute0_lowered;
	[smem:$0x3FD2] =	sst s25  }
0xb5: {  	s6 =	sshll.u32 s26, $0x1;
	_ =	strace $0x8000004C;
	[dreg:$0x1] =	wrdreg $0xFFFFFFFF  }
0xb6: {  	s28 =	simm.s32 $_size_execute0_lowered;
	s4 =	sadd.s32 s4, s6;
	[dreg:$0x0] =	wrdreg $0x0  }
0xb7: {  	s6 =	sshll.u32 s28, $0x1;
	[dreg:$0x2] =	wrdreg s4  }
0xb8: {  	[dreg:$0x3] =	wrdreg s6  }
0xb9: {  	[dreg:$0x4] =	wrdreg $0xC0  }
0xba: {  	_ =	task [dreg:s22], $0x5FFFF  }
0xbb: {  	[dreg:$0x1] =	wrdreg $0xFFFFFFFF  }
0xbc: {  	[dreg:$0x0] =	wrdreg $0x60  }
0xbd: {  	[dreg:$0x2] =	wrdreg s24  }
0xbe: {  	[dreg:$0x3] =	wrdreg s18  }
0xbf: {  	[dreg:$0x4] =	wrdreg $0x65000  }
0xc0: {  	[dreg:$0x5] =	wrdreg $0xA  }
0xc1: {  	_ =	task.clear_ibuf [dreg:s22], $0x6FFFF;
	_ =	strace $0x9000004C  }
0xc2: {  	s29 =	simm.s32 $0xA;
	_ =	strace $0x8000004E  }
0xc3: {  	_ =	swait.ge [sflag:s29], $0x1  }
0xc4: {  	[sflag:s29] =	ssyncadd.s32 $0xFFFFFFFF  }
0xc5: {  	_ =	strace $0x9000004E  }
0xc6: {  	_ =	sfence  }
0xc7: {  	s30 =	sld [smem:$0x0];
	_ =	sdelay $0x2  }
0xc8: {  	s31 =	sshll.u32 s1, $0xD;
	s1 =	sshrl.u32 s1, $0x2  }
0xc9: {  	s4 =	sand.u32 $0x4000, s31;
	s1 =	sadd.s32 s1, s30  }
0xca: {  	s0 =	sor.u32 s4, s0;
	s1 =	sshll.u32 s1, $0x11  }
0xcb: {  	s0 =	sor.u32 s1, s0  }
0xcc: {  	s0 =	sadd.s32 $0x8F2B, s0  }
0xcd: {  	[sflag:s0] =	ssyncadd.remote.s32 $0x1  }
0xce: {  	_ =	sfence.sel $0xFFFF  }
0xcf: {  	[dreg:$0x0] =	wrdreg $0xFFFFFFFF;
	(pc) =	sbr.abs _section_cstart, $3  }
0xd0: {  	[dreg:$0x1] =	wrdreg $0xFFFFFFFF  }
0xd1: {  	_ =	task.clear_ibuf [dreg:s22], $0x2FFFF;
	_ =	strace $0x9FFFFFFF  }
0xd2: {  	(tm) =	ssettm $0x7FFFFFFF  }
0xd3: {  	_ =	shalt  }
tec
execute0_lowered:
.L_overlay_start_1:
0x0: {  	(tag) =	ssettag $0x1  }
0x1: {  	s3 =	rddreg [dreg:$0x0]  }
0x2: {  	s7 =	rddreg [dreg:$0x1]  }
0x3: {  	s1 =	rddreg [dreg:$0x2]  }
0x4: {  	s0 =	rddreg [dreg:$0x3];
	s8 =	stileid.u32  }
0x5: {  	s4 =	srdreg.scid;
	s5 =	smul.u32 $0x27100, s8  }
0x6: {  	s2 =	simm.s32 $0x0;
	s4 =	sand.u32 $0x1, s4;
	s11 =	smul.u32 $0x2710, s8  }
0x7: {  	[smem:$0x7FF] =	sst s2;
	p0 =	sne.s32 s8, $0x0;
	s6 =	smul.u32 $0x27100, s4  }
0x8: {  	_ =	strace $0x8000004D;
	s9 =	smul.u32 $0x13880, s4;
	s29 =	ssub.s32 $0x2, s4  }
0x9: {  	s13 =	smul.u32 $0x1388, s4;
	s8 =	sshrl.u32 @!p0 s1, $0x3;
	s10 =	sadd.s32 s5, s3  }
0xa: {  	s12 =	sshrl.u32 s29, $0x1;
	s6 =	sadd.s32 s6, s3;
	s3 =	sadd.s32 $0x562C00, s3  }
0xb: {  	s5 =	ssub.s32 s29, s12;
	s30 =	sadd.s32 s9, s10;
	s31 =	sadd.s32 s13, s11  }
0xc: {  	s10 =	simm.s32 $0x100;
	s11 =	simm.s32 $0xC8;
	s12 =	simm.s32 $0x0  }
0xd: {  	s4 =	sadd.s32 $0x5D8000, s6;
	s5 =	smax.u32 s5, $0x1;
	s9 =	sshrl.u32 s31, $0x3  }
0xe: {  	s6 =	sadd.s32 $0x2F1C00, s30;
	s7 =	sadd.s32 s9, s7;
	s9 =	simm.s32 $0x1  }
.LBB2_1:
0xf: {  	s13 =	simm.s32 @!p0 $0x1C01  }
0x10: {  	[spmem:s8], [sflag:s13] =	dma.local @!p0 [hbm:s3], $0x27100  }
0x11: {  	s13 =	simm.s32 @!p0 $0x1  }
0x12: {  	_ =	swait.ge @!p0 [sflag:s13], $0x27100  }
0x13: {  	[sflag:s13] =	ssyncset.done @!p0 $0x0  }
0x14: {  	[sflag:s13] =	ssyncadd.s32 @!p0 $0xFFFD8F00  }
0x15: {  	s31 =	sadd.s32 $0x0, s7;
	[bflag:$0x0] =	sbarrier.arrive $0xFFFF  }
0x16: {  	[tilespmem:s2], [sflag:$0x1] =	stream.linear.gather [hbm4b:s31+s2], $0xC8, $0x38;
	[tilespmem:$0x19D80] =	vst v63  }
0x17: {  	_ =	swait.ge [sflag:s9], $0xC8  }
0x18: {  	[sflag:s9] =	ssyncset.done $0x0  }
0x19: {  	[sflag:s9] =	ssyncadd.s32 $0xFFFFFF38  }
0x1a: {  	[tilespmem:s10], [sflag:$0x1] =	stream.linear.gather [hbm4b:s6+s2], $0x6400, $0x38;
	[tilespmem:$0x19D80] =	vst v63  }
0x1b: {  	_ =	swait.ge [sflag:s9], $0x6400  }
0x1c: {  	[sflag:s9] =	ssyncset.done $0x0  }
0x1d: {  	[sflag:s9] =	ssyncadd.s32 $0xFFFF9C00  }
0x1e: {  	[spmem:s1] =	stream.indirect.scatter.add.f32 [tilespmem:s10], [sflag:$0x1], $0x80, s2, s11, $0xb8;
	[tilespmem:$0x19D80] =	vst v63  }
0x1f: {  	s14 =	simm.s32 $0x19;
	_ =	swait.ge [sflag:s9], $0x6400  }
0x20: {  	s15 =	simm.s32 $0x32;
	s13 =	sadd.s32 $0xC80, s6;
	[sflag:s9] =	ssyncset.done $0x0  }
.LBB2_2:
0x21: {  	s16 =	sadd.s32 s14, s7  }
0x22: {  	[sflag:s9] =	ssyncadd.s32 $0xFFFF9C00;
	s14 =	smov.u32 s15;
	s17 =	sadd.s32 $0x19, s15  }
0x23: {  	[tilespmem:s2], [sflag:$0x1] =	stream.linear.gather [hbm4b:s16+s2], $0xC8, $0x38;
	[tilespmem:$0x19D80] =	vst v63  }
0x24: {  	p1 =	sne.s32 s15, $0x258;
	_ =	swait.ge [sflag:s9], $0xC8  }
0x25: {  	[sflag:s9] =	ssyncset.done $0x0  }
0x26: {  	[sflag:s9] =	ssyncadd.s32 $0xFFFFFF38  }
0x27: {  	[tilespmem:s10], [sflag:$0x1] =	stream.linear.gather [hbm4b:s13+s2], $0x6400, $0x38;
	[tilespmem:$0x19D80] =	vst v63  }
0x28: {  	_ =	swait.ge [sflag:s9], $0x6400  }
.Ltmp0:
0x29: {  	[sflag:s9] =	ssyncset.done $0x0;
	(pc) =	sbr.rel @p1 .LBB2_2-.Ltmp0, $4  }
0x2a: {  	[sflag:s9] =	ssyncadd.s32 $0xFFFF9C00  }
0x2b: {  	[spmem:s1] =	stream.indirect.scatter.add.f32 [tilespmem:s10], [sflag:$0x1], $0x80, s2, s11, $0xb8;
	[tilespmem:$0x19D80] =	vst v63  }
0x2c: {  	_ =	swait.ge [sflag:s9], $0x6400  }
0x2d: {  	s15 =	smov.u32 s17;
	s13 =	sadd.s32 $0xC80, s13;
	[sflag:s9] =	ssyncset.done $0x0  }
0x2e: {  	s14 =	sadd.s32 s14, s7;
	[sflag:s9] =	ssyncadd.s32 $0xFFFF9C00  }
0x2f: {  	[tilespmem:s2], [sflag:$0x1] =	stream.linear.gather [hbm4b:s14+s2], $0xC8, $0x38;
	[tilespmem:$0x19D80] =	vst v63  }
0x30: {  	_ =	swait.ge [sflag:s9], $0xC8  }
0x31: {  	[sflag:s9] =	ssyncset.done $0x0  }
0x32: {  	[sflag:s9] =	ssyncadd.s32 $0xFFFFFF38  }
0x33: {  	[tilespmem:s10], [sflag:$0x1] =	stream.linear.gather [hbm4b:s13+s2], $0x6400, $0x38;
	[tilespmem:$0x19D80] =	vst v63  }
0x34: {  	_ =	swait.ge [sflag:s9], $0x6400  }
0x35: {  	[sflag:s9] =	ssyncset.done $0x0  }
0x36: {  	[sflag:s9] =	ssyncadd.s32 $0xFFFF9C00  }
0x37: {  	[spmem:s1] =	stream.indirect.scatter.add.f32 [tilespmem:s10], [sflag:$0x1], $0x80, s2, s11, $0xb8;
	[tilespmem:$0x19D80] =	vst v63  }
0x38: {  	_ =	swait.ge [sflag:s9], $0x6400  }
0x39: {  	[sflag:s9] =	ssyncset.done $0x0  }
0x3a: {  	s12 =	sadd.s32 $0x1, s12;
	[sflag:s9] =	ssyncadd.s32 $0xFFFF9C00  }
0x3b: {  	p1 =	sne.s32 s12, s5;
	s13 =	simm.s32 @!p0 $0x1C01;
	[bflag:$0x0] =	sbarrier.arrive $0xFFFF  }
0x3c: {  	[hbm:s4], [sflag:s13] =	dma.local @!p0 [spmem:s8], $0x27100  }
.Ltmp1:
0x3d: {  	_ = 	snop;
	(pc) =	sbr.rel @p1 .LBB2_1-.Ltmp1, $4  }
0x3e: {  	s13 =	simm.s32 @!p0 $0x1  }
0x3f: {  	_ =	swait.ge @!p0 [sflag:s13], $0x27100  }
0x40: {  	[sflag:s13] =	ssyncset.done @!p0 $0x0  }
0x41: {  	[sflag:s13] =	ssyncadd.s32 @!p0 $0xFFFD8F00  }
0x42: {  	_ =	sfence.sel $0x180000  }
0x43: {  	[bflag:$0x0] =	sbarrier.arrive $0xFFFF  }
0x44: {  	_ =	strace $0x9000004D  }
0x45: {  	s0 =	sadd.s32 @!p0 $0x100000, s0;
	[bflag:$0x2] =	sbarrier.arrive $0xFFFF  }
0x46: {  	[sflag:s0] =	ssyncadd.tile.s32 @!p0 $0x1;
	_ =	shalt  }
.Lfunc_end2:
_tile_overlayer_lowered:
.L_overlay_start_2:
0x47: {  	(tag) =	ssettag $0x2  }
0x48: {  	s0 =	rddreg [dreg:$0x0];
	s2 =	stileid.u32  }
0x49: {  	s1 =	rddreg [dreg:$0x1];
	p0 =	sne.s32 s2, $0x0  }
0x4a: {  	s3 =	rddreg [dreg:$0x2];
	[bflag:$0x3] =	sbarrier.arrive $0xFFFF;
	s2 =	simm.s32 @!p0 $0x1C01  }
0x4b: {  	[timem:s3], [sflag:s2] =	dma.local @!p0 [hbm:s0], s1  }
0x4c: {  	s0 =	simm.s32 @!p0 $0x1  }
0x4d: {  	_ =	swait.ge @!p0 [sflag:s0], s1  }
0x4e: {  	s1 =	ssub.s32 @!p0 $0x0, s1;
	[sflag:s0] =	ssyncset.done @!p0 $0x0  }
0x4f: {  	[sflag:s0] =	ssyncadd.s32 @!p0 s1  }
0x50: {  	[bflag:$0x3] =	sbarrier.arrive $0xFFFF  }
0x51: {  	_ =	shalt  }

// kernel: kernel.28.cloned.1.call-start
scs
__scs_entry_jumppad:
0x0: {  	(pc) =	sbr.rel $0x88, $3  }
0x1: {  	(tag) =	ssettag $0x0;
	lr =	simm.s32 $0x1  }
0x2: {  	[smem:$0x3F81] =	sst lr;
	_ =	strace $0xD0000000  }
0x3: {  	_ = 	snop  }
0x4: {  	_ = 	snop  }
0x5: {  	_ = 	snop  }
0x6: {  	_ = 	snop  }
0x7: {  	_ = 	snop  }
__scs_overlays_trampoline_lowered:
0x8: {  	[smem:$0x3F90] =	sst s0  }
0x9: {  	[smem:$0x3F91] =	sst s1  }
0xa: {  	[smem:$0x3F92] =	sst s2  }
0xb: {  	[smem:$0x3F93] =	sst s3  }
0xc: {  	[smem:$0x3F94] =	sst s4  }
0xd: {  	[smem:$0x3F95] =	sst s5  }
0xe: {  	[smem:$0x3F96] =	sst s6  }
0xf: {  	[smem:$0x3F97] =	sst s7  }
0x10: {  	[smem:$0x3F98] =	sst s8  }
0x11: {  	[smem:$0x3F99] =	sst s9;
	s0 =	simm.s32 @!p0 $0x0  }
0x12: {  	s1 =	sld [smem:$0x3F7F];
	s0 =	simm.s32 @p0 $0x1  }
0x13: {  	[smem:$0x3F9A] =	sst s0;
	s0 =	simm.s32 @!p1 $0x0  }
0x14: {  	s2 =	sld [smem:$0x3F7E];
	s0 =	simm.s32 @p1 $0x1  }
0x15: {  	[smem:$0x3F9B] =	sst s0;
	s0 =	simm.s32 @!p2 $0x0  }
0x16: {  	s3 =	sld [smem:$0x3FDB];
	s0 =	simm.s32 @p2 $0x1  }
0x17: {  	s4 =	simm.s32 $0x1BF5;
	[smem:$0x3F9D] =	sst s0  }
0x18: {  	s0 =	sld [smem:$0x3F80];
	_ =	swait.ge [sflag:s4], $0x0  }
0x19: {  	s7 =	sld [smem:$0x3F81]  }
0x1a: {  	s8 =	sadd.s32 $0xFFFFE003, lr  }
0x1b: {  	s9 =	sadd.s32 $0xFFFFFEF7, lr;
	s5 =	simm.s32 $0xFFFFFFFF;
	p2 =	slt.u32 s8, $0xFFFFF086  }
0x1c: {  	p1 =	slt.u32 s9, $0xF7A;
	s5 =	simm.s32 @!p2 $0x0  }
0x1d: {  	s5 =	simm.s32 @p1 $0x1;
	p0 =	seq.s32 s7, s2  }
0x1e: {  	s7 =	smul.u32 @!p0 $0xF7A, s2;
	p2 =	seq.s32 @!p0 s5, $0x0  }
0x1f: {  	s9 =	smul.u32 $0xF7A, s1;
	s8 =	simm.s32 @!p0 $0x1BF5;
	p2 =	por !p2, p0  }
0x20: {  	[sflag:s8] =	ssyncset.s32 @!p0 $0xFFFFF086;
	s6 =	sadd.s32 @!p0 s3, s7;
	s7 =	simm.s32 @!p0 $0x108  }
0x21: {  	s3 =	sadd.s32 s3, s9;
	s6 =	sadd.s32 @!p0 $0x88, s6;
	s7 =	simm.s32 @p2 $0x1082  }
0x22: {  	[simem:s7], [sflag:s8] =	dma.local @!p0 [hbm:s6], $0xF7A  }
0x23: {  	s9 =	sor.u32 $0xD0000000, s2;
	s6 =	simm.s32 $0x108;
	_ =	swait.ge @!p0 [sflag:s8], $0x0  }
0x24: {  	s3 =	sadd.s32 $0x88, s3;
	s6 =	simm.s32 @!p1 $0x1082;
	[sflag:s4] =	ssyncset.s32 $0xFFFFF086  }
0x25: {  	[simem:s6], [sflag:s4] =	dma.local [hbm:s3], $0xF7A  }
0x26: {  	[smem:$0x3F81] =	sst s1;
	(tag) =	ssettag s2;
	_ =	strace s9  }
0x27: {  	s1 =	sld [smem:$0x3F91]  }
0x28: {  	s2 =	sld [smem:$0x3F92]  }
0x29: {  	s4 =	sld [smem:$0x3F94]  }
0x2a: {  	p0 =	seq.s32 s5, $0x0;
	s5 =	sld [smem:$0x3F95]  }
0x2b: {  	s6 =	sld [smem:$0x3F96]  }
0x2c: {  	s7 =	sld [smem:$0x3F97]  }
0x2d: {  	s3 =	simm.s32 $0x108;
	s8 =	sld [smem:$0x3F98]  }
0x2e: {  	s3 =	simm.s32 @!p0 $0x1082;
	s9 =	sld [smem:$0x3F99]  }
0x2f: {  	lr =	sadd.s32 s0, s3;
	s0 =	sld [smem:$0x3F90]  }
0x30: {  	s3 =	sld [smem:$0x3F93]  }
0x31: {  	[smem:$0x3F9C] =	sst s10  }
0x32: {  	s10 =	sld [smem:$0x3F9A];
	_ =	sdelay $0x3  }
0x33: {  	p0 =	seq.s32 s10, $0x1;
	s10 =	sld [smem:$0x3F9C];
	_ =	sdelay $0x3  }
0x34: {  	[smem:$0x3F9C] =	sst s10  }
0x35: {  	s10 =	sld [smem:$0x3F9B];
	_ =	sdelay $0x3  }
0x36: {  	p1 =	seq.s32 s10, $0x1;
	s10 =	sld [smem:$0x3F9C];
	_ =	sdelay $0x3  }
0x37: {  	[smem:$0x3F9C] =	sst s10  }
0x38: {  	s10 =	sld [smem:$0x3F9D]  }
0x39: {  	_ = 	snop;
	(pc) =	sbr.ind lr, $3  }
0x3a: {  	_ = 	snop  }
0x3b: {  	_ = 	snop  }
0x3c: {  	p2 =	seq.s32 s10, $0x1;
	s10 =	sld [smem:$0x3F9C]  }
0x3d: {  	_ =	shalt  }
0x3e: {  	_ =	shalt  }
0x3f: {  	_ =	shalt  }
0x40: {  	_ =	shalt  }
0x41: {  	_ =	shalt  }
0x42: {  	_ =	shalt  }
0x43: {  	_ =	shalt  }
0x44: {  	_ =	shalt  }
0x45: {  	_ =	shalt  }
0x46: {  	_ =	shalt  }
0x47: {  	_ =	shalt  }
0x48: {  	_ =	shalt  }
0x49: {  	_ =	shalt  }
0x4a: {  	_ =	shalt  }
0x4b: {  	_ =	shalt  }
0x4c: {  	_ =	shalt  }
0x4d: {  	_ =	shalt  }
0x4e: {  	_ =	shalt  }
0x4f: {  	_ =	shalt  }
0x50: {  	_ =	shalt  }
0x51: {  	_ =	shalt  }
0x52: {  	_ =	shalt  }
0x53: {  	_ =	shalt  }
0x54: {  	_ =	shalt  }
0x55: {  	_ =	shalt  }
0x56: {  	_ =	shalt  }
0x57: {  	_ =	shalt  }
0x58: {  	_ =	shalt  }
0x59: {  	_ =	shalt  }
0x5a: {  	_ =	shalt  }
0x5b: {  	_ =	shalt  }
0x5c: {  	_ =	shalt  }
0x5d: {  	_ =	shalt  }
0x5e: {  	_ =	shalt  }
0x5f: {  	_ =	shalt  }
0x60: {  	_ =	shalt  }
0x61: {  	_ =	shalt  }
0x62: {  	_ =	shalt  }
0x63: {  	_ =	shalt  }
0x64: {  	_ =	shalt  }
0x65: {  	_ =	shalt  }
0x66: {  	_ =	shalt  }
0x67: {  	_ =	shalt  }
0x68: {  	_ =	shalt  }
0x69: {  	_ =	shalt  }
0x6a: {  	_ =	shalt  }
0x6b: {  	_ =	shalt  }
0x6c: {  	_ =	shalt  }
0x6d: {  	_ =	shalt  }
0x6e: {  	_ =	shalt  }
0x6f: {  	_ =	shalt  }
0x70: {  	_ =	shalt  }
0x71: {  	_ =	shalt  }
0x72: {  	_ =	shalt  }
0x73: {  	_ =	shalt  }
0x74: {  	_ =	shalt  }
0x75: {  	_ =	shalt  }
0x76: {  	_ =	shalt  }
0x77: {  	_ =	shalt  }
0x78: {  	_ =	shalt  }
0x79: {  	_ =	shalt  }
0x7a: {  	_ =	shalt  }
0x7b: {  	_ =	shalt  }
0x7c: {  	_ =	shalt  }
0x7d: {  	_ =	shalt  }
0x7e: {  	_ =	shalt  }
0x7f: {  	_ =	shalt  }
0x80: {  	_ =	shalt  }
0x81: {  	_ =	shalt  }
0x82: {  	_ =	shalt  }
0x83: {  	_ =	shalt  }
0x84: {  	_ =	shalt  }
0x85: {  	_ =	shalt  }
0x86: {  	_ =	shalt  }
0x87: {  	_ =	shalt  }
.Lfunc_end0:
.L_simem_size_0:
called_computation.3_lowered:
.L_overlay_start_0:
0x88: {  	s2 =	sld [smem:$0x3FD9]  }
0x89: {  	s3 =	sld [smem:$0x3FFE];
	_ =	sdelay $0x1  }
0x8a: {  	s1 =	srdreg.scid  }
0x8b: {  	s0 =	sand.u32 $0x1, s1  }
0x8c: {  	s17 =	sshll.u32 s0, $0xA;
	s2 =	sadd.s32 s3, s2  }
0x8d: {  	s2 =	sadd.s32 s2, s17  }
0x8e: {  	[smem:$0x3FA8] =	sst s2  }
0x8f: {  	_ = 	snop  }
0x90: {  	s2 =	sld [smem:$0x3FAB]  }
0x91: {  	s18 =	sld [smem:$0x3FAA];
	(tm) =	ssettm $0x1  }
0x92: {  	s4 =	sld [smem:$0x3FFB];
	_ =	sdelay $0x3  }
0x93: {  	_ =	strace s4  }
0x94: {  	s4 =	sld [smem:$0x3FFC];
	_ =	sdelay $0x3  }
0x95: {  	_ =	strace s4  }
0x96: {  	s4 =	sld [smem:$0x3FFD];
	_ =	sdelay $0x3  }
0x97: {  	_ =	strace s4  }
0x98: {  	_ =	strace $0x8FFFFFFF  }
0x99: {  	s19 =	sld [smem:$0x3FDB];
	_ =	sdelay $0x1  }
0x9a: {  	s5 =	simm.s32 $_scs_section_size  }
0x9b: {  	s6 =	simm.s32 $_size__tile_overlayer_lowered;
	s7 =	simm.s32 $_tile_overlayer_lowered  }
0x9c: {  	s22 =	simm.s32 $0x1BFF;
	s21 =	sshll.u32 s7, $0x1;
	s4 =	sadd.s32 s5, s19  }
0x9d: {  	s8 =	simm.s32 $0x0;
	s20 =	sshll.u32 s6, $0x1;
	s6 =	sadd.s32 s21, s4  }
0x9e: {  	[timem:s8], [sflag:s22] =	dma.local [hbm:s6], s20  }
0x9f: {  	_ =	swait.ge [sflag:s22], s20  }
0xa0: {  	s5 =	ssub.s32 $0x0, s20;
	[sflag:s22] =	ssyncset.done $0x0  }
0xa1: {  	[sflag:s22] =	ssyncadd.s32 s5;
	_ =	sdelay $0x1  }
0xa2: {  	s23 =	simm.s32 $0x1B8B  }
0xa3: {  	_ =	swait.ge [sflag:s23], $0x1  }
0xa4: {  	[sflag:s23] =	ssyncset.done $0x0  }
0xa5: {  	s25 =	simm.s32 $0x1B8E;
	s24 =	sld [smem:$0x3FFE];
	[sflag:s23] =	ssyncadd.s32 $0xFFFFFFFF  }
0xa6: {  	s26 =	simm.s32 $execute0_lowered;
	[smem:$0x3FD2] =	sst s25  }
0xa7: {  	s6 =	sshll.u32 s26, $0x1;
	_ =	strace $0x8000004F;
	[dreg:$0x1] =	wrdreg $0xFFFFFFFF  }
0xa8: {  	s28 =	simm.s32 $_size_execute0_lowered;
	s4 =	sadd.s32 s4, s6;
	[dreg:$0x0] =	wrdreg $0x0  }
0xa9: {  	s6 =	sshll.u32 s28, $0x1;
	[dreg:$0x2] =	wrdreg s4  }
0xaa: {  	[dreg:$0x3] =	wrdreg s6  }
0xab: {  	[dreg:$0x4] =	wrdreg $0xC0  }
0xac: {  	_ =	task [dreg:s8], $0x5FFFF  }
0xad: {  	[dreg:$0x1] =	wrdreg $0xFFFFFFFF  }
0xae: {  	[dreg:$0x0] =	wrdreg $0x60  }
0xaf: {  	[dreg:$0x2] =	wrdreg s24  }
0xb0: {  	[dreg:$0x3] =	wrdreg s18  }
0xb1: {  	[dreg:$0x4] =	wrdreg s2  }
0xb2: {  	[dreg:$0x5] =	wrdreg $0x9  }
0xb3: {  	_ =	task.clear_ibuf [dreg:s8], $0x6FFFF;
	_ =	strace $0x9000004F  }
0xb4: {  	s29 =	simm.s32 $0x9;
	_ =	strace $0x80000051  }
0xb5: {  	_ =	swait.ge [sflag:s29], $0x1  }
0xb6: {  	[sflag:s29] =	ssyncadd.s32 $0xFFFFFFFF  }
0xb7: {  	_ =	strace $0x90000051  }
0xb8: {  	_ =	sfence  }
0xb9: {  	s30 =	sld [smem:$0x0];
	_ =	sdelay $0x2  }
0xba: {  	s31 =	sshll.u32 s1, $0xD;
	s1 =	sshrl.u32 s1, $0x2  }
0xbb: {  	s3 =	sand.u32 $0x4000, s31;
	s1 =	sadd.s32 s1, s30  }
0xbc: {  	s0 =	sor.u32 s3, s0;
	s1 =	sshll.u32 s1, $0x11  }
0xbd: {  	s0 =	sor.u32 s1, s0  }
0xbe: {  	s0 =	sadd.s32 $0x8F2B, s0  }
0xbf: {  	[sflag:s0] =	ssyncadd.remote.s32 $0x1  }
0xc0: {  	_ =	sfence.sel $0xFFFF  }
0xc1: {  	[dreg:$0x0] =	wrdreg $0xFFFFFFFF;
	(pc) =	sbr.abs _section_cstart, $3  }
0xc2: {  	[dreg:$0x1] =	wrdreg $0xFFFFFFFF  }
0xc3: {  	_ =	task.clear_ibuf [dreg:s8], $0x2FFFF;
	_ =	strace $0x9FFFFFFF  }
0xc4: {  	(tm) =	ssettm $0x7FFFFFFF  }
0xc5: {  	_ =	shalt  }
tec
execute0_lowered:
.L_overlay_start_1:
0x0: {  	(tag) =	ssettag $0x1  }
0x1: {  	s7 =	rddreg [dreg:$0x0]  }
0x2: {  	s12 =	rddreg [dreg:$0x1]  }
0x3: {  	s11 =	rddreg [dreg:$0x2]  }
0x4: {  	s0 =	rddreg [dreg:$0x3];
	s3 =	srdreg.scid  }
0x5: {  	s1 =	stileid.u32;
	s2 =	simm.s32 $0x0;
	s14 =	simm.s32 $0x100  }
0x6: {  	s15 =	simm.s32 $0xC8;
	s16 =	simm.s32 $0x200;
	s17 =	simm.s32 $0x6600  }
0x7: {  	s18 =	simm.s32 $0x1;
	s19 =	simm.s32 $0x2;
	s29 =	smul.u32 $0x27100, s1  }
0x8: {  	s20 =	simm.s32 $0x0;
	s4 =	sand.u32 $0x1, s3;
	s8 =	smul.u32 $0x2710, s1  }
0x9: {  	[smem:$0x7FF] =	sst s2;
	s5 =	smul.u32 $0x13880, s4;
	s6 =	ssub.s32 $0x2, s4  }
0xa: {  	_ =	strace $0x80000050;
	s9 =	smul.u32 $0x1388, s4;
	s30 =	sshrl.u32 s6, $0x1  }
0xb: {  	s4 =	sadd.s32 $0x589E00, s7;
	s3 =	sadd.s32 s5, s29;
	s13 =	ssub.s32 s6, s30  }
0xc: {  	s5 =	sadd.s32 $0x5B0F00, s7;
	s6 =	sadd.s32 $0x2A3A00, s7;
	s9 =	sadd.s32 s9, s8  }
0xd: {  	s10 =	sadd.s32 s3, s7;
	s7 =	sadd.s32 $0xCB6C00, s7;
	s8 =	smax.u32 s13, $0x1  }
0xe: {  	s31 =	sshrl.u32 s9, $0x3;
	s13 =	simm.s32 $0x3;
	s9 =	sadd.s32 $0x32A00, s10  }
0xf: {  	s10 =	sadd.s32 $0xA45C00, s10;
	s11 =	sadd.s32 s31, s11;
	s12 =	sadd.s32 s31, s12  }
.LBB2_1:
0x10: {  	s21 =	sadd.s32 $0x0, s12  }
0x11: {  	[tilespmem:s2], [sflag:$0x3] =	stream.linear.gather [hbm4b:s21+s2], $0xC8, $0x38;
	[tilespmem:$0xCA00] =	vst v63  }
0x12: {  	_ =	swait.ge [sflag:s13], $0xC8  }
0x13: {  	[sflag:s13] =	ssyncset.done $0x0  }
0x14: {  	s31 =	sadd.s32 $0x0, s11;
	[sflag:s13] =	ssyncadd.s32 $0xFFFFFF38  }
0x15: {  	[tilespmem:s14], [sflag:$0x3] =	stream.linear.gather [hbm4b:s31+s2], $0xC8, $0x38;
	[tilespmem:$0xCA00] =	vst v63  }
0x16: {  	_ =	swait.ge [sflag:s13], $0xC8  }
0x17: {  	[sflag:s13] =	ssyncset.done $0x0  }
0x18: {  	[sflag:s13] =	ssyncadd.s32 $0xFFFFFF38  }
0x19: {  	[tilespmem:s16], [sflag:$0x1] =	stream.indirect.gather [hbm4b:s4+s15], $0x80, s2, s15, $0xb8;
	[tilespmem:$0xCA00] =	vst v63  }
0x1a: {  	_ = 	snop  }
0x1b: {  	[tilespmem:s17], [sflag:$0x2] =	stream.indirect.gather [hbm4b:s4+s15], $0x80, s14, s15, $0xb8;
	[tilespmem:$0xCA00] =	vst v63  }
0x1c: {  	_ =	swait.ge [sflag:s18], $0x6400  }
0x1d: {  	[sflag:s18] =	ssyncset.done $0x0  }
0x1e: {  	[sflag:s18] =	ssyncadd.s32 $0xFFFF9C00  }
0x1f: {  	_ =	swait.ge [sflag:s19], $0x6400  }
0x20: {  	[sflag:s19] =	ssyncset.done $0x0  }
0x21: {  	[sflag:s19] =	ssyncadd.s32 $0xFFFF9C00  }
0x22: {  	[hbm4b:s9+s2] =	stream.linear.scatter [tilespmem:s16], [sflag:$0x3], $0x6400, $0x38;
	[tilespmem:$0xCA00] =	vst v63  }
0x23: {  	_ =	swait.ge [sflag:s13], $0x6400  }
0x24: {  	[sflag:s13] =	ssyncset.done $0x0  }
0x25: {  	s24 =	simm.s32 $0x19;
	[sflag:s13] =	ssyncadd.s32 $0xFFFF9C00  }
0x26: {  	[hbm4b:s10+s2] =	stream.linear.scatter [tilespmem:s17], [sflag:$0x3], $0x6400, $0x38;
	[tilespmem:$0xCA00] =	vst v63  }
0x27: {  	s26 =	sadd.s32 $0x19, s12;
	s25 =	simm.s32 $0x32;
	_ =	swait.ge [sflag:s13], $0x6400  }
0x28: {  	s23 =	sadd.s32 $0xC80, s9;
	s22 =	sadd.s32 $0xC80, s10;
	[sflag:s13] =	ssyncset.done $0x0  }
.LBB2_2:
0x29: {  	s28 =	sadd.s32 s25, s12  }
0x2a: {  	s21 =	simm.s32 $0x0;
	[sflag:s13] =	ssyncadd.s32 $0xFFFF9C00;
	s29 =	smov.u32 s25  }
0x2b: {  	[tilespmem:s21], [sflag:$0x3] =	stream.linear.gather [hbm4b:s26+s21], $0xC8, $0x38;
	[tilespmem:$0xCA00] =	vst v63  }
0x2c: {  	p0 =	sne.s32 s25, $0x258;
	s25 =	sadd.s32 $0x19, s25;
	_ =	swait.ge [sflag:s13], $0xC8  }
0x2d: {  	s26 =	smov.u32 s28;
	[sflag:s13] =	ssyncset.done $0x0  }
0x2e: {  	s28 =	sadd.s32 s24, s11;
	s24 =	smov.u32 s29;
	[sflag:s13] =	ssyncadd.s32 $0xFFFFFF38  }
0x2f: {  	[tilespmem:s14], [sflag:$0x3] =	stream.linear.gather [hbm4b:s28+s21], $0xC8, $0x38;
	[tilespmem:$0xCA00] =	vst v63  }
0x30: {  	_ =	swait.ge [sflag:s13], $0xC8  }
0x31: {  	[sflag:s13] =	ssyncset.done $0x0  }
0x32: {  	[sflag:s13] =	ssyncadd.s32 $0xFFFFFF38  }
0x33: {  	[tilespmem:s16], [sflag:$0x1] =	stream.indirect.gather [hbm4b:s4+s15], $0x80, s21, s15, $0xb8;
	[tilespmem:$0xCA00] =	vst v63  }
0x34: {  	_ = 	snop  }
0x35: {  	[tilespmem:s17], [sflag:$0x2] =	stream.indirect.gather [hbm4b:s4+s15], $0x80, s14, s15, $0xb8;
	[tilespmem:$0xCA00] =	vst v63  }
0x36: {  	_ =	swait.ge [sflag:s18], $0x6400  }
0x37: {  	[sflag:s18] =	ssyncset.done $0x0  }
0x38: {  	[sflag:s18] =	ssyncadd.s32 $0xFFFF9C00  }
0x39: {  	_ =	swait.ge [sflag:s19], $0x6400  }
0x3a: {  	[sflag:s19] =	ssyncset.done $0x0  }
0x3b: {  	[sflag:s19] =	ssyncadd.s32 $0xFFFF9C00  }
0x3c: {  	[hbm4b:s23+s21] =	stream.linear.scatter [tilespmem:s16], [sflag:$0x3], $0x6400, $0x38;
	[tilespmem:$0xCA00] =	vst v63  }
0x3d: {  	_ =	swait.ge [sflag:s13], $0x6400  }
.Ltmp0:
0x3e: {  	[sflag:s13] =	ssyncset.done $0x0;
	(pc) =	sbr.rel @p0 .LBB2_2-.Ltmp0, $4  }
0x3f: {  	[sflag:s13] =	ssyncadd.s32 $0xFFFF9C00  }
0x40: {  	[hbm4b:s22+s21] =	stream.linear.scatter [tilespmem:s17], [sflag:$0x3], $0x6400, $0x38;
	[tilespmem:$0xCA00] =	vst v63  }
0x41: {  	_ =	swait.ge [sflag:s13], $0x6400  }
0x42: {  	s23 =	sadd.s32 $0xC80, s23;
	s22 =	sadd.s32 $0xC80, s22;
	[sflag:s13] =	ssyncset.done $0x0  }
0x43: {  	[sflag:s13] =	ssyncadd.s32 $0xFFFF9C00  }
0x44: {  	[tilespmem:s21], [sflag:$0x3] =	stream.linear.gather [hbm4b:s26+s21], $0xC8, $0x38;
	[tilespmem:$0xCA00] =	vst v63  }
0x45: {  	_ =	swait.ge [sflag:s13], $0xC8  }
0x46: {  	[sflag:s13] =	ssyncset.done $0x0  }
0x47: {  	s24 =	sadd.s32 s24, s11;
	[sflag:s13] =	ssyncadd.s32 $0xFFFFFF38  }
0x48: {  	[tilespmem:s14], [sflag:$0x3] =	stream.linear.gather [hbm4b:s24+s21], $0xC8, $0x38;
	[tilespmem:$0xCA00] =	vst v63  }
0x49: {  	_ =	swait.ge [sflag:s13], $0xC8  }
0x4a: {  	[sflag:s13] =	ssyncset.done $0x0  }
0x4b: {  	[sflag:s13] =	ssyncadd.s32 $0xFFFFFF38  }
0x4c: {  	[tilespmem:s16], [sflag:$0x1] =	stream.indirect.gather [hbm4b:s4+s15], $0x80, s21, s15, $0xb8;
	[tilespmem:$0xCA00] =	vst v63  }
0x4d: {  	_ = 	snop  }
0x4e: {  	[tilespmem:s17], [sflag:$0x2] =	stream.indirect.gather [hbm4b:s4+s15], $0x80, s14, s15, $0xb8;
	[tilespmem:$0xCA00] =	vst v63  }
0x4f: {  	_ =	swait.ge [sflag:s18], $0x6400  }
0x50: {  	[sflag:s18] =	ssyncset.done $0x0  }
0x51: {  	[sflag:s18] =	ssyncadd.s32 $0xFFFF9C00  }
0x52: {  	_ =	swait.ge [sflag:s19], $0x6400  }
0x53: {  	[sflag:s19] =	ssyncset.done $0x0  }
0x54: {  	[sflag:s19] =	ssyncadd.s32 $0xFFFF9C00  }
0x55: {  	[hbm4b:s23+s21] =	stream.linear.scatter [tilespmem:s16], [sflag:$0x3], $0x6400, $0x38;
	[tilespmem:$0xCA00] =	vst v63  }
0x56: {  	_ =	swait.ge [sflag:s13], $0x6400  }
0x57: {  	p1 =	por $0x1, $0x1;
	[sflag:s13] =	ssyncset.done $0x0  }
.Ltmp1:
0x58: {  	[sflag:s13] =	ssyncadd.s32 $0xFFFF9C00;
	(pc) =	sbr.rel @!p1 .LBB2_8-.Ltmp1, $4  }
0x59: {  	[hbm4b:s22+s21] =	stream.linear.scatter [tilespmem:s17], [sflag:$0x3], $0x6400, $0x38;
	[tilespmem:$0xCA00] =	vst v63  }
0x5a: {  	_ =	swait.ge [sflag:s13], $0x6400  }
0x5b: {  	p0 =	por $0x0, $0x0;
	[sflag:s13] =	ssyncset.done $0x0  }
0x5c: {  	s23 =	smov.u32 s3;
	s22 =	simm.s32 $0x19;
	[sflag:s13] =	ssyncadd.s32 $0xFFFF9C00  }
0x5d: {  	s21 =	sadd.s32 $0x0, s12  }
0x5e: {  	[tilespmem:s2], [sflag:$0x3] =	stream.linear.gather [hbm4b:s21+s2], $0xC8, $0x38;
	[tilespmem:$0xCA00] =	vst v63  }
0x5f: {  	_ =	swait.ge [sflag:s13], $0xC8  }
0x60: {  	[sflag:s13] =	ssyncset.done $0x0  }
0x61: {  	s29 =	sadd.s32 $0x0, s11;
	[sflag:s13] =	ssyncadd.s32 $0xFFFFFF38  }
0x62: {  	[tilespmem:s14], [sflag:$0x3] =	stream.linear.gather [hbm4b:s29+s2], $0xC8, $0x38;
	[tilespmem:$0xCA00] =	vst v63  }
0x63: {  	_ =	swait.ge [sflag:s13], $0xC8  }
0x64: {  	[sflag:s13] =	ssyncset.done $0x0  }
0x65: {  	[sflag:s13] =	ssyncadd.s32 $0xFFFFFF38  }
0x66: {  	[tilespmem:s16], [sflag:$0x1] =	stream.indirect.gather [hbm4b:s5+s15], $0x80, s2, s15, $0xb8;
	[tilespmem:$0xCA00] =	vst v63  }
0x67: {  	_ = 	snop  }
0x68: {  	[tilespmem:s17], [sflag:$0x2] =	stream.indirect.gather [hbm4b:s5+s15], $0x80, s14, s15, $0xb8;
	[tilespmem:$0xCA00] =	vst v63  }
0x69: {  	_ =	swait.ge [sflag:s18], $0x6400  }
0x6a: {  	[sflag:s18] =	ssyncset.done $0x0  }
0x6b: {  	[sflag:s18] =	ssyncadd.s32 $0xFFFF9C00  }
0x6c: {  	_ =	swait.ge [sflag:s19], $0x6400  }
0x6d: {  	[sflag:s19] =	ssyncset.done $0x0  }
0x6e: {  	s30 =	sadd.s32 s3, s6;
	[sflag:s19] =	ssyncadd.s32 $0xFFFF9C00  }
0x6f: {  	[hbm4b:s30+s2] =	stream.linear.scatter [tilespmem:s16], [sflag:$0x3], $0x6400, $0x38;
	[tilespmem:$0xCA00] =	vst v63  }
0x70: {  	p1 =	por $0x1, $0x1;
	_ =	swait.ge [sflag:s13], $0x6400  }
.Ltmp2:
0x71: {  	[sflag:s13] =	ssyncset.done $0x0;
	(pc) =	sbr.rel @!p1 .LBB2_5-.Ltmp2, $4  }
0x72: {  	s31 =	sadd.s32 s3, s7;
	[sflag:s13] =	ssyncadd.s32 $0xFFFF9C00  }
0x73: {  	[hbm4b:s31+s2] =	stream.linear.scatter [tilespmem:s17], [sflag:$0x3], $0x6400, $0x38;
	[tilespmem:$0xCA00] =	vst v63  }
0x74: {  	s23 =	sadd.s32 $0xC80, s3;
	_ =	swait.ge [sflag:s13], $0x6400  }
0x75: {  	p0 =	por $0x1, $0x1;
	s21 =	simm.s32 $0x32;
	[sflag:s13] =	ssyncset.done $0x0  }
.LBB2_6:
0x76: {  	s24 =	sadd.s32 s22, s12  }
0x77: {  	[sflag:s13] =	ssyncadd.s32 $0xFFFF9C00;
	s25 =	smov.u32 s21;
	s26 =	sadd.s32 $0x19, s21  }
0x78: {  	[tilespmem:s2], [sflag:$0x3] =	stream.linear.gather [hbm4b:s24+s2], $0xC8, $0x38;
	[tilespmem:$0xCA00] =	vst v63  }
0x79: {  	p1 =	sne.s32 s21, $0x258;
	_ =	swait.ge [sflag:s13], $0xC8  }
0x7a: {  	[sflag:s13] =	ssyncset.done $0x0  }
0x7b: {  	s21 =	sadd.s32 s22, s11;
	s22 =	smov.u32 s25;
	[sflag:s13] =	ssyncadd.s32 $0xFFFFFF38  }
0x7c: {  	[tilespmem:s14], [sflag:$0x3] =	stream.linear.gather [hbm4b:s21+s2], $0xC8, $0x38;
	[tilespmem:$0xCA00] =	vst v63  }
0x7d: {  	_ =	swait.ge [sflag:s13], $0xC8  }
0x7e: {  	[sflag:s13] =	ssyncset.done $0x0  }
0x7f: {  	[sflag:s13] =	ssyncadd.s32 $0xFFFFFF38  }
0x80: {  	[tilespmem:s16], [sflag:$0x1] =	stream.indirect.gather [hbm4b:s5+s15], $0x80, s2, s15, $0xb8;
	[tilespmem:$0xCA00] =	vst v63  }
0x81: {  	_ = 	snop  }
0x82: {  	[tilespmem:s17], [sflag:$0x2] =	stream.indirect.gather [hbm4b:s5+s15], $0x80, s14, s15, $0xb8;
	[tilespmem:$0xCA00] =	vst v63  }
0x83: {  	_ =	swait.ge [sflag:s18], $0x6400  }
0x84: {  	[sflag:s18] =	ssyncset.done $0x0  }
0x85: {  	[sflag:s18] =	ssyncadd.s32 $0xFFFF9C00  }
0x86: {  	_ =	swait.ge [sflag:s19], $0x6400  }
0x87: {  	[sflag:s19] =	ssyncset.done $0x0  }
0x88: {  	s21 =	sadd.s32 s23, s6;
	[sflag:s19] =	ssyncadd.s32 $0xFFFF9C00  }
0x89: {  	[hbm4b:s21+s2] =	stream.linear.scatter [tilespmem:s16], [sflag:$0x3], $0x6400, $0x38;
	[tilespmem:$0xCA00] =	vst v63  }
0x8a: {  	_ =	swait.ge [sflag:s13], $0x6400  }
.Ltmp3:
0x8b: {  	[sflag:s13] =	ssyncset.done $0x0;
	(pc) =	sbr.rel @p1 .LBB2_6-.Ltmp3, $4  }
0x8c: {  	s21 =	sadd.s32 s23, s7;
	[sflag:s13] =	ssyncadd.s32 $0xFFFF9C00  }
0x8d: {  	[hbm4b:s21+s2] =	stream.linear.scatter [tilespmem:s17], [sflag:$0x3], $0x6400, $0x38;
	[tilespmem:$0xCA00] =	vst v63  }
0x8e: {  	_ =	swait.ge [sflag:s13], $0x6400  }
0x8f: {  	s23 =	sadd.s32 $0xC80, s23;
	s21 =	smov.u32 s26;
	[sflag:s13] =	ssyncset.done $0x0  }
0x90: {  	s21 =	smov.u32 s22  }
.LBB2_8:
0x91: {  	s22 =	sadd.s32 s21, s12;
	[sflag:s13] =	ssyncadd.s32 @p0 $0xFFFF9C00  }
0x92: {  	[tilespmem:s2], [sflag:$0x3] =	stream.linear.gather [hbm4b:s22+s2], $0xC8, $0x38;
	[tilespmem:$0xCA00] =	vst v63  }
0x93: {  	_ =	swait.ge [sflag:s13], $0xC8  }
0x94: {  	[sflag:s13] =	ssyncset.done $0x0  }
0x95: {  	s29 =	sadd.s32 s21, s11;
	[sflag:s13] =	ssyncadd.s32 $0xFFFFFF38  }
0x96: {  	[tilespmem:s14], [sflag:$0x3] =	stream.linear.gather [hbm4b:s29+s2], $0xC8, $0x38;
	[tilespmem:$0xCA00] =	vst v63  }
0x97: {  	_ =	swait.ge [sflag:s13], $0xC8  }
0x98: {  	[sflag:s13] =	ssyncset.done $0x0  }
0x99: {  	[sflag:s13] =	ssyncadd.s32 $0xFFFFFF38  }
0x9a: {  	[tilespmem:s16], [sflag:$0x1] =	stream.indirect.gather [hbm4b:s5+s15], $0x80, s2, s15, $0xb8;
	[tilespmem:$0xCA00] =	vst v63  }
0x9b: {  	_ = 	snop  }
0x9c: {  	[tilespmem:s17], [sflag:$0x2] =	stream.indirect.gather [hbm4b:s5+s15], $0x80, s14, s15, $0xb8;
	[tilespmem:$0xCA00] =	vst v63  }
0x9d: {  	_ =	swait.ge [sflag:s18], $0x6400  }
0x9e: {  	[sflag:s18] =	ssyncset.done $0x0  }
0x9f: {  	[sflag:s18] =	ssyncadd.s32 $0xFFFF9C00  }
0xa0: {  	_ =	swait.ge [sflag:s19], $0x6400  }
0xa1: {  	[sflag:s19] =	ssyncset.done $0x0  }
0xa2: {  	s30 =	sadd.s32 s23, s6;
	[sflag:s19] =	ssyncadd.s32 $0xFFFF9C00  }
0xa3: {  	[hbm4b:s30+s2] =	stream.linear.scatter [tilespmem:s16], [sflag:$0x3], $0x6400, $0x38;
	[tilespmem:$0xCA00] =	vst v63  }
0xa4: {  	_ =	swait.ge [sflag:s13], $0x6400  }
0xa5: {  	s20 =	sadd.s32 $0x1, s20;
	[sflag:s13] =	ssyncset.done $0x0  }
0xa6: {  	s31 =	sadd.s32 s23, s7;
	p0 =	sne.s32 s20, s8;
	[sflag:s13] =	ssyncadd.s32 $0xFFFF9C00  }
0xa7: {  	[hbm4b:s31+s2] =	stream.linear.scatter [tilespmem:s17], [sflag:$0x3], $0x6400, $0x38;
	[tilespmem:$0xCA00] =	vst v63  }
.Ltmp4:
0xa8: {  	_ = 	snop;
	(pc) =	sbr.rel @p0 .LBB2_1-.Ltmp4, $4  }
.Ltmp5:
0xa9: {  	_ = 	snop;
	(pc) =	sbr.rel @!p0 .LBB2_9-.Ltmp5, $4  }
0xaa: {  	_ =	swait.ge [sflag:s13], $0x6400  }
0xab: {  	[sflag:s13] =	ssyncset.done $0x0  }
0xac: {  	[sflag:s13] =	ssyncadd.s32 $0xFFFF9C00  }
0xad: {  	_ = 	snop  }
.LBB2_5:
.Ltmp6:
0xae: {  	(pc) =	sbr.rel .LBB2_8-.Ltmp6, $2  }
0xaf: {  	_ =	sdelay $0x2  }
0xb0: {  	s21 =	simm.s32 $0x19  }
.LBB2_9:
0xb1: {  	_ =	sfence.sel $0x180000  }
0xb2: {  	[bflag:$0x0] =	sbarrier.arrive $0xFFFF  }
0xb3: {  	p0 =	sne.s32 s1, $0x0;
	_ =	strace $0x90000050  }
0xb4: {  	s0 =	sadd.s32 @!p0 $0x100000, s0;
	[bflag:$0x2] =	sbarrier.arrive $0xFFFF  }
0xb5: {  	[sflag:s0] =	ssyncadd.tile.s32 @!p0 $0x1;
	_ =	shalt  }
.Lfunc_end2:
_tile_overlayer_lowered:
.L_overlay_start_2:
0xb6: {  	(tag) =	ssettag $0x2  }
0xb7: {  	s0 =	rddreg [dreg:$0x0];
	s2 =	stileid.u32  }
0xb8: {  	s1 =	rddreg [dreg:$0x1];
	p0 =	sne.s32 s2, $0x0  }
0xb9: {  	s3 =	rddreg [dreg:$0x2];
	[bflag:$0x3] =	sbarrier.arrive $0xFFFF;
	s2 =	simm.s32 @!p0 $0x1C03  }
0xba: {  	[timem:s3], [sflag:s2] =	dma.local @!p0 [hbm:s0], s1  }
0xbb: {  	s0 =	simm.s32 @!p0 $0x3  }
0xbc: {  	_ =	swait.ge @!p0 [sflag:s0], s1  }
0xbd: {  	s1 =	ssub.s32 @!p0 $0x0, s1;
	[sflag:s0] =	ssyncset.done @!p0 $0x0  }
0xbe: {  	[sflag:s0] =	ssyncadd.s32 @!p0 s1  }
0xbf: {  	[bflag:$0x3] =	sbarrier.arrive $0xFFFF  }
0xc0: {  	_ =	shalt  }

// kernel: kernel.31.cloned.1.call-start
scs
__scs_entry_jumppad:
0x0: {  	(pc) =	sbr.rel $0x88, $3  }
0x1: {  	(tag) =	ssettag $0x0;
	lr =	simm.s32 $0x1  }
0x2: {  	[smem:$0x3F81] =	sst lr;
	_ =	strace $0xD0000000  }
0x3: {  	_ = 	snop  }
0x4: {  	_ = 	snop  }
0x5: {  	_ = 	snop  }
0x6: {  	_ = 	snop  }
0x7: {  	_ = 	snop  }
__scs_overlays_trampoline_lowered:
0x8: {  	[smem:$0x3F90] =	sst s0  }
0x9: {  	[smem:$0x3F91] =	sst s1  }
0xa: {  	[smem:$0x3F92] =	sst s2  }
0xb: {  	[smem:$0x3F93] =	sst s3  }
0xc: {  	[smem:$0x3F94] =	sst s4  }
0xd: {  	[smem:$0x3F95] =	sst s5  }
0xe: {  	[smem:$0x3F96] =	sst s6  }
0xf: {  	[smem:$0x3F97] =	sst s7  }
0x10: {  	[smem:$0x3F98] =	sst s8  }
0x11: {  	[smem:$0x3F99] =	sst s9;
	s0 =	simm.s32 @!p0 $0x0  }
0x12: {  	s1 =	sld [smem:$0x3F7F];
	s0 =	simm.s32 @p0 $0x1  }
0x13: {  	[smem:$0x3F9A] =	sst s0;
	s0 =	simm.s32 @!p1 $0x0  }
0x14: {  	s2 =	sld [smem:$0x3F7E];
	s0 =	simm.s32 @p1 $0x1  }
0x15: {  	[smem:$0x3F9B] =	sst s0;
	s0 =	simm.s32 @!p2 $0x0  }
0x16: {  	s3 =	sld [smem:$0x3FDB];
	s0 =	simm.s32 @p2 $0x1  }
0x17: {  	s4 =	simm.s32 $0x1BF5;
	[smem:$0x3F9D] =	sst s0  }
0x18: {  	s0 =	sld [smem:$0x3F80];
	_ =	swait.ge [sflag:s4], $0x0  }
0x19: {  	s7 =	sld [smem:$0x3F81]  }
0x1a: {  	s8 =	sadd.s32 $0xFFFFE003, lr  }
0x1b: {  	s9 =	sadd.s32 $0xFFFFFEF7, lr;
	s5 =	simm.s32 $0xFFFFFFFF;
	p2 =	slt.u32 s8, $0xFFFFF086  }
0x1c: {  	p1 =	slt.u32 s9, $0xF7A;
	s5 =	simm.s32 @!p2 $0x0  }
0x1d: {  	s5 =	simm.s32 @p1 $0x1;
	p0 =	seq.s32 s7, s2  }
0x1e: {  	s7 =	smul.u32 @!p0 $0xF7A, s2;
	p2 =	seq.s32 @!p0 s5, $0x0  }
0x1f: {  	s9 =	smul.u32 $0xF7A, s1;
	s8 =	simm.s32 @!p0 $0x1BF5;
	p2 =	por !p2, p0  }
0x20: {  	[sflag:s8] =	ssyncset.s32 @!p0 $0xFFFFF086;
	s6 =	sadd.s32 @!p0 s3, s7;
	s7 =	simm.s32 @!p0 $0x108  }
0x21: {  	s3 =	sadd.s32 s3, s9;
	s6 =	sadd.s32 @!p0 $0x88, s6;
	s7 =	simm.s32 @p2 $0x1082  }
0x22: {  	[simem:s7], [sflag:s8] =	dma.local @!p0 [hbm:s6], $0xF7A  }
0x23: {  	s9 =	sor.u32 $0xD0000000, s2;
	s6 =	simm.s32 $0x108;
	_ =	swait.ge @!p0 [sflag:s8], $0x0  }
0x24: {  	s3 =	sadd.s32 $0x88, s3;
	s6 =	simm.s32 @!p1 $0x1082;
	[sflag:s4] =	ssyncset.s32 $0xFFFFF086  }
0x25: {  	[simem:s6], [sflag:s4] =	dma.local [hbm:s3], $0xF7A  }
0x26: {  	[smem:$0x3F81] =	sst s1;
	(tag) =	ssettag s2;
	_ =	strace s9  }
0x27: {  	s1 =	sld [smem:$0x3F91]  }
0x28: {  	s2 =	sld [smem:$0x3F92]  }
0x29: {  	s4 =	sld [smem:$0x3F94]  }
0x2a: {  	p0 =	seq.s32 s5, $0x0;
	s5 =	sld [smem:$0x3F95]  }
0x2b: {  	s6 =	sld [smem:$0x3F96]  }
0x2c: {  	s7 =	sld [smem:$0x3F97]  }
0x2d: {  	s3 =	simm.s32 $0x108;
	s8 =	sld [smem:$0x3F98]  }
0x2e: {  	s3 =	simm.s32 @!p0 $0x1082;
	s9 =	sld [smem:$0x3F99]  }
0x2f: {  	lr =	sadd.s32 s0, s3;
	s0 =	sld [smem:$0x3F90]  }
0x30: {  	s3 =	sld [smem:$0x3F93]  }
0x31: {  	[smem:$0x3F9C] =	sst s10  }
0x32: {  	s10 =	sld [smem:$0x3F9A];
	_ =	sdelay $0x3  }
0x33: {  	p0 =	seq.s32 s10, $0x1;
	s10 =	sld [smem:$0x3F9C];
	_ =	sdelay $0x3  }
0x34: {  	[smem:$0x3F9C] =	sst s10  }
0x35: {  	s10 =	sld [smem:$0x3F9B];
	_ =	sdelay $0x3  }
0x36: {  	p1 =	seq.s32 s10, $0x1;
	s10 =	sld [smem:$0x3F9C];
	_ =	sdelay $0x3  }
0x37: {  	[smem:$0x3F9C] =	sst s10  }
0x38: {  	s10 =	sld [smem:$0x3F9D]  }
0x39: {  	_ = 	snop;
	(pc) =	sbr.ind lr, $3  }
0x3a: {  	_ = 	snop  }
0x3b: {  	_ = 	snop  }
0x3c: {  	p2 =	seq.s32 s10, $0x1;
	s10 =	sld [smem:$0x3F9C]  }
0x3d: {  	_ =	shalt  }
0x3e: {  	_ =	shalt  }
0x3f: {  	_ =	shalt  }
0x40: {  	_ =	shalt  }
0x41: {  	_ =	shalt  }
0x42: {  	_ =	shalt  }
0x43: {  	_ =	shalt  }
0x44: {  	_ =	shalt  }
0x45: {  	_ =	shalt  }
0x46: {  	_ =	shalt  }
0x47: {  	_ =	shalt  }
0x48: {  	_ =	shalt  }
0x49: {  	_ =	shalt  }
0x4a: {  	_ =	shalt  }
0x4b: {  	_ =	shalt  }
0x4c: {  	_ =	shalt  }
0x4d: {  	_ =	shalt  }
0x4e: {  	_ =	shalt  }
0x4f: {  	_ =	shalt  }
0x50: {  	_ =	shalt  }
0x51: {  	_ =	shalt  }
0x52: {  	_ =	shalt  }
0x53: {  	_ =	shalt  }
0x54: {  	_ =	shalt  }
0x55: {  	_ =	shalt  }
0x56: {  	_ =	shalt  }
0x57: {  	_ =	shalt  }
0x58: {  	_ =	shalt  }
0x59: {  	_ =	shalt  }
0x5a: {  	_ =	shalt  }
0x5b: {  	_ =	shalt  }
0x5c: {  	_ =	shalt  }
0x5d: {  	_ =	shalt  }
0x5e: {  	_ =	shalt  }
0x5f: {  	_ =	shalt  }
0x60: {  	_ =	shalt  }
0x61: {  	_ =	shalt  }
0x62: {  	_ =	shalt  }
0x63: {  	_ =	shalt  }
0x64: {  	_ =	shalt  }
0x65: {  	_ =	shalt  }
0x66: {  	_ =	shalt  }
0x67: {  	_ =	shalt  }
0x68: {  	_ =	shalt  }
0x69: {  	_ =	shalt  }
0x6a: {  	_ =	shalt  }
0x6b: {  	_ =	shalt  }
0x6c: {  	_ =	shalt  }
0x6d: {  	_ =	shalt  }
0x6e: {  	_ =	shalt  }
0x6f: {  	_ =	shalt  }
0x70: {  	_ =	shalt  }
0x71: {  	_ =	shalt  }
0x72: {  	_ =	shalt  }
0x73: {  	_ =	shalt  }
0x74: {  	_ =	shalt  }
0x75: {  	_ =	shalt  }
0x76: {  	_ =	shalt  }
0x77: {  	_ =	shalt  }
0x78: {  	_ =	shalt  }
0x79: {  	_ =	shalt  }
0x7a: {  	_ =	shalt  }
0x7b: {  	_ =	shalt  }
0x7c: {  	_ =	shalt  }
0x7d: {  	_ =	shalt  }
0x7e: {  	_ =	shalt  }
0x7f: {  	_ =	shalt  }
0x80: {  	_ =	shalt  }
0x81: {  	_ =	shalt  }
0x82: {  	_ =	shalt  }
0x83: {  	_ =	shalt  }
0x84: {  	_ =	shalt  }
0x85: {  	_ =	shalt  }
0x86: {  	_ =	shalt  }
0x87: {  	_ =	shalt  }
.Lfunc_end0:
.L_simem_size_0:
called_computation.4_lowered:
.L_overlay_start_0:
0x88: {  	s2 =	sld [smem:$0x3FD9]  }
0x89: {  	s3 =	sld [smem:$0x3FFE];
	_ =	sdelay $0x1  }
0x8a: {  	s1 =	srdreg.scid  }
0x8b: {  	s0 =	sand.u32 $0x1, s1  }
0x8c: {  	s17 =	sshll.u32 s0, $0xA;
	s2 =	sadd.s32 s3, s2  }
0x8d: {  	s2 =	sadd.s32 s2, s17  }
0x8e: {  	[smem:$0x3FA8] =	sst s2  }
0x8f: {  	_ = 	snop  }
0x90: {  	s2 =	sld [smem:$0x3FAA];
	(tm) =	ssettm $0x1  }
0x91: {  	s18 =	sld [smem:$0x3FFB];
	_ =	sdelay $0x3  }
0x92: {  	_ =	strace s18  }
0x93: {  	s3 =	sld [smem:$0x3FFC];
	_ =	sdelay $0x3  }
0x94: {  	_ =	strace s3  }
0x95: {  	s3 =	sld [smem:$0x3FFD];
	_ =	sdelay $0x3  }
0x96: {  	_ =	strace s3  }
0x97: {  	_ =	strace $0x8FFFFFFF  }
0x98: {  	s19 =	sld [smem:$0x3FDB];
	_ =	sdelay $0x1  }
0x99: {  	s4 =	simm.s32 $_scs_section_size  }
0x9a: {  	s5 =	simm.s32 $_size__tile_overlayer_lowered;
	s6 =	simm.s32 $_tile_overlayer_lowered  }
0x9b: {  	s22 =	simm.s32 $0x1BFF;
	s21 =	sshll.u32 s6, $0x1;
	s3 =	sadd.s32 s4, s19  }
0x9c: {  	s7 =	simm.s32 $0x0;
	s20 =	sshll.u32 s5, $0x1;
	s5 =	sadd.s32 s21, s3  }
0x9d: {  	[timem:s7], [sflag:s22] =	dma.local [hbm:s5], s20  }
0x9e: {  	_ =	swait.ge [sflag:s22], s20  }
0x9f: {  	s4 =	ssub.s32 $0x0, s20;
	[sflag:s22] =	ssyncset.done $0x0  }
0xa0: {  	[sflag:s22] =	ssyncadd.s32 s4;
	_ =	sdelay $0x1  }
0xa1: {  	s23 =	simm.s32 $0x1B8B  }
0xa2: {  	_ =	swait.ge [sflag:s23], $0x1  }
0xa3: {  	[sflag:s23] =	ssyncset.done $0x0  }
0xa4: {  	s25 =	simm.s32 $0x1B8E;
	s24 =	sld [smem:$0x3FFE];
	[sflag:s23] =	ssyncadd.s32 $0xFFFFFFFF  }
0xa5: {  	s26 =	simm.s32 $execute0_lowered;
	[smem:$0x3FD2] =	sst s25  }
0xa6: {  	s5 =	sshll.u32 s26, $0x1;
	_ =	strace $0x80000052;
	[dreg:$0x1] =	wrdreg $0xFFFFFFFF  }
0xa7: {  	s28 =	simm.s32 $_size_execute0_lowered;
	s3 =	sadd.s32 s3, s5;
	[dreg:$0x0] =	wrdreg $0x0  }
0xa8: {  	s5 =	sshll.u32 s28, $0x1;
	[dreg:$0x2] =	wrdreg s3  }
0xa9: {  	[dreg:$0x3] =	wrdreg s5  }
0xaa: {  	[dreg:$0x4] =	wrdreg $0xC0  }
0xab: {  	_ =	task [dreg:s7], $0x5FFFF  }
0xac: {  	[dreg:$0x1] =	wrdreg $0xFFFFFFFF  }
0xad: {  	[dreg:$0x0] =	wrdreg $0x60  }
0xae: {  	[dreg:$0x2] =	wrdreg s24  }
0xaf: {  	[dreg:$0x3] =	wrdreg s2  }
0xb0: {  	[dreg:$0x4] =	wrdreg $0x65000  }
0xb1: {  	[dreg:$0x5] =	wrdreg $0x9  }
0xb2: {  	_ =	task.clear_ibuf [dreg:s7], $0x6FFFF;
	_ =	strace $0x90000052  }
0xb3: {  	s29 =	simm.s32 $0x9;
	_ =	strace $0x80000054  }
0xb4: {  	_ =	swait.ge [sflag:s29], $0x1  }
0xb5: {  	[sflag:s29] =	ssyncadd.s32 $0xFFFFFFFF  }
0xb6: {  	_ =	strace $0x90000054  }
0xb7: {  	_ =	sfence  }
0xb8: {  	s30 =	sld [smem:$0x0];
	_ =	sdelay $0x2  }
0xb9: {  	s31 =	sshll.u32 s1, $0xD;
	s1 =	sshrl.u32 s1, $0x2  }
0xba: {  	s3 =	sand.u32 $0x4000, s31;
	s1 =	sadd.s32 s1, s30  }
0xbb: {  	s0 =	sor.u32 s3, s0;
	s1 =	sshll.u32 s1, $0x11  }
0xbc: {  	s0 =	sor.u32 s1, s0  }
0xbd: {  	s0 =	sadd.s32 $0x8F2B, s0  }
0xbe: {  	[sflag:s0] =	ssyncadd.remote.s32 $0x1  }
0xbf: {  	_ =	sfence.sel $0xFFFF  }
0xc0: {  	[dreg:$0x0] =	wrdreg $0xFFFFFFFF;
	(pc) =	sbr.abs _section_cstart, $3  }
0xc1: {  	[dreg:$0x1] =	wrdreg $0xFFFFFFFF  }
0xc2: {  	_ =	task.clear_ibuf [dreg:s7], $0x2FFFF;
	_ =	strace $0x9FFFFFFF  }
0xc3: {  	(tm) =	ssettm $0x7FFFFFFF  }
tec
execute0_lowered:
.L_overlay_start_1:
0x0: {  	(tag) =	ssettag $0x1  }
0x1: {  	s3 =	rddreg [dreg:$0x0]  }
0x2: {  	s7 =	rddreg [dreg:$0x1]  }
0x3: {  	s1 =	rddreg [dreg:$0x2]  }
0x4: {  	s0 =	rddreg [dreg:$0x3];
	s8 =	stileid.u32  }
0x5: {  	s4 =	srdreg.scid;
	s5 =	smul.u32 $0x27100, s8  }
0x6: {  	s2 =	simm.s32 $0x0;
	s4 =	sand.u32 $0x1, s4;
	s11 =	smul.u32 $0x2710, s8  }
0x7: {  	[smem:$0x7FF] =	sst s2;
	p0 =	sne.s32 s8, $0x0;
	s6 =	smul.u32 $0x27100, s4  }
0x8: {  	_ =	strace $0x80000053;
	s9 =	smul.u32 $0x13880, s4;
	s29 =	ssub.s32 $0x2, s4  }
0x9: {  	s13 =	smul.u32 $0x1388, s4;
	s8 =	sshrl.u32 @!p0 s1, $0x3;
	s10 =	sadd.s32 s5, s3  }
0xa: {  	s12 =	sshrl.u32 s29, $0x1;
	s6 =	sadd.s32 s6, s3;
	s3 =	sadd.s32 $0x562C00, s3  }
0xb: {  	s5 =	ssub.s32 s29, s12;
	s30 =	sadd.s32 s9, s10;
	s31 =	sadd.s32 s13, s11  }
0xc: {  	s10 =	simm.s32 $0x100;
	s11 =	simm.s32 $0xC8;
	s12 =	simm.s32 $0x0  }
0xd: {  	s4 =	sadd.s32 $0x5D8000, s6;
	s5 =	smax.u32 s5, $0x1;
	s9 =	sshrl.u32 s31, $0x3  }
0xe: {  	s6 =	sadd.s32 $0x627200, s30;
	s7 =	sadd.s32 s9, s7;
	s9 =	simm.s32 $0x1  }
.LBB2_1:
0xf: {  	s13 =	simm.s32 @!p0 $0x1C01  }
0x10: {  	[spmem:s8], [sflag:s13] =	dma.local @!p0 [hbm:s3], $0x27100  }
0x11: {  	s13 =	simm.s32 @!p0 $0x1  }
0x12: {  	_ =	swait.ge @!p0 [sflag:s13], $0x27100  }
0x13: {  	[sflag:s13] =	ssyncset.done @!p0 $0x0  }
0x14: {  	[sflag:s13] =	ssyncadd.s32 @!p0 $0xFFFD8F00  }
0x15: {  	s31 =	sadd.s32 $0x0, s7;
	[bflag:$0x0] =	sbarrier.arrive $0xFFFF  }
0x16: {  	[tilespmem:s2], [sflag:$0x1] =	stream.linear.gather [hbm4b:s31+s2], $0xC8, $0x38;
	[tilespmem:$0x19D80] =	vst v63  }
0x17: {  	_ =	swait.ge [sflag:s9], $0xC8  }
0x18: {  	[sflag:s9] =	ssyncset.done $0x0  }
0x19: {  	[sflag:s9] =	ssyncadd.s32 $0xFFFFFF38  }
0x1a: {  	[tilespmem:s10], [sflag:$0x1] =	stream.linear.gather [hbm4b:s6+s2], $0x6400, $0x38;
	[tilespmem:$0x19D80] =	vst v63  }
0x1b: {  	_ =	swait.ge [sflag:s9], $0x6400  }
0x1c: {  	[sflag:s9] =	ssyncset.done $0x0  }
0x1d: {  	[sflag:s9] =	ssyncadd.s32 $0xFFFF9C00  }
0x1e: {  	[spmem:s1] =	stream.indirect.scatter.add.f32 [tilespmem:s10], [sflag:$0x1], $0x80, s2, s11, $0xb8;
	[tilespmem:$0x19D80] =	vst v63  }
0x1f: {  	s14 =	simm.s32 $0x19;
	_ =	swait.ge [sflag:s9], $0x6400  }
0x20: {  	s15 =	simm.s32 $0x32;
	s13 =	sadd.s32 $0xC80, s6;
	[sflag:s9] =	ssyncset.done $0x0  }
.LBB2_2:
0x21: {  	s16 =	sadd.s32 s14, s7  }
0x22: {  	[sflag:s9] =	ssyncadd.s32 $0xFFFF9C00;
	s14 =	smov.u32 s15;
	s17 =	sadd.s32 $0x19, s15  }
0x23: {  	[tilespmem:s2], [sflag:$0x1] =	stream.linear.gather [hbm4b:s16+s2], $0xC8, $0x38;
	[tilespmem:$0x19D80] =	vst v63  }
0x24: {  	p1 =	sne.s32 s15, $0x258;
	_ =	swait.ge [sflag:s9], $0xC8  }
0x25: {  	[sflag:s9] =	ssyncset.done $0x0  }
0x26: {  	[sflag:s9] =	ssyncadd.s32 $0xFFFFFF38  }
0x27: {  	[tilespmem:s10], [sflag:$0x1] =	stream.linear.gather [hbm4b:s13+s2], $0x6400, $0x38;
	[tilespmem:$0x19D80] =	vst v63  }
0x28: {  	_ =	swait.ge [sflag:s9], $0x6400  }
.Ltmp0:
0x29: {  	[sflag:s9] =	ssyncset.done $0x0;
	(pc) =	sbr.rel @p1 .LBB2_2-.Ltmp0, $4  }
0x2a: {  	[sflag:s9] =	ssyncadd.s32 $0xFFFF9C00  }
0x2b: {  	[spmem:s1] =	stream.indirect.scatter.add.f32 [tilespmem:s10], [sflag:$0x1], $0x80, s2, s11, $0xb8;
	[tilespmem:$0x19D80] =	vst v63  }
0x2c: {  	_ =	swait.ge [sflag:s9], $0x6400  }
0x2d: {  	s15 =	smov.u32 s17;
	s13 =	sadd.s32 $0xC80, s13;
	[sflag:s9] =	ssyncset.done $0x0  }
0x2e: {  	s14 =	sadd.s32 s14, s7;
	[sflag:s9] =	ssyncadd.s32 $0xFFFF9C00  }
0x2f: {  	[tilespmem:s2], [sflag:$0x1] =	stream.linear.gather [hbm4b:s14+s2], $0xC8, $0x38;
	[tilespmem:$0x19D80] =	vst v63  }
0x30: {  	_ =	swait.ge [sflag:s9], $0xC8  }
0x31: {  	[sflag:s9] =	ssyncset.done $0x0  }
0x32: {  	[sflag:s9] =	ssyncadd.s32 $0xFFFFFF38  }
0x33: {  	[tilespmem:s10], [sflag:$0x1] =	stream.linear.gather [hbm4b:s13+s2], $0x6400, $0x38;
	[tilespmem:$0x19D80] =	vst v63  }
0x34: {  	_ =	swait.ge [sflag:s9], $0x6400  }
0x35: {  	[sflag:s9] =	ssyncset.done $0x0  }
0x36: {  	[sflag:s9] =	ssyncadd.s32 $0xFFFF9C00  }
0x37: {  	[spmem:s1] =	stream.indirect.scatter.add.f32 [tilespmem:s10], [sflag:$0x1], $0x80, s2, s11, $0xb8;
	[tilespmem:$0x19D80] =	vst v63  }
0x38: {  	_ =	swait.ge [sflag:s9], $0x6400  }
0x39: {  	[sflag:s9] =	ssyncset.done $0x0  }
0x3a: {  	s12 =	sadd.s32 $0x1, s12;
	[sflag:s9] =	ssyncadd.s32 $0xFFFF9C00  }
0x3b: {  	p1 =	sne.s32 s12, s5;
	s13 =	simm.s32 @!p0 $0x1C01;
	[bflag:$0x0] =	sbarrier.arrive $0xFFFF  }
0x3c: {  	[hbm:s4], [sflag:s13] =	dma.local @!p0 [spmem:s8], $0x27100  }
.Ltmp1:
0x3d: {  	_ = 	snop;
	(pc) =	sbr.rel @p1 .LBB2_1-.Ltmp1, $4  }
0x3e: {  	s13 =	simm.s32 @!p0 $0x1  }
0x3f: {  	_ =	swait.ge @!p0 [sflag:s13], $0x27100  }
0x40: {  	[sflag:s13] =	ssyncset.done @!p0 $0x0  }
0x41: {  	[sflag:s13] =	ssyncadd.s32 @!p0 $0xFFFD8F00  }
0x42: {  	_ =	sfence.sel $0x180000  }
0x43: {  	[bflag:$0x0] =	sbarrier.arrive $0xFFFF  }
0x44: {  	_ =	strace $0x90000053  }
0x45: {  	s0 =	sadd.s32 @!p0 $0x100000, s0;
	[bflag:$0x2] =	sbarrier.arrive $0xFFFF  }
0x46: {  	[sflag:s0] =	ssyncadd.tile.s32 @!p0 $0x1;
	_ =	shalt  }
.Lfunc_end2:
_tile_overlayer_lowered:
.L_overlay_start_2:
0x47: {  	(tag) =	ssettag $0x2  }
0x48: {  	s0 =	rddreg [dreg:$0x0];
	s2 =	stileid.u32  }
0x49: {  	s1 =	rddreg [dreg:$0x1];
	p0 =	sne.s32 s2, $0x0  }
0x4a: {  	s3 =	rddreg [dreg:$0x2];
	[bflag:$0x3] =	sbarrier.arrive $0xFFFF;
	s2 =	simm.s32 @!p0 $0x1C01  }
0x4b: {  	[timem:s3], [sflag:s2] =	dma.local @!p0 [hbm:s0], s1  }
0x4c: {  	s0 =	simm.s32 @!p0 $0x1  }
0x4d: {  	_ =	swait.ge @!p0 [sflag:s0], s1  }
0x4e: {  	s1 =	ssub.s32 @!p0 $0x0, s1;
	[sflag:s0] =	ssyncset.done @!p0 $0x0  }
0x4f: {  	[sflag:s0] =	ssyncadd.s32 @!p0 s1  }
0x50: {  	[bflag:$0x3] =	sbarrier.arrive $0xFFFF  }
0x51: {  	_ =	shalt  }

// kernel: kernel.34.cloned.1.call-start
scs
__scs_entry_jumppad:
0x0: {  	(pc) =	sbr.rel $0x88, $3  }
0x1: {  	(tag) =	ssettag $0x0;
	lr =	simm.s32 $0x1  }
0x2: {  	[smem:$0x3F81] =	sst lr;
	_ =	strace $0xD0000000  }
0x3: {  	_ = 	snop  }
0x4: {  	_ = 	snop  }
0x5: {  	_ = 	snop  }
0x6: {  	_ = 	snop  }
0x7: {  	_ = 	snop  }
__scs_overlays_trampoline_lowered:
0x8: {  	[smem:$0x3F90] =	sst s0  }
0x9: {  	[smem:$0x3F91] =	sst s1  }
0xa: {  	[smem:$0x3F92] =	sst s2  }
0xb: {  	[smem:$0x3F93] =	sst s3  }
0xc: {  	[smem:$0x3F94] =	sst s4  }
0xd: {  	[smem:$0x3F95] =	sst s5  }
0xe: {  	[smem:$0x3F96] =	sst s6  }
0xf: {  	[smem:$0x3F97] =	sst s7  }
0x10: {  	[smem:$0x3F98] =	sst s8  }
0x11: {  	[smem:$0x3F99] =	sst s9;
	s0 =	simm.s32 @!p0 $0x0  }
0x12: {  	s1 =	sld [smem:$0x3F7F];
	s0 =	simm.s32 @p0 $0x1  }
0x13: {  	[smem:$0x3F9A] =	sst s0;
	s0 =	simm.s32 @!p1 $0x0  }
0x14: {  	s2 =	sld [smem:$0x3F7E];
	s0 =	simm.s32 @p1 $0x1  }
0x15: {  	[smem:$0x3F9B] =	sst s0;
	s0 =	simm.s32 @!p2 $0x0  }
0x16: {  	s3 =	sld [smem:$0x3FDB];
	s0 =	simm.s32 @p2 $0x1  }
0x17: {  	s4 =	simm.s32 $0x1BF5;
	[smem:$0x3F9D] =	sst s0  }
0x18: {  	s0 =	sld [smem:$0x3F80];
	_ =	swait.ge [sflag:s4], $0x0  }
0x19: {  	s7 =	sld [smem:$0x3F81]  }
0x1a: {  	s8 =	sadd.s32 $0xFFFFE003, lr  }
0x1b: {  	s9 =	sadd.s32 $0xFFFFFEF7, lr;
	s5 =	simm.s32 $0xFFFFFFFF;
	p2 =	slt.u32 s8, $0xFFFFF086  }
0x1c: {  	p1 =	slt.u32 s9, $0xF7A;
	s5 =	simm.s32 @!p2 $0x0  }
0x1d: {  	s5 =	simm.s32 @p1 $0x1;
	p0 =	seq.s32 s7, s2  }
0x1e: {  	s7 =	smul.u32 @!p0 $0xF7A, s2;
	p2 =	seq.s32 @!p0 s5, $0x0  }
0x1f: {  	s9 =	smul.u32 $0xF7A, s1;
	s8 =	simm.s32 @!p0 $0x1BF5;
	p2 =	por !p2, p0  }
0x20: {  	[sflag:s8] =	ssyncset.s32 @!p0 $0xFFFFF086;
	s6 =	sadd.s32 @!p0 s3, s7;
	s7 =	simm.s32 @!p0 $0x108  }
0x21: {  	s3 =	sadd.s32 s3, s9;
	s6 =	sadd.s32 @!p0 $0x88, s6;
	s7 =	simm.s32 @p2 $0x1082  }
0x22: {  	[simem:s7], [sflag:s8] =	dma.local @!p0 [hbm:s6], $0xF7A  }
0x23: {  	s9 =	sor.u32 $0xD0000000, s2;
	s6 =	simm.s32 $0x108;
	_ =	swait.ge @!p0 [sflag:s8], $0x0  }
0x24: {  	s3 =	sadd.s32 $0x88, s3;
	s6 =	simm.s32 @!p1 $0x1082;
	[sflag:s4] =	ssyncset.s32 $0xFFFFF086  }
0x25: {  	[simem:s6], [sflag:s4] =	dma.local [hbm:s3], $0xF7A  }
0x26: {  	[smem:$0x3F81] =	sst s1;
	(tag) =	ssettag s2;
	_ =	strace s9  }
0x27: {  	s1 =	sld [smem:$0x3F91]  }
0x28: {  	s2 =	sld [smem:$0x3F92]  }
0x29: {  	s4 =	sld [smem:$0x3F94]  }
0x2a: {  	p0 =	seq.s32 s5, $0x0;
	s5 =	sld [smem:$0x3F95]  }
0x2b: {  	s6 =	sld [smem:$0x3F96]  }
0x2c: {  	s7 =	sld [smem:$0x3F97]  }
0x2d: {  	s3 =	simm.s32 $0x108;
	s8 =	sld [smem:$0x3F98]  }
0x2e: {  	s3 =	simm.s32 @!p0 $0x1082;
	s9 =	sld [smem:$0x3F99]  }
0x2f: {  	lr =	sadd.s32 s0, s3;
	s0 =	sld [smem:$0x3F90]  }
0x30: {  	s3 =	sld [smem:$0x3F93]  }
0x31: {  	[smem:$0x3F9C] =	sst s10  }
0x32: {  	s10 =	sld [smem:$0x3F9A];
	_ =	sdelay $0x3  }
0x33: {  	p0 =	seq.s32 s10, $0x1;
	s10 =	sld [smem:$0x3F9C];
	_ =	sdelay $0x3  }
0x34: {  	[smem:$0x3F9C] =	sst s10  }
0x35: {  	s10 =	sld [smem:$0x3F9B];
	_ =	sdelay $0x3  }
0x36: {  	p1 =	seq.s32 s10, $0x1;
	s10 =	sld [smem:$0x3F9C];
	_ =	sdelay $0x3  }
0x37: {  	[smem:$0x3F9C] =	sst s10  }
0x38: {  	s10 =	sld [smem:$0x3F9D]  }
0x39: {  	_ = 	snop;
	(pc) =	sbr.ind lr, $3  }
0x3a: {  	_ = 	snop  }
0x3b: {  	_ = 	snop  }
0x3c: {  	p2 =	seq.s32 s10, $0x1;
	s10 =	sld [smem:$0x3F9C]  }
0x3d: {  	_ =	shalt  }
0x3e: {  	_ =	shalt  }
0x3f: {  	_ =	shalt  }
0x40: {  	_ =	shalt  }
0x41: {  	_ =	shalt  }
0x42: {  	_ =	shalt  }
0x43: {  	_ =	shalt  }
0x44: {  	_ =	shalt  }
0x45: {  	_ =	shalt  }
0x46: {  	_ =	shalt  }
0x47: {  	_ =	shalt  }
0x48: {  	_ =	shalt  }
0x49: {  	_ =	shalt  }
0x4a: {  	_ =	shalt  }
0x4b: {  	_ =	shalt  }
0x4c: {  	_ =	shalt  }
0x4d: {  	_ =	shalt  }
0x4e: {  	_ =	shalt  }
0x4f: {  	_ =	shalt  }
0x50: {  	_ =	shalt  }
0x51: {  	_ =	shalt  }
0x52: {  	_ =	shalt  }
0x53: {  	_ =	shalt  }
0x54: {  	_ =	shalt  }
0x55: {  	_ =	shalt  }
0x56: {  	_ =	shalt  }
0x57: {  	_ =	shalt  }
0x58: {  	_ =	shalt  }
0x59: {  	_ =	shalt  }
0x5a: {  	_ =	shalt  }
0x5b: {  	_ =	shalt  }
0x5c: {  	_ =	shalt  }
0x5d: {  	_ =	shalt  }
0x5e: {  	_ =	shalt  }
0x5f: {  	_ =	shalt  }
0x60: {  	_ =	shalt  }
0x61: {  	_ =	shalt  }
0x62: {  	_ =	shalt  }
0x63: {  	_ =	shalt  }
0x64: {  	_ =	shalt  }
0x65: {  	_ =	shalt  }
0x66: {  	_ =	shalt  }
0x67: {  	_ =	shalt  }
0x68: {  	_ =	shalt  }
0x69: {  	_ =	shalt  }
0x6a: {  	_ =	shalt  }
0x6b: {  	_ =	shalt  }
0x6c: {  	_ =	shalt  }
0x6d: {  	_ =	shalt  }
0x6e: {  	_ =	shalt  }
0x6f: {  	_ =	shalt  }
0x70: {  	_ =	shalt  }
0x71: {  	_ =	shalt  }
0x72: {  	_ =	shalt  }
0x73: {  	_ =	shalt  }
0x74: {  	_ =	shalt  }
0x75: {  	_ =	shalt  }
0x76: {  	_ =	shalt  }
0x77: {  	_ =	shalt  }
0x78: {  	_ =	shalt  }
0x79: {  	_ =	shalt  }
0x7a: {  	_ =	shalt  }
0x7b: {  	_ =	shalt  }
0x7c: {  	_ =	shalt  }
0x7d: {  	_ =	shalt  }
0x7e: {  	_ =	shalt  }
0x7f: {  	_ =	shalt  }
0x80: {  	_ =	shalt  }
0x81: {  	_ =	shalt  }
0x82: {  	_ =	shalt  }
0x83: {  	_ =	shalt  }
0x84: {  	_ =	shalt  }
0x85: {  	_ =	shalt  }
0x86: {  	_ =	shalt  }
0x87: {  	_ =	shalt  }
.Lfunc_end0:
.L_simem_size_0:
called_computation.5_lowered:
.L_overlay_start_0:
0x88: {  	s2 =	sld [smem:$0x3FD9]  }
0x89: {  	s3 =	sld [smem:$0x3FFE];
	_ =	sdelay $0x1  }
0x8a: {  	s1 =	srdreg.scid  }
0x8b: {  	s0 =	sand.u32 $0x1, s1  }
0x8c: {  	s17 =	sshll.u32 s0, $0xA;
	s2 =	sadd.s32 s3, s2  }
0x8d: {  	s2 =	sadd.s32 s2, s17  }
0x8e: {  	[smem:$0x3FA8] =	sst s2  }
0x8f: {  	_ = 	snop  }
0x90: {  	s18 =	sld [smem:$0x3FAA];
	(tm) =	ssettm $0x1  }
0x91: {  	s19 =	sld [smem:$0x3FFB];
	_ =	sdelay $0x3  }
0x92: {  	_ =	strace s19  }
0x93: {  	s2 =	sld [smem:$0x3FFC];
	_ =	sdelay $0x3  }
0x94: {  	_ =	strace s2  }
0x95: {  	s2 =	sld [smem:$0x3FFD];
	_ =	sdelay $0x3  }
0x96: {  	_ =	strace s2  }
0x97: {  	_ =	strace $0x8FFFFFFF  }
0x98: {  	s20 =	sld [smem:$0x3FDB];
	_ =	sdelay $0x1  }
0x99: {  	s4 =	simm.s32 $_scs_section_size  }
0x9a: {  	s5 =	simm.s32 $_size__tile_overlayer_lowered;
	s6 =	simm.s32 $_tile_overlayer_lowered  }
0x9b: {  	s7 =	simm.s32 $0x1BFF;
	s21 =	sshll.u32 s6, $0x1;
	s4 =	sadd.s32 s4, s20  }
0x9c: {  	s22 =	simm.s32 $0x0;
	s5 =	sshll.u32 s5, $0x1;
	s6 =	sadd.s32 s21, s4  }
0x9d: {  	[timem:s22], [sflag:s7] =	dma.local [hbm:s6], s5  }
0x9e: {  	_ =	swait.ge [sflag:s7], s5  }
0x9f: {  	s5 =	ssub.s32 $0x0, s5;
	[sflag:s7] =	ssyncset.done $0x0  }
0xa0: {  	[sflag:s7] =	ssyncadd.s32 s5;
	_ =	sdelay $0x1  }
0xa1: {  	s23 =	simm.s32 $0x1B8B  }
0xa2: {  	_ =	swait.ge [sflag:s23], $0x1  }
0xa3: {  	[sflag:s23] =	ssyncset.done $0x0  }
0xa4: {  	[sflag:s23] =	ssyncadd.s32 $0xFFFFFFFF  }
0xa5: {  	s5 =	sld [smem:$0x0]  }
0xa6: {  	s6 =	sand.u32 $0xFFFFFFFE, s1  }
0xa7: {  	p0 =	sne.s32 s1, s6  }
0xa8: {  	s6 =	sshll.u32 @p0 s6, $0xE  }
0xa9: {  	s6 =	sadd.s32 @p0 $0x11B8D, s6;
	s7 =	sshll.u32 @p0 s5, $0x11  }
0xaa: {  	s6 =	sor.u32 @p0 s7, s6  }
0xab: {  	[sflag:s6] =	ssyncadd.remote.s32 @p0 $0x1;
	_ =	sdelay $0x1  }
0xac: {  	s6 =	simm.s32 @p0 $0x1B8D  }
0xad: {  	_ =	swait.eq @p0 [sflag:s6], $0x1  }
0xae: {  	[sflag:s6] =	ssyncadd.s32 @p0 $0xFFFFFFFF  }
0xaf: {  	s7 =	sshll.u32 @!p0 s1, $0xE  }
0xb0: {  	s7 =	sor.u32 @!p0 $0x4000, s7;
	s6 =	simm.s32 @!p0 $0x1B8D  }
0xb1: {  	s5 =	sshll.u32 @!p0 s5, $0x11;
	s7 =	sadd.s32 @!p0 $0x11B8D, s7;
	_ =	swait.eq @!p0 [sflag:s6], $0x1  }
0xb2: {  	s5 =	sor.u32 @!p0 s5, s7;
	[sflag:s6] =	ssyncadd.s32 @!p0 $0xFFFFFFFF  }
0xb3: {  	s25 =	simm.s32 $0x1B8E;
	s24 =	sld [smem:$0x3FFE];
	[sflag:s5] =	ssyncadd.remote.s32 @!p0 $0x1  }
0xb4: {  	s26 =	simm.s32 $execute0_lowered;
	[smem:$0x3FD2] =	sst s25  }
0xb5: {  	s6 =	sshll.u32 s26, $0x1;
	_ =	strace $0x80000055;
	[dreg:$0x1] =	wrdreg $0xFFFFFFFF  }
0xb6: {  	s28 =	simm.s32 $_size_execute0_lowered;
	s4 =	sadd.s32 s4, s6;
	[dreg:$0x0] =	wrdreg $0x0  }
0xb7: {  	s6 =	sshll.u32 s28, $0x1;
	[dreg:$0x2] =	wrdreg s4  }
0xb8: {  	[dreg:$0x3] =	wrdreg s6  }
0xb9: {  	[dreg:$0x4] =	wrdreg $0xC0  }
0xba: {  	_ =	task [dreg:s22], $0x5FFFF  }
0xbb: {  	[dreg:$0x1] =	wrdreg $0xFFFFFFFF  }
0xbc: {  	[dreg:$0x0] =	wrdreg $0x60  }
0xbd: {  	[dreg:$0x2] =	wrdreg s24  }
0xbe: {  	[dreg:$0x3] =	wrdreg s18  }
0xbf: {  	[dreg:$0x4] =	wrdreg $0x65000  }
0xc0: {  	[dreg:$0x5] =	wrdreg $0xA  }
0xc1: {  	_ =	task.clear_ibuf [dreg:s22], $0x6FFFF;
	_ =	strace $0x90000055  }
0xc2: {  	s29 =	simm.s32 $0xA;
	_ =	strace $0x80000057  }
0xc3: {  	_ =	swait.ge [sflag:s29], $0x1  }
0xc4: {  	[sflag:s29] =	ssyncadd.s32 $0xFFFFFFFF  }
0xc5: {  	_ =	strace $0x90000057  }
0xc6: {  	_ =	sfence  }
0xc7: {  	s30 =	sld [smem:$0x0];
	_ =	sdelay $0x2  }
0xc8: {  	s31 =	sshll.u32 s1, $0xD;
	s1 =	sshrl.u32 s1, $0x2  }
0xc9: {  	s4 =	sand.u32 $0x4000, s31;
	s1 =	sadd.s32 s1, s30  }
0xca: {  	s0 =	sor.u32 s4, s0;
	s1 =	sshll.u32 s1, $0x11  }
0xcb: {  	s0 =	sor.u32 s1, s0  }
0xcc: {  	s0 =	sadd.s32 $0x8F2B, s0  }
0xcd: {  	[sflag:s0] =	ssyncadd.remote.s32 $0x1  }
0xce: {  	_ =	sfence.sel $0xFFFF  }
0xcf: {  	[dreg:$0x0] =	wrdreg $0xFFFFFFFF;
	(pc) =	sbr.abs _section_cstart, $3  }
0xd0: {  	[dreg:$0x1] =	wrdreg $0xFFFFFFFF  }
0xd1: {  	_ =	task.clear_ibuf [dreg:s22], $0x2FFFF;
	_ =	strace $0x9FFFFFFF  }
0xd2: {  	(tm) =	ssettm $0x7FFFFFFF  }
0xd3: {  	_ =	shalt  }
tec
execute0_lowered:
.L_overlay_start_1:
0x0: {  	(tag) =	ssettag $0x1  }
0x1: {  	s3 =	rddreg [dreg:$0x0]  }
0x2: {  	s7 =	rddreg [dreg:$0x1]  }
0x3: {  	s1 =	rddreg [dreg:$0x2]  }
0x4: {  	s0 =	rddreg [dreg:$0x3];
	s8 =	stileid.u32  }
0x5: {  	s4 =	srdreg.scid;
	s5 =	smul.u32 $0x27100, s8  }
0x6: {  	s2 =	simm.s32 $0x0;
	s4 =	sand.u32 $0x1, s4;
	s11 =	smul.u32 $0x2710, s8  }
0x7: {  	[smem:$0x7FF] =	sst s2;
	p0 =	sne.s32 s8, $0x0;
	s6 =	smul.u32 $0x27100, s4  }
0x8: {  	_ =	strace $0x80000056;
	s9 =	smul.u32 $0x13880, s4;
	s29 =	ssub.s32 $0x2, s4  }
0x9: {  	s13 =	smul.u32 $0x1388, s4;
	s8 =	sshrl.u32 @!p0 s1, $0x3;
	s10 =	sadd.s32 s5, s3  }
0xa: {  	s12 =	sshrl.u32 s29, $0x1;
	s6 =	sadd.s32 s6, s3;
	s3 =	sadd.s32 $0x562C00, s3  }
0xb: {  	s5 =	ssub.s32 s29, s12;
	s30 =	sadd.s32 s9, s10;
	s31 =	sadd.s32 s13, s11  }
0xc: {  	s10 =	simm.s32 $0x100;
	s11 =	simm.s32 $0xC8;
	s12 =	simm.s32 $0x0  }
0xd: {  	s4 =	sadd.s32 $0x898200, s6;
	s5 =	smax.u32 s5, $0x1;
	s9 =	sshrl.u32 s31, $0x3  }
0xe: {  	s6 =	sadd.s32 $0xA45C00, s30;
	s7 =	sadd.s32 s9, s7;
	s9 =	simm.s32 $0x1  }
.LBB2_1:
0xf: {  	s13 =	simm.s32 @!p0 $0x1C01  }
0x10: {  	[spmem:s8], [sflag:s13] =	dma.local @!p0 [hbm:s3], $0x27100  }
0x11: {  	s13 =	simm.s32 @!p0 $0x1  }
0x12: {  	_ =	swait.ge @!p0 [sflag:s13], $0x27100  }
0x13: {  	[sflag:s13] =	ssyncset.done @!p0 $0x0  }
0x14: {  	[sflag:s13] =	ssyncadd.s32 @!p0 $0xFFFD8F00  }
0x15: {  	s31 =	sadd.s32 $0x0, s7;
	[bflag:$0x0] =	sbarrier.arrive $0xFFFF  }
0x16: {  	[tilespmem:s2], [sflag:$0x1] =	stream.linear.gather [hbm4b:s31+s2], $0xC8, $0x38;
	[tilespmem:$0x19D80] =	vst v63  }
0x17: {  	_ =	swait.ge [sflag:s9], $0xC8  }
0x18: {  	[sflag:s9] =	ssyncset.done $0x0  }
0x19: {  	[sflag:s9] =	ssyncadd.s32 $0xFFFFFF38  }
0x1a: {  	[tilespmem:s10], [sflag:$0x1] =	stream.linear.gather [hbm4b:s6+s2], $0x6400, $0x38;
	[tilespmem:$0x19D80] =	vst v63  }
0x1b: {  	_ =	swait.ge [sflag:s9], $0x6400  }
0x1c: {  	[sflag:s9] =	ssyncset.done $0x0  }
0x1d: {  	[sflag:s9] =	ssyncadd.s32 $0xFFFF9C00  }
0x1e: {  	[spmem:s1] =	stream.indirect.scatter.add.f32 [tilespmem:s10], [sflag:$0x1], $0x80, s2, s11, $0xb8;
	[tilespmem:$0x19D80] =	vst v63  }
0x1f: {  	s14 =	simm.s32 $0x19;
	_ =	swait.ge [sflag:s9], $0x6400  }
0x20: {  	s15 =	simm.s32 $0x32;
	s13 =	sadd.s32 $0xC80, s6;
	[sflag:s9] =	ssyncset.done $0x0  }
.LBB2_2:
0x21: {  	s16 =	sadd.s32 s14, s7  }
0x22: {  	[sflag:s9] =	ssyncadd.s32 $0xFFFF9C00;
	s14 =	smov.u32 s15;
	s17 =	sadd.s32 $0x19, s15  }
0x23: {  	[tilespmem:s2], [sflag:$0x1] =	stream.linear.gather [hbm4b:s16+s2], $0xC8, $0x38;
	[tilespmem:$0x19D80] =	vst v63  }
0x24: {  	p1 =	sne.s32 s15, $0x258;
	_ =	swait.ge [sflag:s9], $0xC8  }
0x25: {  	[sflag:s9] =	ssyncset.done $0x0  }
0x26: {  	[sflag:s9] =	ssyncadd.s32 $0xFFFFFF38  }
0x27: {  	[tilespmem:s10], [sflag:$0x1] =	stream.linear.gather [hbm4b:s13+s2], $0x6400, $0x38;
	[tilespmem:$0x19D80] =	vst v63  }
0x28: {  	_ =	swait.ge [sflag:s9], $0x6400  }
.Ltmp0:
0x29: {  	[sflag:s9] =	ssyncset.done $0x0;
	(pc) =	sbr.rel @p1 .LBB2_2-.Ltmp0, $4  }
0x2a: {  	[sflag:s9] =	ssyncadd.s32 $0xFFFF9C00  }
0x2b: {  	[spmem:s1] =	stream.indirect.scatter.add.f32 [tilespmem:s10], [sflag:$0x1], $0x80, s2, s11, $0xb8;
	[tilespmem:$0x19D80] =	vst v63  }
0x2c: {  	_ =	swait.ge [sflag:s9], $0x6400  }
0x2d: {  	s15 =	smov.u32 s17;
	s13 =	sadd.s32 $0xC80, s13;
	[sflag:s9] =	ssyncset.done $0x0  }
0x2e: {  	s14 =	sadd.s32 s14, s7;
	[sflag:s9] =	ssyncadd.s32 $0xFFFF9C00  }
0x2f: {  	[tilespmem:s2], [sflag:$0x1] =	stream.linear.gather [hbm4b:s14+s2], $0xC8, $0x38;
	[tilespmem:$0x19D80] =	vst v63  }
0x30: {  	_ =	swait.ge [sflag:s9], $0xC8  }
0x31: {  	[sflag:s9] =	ssyncset.done $0x0  }
0x32: {  	[sflag:s9] =	ssyncadd.s32 $0xFFFFFF38  }
0x33: {  	[tilespmem:s10], [sflag:$0x1] =	stream.linear.gather [hbm4b:s13+s2], $0x6400, $0x38;
	[tilespmem:$0x19D80] =	vst v63  }
0x34: {  	_ =	swait.ge [sflag:s9], $0x6400  }
0x35: {  	[sflag:s9] =	ssyncset.done $0x0  }
0x36: {  	[sflag:s9] =	ssyncadd.s32 $0xFFFF9C00  }
0x37: {  	[spmem:s1] =	stream.indirect.scatter.add.f32 [tilespmem:s10], [sflag:$0x1], $0x80, s2, s11, $0xb8;
	[tilespmem:$0x19D80] =	vst v63  }
0x38: {  	_ =	swait.ge [sflag:s9], $0x6400  }
0x39: {  	[sflag:s9] =	ssyncset.done $0x0  }
0x3a: {  	s12 =	sadd.s32 $0x1, s12;
	[sflag:s9] =	ssyncadd.s32 $0xFFFF9C00  }
0x3b: {  	p1 =	sne.s32 s12, s5;
	s13 =	simm.s32 @!p0 $0x1C01;
	[bflag:$0x0] =	sbarrier.arrive $0xFFFF  }
0x3c: {  	[hbm:s4], [sflag:s13] =	dma.local @!p0 [spmem:s8], $0x27100  }
.Ltmp1:
0x3d: {  	_ = 	snop;
	(pc) =	sbr.rel @p1 .LBB2_1-.Ltmp1, $4  }
0x3e: {  	s13 =	simm.s32 @!p0 $0x1  }
0x3f: {  	_ =	swait.ge @!p0 [sflag:s13], $0x27100  }
0x40: {  	[sflag:s13] =	ssyncset.done @!p0 $0x0  }
0x41: {  	[sflag:s13] =	ssyncadd.s32 @!p0 $0xFFFD8F00  }
0x42: {  	_ =	sfence.sel $0x180000  }
0x43: {  	[bflag:$0x0] =	sbarrier.arrive $0xFFFF  }
0x44: {  	_ =	strace $0x90000056  }
0x45: {  	s0 =	sadd.s32 @!p0 $0x100000, s0;
	[bflag:$0x2] =	sbarrier.arrive $0xFFFF  }
0x46: {  	[sflag:s0] =	ssyncadd.tile.s32 @!p0 $0x1;
	_ =	shalt  }
.Lfunc_end2:
_tile_overlayer_lowered:
.L_overlay_start_2:
0x47: {  	(tag) =	ssettag $0x2  }
0x48: {  	s0 =	rddreg [dreg:$0x0];
	s2 =	stileid.u32  }
0x49: {  	s1 =	rddreg [dreg:$0x1];
	p0 =	sne.s32 s2, $0x0  }
0x4a: {  	s3 =	rddreg [dreg:$0x2];
	[bflag:$0x3] =	sbarrier.arrive $0xFFFF;
	s2 =	simm.s32 @!p0 $0x1C01  }
0x4b: {  	[timem:s3], [sflag:s2] =	dma.local @!p0 [hbm:s0], s1  }
0x4c: {  	s0 =	simm.s32 @!p0 $0x1  }
0x4d: {  	_ =	swait.ge @!p0 [sflag:s0], s1  }
0x4e: {  	s1 =	ssub.s32 @!p0 $0x0, s1;
	[sflag:s0] =	ssyncset.done @!p0 $0x0  }
0x4f: {  	[sflag:s0] =	ssyncadd.s32 @!p0 s1  }
0x50: {  	[bflag:$0x3] =	sbarrier.arrive $0xFFFF  }
0x51: {  	_ =	shalt  }

// kernel: kernel.37.cloned.1.call-start
scs
__scs_entry_jumppad:
0x0: {  	(pc) =	sbr.rel $0x88, $3  }
0x1: {  	(tag) =	ssettag $0x0;
	lr =	simm.s32 $0x1  }
0x2: {  	[smem:$0x3F81] =	sst lr;
	_ =	strace $0xD0000000  }
0x3: {  	_ = 	snop  }
0x4: {  	_ = 	snop  }
0x5: {  	_ = 	snop  }
0x6: {  	_ = 	snop  }
0x7: {  	_ = 	snop  }
__scs_overlays_trampoline_lowered:
0x8: {  	[smem:$0x3F90] =	sst s0  }
0x9: {  	[smem:$0x3F91] =	sst s1  }
0xa: {  	[smem:$0x3F92] =	sst s2  }
0xb: {  	[smem:$0x3F93] =	sst s3  }
0xc: {  	[smem:$0x3F94] =	sst s4  }
0xd: {  	[smem:$0x3F95] =	sst s5  }
0xe: {  	[smem:$0x3F96] =	sst s6  }
0xf: {  	[smem:$0x3F97] =	sst s7  }
0x10: {  	[smem:$0x3F98] =	sst s8  }
0x11: {  	[smem:$0x3F99] =	sst s9;
	s0 =	simm.s32 @!p0 $0x0  }
0x12: {  	s1 =	sld [smem:$0x3F7F];
	s0 =	simm.s32 @p0 $0x1  }
0x13: {  	[smem:$0x3F9A] =	sst s0;
	s0 =	simm.s32 @!p1 $0x0  }
0x14: {  	s2 =	sld [smem:$0x3F7E];
	s0 =	simm.s32 @p1 $0x1  }
0x15: {  	[smem:$0x3F9B] =	sst s0;
	s0 =	simm.s32 @!p2 $0x0  }
0x16: {  	s3 =	sld [smem:$0x3FDB];
	s0 =	simm.s32 @p2 $0x1  }
0x17: {  	s4 =	simm.s32 $0x1BF5;
	[smem:$0x3F9D] =	sst s0  }
0x18: {  	s0 =	sld [smem:$0x3F80];
	_ =	swait.ge [sflag:s4], $0x0  }
0x19: {  	s7 =	sld [smem:$0x3F81]  }
0x1a: {  	s8 =	sadd.s32 $0xFFFFE003, lr  }
0x1b: {  	s9 =	sadd.s32 $0xFFFFFEF7, lr;
	s5 =	simm.s32 $0xFFFFFFFF;
	p2 =	slt.u32 s8, $0xFFFFF086  }
0x1c: {  	p1 =	slt.u32 s9, $0xF7A;
	s5 =	simm.s32 @!p2 $0x0  }
0x1d: {  	s5 =	simm.s32 @p1 $0x1;
	p0 =	seq.s32 s7, s2  }
0x1e: {  	s7 =	smul.u32 @!p0 $0xF7A, s2;
	p2 =	seq.s32 @!p0 s5, $0x0  }
0x1f: {  	s9 =	smul.u32 $0xF7A, s1;
	s8 =	simm.s32 @!p0 $0x1BF5;
	p2 =	por !p2, p0  }
0x20: {  	[sflag:s8] =	ssyncset.s32 @!p0 $0xFFFFF086;
	s6 =	sadd.s32 @!p0 s3, s7;
	s7 =	simm.s32 @!p0 $0x108  }
0x21: {  	s3 =	sadd.s32 s3, s9;
	s6 =	sadd.s32 @!p0 $0x88, s6;
	s7 =	simm.s32 @p2 $0x1082  }
0x22: {  	[simem:s7], [sflag:s8] =	dma.local @!p0 [hbm:s6], $0xF7A  }
0x23: {  	s9 =	sor.u32 $0xD0000000, s2;
	s6 =	simm.s32 $0x108;
	_ =	swait.ge @!p0 [sflag:s8], $0x0  }
0x24: {  	s3 =	sadd.s32 $0x88, s3;
	s6 =	simm.s32 @!p1 $0x1082;
	[sflag:s4] =	ssyncset.s32 $0xFFFFF086  }
0x25: {  	[simem:s6], [sflag:s4] =	dma.local [hbm:s3], $0xF7A  }
0x26: {  	[smem:$0x3F81] =	sst s1;
	(tag) =	ssettag s2;
	_ =	strace s9  }
0x27: {  	s1 =	sld [smem:$0x3F91]  }
0x28: {  	s2 =	sld [smem:$0x3F92]  }
0x29: {  	s4 =	sld [smem:$0x3F94]  }
0x2a: {  	p0 =	seq.s32 s5, $0x0;
	s5 =	sld [smem:$0x3F95]  }
0x2b: {  	s6 =	sld [smem:$0x3F96]  }
0x2c: {  	s7 =	sld [smem:$0x3F97]  }
0x2d: {  	s3 =	simm.s32 $0x108;
	s8 =	sld [smem:$0x3F98]  }
0x2e: {  	s3 =	simm.s32 @!p0 $0x1082;
	s9 =	sld [smem:$0x3F99]  }
0x2f: {  	lr =	sadd.s32 s0, s3;
	s0 =	sld [smem:$0x3F90]  }
0x30: {  	s3 =	sld [smem:$0x3F93]  }
0x31: {  	[smem:$0x3F9C] =	sst s10  }
0x32: {  	s10 =	sld [smem:$0x3F9A];
	_ =	sdelay $0x3  }
0x33: {  	p0 =	seq.s32 s10, $0x1;
	s10 =	sld [smem:$0x3F9C];
	_ =	sdelay $0x3  }
0x34: {  	[smem:$0x3F9C] =	sst s10  }
0x35: {  	s10 =	sld [smem:$0x3F9B];
	_ =	sdelay $0x3  }
0x36: {  	p1 =	seq.s32 s10, $0x1;
	s10 =	sld [smem:$0x3F9C];
	_ =	sdelay $0x3  }
0x37: {  	[smem:$0x3F9C] =	sst s10  }
0x38: {  	s10 =	sld [smem:$0x3F9D]  }
0x39: {  	_ = 	snop;
	(pc) =	sbr.ind lr, $3  }
0x3a: {  	_ = 	snop  }
0x3b: {  	_ = 	snop  }
0x3c: {  	p2 =	seq.s32 s10, $0x1;
	s10 =	sld [smem:$0x3F9C]  }
0x3d: {  	_ =	shalt  }
0x3e: {  	_ =	shalt  }
0x3f: {  	_ =	shalt  }
0x40: {  	_ =	shalt  }
0x41: {  	_ =	shalt  }
0x42: {  	_ =	shalt  }
0x43: {  	_ =	shalt  }
0x44: {  	_ =	shalt  }
0x45: {  	_ =	shalt  }
0x46: {  	_ =	shalt  }
0x47: {  	_ =	shalt  }
0x48: {  	_ =	shalt  }
0x49: {  	_ =	shalt  }
0x4a: {  	_ =	shalt  }
0x4b: {  	_ =	shalt  }
0x4c: {  	_ =	shalt  }
0x4d: {  	_ =	shalt  }
0x4e: {  	_ =	shalt  }
0x4f: {  	_ =	shalt  }
0x50: {  	_ =	shalt  }
0x51: {  	_ =	shalt  }
0x52: {  	_ =	shalt  }
0x53: {  	_ =	shalt  }
0x54: {  	_ =	shalt  }
0x55: {  	_ =	shalt  }
0x56: {  	_ =	shalt  }
0x57: {  	_ =	shalt  }
0x58: {  	_ =	shalt  }
0x59: {  	_ =	shalt  }
0x5a: {  	_ =	shalt  }
0x5b: {  	_ =	shalt  }
0x5c: {  	_ =	shalt  }
0x5d: {  	_ =	shalt  }
0x5e: {  	_ =	shalt  }
0x5f: {  	_ =	shalt  }
0x60: {  	_ =	shalt  }
0x61: {  	_ =	shalt  }
0x62: {  	_ =	shalt  }
0x63: {  	_ =	shalt  }
0x64: {  	_ =	shalt  }
0x65: {  	_ =	shalt  }
0x66: {  	_ =	shalt  }
0x67: {  	_ =	shalt  }
0x68: {  	_ =	shalt  }
0x69: {  	_ =	shalt  }
0x6a: {  	_ =	shalt  }
0x6b: {  	_ =	shalt  }
0x6c: {  	_ =	shalt  }
0x6d: {  	_ =	shalt  }
0x6e: {  	_ =	shalt  }
0x6f: {  	_ =	shalt  }
0x70: {  	_ =	shalt  }
0x71: {  	_ =	shalt  }
0x72: {  	_ =	shalt  }
0x73: {  	_ =	shalt  }
0x74: {  	_ =	shalt  }
0x75: {  	_ =	shalt  }
0x76: {  	_ =	shalt  }
0x77: {  	_ =	shalt  }
0x78: {  	_ =	shalt  }
0x79: {  	_ =	shalt  }
0x7a: {  	_ =	shalt  }
0x7b: {  	_ =	shalt  }
0x7c: {  	_ =	shalt  }
0x7d: {  	_ =	shalt  }
0x7e: {  	_ =	shalt  }
0x7f: {  	_ =	shalt  }
0x80: {  	_ =	shalt  }
0x81: {  	_ =	shalt  }
0x82: {  	_ =	shalt  }
0x83: {  	_ =	shalt  }
0x84: {  	_ =	shalt  }
0x85: {  	_ =	shalt  }
0x86: {  	_ =	shalt  }
0x87: {  	_ =	shalt  }
.Lfunc_end0:
.L_simem_size_0:
called_computation.6_lowered:
.L_overlay_start_0:
0x88: {  	s2 =	sld [smem:$0x3FD9]  }
0x89: {  	s3 =	sld [smem:$0x3FFE];
	_ =	sdelay $0x1  }
0x8a: {  	s1 =	srdreg.scid  }
0x8b: {  	s0 =	sand.u32 $0x1, s1  }
0x8c: {  	s17 =	sshll.u32 s0, $0xA;
	s2 =	sadd.s32 s3, s2  }
0x8d: {  	s2 =	sadd.s32 s2, s17  }
0x8e: {  	[smem:$0x3FA8] =	sst s2  }
0x8f: {  	_ = 	snop  }
0x90: {  	s2 =	sld [smem:$0x3FAB]  }
0x91: {  	s18 =	sld [smem:$0x3FAA];
	(tm) =	ssettm $0x1  }
0x92: {  	s4 =	sld [smem:$0x3FFB];
	_ =	sdelay $0x3  }
0x93: {  	_ =	strace s4  }
0x94: {  	s4 =	sld [smem:$0x3FFC];
	_ =	sdelay $0x3  }
0x95: {  	_ =	strace s4  }
0x96: {  	s4 =	sld [smem:$0x3FFD];
	_ =	sdelay $0x3  }
0x97: {  	_ =	strace s4  }
0x98: {  	_ =	strace $0x8FFFFFFF  }
0x99: {  	s19 =	sld [smem:$0x3FDB];
	_ =	sdelay $0x1  }
0x9a: {  	s5 =	simm.s32 $_scs_section_size  }
0x9b: {  	s6 =	simm.s32 $_size__tile_overlayer_lowered;
	s7 =	simm.s32 $_tile_overlayer_lowered  }
0x9c: {  	s22 =	simm.s32 $0x1BFF;
	s21 =	sshll.u32 s7, $0x1;
	s4 =	sadd.s32 s5, s19  }
0x9d: {  	s8 =	simm.s32 $0x0;
	s20 =	sshll.u32 s6, $0x1;
	s6 =	sadd.s32 s21, s4  }
0x9e: {  	[timem:s8], [sflag:s22] =	dma.local [hbm:s6], s20  }
0x9f: {  	_ =	swait.ge [sflag:s22], s20  }
0xa0: {  	s5 =	ssub.s32 $0x0, s20;
	[sflag:s22] =	ssyncset.done $0x0  }
0xa1: {  	[sflag:s22] =	ssyncadd.s32 s5;
	_ =	sdelay $0x1  }
0xa2: {  	s23 =	simm.s32 $0x1B8B  }
0xa3: {  	_ =	swait.ge [sflag:s23], $0x1  }
0xa4: {  	[sflag:s23] =	ssyncset.done $0x0  }
0xa5: {  	s25 =	simm.s32 $0x1B8E;
	s24 =	sld [smem:$0x3FFE];
	[sflag:s23] =	ssyncadd.s32 $0xFFFFFFFF  }
0xa6: {  	s26 =	simm.s32 $execute0_lowered;
	[smem:$0x3FD2] =	sst s25  }
0xa7: {  	s6 =	sshll.u32 s26, $0x1;
	_ =	strace $0x80000058;
	[dreg:$0x1] =	wrdreg $0xFFFFFFFF  }
0xa8: {  	s28 =	simm.s32 $_size_execute0_lowered;
	s4 =	sadd.s32 s4, s6;
	[dreg:$0x0] =	wrdreg $0x0  }
0xa9: {  	s6 =	sshll.u32 s28, $0x1;
	[dreg:$0x2] =	wrdreg s4  }
0xaa: {  	[dreg:$0x3] =	wrdreg s6  }
0xab: {  	[dreg:$0x4] =	wrdreg $0xC0  }
0xac: {  	_ =	task [dreg:s8], $0x5FFFF  }
0xad: {  	[dreg:$0x1] =	wrdreg $0xFFFFFFFF  }
0xae: {  	[dreg:$0x0] =	wrdreg $0x60  }
0xaf: {  	[dreg:$0x2] =	wrdreg s24  }
0xb0: {  	[dreg:$0x3] =	wrdreg s18  }
0xb1: {  	[dreg:$0x4] =	wrdreg s2  }
0xb2: {  	[dreg:$0x5] =	wrdreg $0x9  }
0xb3: {  	_ =	task.clear_ibuf [dreg:s8], $0x6FFFF;
	_ =	strace $0x90000058  }
0xb4: {  	s29 =	simm.s32 $0x9;
	_ =	strace $0x8000005A  }
0xb5: {  	_ =	swait.ge [sflag:s29], $0x1  }
0xb6: {  	[sflag:s29] =	ssyncadd.s32 $0xFFFFFFFF  }
0xb7: {  	_ =	strace $0x9000005A  }
0xb8: {  	_ =	sfence  }
0xb9: {  	s30 =	sld [smem:$0x0];
	_ =	sdelay $0x2  }
0xba: {  	s31 =	sshll.u32 s1, $0xD;
	s1 =	sshrl.u32 s1, $0x2  }
0xbb: {  	s3 =	sand.u32 $0x4000, s31;
	s1 =	sadd.s32 s1, s30  }
0xbc: {  	s0 =	sor.u32 s3, s0;
	s1 =	sshll.u32 s1, $0x11  }
0xbd: {  	s0 =	sor.u32 s1, s0  }
0xbe: {  	s0 =	sadd.s32 $0x8F2B, s0  }
0xbf: {  	[sflag:s0] =	ssyncadd.remote.s32 $0x1  }
0xc0: {  	_ =	sfence.sel $0xFFFF  }
0xc1: {  	[dreg:$0x0] =	wrdreg $0xFFFFFFFF;
	(pc) =	sbr.abs _section_cstart, $3  }
0xc2: {  	[dreg:$0x1] =	wrdreg $0xFFFFFFFF  }
0xc3: {  	_ =	task.clear_ibuf [dreg:s8], $0x2FFFF;
	_ =	strace $0x9FFFFFFF  }
0xc4: {  	(tm) =	ssettm $0x7FFFFFFF  }
0xc5: {  	_ =	shalt  }
tec
execute0_lowered:
.L_overlay_start_1:
0x0: {  	(tag) =	ssettag $0x1  }
0x1: {  	s7 =	rddreg [dreg:$0x0]  }
0x2: {  	s12 =	rddreg [dreg:$0x1]  }
0x3: {  	s11 =	rddreg [dreg:$0x2]  }
0x4: {  	s0 =	rddreg [dreg:$0x3];
	s3 =	srdreg.scid  }
0x5: {  	s1 =	stileid.u32;
	s2 =	simm.s32 $0x0;
	s14 =	simm.s32 $0x100  }
0x6: {  	s15 =	simm.s32 $0xC8;
	s16 =	simm.s32 $0x200;
	s17 =	simm.s32 $0x6600  }
0x7: {  	s18 =	simm.s32 $0x1;
	s19 =	simm.s32 $0x2;
	s29 =	smul.u32 $0x27100, s1  }
0x8: {  	s20 =	simm.s32 $0x0;
	s4 =	sand.u32 $0x1, s3;
	s8 =	smul.u32 $0x2710, s1  }
0x9: {  	[smem:$0x7FF] =	sst s2;
	s5 =	smul.u32 $0x13880, s4;
	s6 =	ssub.s32 $0x2, s4  }
0xa: {  	_ =	strace $0x80000059;
	s9 =	smul.u32 $0x1388, s4;
	s30 =	sshrl.u32 s6, $0x1  }
0xb: {  	s4 =	sadd.s32 $0x589E00, s7;
	s3 =	sadd.s32 s5, s29;
	s13 =	ssub.s32 s6, s30  }
0xc: {  	s5 =	sadd.s32 $0x5B0F00, s7;
	s6 =	sadd.s32 $0x2A3A00, s7;
	s9 =	sadd.s32 s9, s8  }
0xd: {  	s10 =	sadd.s32 s3, s7;
	s7 =	sadd.s32 $0xCB6C00, s7;
	s8 =	smax.u32 s13, $0x1  }
0xe: {  	s31 =	sshrl.u32 s9, $0x3;
	s13 =	simm.s32 $0x3;
	s9 =	sadd.s32 $0x32A00, s10  }
0xf: {  	s10 =	sadd.s32 $0xA45C00, s10;
	s11 =	sadd.s32 s31, s11;
	s12 =	sadd.s32 s31, s12  }
.LBB2_1:
0x10: {  	s21 =	sadd.s32 $0x0, s12  }
0x11: {  	[tilespmem:s2], [sflag:$0x3] =	stream.linear.gather [hbm4b:s21+s2], $0xC8, $0x38;
	[tilespmem:$0xCA00] =	vst v63  }
0x12: {  	_ =	swait.ge [sflag:s13], $0xC8  }
0x13: {  	[sflag:s13] =	ssyncset.done $0x0  }
0x14: {  	s31 =	sadd.s32 $0x0, s11;
	[sflag:s13] =	ssyncadd.s32 $0xFFFFFF38  }
0x15: {  	[tilespmem:s14], [sflag:$0x3] =	stream.linear.gather [hbm4b:s31+s2], $0xC8, $0x38;
	[tilespmem:$0xCA00] =	vst v63  }
0x16: {  	_ =	swait.ge [sflag:s13], $0xC8  }
0x17: {  	[sflag:s13] =	ssyncset.done $0x0  }
0x18: {  	[sflag:s13] =	ssyncadd.s32 $0xFFFFFF38  }
0x19: {  	[tilespmem:s16], [sflag:$0x1] =	stream.indirect.gather [hbm4b:s4+s15], $0x80, s2, s15, $0xb8;
	[tilespmem:$0xCA00] =	vst v63  }
0x1a: {  	_ = 	snop  }
0x1b: {  	[tilespmem:s17], [sflag:$0x2] =	stream.indirect.gather [hbm4b:s4+s15], $0x80, s14, s15, $0xb8;
	[tilespmem:$0xCA00] =	vst v63  }
0x1c: {  	_ =	swait.ge [sflag:s18], $0x6400  }
0x1d: {  	[sflag:s18] =	ssyncset.done $0x0  }
0x1e: {  	[sflag:s18] =	ssyncadd.s32 $0xFFFF9C00  }
0x1f: {  	_ =	swait.ge [sflag:s19], $0x6400  }
0x20: {  	[sflag:s19] =	ssyncset.done $0x0  }
0x21: {  	[sflag:s19] =	ssyncadd.s32 $0xFFFF9C00  }
0x22: {  	[hbm4b:s9+s2] =	stream.linear.scatter [tilespmem:s16], [sflag:$0x3], $0x6400, $0x38;
	[tilespmem:$0xCA00] =	vst v63  }
0x23: {  	_ =	swait.ge [sflag:s13], $0x6400  }
0x24: {  	[sflag:s13] =	ssyncset.done $0x0  }
0x25: {  	s24 =	simm.s32 $0x19;
	[sflag:s13] =	ssyncadd.s32 $0xFFFF9C00  }
0x26: {  	[hbm4b:s10+s2] =	stream.linear.scatter [tilespmem:s17], [sflag:$0x3], $0x6400, $0x38;
	[tilespmem:$0xCA00] =	vst v63  }
0x27: {  	s26 =	sadd.s32 $0x19, s12;
	s25 =	simm.s32 $0x32;
	_ =	swait.ge [sflag:s13], $0x6400  }
0x28: {  	s23 =	sadd.s32 $0xC80, s9;
	s22 =	sadd.s32 $0xC80, s10;
	[sflag:s13] =	ssyncset.done $0x0  }
.LBB2_2:
0x29: {  	s28 =	sadd.s32 s25, s12  }
0x2a: {  	s21 =	simm.s32 $0x0;
	[sflag:s13] =	ssyncadd.s32 $0xFFFF9C00;
	s29 =	smov.u32 s25  }
0x2b: {  	[tilespmem:s21], [sflag:$0x3] =	stream.linear.gather [hbm4b:s26+s21], $0xC8, $0x38;
	[tilespmem:$0xCA00] =	vst v63  }
0x2c: {  	p0 =	sne.s32 s25, $0x258;
	s25 =	sadd.s32 $0x19, s25;
	_ =	swait.ge [sflag:s13], $0xC8  }
0x2d: {  	s26 =	smov.u32 s28;
	[sflag:s13] =	ssyncset.done $0x0  }
0x2e: {  	s28 =	sadd.s32 s24, s11;
	s24 =	smov.u32 s29;
	[sflag:s13] =	ssyncadd.s32 $0xFFFFFF38  }
0x2f: {  	[tilespmem:s14], [sflag:$0x3] =	stream.linear.gather [hbm4b:s28+s21], $0xC8, $0x38;
	[tilespmem:$0xCA00] =	vst v63  }
0x30: {  	_ =	swait.ge [sflag:s13], $0xC8  }
0x31: {  	[sflag:s13] =	ssyncset.done $0x0  }
0x32: {  	[sflag:s13] =	ssyncadd.s32 $0xFFFFFF38  }
0x33: {  	[tilespmem:s16], [sflag:$0x1] =	stream.indirect.gather [hbm4b:s4+s15], $0x80, s21, s15, $0xb8;
	[tilespmem:$0xCA00] =	vst v63  }
0x34: {  	_ = 	snop  }
0x35: {  	[tilespmem:s17], [sflag:$0x2] =	stream.indirect.gather [hbm4b:s4+s15], $0x80, s14, s15, $0xb8;
	[tilespmem:$0xCA00] =	vst v63  }
0x36: {  	_ =	swait.ge [sflag:s18], $0x6400  }
0x37: {  	[sflag:s18] =	ssyncset.done $0x0  }
0x38: {  	[sflag:s18] =	ssyncadd.s32 $0xFFFF9C00  }
0x39: {  	_ =	swait.ge [sflag:s19], $0x6400  }
0x3a: {  	[sflag:s19] =	ssyncset.done $0x0  }
0x3b: {  	[sflag:s19] =	ssyncadd.s32 $0xFFFF9C00  }
0x3c: {  	[hbm4b:s23+s21] =	stream.linear.scatter [tilespmem:s16], [sflag:$0x3], $0x6400, $0x38;
	[tilespmem:$0xCA00] =	vst v63  }
0x3d: {  	_ =	swait.ge [sflag:s13], $0x6400  }
.Ltmp0:
0x3e: {  	[sflag:s13] =	ssyncset.done $0x0;
	(pc) =	sbr.rel @p0 .LBB2_2-.Ltmp0, $4  }
0x3f: {  	[sflag:s13] =	ssyncadd.s32 $0xFFFF9C00  }
0x40: {  	[hbm4b:s22+s21] =	stream.linear.scatter [tilespmem:s17], [sflag:$0x3], $0x6400, $0x38;
	[tilespmem:$0xCA00] =	vst v63  }
0x41: {  	_ =	swait.ge [sflag:s13], $0x6400  }
0x42: {  	s23 =	sadd.s32 $0xC80, s23;
	s22 =	sadd.s32 $0xC80, s22;
	[sflag:s13] =	ssyncset.done $0x0  }
0x43: {  	[sflag:s13] =	ssyncadd.s32 $0xFFFF9C00  }
0x44: {  	[tilespmem:s21], [sflag:$0x3] =	stream.linear.gather [hbm4b:s26+s21], $0xC8, $0x38;
	[tilespmem:$0xCA00] =	vst v63  }
0x45: {  	_ =	swait.ge [sflag:s13], $0xC8  }
0x46: {  	[sflag:s13] =	ssyncset.done $0x0  }
0x47: {  	s24 =	sadd.s32 s24, s11;
	[sflag:s13] =	ssyncadd.s32 $0xFFFFFF38  }
0x48: {  	[tilespmem:s14], [sflag:$0x3] =	stream.linear.gather [hbm4b:s24+s21], $0xC8, $0x38;
	[tilespmem:$0xCA00] =	vst v63  }
0x49: {  	_ =	swait.ge [sflag:s13], $0xC8  }
0x4a: {  	[sflag:s13] =	ssyncset.done $0x0  }
0x4b: {  	[sflag:s13] =	ssyncadd.s32 $0xFFFFFF38  }
0x4c: {  	[tilespmem:s16], [sflag:$0x1] =	stream.indirect.gather [hbm4b:s4+s15], $0x80, s21, s15, $0xb8;
	[tilespmem:$0xCA00] =	vst v63  }
0x4d: {  	_ = 	snop  }
0x4e: {  	[tilespmem:s17], [sflag:$0x2] =	stream.indirect.gather [hbm4b:s4+s15], $0x80, s14, s15, $0xb8;
	[tilespmem:$0xCA00] =	vst v63  }
0x4f: {  	_ =	swait.ge [sflag:s18], $0x6400  }
0x50: {  	[sflag:s18] =	ssyncset.done $0x0  }
0x51: {  	[sflag:s18] =	ssyncadd.s32 $0xFFFF9C00  }
0x52: {  	_ =	swait.ge [sflag:s19], $0x6400  }
0x53: {  	[sflag:s19] =	ssyncset.done $0x0  }
0x54: {  	[sflag:s19] =	ssyncadd.s32 $0xFFFF9C00  }
0x55: {  	[hbm4b:s23+s21] =	stream.linear.scatter [tilespmem:s16], [sflag:$0x3], $0x6400, $0x38;
	[tilespmem:$0xCA00] =	vst v63  }
0x56: {  	_ =	swait.ge [sflag:s13], $0x6400  }
0x57: {  	p1 =	por $0x1, $0x1;
	[sflag:s13] =	ssyncset.done $0x0  }
.Ltmp1:
0x58: {  	[sflag:s13] =	ssyncadd.s32 $0xFFFF9C00;
	(pc) =	sbr.rel @!p1 .LBB2_8-.Ltmp1, $4  }
0x59: {  	[hbm4b:s22+s21] =	stream.linear.scatter [tilespmem:s17], [sflag:$0x3], $0x6400, $0x38;
	[tilespmem:$0xCA00] =	vst v63  }
0x5a: {  	_ =	swait.ge [sflag:s13], $0x6400  }
0x5b: {  	p0 =	por $0x0, $0x0;
	[sflag:s13] =	ssyncset.done $0x0  }
0x5c: {  	s23 =	smov.u32 s3;
	s22 =	simm.s32 $0x19;
	[sflag:s13] =	ssyncadd.s32 $0xFFFF9C00  }
0x5d: {  	s21 =	sadd.s32 $0x0, s12  }
0x5e: {  	[tilespmem:s2], [sflag:$0x3] =	stream.linear.gather [hbm4b:s21+s2], $0xC8, $0x38;
	[tilespmem:$0xCA00] =	vst v63  }
0x5f: {  	_ =	swait.ge [sflag:s13], $0xC8  }
0x60: {  	[sflag:s13] =	ssyncset.done $0x0  }
0x61: {  	s29 =	sadd.s32 $0x0, s11;
	[sflag:s13] =	ssyncadd.s32 $0xFFFFFF38  }
0x62: {  	[tilespmem:s14], [sflag:$0x3] =	stream.linear.gather [hbm4b:s29+s2], $0xC8, $0x38;
	[tilespmem:$0xCA00] =	vst v63  }
0x63: {  	_ =	swait.ge [sflag:s13], $0xC8  }
0x64: {  	[sflag:s13] =	ssyncset.done $0x0  }
0x65: {  	[sflag:s13] =	ssyncadd.s32 $0xFFFFFF38  }
0x66: {  	[tilespmem:s16], [sflag:$0x1] =	stream.indirect.gather [hbm4b:s5+s15], $0x80, s2, s15, $0xb8;
	[tilespmem:$0xCA00] =	vst v63  }
0x67: {  	_ = 	snop  }
0x68: {  	[tilespmem:s17], [sflag:$0x2] =	stream.indirect.gather [hbm4b:s5+s15], $0x80, s14, s15, $0xb8;
	[tilespmem:$0xCA00] =	vst v63  }
0x69: {  	_ =	swait.ge [sflag:s18], $0x6400  }
0x6a: {  	[sflag:s18] =	ssyncset.done $0x0  }
0x6b: {  	[sflag:s18] =	ssyncadd.s32 $0xFFFF9C00  }
0x6c: {  	_ =	swait.ge [sflag:s19], $0x6400  }
0x6d: {  	[sflag:s19] =	ssyncset.done $0x0  }
0x6e: {  	s30 =	sadd.s32 s3, s6;
	[sflag:s19] =	ssyncadd.s32 $0xFFFF9C00  }
0x6f: {  	[hbm4b:s30+s2] =	stream.linear.scatter [tilespmem:s16], [sflag:$0x3], $0x6400, $0x38;
	[tilespmem:$0xCA00] =	vst v63  }
0x70: {  	p1 =	por $0x1, $0x1;
	_ =	swait.ge [sflag:s13], $0x6400  }
.Ltmp2:
0x71: {  	[sflag:s13] =	ssyncset.done $0x0;
	(pc) =	sbr.rel @!p1 .LBB2_5-.Ltmp2, $4  }
0x72: {  	s31 =	sadd.s32 s3, s7;
	[sflag:s13] =	ssyncadd.s32 $0xFFFF9C00  }
0x73: {  	[hbm4b:s31+s2] =	stream.linear.scatter [tilespmem:s17], [sflag:$0x3], $0x6400, $0x38;
	[tilespmem:$0xCA00] =	vst v63  }
0x74: {  	s23 =	sadd.s32 $0xC80, s3;
	_ =	swait.ge [sflag:s13], $0x6400  }
0x75: {  	p0 =	por $0x1, $0x1;
	s21 =	simm.s32 $0x32;
	[sflag:s13] =	ssyncset.done $0x0  }
.LBB2_6:
0x76: {  	s24 =	sadd.s32 s22, s12  }
0x77: {  	[sflag:s13] =	ssyncadd.s32 $0xFFFF9C00;
	s25 =	smov.u32 s21;
	s26 =	sadd.s32 $0x19, s21  }
0x78: {  	[tilespmem:s2], [sflag:$0x3] =	stream.linear.gather [hbm4b:s24+s2], $0xC8, $0x38;
	[tilespmem:$0xCA00] =	vst v63  }
0x79: {  	p1 =	sne.s32 s21, $0x258;
	_ =	swait.ge [sflag:s13], $0xC8  }
0x7a: {  	[sflag:s13] =	ssyncset.done $0x0  }
0x7b: {  	s21 =	sadd.s32 s22, s11;
	s22 =	smov.u32 s25;
	[sflag:s13] =	ssyncadd.s32 $0xFFFFFF38  }
0x7c: {  	[tilespmem:s14], [sflag:$0x3] =	stream.linear.gather [hbm4b:s21+s2], $0xC8, $0x38;
	[tilespmem:$0xCA00] =	vst v63  }
0x7d: {  	_ =	swait.ge [sflag:s13], $0xC8  }
0x7e: {  	[sflag:s13] =	ssyncset.done $0x0  }
0x7f: {  	[sflag:s13] =	ssyncadd.s32 $0xFFFFFF38  }
0x80: {  	[tilespmem:s16], [sflag:$0x1] =	stream.indirect.gather [hbm4b:s5+s15], $0x80, s2, s15, $0xb8;
	[tilespmem:$0xCA00] =	vst v63  }
0x81: {  	_ = 	snop  }
0x82: {  	[tilespmem:s17], [sflag:$0x2] =	stream.indirect.gather [hbm4b:s5+s15], $0x80, s14, s15, $0xb8;
	[tilespmem:$0xCA00] =	vst v63  }
0x83: {  	_ =	swait.ge [sflag:s18], $0x6400  }
0x84: {  	[sflag:s18] =	ssyncset.done $0x0  }
0x85: {  	[sflag:s18] =	ssyncadd.s32 $0xFFFF9C00  }
0x86: {  	_ =	swait.ge [sflag:s19], $0x6400  }
0x87: {  	[sflag:s19] =	ssyncset.done $0x0  }
0x88: {  	s21 =	sadd.s32 s23, s6;
	[sflag:s19] =	ssyncadd.s32 $0xFFFF9C00  }
0x89: {  	[hbm4b:s21+s2] =	stream.linear.scatter [tilespmem:s16], [sflag:$0x3], $0x6400, $0x38;
	[tilespmem:$0xCA00] =	vst v63  }
0x8a: {  	_ =	swait.ge [sflag:s13], $0x6400  }
.Ltmp3:
0x8b: {  	[sflag:s13] =	ssyncset.done $0x0;
	(pc) =	sbr.rel @p1 .LBB2_6-.Ltmp3, $4  }
0x8c: {  	s21 =	sadd.s32 s23, s7;
	[sflag:s13] =	ssyncadd.s32 $0xFFFF9C00  }
0x8d: {  	[hbm4b:s21+s2] =	stream.linear.scatter [tilespmem:s17], [sflag:$0x3], $0x6400, $0x38;
	[tilespmem:$0xCA00] =	vst v63  }
0x8e: {  	_ =	swait.ge [sflag:s13], $0x6400  }
0x8f: {  	s23 =	sadd.s32 $0xC80, s23;
	s21 =	smov.u32 s26;
	[sflag:s13] =	ssyncset.done $0x0  }
0x90: {  	s21 =	smov.u32 s22  }
.LBB2_8:
0x91: {  	s22 =	sadd.s32 s21, s12;
	[sflag:s13] =	ssyncadd.s32 @p0 $0xFFFF9C00  }
0x92: {  	[tilespmem:s2], [sflag:$0x3] =	stream.linear.gather [hbm4b:s22+s2], $0xC8, $0x38;
	[tilespmem:$0xCA00] =	vst v63  }
0x93: {  	_ =	swait.ge [sflag:s13], $0xC8  }
0x94: {  	[sflag:s13] =	ssyncset.done $0x0  }
0x95: {  	s29 =	sadd.s32 s21, s11;
	[sflag:s13] =	ssyncadd.s32 $0xFFFFFF38  }
0x96: {  	[tilespmem:s14], [sflag:$0x3] =	stream.linear.gather [hbm4b:s29+s2], $0xC8, $0x38;
	[tilespmem:$0xCA00] =	vst v63  }
0x97: {  	_ =	swait.ge [sflag:s13], $0xC8  }
0x98: {  	[sflag:s13] =	ssyncset.done $0x0  }
0x99: {  	[sflag:s13] =	ssyncadd.s32 $0xFFFFFF38  }
0x9a: {  	[tilespmem:s16], [sflag:$0x1] =	stream.indirect.gather [hbm4b:s5+s15], $0x80, s2, s15, $0xb8;
	[tilespmem:$0xCA00] =	vst v63  }
0x9b: {  	_ = 	snop  }
0x9c: {  	[tilespmem:s17], [sflag:$0x2] =	stream.indirect.gather [hbm4b:s5+s15], $0x80, s14, s15, $0xb8;
	[tilespmem:$0xCA00] =	vst v63  }
0x9d: {  	_ =	swait.ge [sflag:s18], $0x6400  }
0x9e: {  	[sflag:s18] =	ssyncset.done $0x0  }
0x9f: {  	[sflag:s18] =	ssyncadd.s32 $0xFFFF9C00  }
0xa0: {  	_ =	swait.ge [sflag:s19], $0x6400  }
0xa1: {  	[sflag:s19] =	ssyncset.done $0x0  }
0xa2: {  	s30 =	sadd.s32 s23, s6;
	[sflag:s19] =	ssyncadd.s32 $0xFFFF9C00  }
0xa3: {  	[hbm4b:s30+s2] =	stream.linear.scatter [tilespmem:s16], [sflag:$0x3], $0x6400, $0x38;
	[tilespmem:$0xCA00] =	vst v63  }
0xa4: {  	_ =	swait.ge [sflag:s13], $0x6400  }
0xa5: {  	s20 =	sadd.s32 $0x1, s20;
	[sflag:s13] =	ssyncset.done $0x0  }
0xa6: {  	s31 =	sadd.s32 s23, s7;
	p0 =	sne.s32 s20, s8;
	[sflag:s13] =	ssyncadd.s32 $0xFFFF9C00  }
0xa7: {  	[hbm4b:s31+s2] =	stream.linear.scatter [tilespmem:s17], [sflag:$0x3], $0x6400, $0x38;
	[tilespmem:$0xCA00] =	vst v63  }
.Ltmp4:
0xa8: {  	_ = 	snop;
	(pc) =	sbr.rel @p0 .LBB2_1-.Ltmp4, $4  }
.Ltmp5:
0xa9: {  	_ = 	snop;
	(pc) =	sbr.rel @!p0 .LBB2_9-.Ltmp5, $4  }
0xaa: {  	_ =	swait.ge [sflag:s13], $0x6400  }
0xab: {  	[sflag:s13] =	ssyncset.done $0x0  }
0xac: {  	[sflag:s13] =	ssyncadd.s32 $0xFFFF9C00  }
0xad: {  	_ = 	snop  }
.LBB2_5:
.Ltmp6:
0xae: {  	(pc) =	sbr.rel .LBB2_8-.Ltmp6, $2  }
0xaf: {  	_ =	sdelay $0x2  }
0xb0: {  	s21 =	simm.s32 $0x19  }
.LBB2_9:
0xb1: {  	_ =	sfence.sel $0x180000  }
0xb2: {  	[bflag:$0x0] =	sbarrier.arrive $0xFFFF  }
0xb3: {  	p0 =	sne.s32 s1, $0x0;
	_ =	strace $0x90000059  }
0xb4: {  	s0 =	sadd.s32 @!p0 $0x100000, s0;
	[bflag:$0x2] =	sbarrier.arrive $0xFFFF  }
0xb5: {  	[sflag:s0] =	ssyncadd.tile.s32 @!p0 $0x1;
	_ =	shalt  }
.Lfunc_end2:
_tile_overlayer_lowered:
.L_overlay_start_2:
0xb6: {  	(tag) =	ssettag $0x2  }
0xb7: {  	s0 =	rddreg [dreg:$0x0];
	s2 =	stileid.u32  }
0xb8: {  	s1 =	rddreg [dreg:$0x1];
	p0 =	sne.s32 s2, $0x0  }
0xb9: {  	s3 =	rddreg [dreg:$0x2];
	[bflag:$0x3] =	sbarrier.arrive $0xFFFF;
	s2 =	simm.s32 @!p0 $0x1C03  }
0xba: {  	[timem:s3], [sflag:s2] =	dma.local @!p0 [hbm:s0], s1  }
0xbb: {  	s0 =	simm.s32 @!p0 $0x3  }
0xbc: {  	_ =	swait.ge @!p0 [sflag:s0], s1  }
0xbd: {  	s1 =	ssub.s32 @!p0 $0x0, s1;
	[sflag:s0] =	ssyncset.done @!p0 $0x0  }
0xbe: {  	[sflag:s0] =	ssyncadd.s32 @!p0 s1  }
0xbf: {  	[bflag:$0x3] =	sbarrier.arrive $0xFFFF  }
0xc0: {  	_ =	shalt  }

// kernel: kernel.40.cloned.1.call-start
scs
__scs_entry_jumppad:
0x0: {  	(pc) =	sbr.rel $0x88, $3  }
0x1: {  	(tag) =	ssettag $0x0;
	lr =	simm.s32 $0x1  }
0x2: {  	[smem:$0x3F81] =	sst lr;
	_ =	strace $0xD0000000  }
0x3: {  	_ = 	snop  }
0x4: {  	_ = 	snop  }
0x5: {  	_ = 	snop  }
0x6: {  	_ = 	snop  }
0x7: {  	_ = 	snop  }
__scs_overlays_trampoline_lowered:
0x8: {  	[smem:$0x3F90] =	sst s0  }
0x9: {  	[smem:$0x3F91] =	sst s1  }
0xa: {  	[smem:$0x3F92] =	sst s2  }
0xb: {  	[smem:$0x3F93] =	sst s3  }
0xc: {  	[smem:$0x3F94] =	sst s4  }
0xd: {  	[smem:$0x3F95] =	sst s5  }
0xe: {  	[smem:$0x3F96] =	sst s6  }
0xf: {  	[smem:$0x3F97] =	sst s7  }
0x10: {  	[smem:$0x3F98] =	sst s8  }
0x11: {  	[smem:$0x3F99] =	sst s9;
	s0 =	simm.s32 @!p0 $0x0  }
0x12: {  	s1 =	sld [smem:$0x3F7F];
	s0 =	simm.s32 @p0 $0x1  }
0x13: {  	[smem:$0x3F9A] =	sst s0;
	s0 =	simm.s32 @!p1 $0x0  }
0x14: {  	s2 =	sld [smem:$0x3F7E];
	s0 =	simm.s32 @p1 $0x1  }
0x15: {  	[smem:$0x3F9B] =	sst s0;
	s0 =	simm.s32 @!p2 $0x0  }
0x16: {  	s3 =	sld [smem:$0x3FDB];
	s0 =	simm.s32 @p2 $0x1  }
0x17: {  	s4 =	simm.s32 $0x1BF5;
	[smem:$0x3F9D] =	sst s0  }
0x18: {  	s0 =	sld [smem:$0x3F80];
	_ =	swait.ge [sflag:s4], $0x0  }
0x19: {  	s7 =	sld [smem:$0x3F81]  }
0x1a: {  	s8 =	sadd.s32 $0xFFFFE003, lr  }
0x1b: {  	s9 =	sadd.s32 $0xFFFFFEF7, lr;
	s5 =	simm.s32 $0xFFFFFFFF;
	p2 =	slt.u32 s8, $0xFFFFF086  }
0x1c: {  	p1 =	slt.u32 s9, $0xF7A;
	s5 =	simm.s32 @!p2 $0x0  }
0x1d: {  	s5 =	simm.s32 @p1 $0x1;
	p0 =	seq.s32 s7, s2  }
0x1e: {  	s7 =	smul.u32 @!p0 $0xF7A, s2;
	p2 =	seq.s32 @!p0 s5, $0x0  }
0x1f: {  	s9 =	smul.u32 $0xF7A, s1;
	s8 =	simm.s32 @!p0 $0x1BF5;
	p2 =	por !p2, p0  }
0x20: {  	[sflag:s8] =	ssyncset.s32 @!p0 $0xFFFFF086;
	s6 =	sadd.s32 @!p0 s3, s7;
	s7 =	simm.s32 @!p0 $0x108  }
0x21: {  	s3 =	sadd.s32 s3, s9;
	s6 =	sadd.s32 @!p0 $0x88, s6;
	s7 =	simm.s32 @p2 $0x1082  }
0x22: {  	[simem:s7], [sflag:s8] =	dma.local @!p0 [hbm:s6], $0xF7A  }
0x23: {  	s9 =	sor.u32 $0xD0000000, s2;
	s6 =	simm.s32 $0x108;
	_ =	swait.ge @!p0 [sflag:s8], $0x0  }
0x24: {  	s3 =	sadd.s32 $0x88, s3;
	s6 =	simm.s32 @!p1 $0x1082;
	[sflag:s4] =	ssyncset.s32 $0xFFFFF086  }
0x25: {  	[simem:s6], [sflag:s4] =	dma.local [hbm:s3], $0xF7A  }
0x26: {  	[smem:$0x3F81] =	sst s1;
	(tag) =	ssettag s2;
	_ =	strace s9  }
0x27: {  	s1 =	sld [smem:$0x3F91]  }
0x28: {  	s2 =	sld [smem:$0x3F92]  }
0x29: {  	s4 =	sld [smem:$0x3F94]  }
0x2a: {  	p0 =	seq.s32 s5, $0x0;
	s5 =	sld [smem:$0x3F95]  }
0x2b: {  	s6 =	sld [smem:$0x3F96]  }
0x2c: {  	s7 =	sld [smem:$0x3F97]  }
0x2d: {  	s3 =	simm.s32 $0x108;
	s8 =	sld [smem:$0x3F98]  }
0x2e: {  	s3 =	simm.s32 @!p0 $0x1082;
	s9 =	sld [smem:$0x3F99]  }
0x2f: {  	lr =	sadd.s32 s0, s3;
	s0 =	sld [smem:$0x3F90]  }
0x30: {  	s3 =	sld [smem:$0x3F93]  }
0x31: {  	[smem:$0x3F9C] =	sst s10  }
0x32: {  	s10 =	sld [smem:$0x3F9A];
	_ =	sdelay $0x3  }
0x33: {  	p0 =	seq.s32 s10, $0x1;
	s10 =	sld [smem:$0x3F9C];
	_ =	sdelay $0x3  }
0x34: {  	[smem:$0x3F9C] =	sst s10  }
0x35: {  	s10 =	sld [smem:$0x3F9B];
	_ =	sdelay $0x3  }
0x36: {  	p1 =	seq.s32 s10, $0x1;
	s10 =	sld [smem:$0x3F9C];
	_ =	sdelay $0x3  }
0x37: {  	[smem:$0x3F9C] =	sst s10  }
0x38: {  	s10 =	sld [smem:$0x3F9D]  }
0x39: {  	_ = 	snop;
	(pc) =	sbr.ind lr, $3  }
0x3a: {  	_ = 	snop  }
0x3b: {  	_ = 	snop  }
0x3c: {  	p2 =	seq.s32 s10, $0x1;
	s10 =	sld [smem:$0x3F9C]  }
0x3d: {  	_ =	shalt  }
0x3e: {  	_ =	shalt  }
0x3f: {  	_ =	shalt  }
0x40: {  	_ =	shalt  }
0x41: {  	_ =	shalt  }
0x42: {  	_ =	shalt  }
0x43: {  	_ =	shalt  }
0x44: {  	_ =	shalt  }
0x45: {  	_ =	shalt  }
0x46: {  	_ =	shalt  }
0x47: {  	_ =	shalt  }
0x48: {  	_ =	shalt  }
0x49: {  	_ =	shalt  }
0x4a: {  	_ =	shalt  }
0x4b: {  	_ =	shalt  }
0x4c: {  	_ =	shalt  }
0x4d: {  	_ =	shalt  }
0x4e: {  	_ =	shalt  }
0x4f: {  	_ =	shalt  }
0x50: {  	_ =	shalt  }
0x51: {  	_ =	shalt  }
0x52: {  	_ =	shalt  }
0x53: {  	_ =	shalt  }
0x54: {  	_ =	shalt  }
0x55: {  	_ =	shalt  }
0x56: {  	_ =	shalt  }
0x57: {  	_ =	shalt  }
0x58: {  	_ =	shalt  }
0x59: {  	_ =	shalt  }
0x5a: {  	_ =	shalt  }
0x5b: {  	_ =	shalt  }
0x5c: {  	_ =	shalt  }
0x5d: {  	_ =	shalt  }
0x5e: {  	_ =	shalt  }
0x5f: {  	_ =	shalt  }
0x60: {  	_ =	shalt  }
0x61: {  	_ =	shalt  }
0x62: {  	_ =	shalt  }
0x63: {  	_ =	shalt  }
0x64: {  	_ =	shalt  }
0x65: {  	_ =	shalt  }
0x66: {  	_ =	shalt  }
0x67: {  	_ =	shalt  }
0x68: {  	_ =	shalt  }
0x69: {  	_ =	shalt  }
0x6a: {  	_ =	shalt  }
0x6b: {  	_ =	shalt  }
0x6c: {  	_ =	shalt  }
0x6d: {  	_ =	shalt  }
0x6e: {  	_ =	shalt  }
0x6f: {  	_ =	shalt  }
0x70: {  	_ =	shalt  }
0x71: {  	_ =	shalt  }
0x72: {  	_ =	shalt  }
0x73: {  	_ =	shalt  }
0x74: {  	_ =	shalt  }
0x75: {  	_ =	shalt  }
0x76: {  	_ =	shalt  }
0x77: {  	_ =	shalt  }
0x78: {  	_ =	shalt  }
0x79: {  	_ =	shalt  }
0x7a: {  	_ =	shalt  }
0x7b: {  	_ =	shalt  }
0x7c: {  	_ =	shalt  }
0x7d: {  	_ =	shalt  }
0x7e: {  	_ =	shalt  }
0x7f: {  	_ =	shalt  }
0x80: {  	_ =	shalt  }
0x81: {  	_ =	shalt  }
0x82: {  	_ =	shalt  }
0x83: {  	_ =	shalt  }
0x84: {  	_ =	shalt  }
0x85: {  	_ =	shalt  }
0x86: {  	_ =	shalt  }
0x87: {  	_ =	shalt  }
.Lfunc_end0:
.L_simem_size_0:
called_computation.7_lowered:
.L_overlay_start_0:
0x88: {  	s2 =	sld [smem:$0x3FD9]  }
0x89: {  	s3 =	sld [smem:$0x3FFE];
	_ =	sdelay $0x1  }
0x8a: {  	s1 =	srdreg.scid  }
0x8b: {  	s0 =	sand.u32 $0x1, s1  }
0x8c: {  	s17 =	sshll.u32 s0, $0xA;
	s2 =	sadd.s32 s3, s2  }
0x8d: {  	s2 =	sadd.s32 s2, s17  }
0x8e: {  	[smem:$0x3FA8] =	sst s2  }
0x8f: {  	_ = 	snop  }
0x90: {  	s2 =	sld [smem:$0x3FAA];
	(tm) =	ssettm $0x1  }
0x91: {  	s18 =	sld [smem:$0x3FFB];
	_ =	sdelay $0x3  }
0x92: {  	_ =	strace s18  }
0x93: {  	s3 =	sld [smem:$0x3FFC];
	_ =	sdelay $0x3  }
0x94: {  	_ =	strace s3  }
0x95: {  	s3 =	sld [smem:$0x3FFD];
	_ =	sdelay $0x3  }
0x96: {  	_ =	strace s3  }
0x97: {  	_ =	strace $0x8FFFFFFF  }
0x98: {  	s19 =	sld [smem:$0x3FDB];
	_ =	sdelay $0x1  }
0x99: {  	s4 =	simm.s32 $_scs_section_size  }
0x9a: {  	s5 =	simm.s32 $_size__tile_overlayer_lowered;
	s6 =	simm.s32 $_tile_overlayer_lowered  }
0x9b: {  	s22 =	simm.s32 $0x1BFF;
	s21 =	sshll.u32 s6, $0x1;
	s3 =	sadd.s32 s4, s19  }
0x9c: {  	s7 =	simm.s32 $0x0;
	s20 =	sshll.u32 s5, $0x1;
	s5 =	sadd.s32 s21, s3  }
0x9d: {  	[timem:s7], [sflag:s22] =	dma.local [hbm:s5], s20  }
0x9e: {  	_ =	swait.ge [sflag:s22], s20  }
0x9f: {  	s4 =	ssub.s32 $0x0, s20;
	[sflag:s22] =	ssyncset.done $0x0  }
0xa0: {  	[sflag:s22] =	ssyncadd.s32 s4;
	_ =	sdelay $0x1  }
0xa1: {  	s23 =	simm.s32 $0x1B8B  }
0xa2: {  	_ =	swait.ge [sflag:s23], $0x1  }
0xa3: {  	[sflag:s23] =	ssyncset.done $0x0  }
0xa4: {  	s25 =	simm.s32 $0x1B8E;
	s24 =	sld [smem:$0x3FFE];
	[sflag:s23] =	ssyncadd.s32 $0xFFFFFFFF  }
0xa5: {  	s26 =	simm.s32 $execute0_lowered;
	[smem:$0x3FD2] =	sst s25  }
0xa6: {  	s5 =	sshll.u32 s26, $0x1;
	_ =	strace $0x8000005B;
	[dreg:$0x1] =	wrdreg $0xFFFFFFFF  }
0xa7: {  	s28 =	simm.s32 $_size_execute0_lowered;
	s3 =	sadd.s32 s3, s5;
	[dreg:$0x0] =	wrdreg $0x0  }
0xa8: {  	s5 =	sshll.u32 s28, $0x1;
	[dreg:$0x2] =	wrdreg s3  }
0xa9: {  	[dreg:$0x3] =	wrdreg s5  }
0xaa: {  	[dreg:$0x4] =	wrdreg $0xC0  }
0xab: {  	_ =	task [dreg:s7], $0x5FFFF  }
0xac: {  	[dreg:$0x1] =	wrdreg $0xFFFFFFFF  }
0xad: {  	[dreg:$0x0] =	wrdreg $0x60  }
0xae: {  	[dreg:$0x2] =	wrdreg s24  }
0xaf: {  	[dreg:$0x3] =	wrdreg s2  }
0xb0: {  	[dreg:$0x4] =	wrdreg $0x65000  }
0xb1: {  	[dreg:$0x5] =	wrdreg $0x9  }
0xb2: {  	_ =	task.clear_ibuf [dreg:s7], $0x6FFFF;
	_ =	strace $0x9000005B  }
0xb3: {  	s29 =	simm.s32 $0x9;
	_ =	strace $0x8000005D  }
0xb4: {  	_ =	swait.ge [sflag:s29], $0x1  }
0xb5: {  	[sflag:s29] =	ssyncadd.s32 $0xFFFFFFFF  }
0xb6: {  	_ =	strace $0x9000005D  }
0xb7: {  	_ =	sfence  }
0xb8: {  	s30 =	sld [smem:$0x0];
	_ =	sdelay $0x2  }
0xb9: {  	s31 =	sshll.u32 s1, $0xD;
	s1 =	sshrl.u32 s1, $0x2  }
0xba: {  	s3 =	sand.u32 $0x4000, s31;
	s1 =	sadd.s32 s1, s30  }
0xbb: {  	s0 =	sor.u32 s3, s0;
	s1 =	sshll.u32 s1, $0x11  }
0xbc: {  	s0 =	sor.u32 s1, s0  }
0xbd: {  	s0 =	sadd.s32 $0x8F2B, s0  }
0xbe: {  	[sflag:s0] =	ssyncadd.remote.s32 $0x1  }
0xbf: {  	_ =	sfence.sel $0xFFFF  }
0xc0: {  	[dreg:$0x0] =	wrdreg $0xFFFFFFFF;
	(pc) =	sbr.abs _section_cstart, $3  }
0xc1: {  	[dreg:$0x1] =	wrdreg $0xFFFFFFFF  }
0xc2: {  	_ =	task.clear_ibuf [dreg:s7], $0x2FFFF;
	_ =	strace $0x9FFFFFFF  }
0xc3: {  	(tm) =	ssettm $0x7FFFFFFF  }
tec
execute0_lowered:
.L_overlay_start_1:
0x0: {  	(tag) =	ssettag $0x1  }
0x1: {  	s3 =	rddreg [dreg:$0x0]  }
0x2: {  	s7 =	rddreg [dreg:$0x1]  }
0x3: {  	s1 =	rddreg [dreg:$0x2]  }
0x4: {  	s0 =	rddreg [dreg:$0x3];
	s8 =	stileid.u32  }
0x5: {  	s4 =	srdreg.scid;
	s5 =	smul.u32 $0x27100, s8  }
0x6: {  	s2 =	simm.s32 $0x0;
	s4 =	sand.u32 $0x1, s4;
	s11 =	smul.u32 $0x2710, s8  }
0x7: {  	[smem:$0x7FF] =	sst s2;
	p0 =	sne.s32 s8, $0x0;
	s6 =	smul.u32 $0x27100, s4  }
0x8: {  	_ =	strace $0x8000005C;
	s9 =	smul.u32 $0x13880, s4;
	s29 =	ssub.s32 $0x2, s4  }
0x9: {  	s13 =	smul.u32 $0x1388, s4;
	s8 =	sshrl.u32 @!p0 s1, $0x3;
	s10 =	sadd.s32 s5, s3  }
0xa: {  	s12 =	sshrl.u32 s29, $0x1;
	s6 =	sadd.s32 s6, s3;
	s3 =	sadd.s32 $0x562C00, s3  }
0xb: {  	s5 =	ssub.s32 s29, s12;
	s30 =	sadd.s32 s9, s10;
	s31 =	sadd.s32 s13, s11  }
0xc: {  	s10 =	simm.s32 $0x100;
	s11 =	simm.s32 $0xC8;
	s12 =	simm.s32 $0x0  }
0xd: {  	s4 =	sadd.s32 $0x514A00, s6;
	s5 =	smax.u32 s5, $0x1;
	s9 =	sshrl.u32 s31, $0x3  }
0xe: {  	s6 =	sadd.s32 $0x32A00, s30;
	s7 =	sadd.s32 s9, s7;
	s9 =	simm.s32 $0x1  }
.LBB2_1:
0xf: {  	s13 =	simm.s32 @!p0 $0x1C01  }
0x10: {  	[spmem:s8], [sflag:s13] =	dma.local @!p0 [hbm:s3], $0x27100  }
0x11: {  	s13 =	simm.s32 @!p0 $0x1  }
0x12: {  	_ =	swait.ge @!p0 [sflag:s13], $0x27100  }
0x13: {  	[sflag:s13] =	ssyncset.done @!p0 $0x0  }
0x14: {  	[sflag:s13] =	ssyncadd.s32 @!p0 $0xFFFD8F00  }
0x15: {  	s31 =	sadd.s32 $0x0, s7;
	[bflag:$0x0] =	sbarrier.arrive $0xFFFF  }
0x16: {  	[tilespmem:s2], [sflag:$0x1] =	stream.linear.gather [hbm4b:s31+s2], $0xC8, $0x38;
	[tilespmem:$0x19D80] =	vst v63  }
0x17: {  	_ =	swait.ge [sflag:s9], $0xC8  }
0x18: {  	[sflag:s9] =	ssyncset.done $0x0  }
0x19: {  	[sflag:s9] =	ssyncadd.s32 $0xFFFFFF38  }
0x1a: {  	[tilespmem:s10], [sflag:$0x1] =	stream.linear.gather [hbm4b:s6+s2], $0x6400, $0x38;
	[tilespmem:$0x19D80] =	vst v63  }
0x1b: {  	_ =	swait.ge [sflag:s9], $0x6400  }
0x1c: {  	[sflag:s9] =	ssyncset.done $0x0  }
0x1d: {  	[sflag:s9] =	ssyncadd.s32 $0xFFFF9C00  }
0x1e: {  	[spmem:s1] =	stream.indirect.scatter.add.f32 [tilespmem:s10], [sflag:$0x1], $0x80, s2, s11, $0xb8;
	[tilespmem:$0x19D80] =	vst v63  }
0x1f: {  	s14 =	simm.s32 $0x19;
	_ =	swait.ge [sflag:s9], $0x6400  }
0x20: {  	s15 =	simm.s32 $0x32;
	s13 =	sadd.s32 $0xC80, s6;
	[sflag:s9] =	ssyncset.done $0x0  }
.LBB2_2:
0x21: {  	s16 =	sadd.s32 s14, s7  }
0x22: {  	[sflag:s9] =	ssyncadd.s32 $0xFFFF9C00;
	s14 =	smov.u32 s15;
	s17 =	sadd.s32 $0x19, s15  }
0x23: {  	[tilespmem:s2], [sflag:$0x1] =	stream.linear.gather [hbm4b:s16+s2], $0xC8, $0x38;
	[tilespmem:$0x19D80] =	vst v63  }
0x24: {  	p1 =	sne.s32 s15, $0x258;
	_ =	swait.ge [sflag:s9], $0xC8  }
0x25: {  	[sflag:s9] =	ssyncset.done $0x0  }
0x26: {  	[sflag:s9] =	ssyncadd.s32 $0xFFFFFF38  }
0x27: {  	[tilespmem:s10], [sflag:$0x1] =	stream.linear.gather [hbm4b:s13+s2], $0x6400, $0x38;
	[tilespmem:$0x19D80] =	vst v63  }
0x28: {  	_ =	swait.ge [sflag:s9], $0x6400  }
.Ltmp0:
0x29: {  	[sflag:s9] =	ssyncset.done $0x0;
	(pc) =	sbr.rel @p1 .LBB2_2-.Ltmp0, $4  }
0x2a: {  	[sflag:s9] =	ssyncadd.s32 $0xFFFF9C00  }
0x2b: {  	[spmem:s1] =	stream.indirect.scatter.add.f32 [tilespmem:s10], [sflag:$0x1], $0x80, s2, s11, $0xb8;
	[tilespmem:$0x19D80] =	vst v63  }
0x2c: {  	_ =	swait.ge [sflag:s9], $0x6400  }
0x2d: {  	s15 =	smov.u32 s17;
	s13 =	sadd.s32 $0xC80, s13;
	[sflag:s9] =	ssyncset.done $0x0  }
0x2e: {  	s14 =	sadd.s32 s14, s7;
	[sflag:s9] =	ssyncadd.s32 $0xFFFF9C00  }
0x2f: {  	[tilespmem:s2], [sflag:$0x1] =	stream.linear.gather [hbm4b:s14+s2], $0xC8, $0x38;
	[tilespmem:$0x19D80] =	vst v63  }
0x30: {  	_ =	swait.ge [sflag:s9], $0xC8  }
0x31: {  	[sflag:s9] =	ssyncset.done $0x0  }
0x32: {  	[sflag:s9] =	ssyncadd.s32 $0xFFFFFF38  }
0x33: {  	[tilespmem:s10], [sflag:$0x1] =	stream.linear.gather [hbm4b:s13+s2], $0x6400, $0x38;
	[tilespmem:$0x19D80] =	vst v63  }
0x34: {  	_ =	swait.ge [sflag:s9], $0x6400  }
0x35: {  	[sflag:s9] =	ssyncset.done $0x0  }
0x36: {  	[sflag:s9] =	ssyncadd.s32 $0xFFFF9C00  }
0x37: {  	[spmem:s1] =	stream.indirect.scatter.add.f32 [tilespmem:s10], [sflag:$0x1], $0x80, s2, s11, $0xb8;
	[tilespmem:$0x19D80] =	vst v63  }
0x38: {  	_ =	swait.ge [sflag:s9], $0x6400  }
0x39: {  	[sflag:s9] =	ssyncset.done $0x0  }
0x3a: {  	s12 =	sadd.s32 $0x1, s12;
	[sflag:s9] =	ssyncadd.s32 $0xFFFF9C00  }
0x3b: {  	p1 =	sne.s32 s12, s5;
	s13 =	simm.s32 @!p0 $0x1C01;
	[bflag:$0x0] =	sbarrier.arrive $0xFFFF  }
0x3c: {  	[hbm:s4], [sflag:s13] =	dma.local @!p0 [spmem:s8], $0x27100  }
.Ltmp1:
0x3d: {  	_ = 	snop;
	(pc) =	sbr.rel @p1 .LBB2_1-.Ltmp1, $4  }
0x3e: {  	s13 =	simm.s32 @!p0 $0x1  }
0x3f: {  	_ =	swait.ge @!p0 [sflag:s13], $0x27100  }
0x40: {  	[sflag:s13] =	ssyncset.done @!p0 $0x0  }
0x41: {  	[sflag:s13] =	ssyncadd.s32 @!p0 $0xFFFD8F00  }
0x42: {  	_ =	sfence.sel $0x180000  }
0x43: {  	[bflag:$0x0] =	sbarrier.arrive $0xFFFF  }
0x44: {  	_ =	strace $0x9000005C  }
0x45: {  	s0 =	sadd.s32 @!p0 $0x100000, s0;
	[bflag:$0x2] =	sbarrier.arrive $0xFFFF  }
0x46: {  	[sflag:s0] =	ssyncadd.tile.s32 @!p0 $0x1;
	_ =	shalt  }
.Lfunc_end2:
_tile_overlayer_lowered:
.L_overlay_start_2:
0x47: {  	(tag) =	ssettag $0x2  }
0x48: {  	s0 =	rddreg [dreg:$0x0];
	s2 =	stileid.u32  }
0x49: {  	s1 =	rddreg [dreg:$0x1];
	p0 =	sne.s32 s2, $0x0  }
0x4a: {  	s3 =	rddreg [dreg:$0x2];
	[bflag:$0x3] =	sbarrier.arrive $0xFFFF;
	s2 =	simm.s32 @!p0 $0x1C01  }
0x4b: {  	[timem:s3], [sflag:s2] =	dma.local @!p0 [hbm:s0], s1  }
0x4c: {  	s0 =	simm.s32 @!p0 $0x1  }
0x4d: {  	_ =	swait.ge @!p0 [sflag:s0], s1  }
0x4e: {  	s1 =	ssub.s32 @!p0 $0x0, s1;
	[sflag:s0] =	ssyncset.done @!p0 $0x0  }
0x4f: {  	[sflag:s0] =	ssyncadd.s32 @!p0 s1  }
0x50: {  	[bflag:$0x3] =	sbarrier.arrive $0xFFFF  }
0x51: {  	_ =	shalt  }

// kernel: kernel.43.cloned.1.call-start
scs
__scs_entry_jumppad:
0x0: {  	(pc) =	sbr.rel $0x88, $3  }
0x1: {  	(tag) =	ssettag $0x0;
	lr =	simm.s32 $0x1  }
0x2: {  	[smem:$0x3F81] =	sst lr;
	_ =	strace $0xD0000000  }
0x3: {  	_ = 	snop  }
0x4: {  	_ = 	snop  }
0x5: {  	_ = 	snop  }
0x6: {  	_ = 	snop  }
0x7: {  	_ = 	snop  }
__scs_overlays_trampoline_lowered:
0x8: {  	[smem:$0x3F90] =	sst s0  }
0x9: {  	[smem:$0x3F91] =	sst s1  }
0xa: {  	[smem:$0x3F92] =	sst s2  }
0xb: {  	[smem:$0x3F93] =	sst s3  }
0xc: {  	[smem:$0x3F94] =	sst s4  }
0xd: {  	[smem:$0x3F95] =	sst s5  }
0xe: {  	[smem:$0x3F96] =	sst s6  }
0xf: {  	[smem:$0x3F97] =	sst s7  }
0x10: {  	[smem:$0x3F98] =	sst s8  }
0x11: {  	[smem:$0x3F99] =	sst s9;
	s0 =	simm.s32 @!p0 $0x0  }
0x12: {  	s1 =	sld [smem:$0x3F7F];
	s0 =	simm.s32 @p0 $0x1  }
0x13: {  	[smem:$0x3F9A] =	sst s0;
	s0 =	simm.s32 @!p1 $0x0  }
0x14: {  	s2 =	sld [smem:$0x3F7E];
	s0 =	simm.s32 @p1 $0x1  }
0x15: {  	[smem:$0x3F9B] =	sst s0;
	s0 =	simm.s32 @!p2 $0x0  }
0x16: {  	s3 =	sld [smem:$0x3FDB];
	s0 =	simm.s32 @p2 $0x1  }
0x17: {  	s4 =	simm.s32 $0x1BF5;
	[smem:$0x3F9D] =	sst s0  }
0x18: {  	s0 =	sld [smem:$0x3F80];
	_ =	swait.ge [sflag:s4], $0x0  }
0x19: {  	s7 =	sld [smem:$0x3F81]  }
0x1a: {  	s8 =	sadd.s32 $0xFFFFE003, lr  }
0x1b: {  	s9 =	sadd.s32 $0xFFFFFEF7, lr;
	s5 =	simm.s32 $0xFFFFFFFF;
	p2 =	slt.u32 s8, $0xFFFFF086  }
0x1c: {  	p1 =	slt.u32 s9, $0xF7A;
	s5 =	simm.s32 @!p2 $0x0  }
0x1d: {  	s5 =	simm.s32 @p1 $0x1;
	p0 =	seq.s32 s7, s2  }
0x1e: {  	s7 =	smul.u32 @!p0 $0xF7A, s2;
	p2 =	seq.s32 @!p0 s5, $0x0  }
0x1f: {  	s9 =	smul.u32 $0xF7A, s1;
	s8 =	simm.s32 @!p0 $0x1BF5;
	p2 =	por !p2, p0  }
0x20: {  	[sflag:s8] =	ssyncset.s32 @!p0 $0xFFFFF086;
	s6 =	sadd.s32 @!p0 s3, s7;
	s7 =	simm.s32 @!p0 $0x108  }
0x21: {  	s3 =	sadd.s32 s3, s9;
	s6 =	sadd.s32 @!p0 $0x88, s6;
	s7 =	simm.s32 @p2 $0x1082  }
0x22: {  	[simem:s7], [sflag:s8] =	dma.local @!p0 [hbm:s6], $0xF7A  }
0x23: {  	s9 =	sor.u32 $0xD0000000, s2;
	s6 =	simm.s32 $0x108;
	_ =	swait.ge @!p0 [sflag:s8], $0x0  }
0x24: {  	s3 =	sadd.s32 $0x88, s3;
	s6 =	simm.s32 @!p1 $0x1082;
	[sflag:s4] =	ssyncset.s32 $0xFFFFF086  }
0x25: {  	[simem:s6], [sflag:s4] =	dma.local [hbm:s3], $0xF7A  }
0x26: {  	[smem:$0x3F81] =	sst s1;
	(tag) =	ssettag s2;
	_ =	strace s9  }
0x27: {  	s1 =	sld [smem:$0x3F91]  }
0x28: {  	s2 =	sld [smem:$0x3F92]  }
0x29: {  	s4 =	sld [smem:$0x3F94]  }
0x2a: {  	p0 =	seq.s32 s5, $0x0;
	s5 =	sld [smem:$0x3F95]  }
0x2b: {  	s6 =	sld [smem:$0x3F96]  }
0x2c: {  	s7 =	sld [smem:$0x3F97]  }
0x2d: {  	s3 =	simm.s32 $0x108;
	s8 =	sld [smem:$0x3F98]  }
0x2e: {  	s3 =	simm.s32 @!p0 $0x1082;
	s9 =	sld [smem:$0x3F99]  }
0x2f: {  	lr =	sadd.s32 s0, s3;
	s0 =	sld [smem:$0x3F90]  }
0x30: {  	s3 =	sld [smem:$0x3F93]  }
0x31: {  	[smem:$0x3F9C] =	sst s10  }
0x32: {  	s10 =	sld [smem:$0x3F9A];
	_ =	sdelay $0x3  }
0x33: {  	p0 =	seq.s32 s10, $0x1;
	s10 =	sld [smem:$0x3F9C];
	_ =	sdelay $0x3  }
0x34: {  	[smem:$0x3F9C] =	sst s10  }
0x35: {  	s10 =	sld [smem:$0x3F9B];
	_ =	sdelay $0x3  }
0x36: {  	p1 =	seq.s32 s10, $0x1;
	s10 =	sld [smem:$0x3F9C];
	_ =	sdelay $0x3  }
0x37: {  	[smem:$0x3F9C] =	sst s10  }
0x38: {  	s10 =	sld [smem:$0x3F9D]  }
0x39: {  	_ = 	snop;
	(pc) =	sbr.ind lr, $3  }
0x3a: {  	_ = 	snop  }
0x3b: {  	_ = 	snop  }
0x3c: {  	p2 =	seq.s32 s10, $0x1;
	s10 =	sld [smem:$0x3F9C]  }
0x3d: {  	_ =	shalt  }
0x3e: {  	_ =	shalt  }
0x3f: {  	_ =	shalt  }
0x40: {  	_ =	shalt  }
0x41: {  	_ =	shalt  }
0x42: {  	_ =	shalt  }
0x43: {  	_ =	shalt  }
0x44: {  	_ =	shalt  }
0x45: {  	_ =	shalt  }
0x46: {  	_ =	shalt  }
0x47: {  	_ =	shalt  }
0x48: {  	_ =	shalt  }
0x49: {  	_ =	shalt  }
0x4a: {  	_ =	shalt  }
0x4b: {  	_ =	shalt  }
0x4c: {  	_ =	shalt  }
0x4d: {  	_ =	shalt  }
0x4e: {  	_ =	shalt  }
0x4f: {  	_ =	shalt  }
0x50: {  	_ =	shalt  }
0x51: {  	_ =	shalt  }
0x52: {  	_ =	shalt  }
0x53: {  	_ =	shalt  }
0x54: {  	_ =	shalt  }
0x55: {  	_ =	shalt  }
0x56: {  	_ =	shalt  }
0x57: {  	_ =	shalt  }
0x58: {  	_ =	shalt  }
0x59: {  	_ =	shalt  }
0x5a: {  	_ =	shalt  }
0x5b: {  	_ =	shalt  }
0x5c: {  	_ =	shalt  }
0x5d: {  	_ =	shalt  }
0x5e: {  	_ =	shalt  }
0x5f: {  	_ =	shalt  }
0x60: {  	_ =	shalt  }
0x61: {  	_ =	shalt  }
0x62: {  	_ =	shalt  }
0x63: {  	_ =	shalt  }
0x64: {  	_ =	shalt  }
0x65: {  	_ =	shalt  }
0x66: {  	_ =	shalt  }
0x67: {  	_ =	shalt  }
0x68: {  	_ =	shalt  }
0x69: {  	_ =	shalt  }
0x6a: {  	_ =	shalt  }
0x6b: {  	_ =	shalt  }
0x6c: {  	_ =	shalt  }
0x6d: {  	_ =	shalt  }
0x6e: {  	_ =	shalt  }
0x6f: {  	_ =	shalt  }
0x70: {  	_ =	shalt  }
0x71: {  	_ =	shalt  }
0x72: {  	_ =	shalt  }
0x73: {  	_ =	shalt  }
0x74: {  	_ =	shalt  }
0x75: {  	_ =	shalt  }
0x76: {  	_ =	shalt  }
0x77: {  	_ =	shalt  }
0x78: {  	_ =	shalt  }
0x79: {  	_ =	shalt  }
0x7a: {  	_ =	shalt  }
0x7b: {  	_ =	shalt  }
0x7c: {  	_ =	shalt  }
0x7d: {  	_ =	shalt  }
0x7e: {  	_ =	shalt  }
0x7f: {  	_ =	shalt  }
0x80: {  	_ =	shalt  }
0x81: {  	_ =	shalt  }
0x82: {  	_ =	shalt  }
0x83: {  	_ =	shalt  }
0x84: {  	_ =	shalt  }
0x85: {  	_ =	shalt  }
0x86: {  	_ =	shalt  }
0x87: {  	_ =	shalt  }
.Lfunc_end0:
.L_simem_size_0:
called_computation.8_lowered:
.L_overlay_start_0:
0x88: {  	s2 =	sld [smem:$0x3FD9]  }
0x89: {  	s3 =	sld [smem:$0x3FFE];
	_ =	sdelay $0x1  }
0x8a: {  	s1 =	srdreg.scid  }
0x8b: {  	s0 =	sand.u32 $0x1, s1  }
0x8c: {  	s17 =	sshll.u32 s0, $0xA;
	s2 =	sadd.s32 s3, s2  }
0x8d: {  	s2 =	sadd.s32 s2, s17  }
0x8e: {  	[smem:$0x3FA8] =	sst s2  }
0x8f: {  	_ = 	snop  }
0x90: {  	s18 =	sld [smem:$0x3FAA];
	(tm) =	ssettm $0x1  }
0x91: {  	s19 =	sld [smem:$0x3FFB];
	_ =	sdelay $0x3  }
0x92: {  	_ =	strace s19  }
0x93: {  	s2 =	sld [smem:$0x3FFC];
	_ =	sdelay $0x3  }
0x94: {  	_ =	strace s2  }
0x95: {  	s2 =	sld [smem:$0x3FFD];
	_ =	sdelay $0x3  }
0x96: {  	_ =	strace s2  }
0x97: {  	_ =	strace $0x8FFFFFFF  }
0x98: {  	s20 =	sld [smem:$0x3FDB];
	_ =	sdelay $0x1  }
0x99: {  	s4 =	simm.s32 $_scs_section_size  }
0x9a: {  	s5 =	simm.s32 $_size__tile_overlayer_lowered;
	s6 =	simm.s32 $_tile_overlayer_lowered  }
0x9b: {  	s7 =	simm.s32 $0x1BFF;
	s21 =	sshll.u32 s6, $0x1;
	s4 =	sadd.s32 s4, s20  }
0x9c: {  	s22 =	simm.s32 $0x0;
	s5 =	sshll.u32 s5, $0x1;
	s6 =	sadd.s32 s21, s4  }
0x9d: {  	[timem:s22], [sflag:s7] =	dma.local [hbm:s6], s5  }
0x9e: {  	_ =	swait.ge [sflag:s7], s5  }
0x9f: {  	s5 =	ssub.s32 $0x0, s5;
	[sflag:s7] =	ssyncset.done $0x0  }
0xa0: {  	[sflag:s7] =	ssyncadd.s32 s5;
	_ =	sdelay $0x1  }
0xa1: {  	s23 =	simm.s32 $0x1B8B  }
0xa2: {  	_ =	swait.ge [sflag:s23], $0x1  }
0xa3: {  	[sflag:s23] =	ssyncset.done $0x0  }
0xa4: {  	[sflag:s23] =	ssyncadd.s32 $0xFFFFFFFF  }
0xa5: {  	s5 =	sld [smem:$0x0]  }
0xa6: {  	s6 =	sand.u32 $0xFFFFFFFE, s1  }
0xa7: {  	p0 =	sne.s32 s1, s6  }
0xa8: {  	s6 =	sshll.u32 @p0 s6, $0xE  }
0xa9: {  	s6 =	sadd.s32 @p0 $0x11B8D, s6;
	s7 =	sshll.u32 @p0 s5, $0x11  }
0xaa: {  	s6 =	sor.u32 @p0 s7, s6  }
0xab: {  	[sflag:s6] =	ssyncadd.remote.s32 @p0 $0x1;
	_ =	sdelay $0x1  }
0xac: {  	s6 =	simm.s32 @p0 $0x1B8D  }
0xad: {  	_ =	swait.eq @p0 [sflag:s6], $0x1  }
0xae: {  	[sflag:s6] =	ssyncadd.s32 @p0 $0xFFFFFFFF  }
0xaf: {  	s7 =	sshll.u32 @!p0 s1, $0xE  }
0xb0: {  	s7 =	sor.u32 @!p0 $0x4000, s7;
	s6 =	simm.s32 @!p0 $0x1B8D  }
0xb1: {  	s5 =	sshll.u32 @!p0 s5, $0x11;
	s7 =	sadd.s32 @!p0 $0x11B8D, s7;
	_ =	swait.eq @!p0 [sflag:s6], $0x1  }
0xb2: {  	s5 =	sor.u32 @!p0 s5, s7;
	[sflag:s6] =	ssyncadd.s32 @!p0 $0xFFFFFFFF  }
0xb3: {  	s25 =	simm.s32 $0x1B8E;
	s24 =	sld [smem:$0x3FFE];
	[sflag:s5] =	ssyncadd.remote.s32 @!p0 $0x1  }
0xb4: {  	s26 =	simm.s32 $execute0_lowered;
	[smem:$0x3FD2] =	sst s25  }
0xb5: {  	s6 =	sshll.u32 s26, $0x1;
	_ =	strace $0x8000005E;
	[dreg:$0x1] =	wrdreg $0xFFFFFFFF  }
0xb6: {  	s28 =	simm.s32 $_size_execute0_lowered;
	s4 =	sadd.s32 s4, s6;
	[dreg:$0x0] =	wrdreg $0x0  }
0xb7: {  	s6 =	sshll.u32 s28, $0x1;
	[dreg:$0x2] =	wrdreg s4  }
0xb8: {  	[dreg:$0x3] =	wrdreg s6  }
0xb9: {  	[dreg:$0x4] =	wrdreg $0xC0  }
0xba: {  	_ =	task [dreg:s22], $0x5FFFF  }
0xbb: {  	[dreg:$0x1] =	wrdreg $0xFFFFFFFF  }
0xbc: {  	[dreg:$0x0] =	wrdreg $0x60  }
0xbd: {  	[dreg:$0x2] =	wrdreg s24  }
0xbe: {  	[dreg:$0x3] =	wrdreg s18  }
0xbf: {  	[dreg:$0x4] =	wrdreg $0x65000  }
0xc0: {  	[dreg:$0x5] =	wrdreg $0xA  }
0xc1: {  	_ =	task.clear_ibuf [dreg:s22], $0x6FFFF;
	_ =	strace $0x9000005E  }
0xc2: {  	s29 =	simm.s32 $0xA;
	_ =	strace $0x80000060  }
0xc3: {  	_ =	swait.ge [sflag:s29], $0x1  }
0xc4: {  	[sflag:s29] =	ssyncadd.s32 $0xFFFFFFFF  }
0xc5: {  	_ =	strace $0x90000060  }
0xc6: {  	_ =	sfence  }
0xc7: {  	s30 =	sld [smem:$0x0];
	_ =	sdelay $0x2  }
0xc8: {  	s31 =	sshll.u32 s1, $0xD;
	s1 =	sshrl.u32 s1, $0x2  }
0xc9: {  	s4 =	sand.u32 $0x4000, s31;
	s1 =	sadd.s32 s1, s30  }
0xca: {  	s0 =	sor.u32 s4, s0;
	s1 =	sshll.u32 s1, $0x11  }
0xcb: {  	s0 =	sor.u32 s1, s0  }
0xcc: {  	s0 =	sadd.s32 $0x8F2B, s0  }
0xcd: {  	[sflag:s0] =	ssyncadd.remote.s32 $0x1  }
0xce: {  	_ =	sfence.sel $0xFFFF  }
0xcf: {  	[dreg:$0x0] =	wrdreg $0xFFFFFFFF;
	(pc) =	sbr.abs _section_cstart, $3  }
0xd0: {  	[dreg:$0x1] =	wrdreg $0xFFFFFFFF  }
0xd1: {  	_ =	task.clear_ibuf [dreg:s22], $0x2FFFF;
	_ =	strace $0x9FFFFFFF  }
0xd2: {  	(tm) =	ssettm $0x7FFFFFFF  }
0xd3: {  	_ =	shalt  }
tec
execute0_lowered:
.L_overlay_start_1:
0x0: {  	(tag) =	ssettag $0x1  }
0x1: {  	s3 =	rddreg [dreg:$0x0]  }
0x2: {  	s7 =	rddreg [dreg:$0x1]  }
0x3: {  	s1 =	rddreg [dreg:$0x2]  }
0x4: {  	s0 =	rddreg [dreg:$0x3];
	s8 =	stileid.u32  }
0x5: {  	s4 =	srdreg.scid;
	s5 =	smul.u32 $0x27100, s8  }
0x6: {  	s2 =	simm.s32 $0x0;
	s4 =	sand.u32 $0x1, s4;
	s11 =	smul.u32 $0x2710, s8  }
0x7: {  	[smem:$0x7FF] =	sst s2;
	p0 =	sne.s32 s8, $0x0;
	s6 =	smul.u32 $0x27100, s4  }
0x8: {  	_ =	strace $0x8000005F;
	s9 =	smul.u32 $0x13880, s4;
	s29 =	ssub.s32 $0x2, s4  }
0x9: {  	s13 =	smul.u32 $0x1388, s4;
	s8 =	sshrl.u32 @!p0 s1, $0x3;
	s10 =	sadd.s32 s5, s3  }
0xa: {  	s12 =	sshrl.u32 s29, $0x1;
	s6 =	sadd.s32 s6, s3;
	s3 =	sadd.s32 $0x562C00, s3  }
0xb: {  	s5 =	ssub.s32 s29, s12;
	s30 =	sadd.s32 s9, s10;
	s31 =	sadd.s32 s13, s11  }
0xc: {  	s10 =	simm.s32 $0x100;
	s11 =	simm.s32 $0xC8;
	s12 =	simm.s32 $0x0  }
0xd: {  	s4 =	sadd.s32 $0x5D8000, s6;
	s5 =	smax.u32 s5, $0x1;
	s9 =	sshrl.u32 s31, $0x3  }
0xe: {  	s6 =	sadd.s32 $0x2A3A00, s30;
	s7 =	sadd.s32 s9, s7;
	s9 =	simm.s32 $0x1  }
.LBB2_1:
0xf: {  	s13 =	simm.s32 @!p0 $0x1C01  }
0x10: {  	[spmem:s8], [sflag:s13] =	dma.local @!p0 [hbm:s3], $0x27100  }
0x11: {  	s13 =	simm.s32 @!p0 $0x1  }
0x12: {  	_ =	swait.ge @!p0 [sflag:s13], $0x27100  }
0x13: {  	[sflag:s13] =	ssyncset.done @!p0 $0x0  }
0x14: {  	[sflag:s13] =	ssyncadd.s32 @!p0 $0xFFFD8F00  }
0x15: {  	s31 =	sadd.s32 $0x0, s7;
	[bflag:$0x0] =	sbarrier.arrive $0xFFFF  }
0x16: {  	[tilespmem:s2], [sflag:$0x1] =	stream.linear.gather [hbm4b:s31+s2], $0xC8, $0x38;
	[tilespmem:$0x19D80] =	vst v63  }
0x17: {  	_ =	swait.ge [sflag:s9], $0xC8  }
0x18: {  	[sflag:s9] =	ssyncset.done $0x0  }
0x19: {  	[sflag:s9] =	ssyncadd.s32 $0xFFFFFF38  }
0x1a: {  	[tilespmem:s10], [sflag:$0x1] =	stream.linear.gather [hbm4b:s6+s2], $0x6400, $0x38;
	[tilespmem:$0x19D80] =	vst v63  }
0x1b: {  	_ =	swait.ge [sflag:s9], $0x6400  }
0x1c: {  	[sflag:s9] =	ssyncset.done $0x0  }
0x1d: {  	[sflag:s9] =	ssyncadd.s32 $0xFFFF9C00  }
0x1e: {  	[spmem:s1] =	stream.indirect.scatter.add.f32 [tilespmem:s10], [sflag:$0x1], $0x80, s2, s11, $0xb8;
	[tilespmem:$0x19D80] =	vst v63  }
0x1f: {  	s14 =	simm.s32 $0x19;
	_ =	swait.ge [sflag:s9], $0x6400  }
0x20: {  	s15 =	simm.s32 $0x32;
	s13 =	sadd.s32 $0xC80, s6;
	[sflag:s9] =	ssyncset.done $0x0  }
.LBB2_2:
0x21: {  	s16 =	sadd.s32 s14, s7  }
0x22: {  	[sflag:s9] =	ssyncadd.s32 $0xFFFF9C00;
	s14 =	smov.u32 s15;
	s17 =	sadd.s32 $0x19, s15  }
0x23: {  	[tilespmem:s2], [sflag:$0x1] =	stream.linear.gather [hbm4b:s16+s2], $0xC8, $0x38;
	[tilespmem:$0x19D80] =	vst v63  }
0x24: {  	p1 =	sne.s32 s15, $0x258;
	_ =	swait.ge [sflag:s9], $0xC8  }
0x25: {  	[sflag:s9] =	ssyncset.done $0x0  }
0x26: {  	[sflag:s9] =	ssyncadd.s32 $0xFFFFFF38  }
0x27: {  	[tilespmem:s10], [sflag:$0x1] =	stream.linear.gather [hbm4b:s13+s2], $0x6400, $0x38;
	[tilespmem:$0x19D80] =	vst v63  }
0x28: {  	_ =	swait.ge [sflag:s9], $0x6400  }
.Ltmp0:
0x29: {  	[sflag:s9] =	ssyncset.done $0x0;
	(pc) =	sbr.rel @p1 .LBB2_2-.Ltmp0, $4  }
0x2a: {  	[sflag:s9] =	ssyncadd.s32 $0xFFFF9C00  }
0x2b: {  	[spmem:s1] =	stream.indirect.scatter.add.f32 [tilespmem:s10], [sflag:$0x1], $0x80, s2, s11, $0xb8;
	[tilespmem:$0x19D80] =	vst v63  }
0x2c: {  	_ =	swait.ge [sflag:s9], $0x6400  }
0x2d: {  	s15 =	smov.u32 s17;
	s13 =	sadd.s32 $0xC80, s13;
	[sflag:s9] =	ssyncset.done $0x0  }
0x2e: {  	s14 =	sadd.s32 s14, s7;
	[sflag:s9] =	ssyncadd.s32 $0xFFFF9C00  }
0x2f: {  	[tilespmem:s2], [sflag:$0x1] =	stream.linear.gather [hbm4b:s14+s2], $0xC8, $0x38;
	[tilespmem:$0x19D80] =	vst v63  }
0x30: {  	_ =	swait.ge [sflag:s9], $0xC8  }
0x31: {  	[sflag:s9] =	ssyncset.done $0x0  }
0x32: {  	[sflag:s9] =	ssyncadd.s32 $0xFFFFFF38  }
0x33: {  	[tilespmem:s10], [sflag:$0x1] =	stream.linear.gather [hbm4b:s13+s2], $0x6400, $0x38;
	[tilespmem:$0x19D80] =	vst v63  }
0x34: {  	_ =	swait.ge [sflag:s9], $0x6400  }
0x35: {  	[sflag:s9] =	ssyncset.done $0x0  }
0x36: {  	[sflag:s9] =	ssyncadd.s32 $0xFFFF9C00  }
0x37: {  	[spmem:s1] =	stream.indirect.scatter.add.f32 [tilespmem:s10], [sflag:$0x1], $0x80, s2, s11, $0xb8;
	[tilespmem:$0x19D80] =	vst v63  }
0x38: {  	_ =	swait.ge [sflag:s9], $0x6400  }
0x39: {  	[sflag:s9] =	ssyncset.done $0x0  }
0x3a: {  	s12 =	sadd.s32 $0x1, s12;
	[sflag:s9] =	ssyncadd.s32 $0xFFFF9C00  }
0x3b: {  	p1 =	sne.s32 s12, s5;
	s13 =	simm.s32 @!p0 $0x1C01;
	[bflag:$0x0] =	sbarrier.arrive $0xFFFF  }
0x3c: {  	[hbm:s4], [sflag:s13] =	dma.local @!p0 [spmem:s8], $0x27100  }
.Ltmp1:
0x3d: {  	_ = 	snop;
	(pc) =	sbr.rel @p1 .LBB2_1-.Ltmp1, $4  }
0x3e: {  	s13 =	simm.s32 @!p0 $0x1  }
0x3f: {  	_ =	swait.ge @!p0 [sflag:s13], $0x27100  }
0x40: {  	[sflag:s13] =	ssyncset.done @!p0 $0x0  }
0x41: {  	[sflag:s13] =	ssyncadd.s32 @!p0 $0xFFFD8F00  }
0x42: {  	_ =	sfence.sel $0x180000  }
0x43: {  	[bflag:$0x0] =	sbarrier.arrive $0xFFFF  }
0x44: {  	_ =	strace $0x9000005F  }
0x45: {  	s0 =	sadd.s32 @!p0 $0x100000, s0;
	[bflag:$0x2] =	sbarrier.arrive $0xFFFF  }
0x46: {  	[sflag:s0] =	ssyncadd.tile.s32 @!p0 $0x1;
	_ =	shalt  }
.Lfunc_end2:
_tile_overlayer_lowered:
.L_overlay_start_2:
0x47: {  	(tag) =	ssettag $0x2  }
0x48: {  	s0 =	rddreg [dreg:$0x0];
	s2 =	stileid.u32  }
0x49: {  	s1 =	rddreg [dreg:$0x1];
	p0 =	sne.s32 s2, $0x0  }
0x4a: {  	s3 =	rddreg [dreg:$0x2];
	[bflag:$0x3] =	sbarrier.arrive $0xFFFF;
	s2 =	simm.s32 @!p0 $0x1C01  }
0x4b: {  	[timem:s3], [sflag:s2] =	dma.local @!p0 [hbm:s0], s1  }
0x4c: {  	s0 =	simm.s32 @!p0 $0x1  }
0x4d: {  	_ =	swait.ge @!p0 [sflag:s0], s1  }
0x4e: {  	s1 =	ssub.s32 @!p0 $0x0, s1;
	[sflag:s0] =	ssyncset.done @!p0 $0x0  }
0x4f: {  	[sflag:s0] =	ssyncadd.s32 @!p0 s1  }
0x50: {  	[bflag:$0x3] =	sbarrier.arrive $0xFFFF  }
0x51: {  	_ =	shalt  }

</sc_bundles>
